<compile_context>
chip_gen: v7x
topology: tpu7x:2x2x1
jax: 0.10.2.dev20260603
libtpu: 0.0.44.dev20260713+nightly
codegen_flags: <defaults>
</compile_context>

<pallas_src>
import functools

import jax
import jax.numpy as jnp
from jax import lax
from jax.experimental import pallas as pl
from jax.experimental.pallas import tpu as pltpu
from jax.experimental.pallas import tpu_sc as plsc

N = 4096
NMOL = 16
MAXP = 32768
CUT2 = 25.0
NC, NS, L = 2, 16, 16
NW = NC * NS
NGRP = N // L
GPW = NGRP // NW
WP = MAXP // NW

@functools.cache
def _mesh():
    return plsc.VectorSubcoreMesh(
        core_axis_name="c", subcore_axis_name="s",
        num_cores=NC, num_subcores=NS)


def _wid():
    return lax.axis_index("s") * NC + lax.axis_index("c")


def _seg_starts(b_v):
    m = lax.iota(jnp.int32, L)
    lo = jnp.zeros((L,), jnp.int32)
    hi = jnp.full((L,), N, jnp.int32)

    def step(_, carry):
        lo, hi = carry
        mid = lax.div(lo + hi, 2)
        bm = plsc.load_gather(b_v, [mid])
        lt = bm < m
        return jnp.where(lt, mid + 1, lo), jnp.where(lt, hi, mid)

    lo, hi = lax.fori_loop(0, 12, step, (lo, hi))
    return lo


def _sqrt16(d2):
    d2c = jnp.maximum(d2, 1e-30)
    i = plsc.bitcast(d2c, jnp.int32)
    y = plsc.bitcast(0x5F3759DF - (i >> 1), jnp.float32)
    for _ in range(3):
        y = y * (1.5 - 0.5 * d2c * y * y)
    return d2c * y


def _count_body(x_h, y_h, z_h, b_h, cnt_h,
                x_v, y_v, z_v, b_v, seg_v, cg_v, sem):
    wid = _wid()
    pltpu.sync_copy(x_h, x_v.at[pl.ds(0, N)])
    pltpu.sync_copy(y_h, y_v.at[pl.ds(0, N)])
    pltpu.sync_copy(z_h, z_v.at[pl.ds(0, N)])
    pltpu.sync_copy(b_h, b_v)
    seg_v[...] = _seg_starts(b_v)
    iot = lax.iota(jnp.int32, L)

    def group(gi, _):
        g = wid + gi * NW
        i0 = g * L
        bg = b_v[pl.ds(i0, L)]
        sg = plsc.load_gather(seg_v, [bg])
        xg = x_v[pl.ds(i0, L)]
        yg = y_v[pl.ds(i0, L)]
        zg = z_v[pl.ds(i0, L)]
        cvec = jnp.zeros((L,), jnp.int32)
        for l in range(L):
            i = i0 + l
            si = sg[l]
            xi, yi, zi = xg[l], yg[l], zg[l]
            jb0 = (si // L) * L
            nch = lax.div(i - jb0 + (L - 1), L)

            def chunk(c, acc, jb0=jb0, jv0=jb0 + iot, si=si, i=i,
                      xi=xi, yi=yi, zi=zi):
                jb = jb0 + c * L
                jv = jv0 + c * L
                dx = x_v[pl.ds(jb, L)] - xi
                dy = y_v[pl.ds(jb, L)] - yi
                dz = z_v[pl.ds(jb, L)] - zi
                d2 = dx * dx + dy * dy + dz * dz
                pred = (jv >= si) & (jv < i) & (d2 < CUT2)
                return acc + pred.astype(jnp.int32)

            acc = lax.fori_loop(0, nch, chunk, jnp.zeros((L,), jnp.int32))
            cvec = jnp.where(iot == l, jnp.sum(acc), cvec)
        cg_v[...] = cvec
        pltpu.sync_copy(cg_v, cnt_h.at[pl.ds(i0, L)])
        return 0

    lax.fori_loop(0, GPW, group, 0)


@functools.cache
def _count_call():
  return pl.kernel(
    _count_body,
    out_type=jax.ShapeDtypeStruct((N,), jnp.int32),
    mesh=_mesh(),
    compiler_params=pltpu.CompilerParams(needs_layout_passes=False),
    scratch_types=[
        pltpu.VMEM((N + 2 * L,), jnp.float32),
        pltpu.VMEM((N + 2 * L,), jnp.float32),
        pltpu.VMEM((N + 2 * L,), jnp.float32),
        pltpu.VMEM((N,), jnp.int32),
        pltpu.VMEM((L,), jnp.int32),
        pltpu.VMEM((L,), jnp.int32),
        pltpu.SemaphoreType.DMA,
    ],
  )


def _scan_body(c_ref, b_ref, o_ref, rs_ref):
    x = c_ref[...]
    s = x
    for k in (1, 2, 4, 8, 16, 32, 64):
        s = s + jnp.concatenate(
            [jnp.zeros((32, k), jnp.int32), s[:, :-k]], axis=1)
    rt = s[:, 127:128]
    r = rt
    for k in (1, 2, 4, 8, 16):
        r = r + jnp.concatenate(
            [jnp.zeros((k, 1), jnp.int32), r[:-k, :]], axis=0)
    o_ref[...] = s - x + (r - rt)

    b = b_ref[...]
    prev_last = jnp.concatenate(
        [jnp.full((1, 1), -1, jnp.int32), b[:-1, 127:128]], axis=0)
    bp = jnp.concatenate([prev_last, b[:, :-1]], axis=1)
    gi = lax.broadcasted_iota(jnp.int32, (32, 128), 0)
    ki = lax.broadcasted_iota(jnp.int32, (32, 128), 1)
    seed = jnp.where(b != bp, gi * 128 + ki, 0)
    m = seed
    for k in (1, 2, 4, 8, 16, 32, 64):
        m = jnp.maximum(m, jnp.concatenate(
            [jnp.zeros((32, k), jnp.int32), m[:, :-k]], axis=1))
    rm = jnp.concatenate(
        [jnp.zeros((1, 1), jnp.int32), m[:-1, 127:128]], axis=0)
    for k in (1, 2, 4, 8, 16):
        rm = jnp.maximum(rm, jnp.concatenate(
            [jnp.zeros((k, 1), jnp.int32), rm[:-k, :]], axis=0))
    rs_ref[...] = jnp.maximum(m, rm)


def _excl_scan(counts, b):
    off, rs = pl.pallas_call(
        _scan_body,
        out_shape=(jax.ShapeDtypeStruct((32, 128), jnp.int32),
                   jax.ShapeDtypeStruct((32, 128), jnp.int32)),
    )(counts.reshape(32, 128), b.reshape(32, 128))
    return off.reshape(-1), rs.reshape(-1)


def _emit_body(x_h, y_h, z_h, rs_h, off_h,
               ni_h, nj_h, d_h, dx_h, dy_h, dz_h,
               x_v, y_v, z_v, rs_v, off_v,
               ni_s, nj_s, d_s, dx_s, dy_s, dz_s, sem):
    wid = _wid()
    pltpu.sync_copy(x_h, x_v.at[pl.ds(0, N)])
    pltpu.sync_copy(y_h, y_v.at[pl.ds(0, N)])
    pltpu.sync_copy(z_h, z_v.at[pl.ds(0, N)])
    pltpu.sync_copy(rs_h, rs_v)
    pltpu.sync_copy(off_h, off_v)
    iot = lax.iota(jnp.int32, L)
    ws = wid * WP
    we = ws + WP

    def fill(k, _):
        ni_s[pl.ds(k * L, L)] = jnp.full((L,), -1, jnp.int32)
        nj_s[pl.ds(k * L, L)] = jnp.full((L,), -1, jnp.int32)
        d_s[pl.ds(k * L, L)] = jnp.zeros((L,), jnp.float32)
        dx_s[pl.ds(k * L, L)] = jnp.zeros((L,), jnp.float32)
        dy_s[pl.ds(k * L, L)] = jnp.zeros((L,), jnp.float32)
        dz_s[pl.ds(k * L, L)] = jnp.zeros((L,), jnp.float32)
        return 0

    lax.fori_loop(0, WP // L, fill, 0)

    def _at(ref, idx):
        return plsc.load_gather(ref, [jnp.full((L,), idx, jnp.int32)])[0]

    def bstep(_, carry):
        lo, hi = carry
        mid = lax.div(lo + hi, 2)
        gt = _at(off_v, mid) > ws
        return jnp.where(gt, lo, mid + 1), jnp.where(gt, mid, hi)

    lo, _ = lax.fori_loop(0, 12, bstep, (jnp.int32(0), jnp.int32(N)))
    r0 = jnp.maximum(lo - 1, 0)

    def cond(carry):
        r, rank = carry
        return (r < N) & (rank < we)

    def body(carry):
        r, rank0 = carry
        rv = jnp.full((L,), r, jnp.int32)
        si = plsc.load_gather(rs_v, [rv])[0]
        xi = plsc.load_gather(x_v, [rv])
        yi = plsc.load_gather(y_v, [rv])
        zi = plsc.load_gather(z_v, [rv])
        jb0 = (si // L) * L
        nch2 = lax.div(r - jb0 + (2 * L - 1), 2 * L)
        riv = jnp.full((L,), r, jnp.int32)

        def half(jb, rank, xi=xi, yi=yi, zi=zi, si=si, r=r, riv=riv):
            jv = jb + iot
            dx = xi - x_v[pl.ds(jb, L)]
            dy = yi - y_v[pl.ds(jb, L)]
            dz = zi - z_v[pl.ds(jb, L)]
            d2 = dx * dx + dy * dy + dz * dz
            pred = (jv >= si) & (jv < r) & (d2 < CUT2)
            pc = plsc.all_reduce_population_count(pred)[0]
            inc = plsc.cumsum(pred.astype(jnp.int32))
            pos = rank + inc - 1
            wm = pred & (pos >= ws) & (pos < we)
            loc = pos - ws
            plsc.store_scatter(ni_s, [loc], riv, mask=wm)
            plsc.store_scatter(nj_s, [loc], jv, mask=wm)
            plsc.store_scatter(d_s, [loc], _sqrt16(d2), mask=wm)
            plsc.store_scatter(dx_s, [loc], dx, mask=wm)
            plsc.store_scatter(dy_s, [loc], dy, mask=wm)
            plsc.store_scatter(dz_s, [loc], dz, mask=wm)
            return rank + pc

        def chunk(c, rank):
            jb = jb0 + c * (2 * L)
            rank = half(jb, rank)
            return half(jb + L, rank)

        rank1 = lax.fori_loop(0, nch2, chunk, rank0)
        return r + 1, rank1

    lax.while_loop(cond, body, (r0, _at(off_v, r0)))

    pltpu.sync_copy(ni_s.at[pl.ds(0, WP)], ni_h.at[pl.ds(ws, WP)])
    pltpu.sync_copy(nj_s.at[pl.ds(0, WP)], nj_h.at[pl.ds(ws, WP)])
    pltpu.sync_copy(d_s.at[pl.ds(0, WP)], d_h.at[pl.ds(ws, WP)])
    pltpu.sync_copy(dx_s.at[pl.ds(0, WP)], dx_h.at[pl.ds(ws, WP)])
    pltpu.sync_copy(dy_s.at[pl.ds(0, WP)], dy_h.at[pl.ds(ws, WP)])
    pltpu.sync_copy(dz_s.at[pl.ds(0, WP)], dz_h.at[pl.ds(ws, WP)])


_f32 = jnp.float32


@functools.cache
def _emit_call():
  return pl.kernel(
    _emit_body,
    out_type=(
        jax.ShapeDtypeStruct((MAXP,), jnp.int32),
        jax.ShapeDtypeStruct((MAXP,), jnp.int32),
        jax.ShapeDtypeStruct((MAXP,), _f32),
        jax.ShapeDtypeStruct((MAXP,), _f32),
        jax.ShapeDtypeStruct((MAXP,), _f32),
        jax.ShapeDtypeStruct((MAXP,), _f32),
    ),
    mesh=_mesh(),
    compiler_params=pltpu.CompilerParams(needs_layout_passes=False),
    scratch_types=[
        pltpu.VMEM((N + 2 * L,), _f32),
        pltpu.VMEM((N + 2 * L,), _f32),
        pltpu.VMEM((N + 2 * L,), _f32),
        pltpu.VMEM((N,), jnp.int32),
        pltpu.VMEM((N,), jnp.int32),
        pltpu.VMEM((WP + L,), jnp.int32),
        pltpu.VMEM((WP + L,), jnp.int32),
        pltpu.VMEM((WP + L,), _f32),
        pltpu.VMEM((WP + L,), _f32),
        pltpu.VMEM((WP + L,), _f32),
        pltpu.VMEM((WP + L,), _f32),
        pltpu.SemaphoreType.DMA,
    ],
  )


def kernel(pos, batch):
    b = batch.astype(jnp.int32)
    x = pos[:, 0]
    y = pos[:, 1]
    z = pos[:, 2]
    counts = _count_call()(x, y, z, b)
    off, rs = _excl_scan(counts, b)
    ni, nj, d, dx, dy, dz = _emit_call()(x, y, z, rs, off)
    neighbors = jnp.stack([ni, nj], axis=0)
    distance_vecs = jnp.stack([dx, dy, dz], axis=1)
    return neighbors, d, distance_vecs

# --- scband reference (transcript-rebuilt; emitter-appended) ---
"""Pipeline reference for scband-distance-cell-list-38534446580205 (READ-ONLY COPY).

The authoritative reference and input builder live on the scoring server;
editing this copy changes nothing except your own understanding.
"""

import jax, jax.numpy as jnp
import numpy as np

CUTOFF = 5.0
MAX_NUM_PAIRS = 32768
LOOP = False
N = 4096
NUM_MOLS = 16

def setup_inputs(seed: int = 0) -> dict:
    key = jax.random.key(seed)
    k1, k2 = jax.random.split(key)
    # positions scaled so each molecule has a realistic neighbor density vs cutoff
    pos = jax.random.normal(k1, (N, 3), dtype=jnp.float32) * 5.0
    batch = jnp.sort(jax.random.randint(k2, (N,), 0, NUM_MOLS)).astype(jnp.int64)
    return {"pos": pos, "batch": batch}

def reference(pos, batch):
    n = pos.shape[0]
    # brute-force all-pairs distance computation (what get_neighbor_pairs does semantically)
    deltas_all = pos[:, None, :] - pos[None, :, :]
    dist2 = jnp.sum(deltas_all * deltas_all, axis=-1)
    ii = jnp.arange(n)
    same_batch = batch[:, None] == batch[None, :]
    tri = ii[:, None] > ii[None, :]  # each pair counted once (i > j)
    if LOOP:
        tri = tri | (ii[:, None] == ii[None, :])
    mask = same_batch & tri & (dist2 < CUTOFF * CUTOFF)
    flat = mask.reshape(-1)
    # compact pair indices, padded up to max_num_pairs
    idx = jnp.nonzero(flat, size=MAX_NUM_PAIRS, fill_value=n * n)[0]
    valid = idx < n * n
    idx_safe = jnp.where(valid, idx, 0)
    i_sel = idx_safe // n
    j_sel = idx_safe % n
    dvec = pos[i_sel] - pos[j_sel]
    d2 = jnp.sum(dvec * dvec, axis=-1)
    d2s = jnp.where(valid, d2, 1.0)
    distances = jnp.where(valid, jnp.sqrt(d2s), 0.0)
    distance_vecs = jnp.where(valid[:, None], dvec, 0.0)
    neighbors = jnp.stack([
        jnp.where(valid, i_sel, -1),
        jnp.where(valid, j_sel, -1),
    ], axis=0)
    return neighbors, distances, distance_vecs

if __name__ == "__main__":
    import jax
    _d = setup_inputs()
    print(jax.jit(kernel)(*tuple(_d.values())))

</pallas_src>

<mosaic_0001>
#map = affine_map<(d0, d1) -> (0)>
module attributes {stable_mosaic.version = 14 : i64} {
  func.func @_emit_body(%arg0: i32, %arg1: i32, %arg2: memref<4096xf32, #tpu.memory_space<hbm>>, %arg3: memref<4096xf32, #tpu.memory_space<hbm>>, %arg4: memref<4096xf32, #tpu.memory_space<hbm>>, %arg5: memref<4096xi32, #tpu.memory_space<hbm>>, %arg6: memref<4096xi32, #tpu.memory_space<hbm>>, %arg7: memref<32768xi32, #tpu.memory_space<hbm>>, %arg8: memref<32768xi32, #tpu.memory_space<hbm>>, %arg9: memref<32768xf32, #tpu.memory_space<hbm>>, %arg10: memref<32768xf32, #tpu.memory_space<hbm>>, %arg11: memref<32768xf32, #tpu.memory_space<hbm>>, %arg12: memref<32768xf32, #tpu.memory_space<hbm>>, %arg13: memref<4128xf32, #tpu.memory_space<vmem>>, %arg14: memref<4128xf32, #tpu.memory_space<vmem>>, %arg15: memref<4128xf32, #tpu.memory_space<vmem>>, %arg16: memref<4096xi32, #tpu.memory_space<vmem>>, %arg17: memref<4096xi32, #tpu.memory_space<vmem>>, %arg18: memref<1040xi32, #tpu.memory_space<vmem>>, %arg19: memref<1040xi32, #tpu.memory_space<vmem>>, %arg20: memref<1040xf32, #tpu.memory_space<vmem>>, %arg21: memref<1040xf32, #tpu.memory_space<vmem>>, %arg22: memref<1040xf32, #tpu.memory_space<vmem>>, %arg23: memref<1040xf32, #tpu.memory_space<vmem>>, %arg24: memref<!tpu.dma_semaphore, #tpu.memory_space<semaphore_mem>>) attributes {dimension_semantics = [#tpu.dimension_semantics<core_parallel>, #tpu.dimension_semantics<subcore_parallel>], iteration_bounds = array<i64: 2, 16>, scalar_prefetch = 0 : i64, scratch_operands = 12 : i64, tpu.core_type = #tpu.core_type<sc_vector_subcore>, window_params = [{transform_indices = #map}, {transform_indices = #map}, {transform_indices = #map}, {transform_indices = #map}, {transform_indices = #map}, {transform_indices = #map}, {transform_indices = #map}, {transform_indices = #map}, {transform_indices = #map}, {transform_indices = #map}, {transform_indices = #map}]} {
    %mul3A = arith.constant 2 : i32
    %mul3A_0 = arith.muli %arg1, %mul3A : i32
    %add3A = arith.addi %mul3A_0, %arg0 : i32
    "tpu.region"() ({
      %run_scoped3A = tpu.sem_alloc : memref<!tpu.dma_semaphore, #tpu.memory_space<semaphore_mem>>
      %dma_start3A = arith.constant 0 : i32
      %dma_start3A_21 = tpu.memref_slice %arg13[%dma_start3A] : memref<4128xf32, #tpu.memory_space<vmem>> -> memref<4096xf32, #tpu.memory_space<vmem>>
      %dma_start3A_22 = arith.constant 0 : i32
      %dma_start3A_23 = tpu.memref_slice %arg13[%dma_start3A_22] : memref<4128xf32, #tpu.memory_space<vmem>> -> memref<4096xf32, #tpu.memory_space<vmem>>
      tpu.enqueue_dma source(%arg2 : memref<4096xf32, #tpu.memory_space<hbm>>) target(%dma_start3A_23 : memref<4096xf32, #tpu.memory_space<vmem>>) target_semaphore(%run_scoped3A : memref<!tpu.dma_semaphore, #tpu.memory_space<semaphore_mem>>)
      %dma_wait3A = arith.constant 0 : i32
      %dma_wait3A_24 = tpu.memref_slice %arg13[%dma_wait3A] : memref<4128xf32, #tpu.memory_space<vmem>> -> memref<4096xf32, #tpu.memory_space<vmem>>
      %dma_wait3A_25 = arith.constant 0 : i32
      %dma_wait3A_26 = tpu.memref_slice %arg13[%dma_wait3A_25] : memref<4128xf32, #tpu.memory_space<vmem>> -> memref<4096xf32, #tpu.memory_space<vmem>>
      tpu.wait_dma2 semaphore(%run_scoped3A : memref<!tpu.dma_semaphore, #tpu.memory_space<semaphore_mem>>) src(%arg2 : memref<4096xf32, #tpu.memory_space<hbm>>) dst(%dma_wait3A_26 : memref<4096xf32, #tpu.memory_space<vmem>>)
      tpu.yield
    }) : () -> ()
    "tpu.region"() ({
      %run_scoped3A = tpu.sem_alloc : memref<!tpu.dma_semaphore, #tpu.memory_space<semaphore_mem>>
      %dma_start3A = arith.constant 0 : i32
      %dma_start3A_21 = tpu.memref_slice %arg14[%dma_start3A] : memref<4128xf32, #tpu.memory_space<vmem>> -> memref<4096xf32, #tpu.memory_space<vmem>>
      %dma_start3A_22 = arith.constant 0 : i32
      %dma_start3A_23 = tpu.memref_slice %arg14[%dma_start3A_22] : memref<4128xf32, #tpu.memory_space<vmem>> -> memref<4096xf32, #tpu.memory_space<vmem>>
      tpu.enqueue_dma source(%arg3 : memref<4096xf32, #tpu.memory_space<hbm>>) target(%dma_start3A_23 : memref<4096xf32, #tpu.memory_space<vmem>>) target_semaphore(%run_scoped3A : memref<!tpu.dma_semaphore, #tpu.memory_space<semaphore_mem>>)
      %dma_wait3A = arith.constant 0 : i32
      %dma_wait3A_24 = tpu.memref_slice %arg14[%dma_wait3A] : memref<4128xf32, #tpu.memory_space<vmem>> -> memref<4096xf32, #tpu.memory_space<vmem>>
      %dma_wait3A_25 = arith.constant 0 : i32
      %dma_wait3A_26 = tpu.memref_slice %arg14[%dma_wait3A_25] : memref<4128xf32, #tpu.memory_space<vmem>> -> memref<4096xf32, #tpu.memory_space<vmem>>
      tpu.wait_dma2 semaphore(%run_scoped3A : memref<!tpu.dma_semaphore, #tpu.memory_space<semaphore_mem>>) src(%arg3 : memref<4096xf32, #tpu.memory_space<hbm>>) dst(%dma_wait3A_26 : memref<4096xf32, #tpu.memory_space<vmem>>)
      tpu.yield
    }) : () -> ()
    "tpu.region"() ({
      %run_scoped3A = tpu.sem_alloc : memref<!tpu.dma_semaphore, #tpu.memory_space<semaphore_mem>>
      %dma_start3A = arith.constant 0 : i32
      %dma_start3A_21 = tpu.memref_slice %arg15[%dma_start3A] : memref<4128xf32, #tpu.memory_space<vmem>> -> memref<4096xf32, #tpu.memory_space<vmem>>
      %dma_start3A_22 = arith.constant 0 : i32
      %dma_start3A_23 = tpu.memref_slice %arg15[%dma_start3A_22] : memref<4128xf32, #tpu.memory_space<vmem>> -> memref<4096xf32, #tpu.memory_space<vmem>>
      tpu.enqueue_dma source(%arg4 : memref<4096xf32, #tpu.memory_space<hbm>>) target(%dma_start3A_23 : memref<4096xf32, #tpu.memory_space<vmem>>) target_semaphore(%run_scoped3A : memref<!tpu.dma_semaphore, #tpu.memory_space<semaphore_mem>>)
      %dma_wait3A = arith.constant 0 : i32
      %dma_wait3A_24 = tpu.memref_slice %arg15[%dma_wait3A] : memref<4128xf32, #tpu.memory_space<vmem>> -> memref<4096xf32, #tpu.memory_space<vmem>>
      %dma_wait3A_25 = arith.constant 0 : i32
      %dma_wait3A_26 = tpu.memref_slice %arg15[%dma_wait3A_25] : memref<4128xf32, #tpu.memory_space<vmem>> -> memref<4096xf32, #tpu.memory_space<vmem>>
      tpu.wait_dma2 semaphore(%run_scoped3A : memref<!tpu.dma_semaphore, #tpu.memory_space<semaphore_mem>>) src(%arg4 : memref<4096xf32, #tpu.memory_space<hbm>>) dst(%dma_wait3A_26 : memref<4096xf32, #tpu.memory_space<vmem>>)
      tpu.yield
    }) : () -> ()
    "tpu.region"() ({
      %run_scoped3A = tpu.sem_alloc : memref<!tpu.dma_semaphore, #tpu.memory_space<semaphore_mem>>
      tpu.enqueue_dma source(%arg5 : memref<4096xi32, #tpu.memory_space<hbm>>) target(%arg16 : memref<4096xi32, #tpu.memory_space<vmem>>) target_semaphore(%run_scoped3A : memref<!tpu.dma_semaphore, #tpu.memory_space<semaphore_mem>>)
      tpu.wait_dma2 semaphore(%run_scoped3A : memref<!tpu.dma_semaphore, #tpu.memory_space<semaphore_mem>>) src(%arg5 : memref<4096xi32, #tpu.memory_space<hbm>>) dst(%arg16 : memref<4096xi32, #tpu.memory_space<vmem>>)
      tpu.yield
    }) : () -> ()
    "tpu.region"() ({
      %run_scoped3A = tpu.sem_alloc : memref<!tpu.dma_semaphore, #tpu.memory_space<semaphore_mem>>
      tpu.enqueue_dma source(%arg6 : memref<4096xi32, #tpu.memory_space<hbm>>) target(%arg17 : memref<4096xi32, #tpu.memory_space<vmem>>) target_semaphore(%run_scoped3A : memref<!tpu.dma_semaphore, #tpu.memory_space<semaphore_mem>>)
      tpu.wait_dma2 semaphore(%run_scoped3A : memref<!tpu.dma_semaphore, #tpu.memory_space<semaphore_mem>>) src(%arg6 : memref<4096xi32, #tpu.memory_space<hbm>>) dst(%arg17 : memref<4096xi32, #tpu.memory_space<vmem>>)
      tpu.yield
    }) : () -> ()
    %iota3A = tpu.iota {dimensions = array<i32: 0>} : vector<16xi32>
    %mul3A_1 = arith.constant 1024 : i32
    %mul3A_2 = arith.muli %add3A, %mul3A_1 : i32
    %add3A_3 = arith.constant 1024 : i32
    %add3A_4 = arith.addi %mul3A_2, %add3A_3 : i32
    %scan3A = arith.constant 0 : i32
    %scan3A_5 = arith.constant 0 : i32
    %scan3A_6 = arith.constant 64 : i32
    %scan3A_7 = arith.addi %scan3A_5, %scan3A_6 : i32
    %scan3A_8 = arith.constant 1 : i32
    %scan3A_9 = scf.for %scan3A_21 = %scan3A_5 to %scan3A_7 step %scan3A_8 iter_args(%scan3A_22 = %scan3A) -> (i32)  : i32 {
      %broadcast_in_dim3A_23 = arith.constant -1 : i32
      %broadcast_in_dim3A_24 = vector.broadcast %broadcast_in_dim3A_23 : i32 to vector<16xi32>
      %mul3A_25 = arith.constant 16 : i32
      %mul3A_26 = arith.muli %scan3A_21, %mul3A_25 : i32
      %swap3A = arith.index_cast %mul3A_26 : i32 to index
      %swap3A_27 = tpu.vector_load %arg18[%swap3A] {strides = array<i32>} : memref<1040xi32, #tpu.memory_space<vmem>>, vector<16xi32>,
      tpu.vector_store %arg18[%swap3A], %broadcast_in_dim3A_24 {strides = array<i32>} : memref<1040xi32, #tpu.memory_space<vmem>>, vector<16xi32>,
      %broadcast_in_dim3A_28 = arith.constant -1 : i32
      %broadcast_in_dim3A_29 = vector.broadcast %broadcast_in_dim3A_28 : i32 to vector<16xi32>
      %mul3A_30 = arith.constant 16 : i32
      %mul3A_31 = arith.muli %scan3A_21, %mul3A_30 : i32
      %swap3A_32 = arith.index_cast %mul3A_31 : i32 to index
      %swap3A_33 = tpu.vector_load %arg19[%swap3A_32] {strides = array<i32>} : memref<1040xi32, #tpu.memory_space<vmem>>, vector<16xi32>,
      tpu.vector_store %arg19[%swap3A_32], %broadcast_in_dim3A_29 {strides = array<i32>} : memref<1040xi32, #tpu.memory_space<vmem>>, vector<16xi32>,
      %broadcast_in_dim3A_34 = arith.constant 0.000000e+00 : f32
      %broadcast_in_dim3A_35 = vector.broadcast %broadcast_in_dim3A_34 : f32 to vector<16xf32>
      %mul3A_36 = arith.constant 16 : i32
      %mul3A_37 = arith.muli %scan3A_21, %mul3A_36 : i32
      %swap3A_38 = arith.index_cast %mul3A_37 : i32 to index
      %swap3A_39 = tpu.vector_load %arg20[%swap3A_38] {strides = array<i32>} : memref<1040xf32, #tpu.memory_space<vmem>>, vector<16xf32>,
      tpu.vector_store %arg20[%swap3A_38], %broadcast_in_dim3A_35 {strides = array<i32>} : memref<1040xf32, #tpu.memory_space<vmem>>, vector<16xf32>,
      %broadcast_in_dim3A_40 = arith.constant 0.000000e+00 : f32
      %broadcast_in_dim3A_41 = vector.broadcast %broadcast_in_dim3A_40 : f32 to vector<16xf32>
      %mul3A_42 = arith.constant 16 : i32
      %mul3A_43 = arith.muli %scan3A_21, %mul3A_42 : i32
      %swap3A_44 = arith.index_cast %mul3A_43 : i32 to index
      %swap3A_45 = tpu.vector_load %arg21[%swap3A_44] {strides = array<i32>} : memref<1040xf32, #tpu.memory_space<vmem>>, vector<16xf32>,
      tpu.vector_store %arg21[%swap3A_44], %broadcast_in_dim3A_41 {strides = array<i32>} : memref<1040xf32, #tpu.memory_space<vmem>>, vector<16xf32>,
      %broadcast_in_dim3A_46 = arith.constant 0.000000e+00 : f32
      %broadcast_in_dim3A_47 = vector.broadcast %broadcast_in_dim3A_46 : f32 to vector<16xf32>
      %mul3A_48 = arith.constant 16 : i32
      %mul3A_49 = arith.muli %scan3A_21, %mul3A_48 : i32
      %swap3A_50 = arith.index_cast %mul3A_49 : i32 to index
      %swap3A_51 = tpu.vector_load %arg22[%swap3A_50] {strides = array<i32>} : memref<1040xf32, #tpu.memory_space<vmem>>, vector<16xf32>,
      tpu.vector_store %arg22[%swap3A_50], %broadcast_in_dim3A_47 {strides = array<i32>} : memref<1040xf32, #tpu.memory_space<vmem>>, vector<16xf32>,
      %broadcast_in_dim3A_52 = arith.constant 0.000000e+00 : f32
      %broadcast_in_dim3A_53 = vector.broadcast %broadcast_in_dim3A_52 : f32 to vector<16xf32>
      %mul3A_54 = arith.constant 16 : i32
      %mul3A_55 = arith.muli %scan3A_21, %mul3A_54 : i32
      %swap3A_56 = arith.index_cast %mul3A_55 : i32 to index
      %swap3A_57 = tpu.vector_load %arg23[%swap3A_56] {strides = array<i32>} : memref<1040xf32, #tpu.memory_space<vmem>>, vector<16xf32>,
      tpu.vector_store %arg23[%swap3A_56], %broadcast_in_dim3A_53 {strides = array<i32>} : memref<1040xf32, #tpu.memory_space<vmem>>, vector<16xf32>,
      %scan3A_58 = arith.constant 0 : i32
      scf.yield %scan3A_58 : i32
    }
    %scan3A_10 = arith.constant 64 : i32
    %scan3A_11 = arith.constant 0 : i32
    %scan3A_12 = arith.constant 4096 : i32
    %scan3A_13 = arith.constant 0 : i32
    %scan3A_14 = arith.constant 12 : i32
    %scan3A_15 = arith.addi %scan3A_13, %scan3A_14 : i32
    %scan3A_16 = arith.constant 1 : i32
    %scan3A_17:2 = scf.for %scan3A_21 = %scan3A_13 to %scan3A_15 step %scan3A_16 iter_args(%scan3A_22 = %scan3A_11, %scan3A_23 = %scan3A_12) -> (i32, i32)  : i32 {
      %add3A_24 = arith.addi %scan3A_22, %scan3A_23 : i32
      %div3A = arith.constant 2 : i32
      %div3A_25 = arith.divsi %add3A_24, %div3A : i32
      %broadcast_in_dim3A_26 = vector.broadcast %div3A_25 : i32 to vector<16xi32>
      %gather3A_27 = tpu.vector_load_idx %arg17[%broadcast_in_dim3A_26] : memref<4096xi32, #tpu.memory_space<vmem>>[vector<16xi32>], vector<16xi32>,
      %slice3A_28 = vector.extract_strided_slice %gather3A_27 {offsets = [0], sizes = [1], strides = [1]} : vector<16xi32> to vector<1xi32>
      %squeeze3A_29 = vector.extract %slice3A_28[0] : i32 from vector<1xi32>
      %gt3A = arith.cmpi sgt, %squeeze3A_29, %mul3A_2 : i32
      %add3A_30 = arith.constant 1 : i32
      %add3A_31 = arith.addi %div3A_25, %add3A_30 : i32
      %select_n3A = arith.select %gt3A, %scan3A_22, %add3A_31 : i32
      %select_n3A_32 = arith.select %gt3A, %div3A_25, %scan3A_23 : i32
      scf.yield %select_n3A, %select_n3A_32 : i32, i32
    }
    %scan3A_18 = arith.constant 12 : i32
    %sub3A = arith.constant 1 : i32
    %sub3A_19 = arith.subi %scan3A_17#0, %sub3A : i32
    %max3A = arith.constant 0 : i32
    %max3A_20 = arith.maxsi %sub3A_19, %max3A : i32
    %broadcast_in_dim3A = vector.broadcast %max3A_20 : i32 to vector<16xi32>
    %gather3A = tpu.vector_load_idx %arg17[%broadcast_in_dim3A] : memref<4096xi32, #tpu.memory_space<vmem>>[vector<16xi32>], vector<16xi32>,
    %slice3A = vector.extract_strided_slice %gather3A {offsets = [0], sizes = [1], strides = [1]} : vector<16xi32> to vector<1xi32>
    %squeeze3A = vector.extract %slice3A[0] : i32 from vector<1xi32>
    %while3A:2 = scf.while (%while3A_21 = %max3A_20, %while3A_22 = %squeeze3A) : (i32, i32) -> (i32, i32) {
      %lt3A = arith.constant 4096 : i32
      %lt3A_23 = arith.cmpi slt, %while3A_21, %lt3A : i32
      %lt3A_24 = arith.cmpi slt, %while3A_22, %add3A_4 : i32
      %and3A = arith.andi %lt3A_23, %lt3A_24 : i1
      scf.condition(%and3A) %while3A_21, %while3A_22 : i32, i32
    } do {
    ^bb0(%while3A_21: i32, %while3A_22: i32):
      %broadcast_in_dim3A_23 = vector.broadcast %while3A_21 : i32 to vector<16xi32>
      %gather3A_24 = tpu.vector_load_idx %arg16[%broadcast_in_dim3A_23] : memref<4096xi32, #tpu.memory_space<vmem>>[vector<16xi32>], vector<16xi32>,
      %slice3A_25 = vector.extract_strided_slice %gather3A_24 {offsets = [0], sizes = [1], strides = [1]} : vector<16xi32> to vector<1xi32>
      %squeeze3A_26 = vector.extract %slice3A_25[0] : i32 from vector<1xi32>
      %gather3A_27 = tpu.vector_load_idx %arg13[%broadcast_in_dim3A_23] : memref<4128xf32, #tpu.memory_space<vmem>>[vector<16xi32>], vector<16xf32>,
      %gather3A_28 = tpu.vector_load_idx %arg14[%broadcast_in_dim3A_23] : memref<4128xf32, #tpu.memory_space<vmem>>[vector<16xi32>], vector<16xf32>,
      %gather3A_29 = tpu.vector_load_idx %arg15[%broadcast_in_dim3A_23] : memref<4128xf32, #tpu.memory_space<vmem>>[vector<16xi32>], vector<16xf32>,
      %jit3A = arith.constant 16 : i32
      %div3A = arith.divsi %squeeze3A_26, %jit3A : i32
      %sign3A = arith.constant 0 : i32
      %sign3A_30 = arith.cmpi sgt, %squeeze3A_26, %sign3A : i32
      %sign3A_31 = arith.extui %sign3A_30 : i1 to i32
      %sign3A_32 = arith.constant 0 : i32
      %sign3A_33 = arith.cmpi slt, %squeeze3A_26, %sign3A_32 : i32
      %sign3A_34 = arith.extui %sign3A_33 : i1 to i32
      %sign3A_35 = arith.subi %sign3A_31, %sign3A_34 : i32
      %sign3A_36 = arith.constant 0 : i32
      %sign3A_37 = arith.cmpi sgt, %jit3A, %sign3A_36 : i32
      %sign3A_38 = arith.extui %sign3A_37 : i1 to i32
      %sign3A_39 = arith.constant 0 : i32
      %sign3A_40 = arith.cmpi slt, %jit3A, %sign3A_39 : i32
      %sign3A_41 = arith.extui %sign3A_40 : i1 to i32
      %sign3A_42 = arith.subi %sign3A_38, %sign3A_41 : i32
      %ne3A = arith.cmpi ne, %sign3A_35, %sign3A_42 : i32
      %rem3A = arith.remsi %squeeze3A_26, %jit3A : i32
      %ne3A_43 = arith.constant 0 : i32
      %ne3A_44 = arith.cmpi ne, %rem3A, %ne3A_43 : i32
      %and3A = arith.andi %ne3A, %ne3A_44 : i1
      %sub3A_45 = arith.constant 1 : i32
      %sub3A_46 = arith.subi %div3A, %sub3A_45 : i32
      %select_n3A = arith.select %and3A, %sub3A_46, %div3A : i32
      %mul3A_47 = arith.constant 16 : i32
      %mul3A_48 = arith.muli %select_n3A, %mul3A_47 : i32
      %sub3A_49 = arith.subi %while3A_21, %mul3A_48 : i32
      %add3A_50 = arith.constant 31 : i32
      %add3A_51 = arith.addi %sub3A_49, %add3A_50 : i32
      %div3A_52 = arith.constant 32 : i32
      %div3A_53 = arith.divsi %add3A_51, %div3A_52 : i32
      %broadcast_in_dim3A_54 = vector.broadcast %while3A_21 : i32 to vector<16xi32>
      %while3A_55 = arith.constant 0 : i32
      %while3A_56 = arith.subi %div3A_53, %while3A_55 : i32
      %while3A_57 = arith.addi %while3A_55, %while3A_56 : i32
      %while3A_58 = arith.constant 1 : i32
      %while3A_59 = arith.divsi %while3A_56, %while3A_58 : i32
      %while3A_60 = arith.muli %while3A_59, %while3A_58 : i32
      %while3A_61 = arith.addi %while3A_55, %while3A_60 : i32
      %while3A_62 = arith.constant 1 : i32
      %while3A_63 = scf.for %while3A_68 = %while3A_55 to %while3A_61 step %while3A_62 iter_args(%while3A_69 = %while3A_22) -> (i32)  : i32 {
        %mul3A_70 = arith.constant 32 : i32
        %mul3A_71 = arith.muli %while3A_68, %mul3A_70 : i32
        %add3A_72 = arith.addi %mul3A_48, %mul3A_71 : i32
        %add3A_73 = vector.broadcast %add3A_72 : i32 to vector<16xi32>
        %add3A_74 = arith.addi %add3A_73, %iota3A : vector<16xi32>
        %get3A = arith.index_cast %add3A_72 : i32 to index
        %get3A_75 = tpu.vector_load %arg13[%get3A] {strides = array<i32>} : memref<4128xf32, #tpu.memory_space<vmem>>, vector<16xf32>,
        %sub3A_76 = arith.subf %gather3A_27, %get3A_75 : vector<16xf32>
        %get3A_77 = arith.index_cast %add3A_72 : i32 to index
        %get3A_78 = tpu.vector_load %arg14[%get3A_77] {strides = array<i32>} : memref<4128xf32, #tpu.memory_space<vmem>>, vector<16xf32>,
        %sub3A_79 = arith.subf %gather3A_28, %get3A_78 : vector<16xf32>
        %get3A_80 = arith.index_cast %add3A_72 : i32 to index
        %get3A_81 = tpu.vector_load %arg15[%get3A_80] {strides = array<i32>} : memref<4128xf32, #tpu.memory_space<vmem>>, vector<16xf32>,
        %sub3A_82 = arith.subf %gather3A_29, %get3A_81 : vector<16xf32>
        %mul3A_83 = arith.mulf %sub3A_76, %sub3A_76 : vector<16xf32>
        %mul3A_84 = arith.mulf %sub3A_79, %sub3A_79 : vector<16xf32>
        %add3A_85 = arith.addf %mul3A_83, %mul3A_84 : vector<16xf32>
        %mul3A_86 = arith.mulf %sub3A_82, %sub3A_82 : vector<16xf32>
        %add3A_87 = arith.addf %add3A_85, %mul3A_86 : vector<16xf32>
        %ge3A = vector.broadcast %squeeze3A_26 : i32 to vector<16xi32>
        %ge3A_88 = arith.cmpi sge, %add3A_74, %ge3A : vector<16xi32>
        %lt3A = vector.broadcast %while3A_21 : i32 to vector<16xi32>
        %lt3A_89 = arith.cmpi slt, %add3A_74, %lt3A : vector<16xi32>
        %and3A_90 = arith.andi %ge3A_88, %lt3A_89 : vector<16xi1>
        %lt3A_91 = arith.constant 2.500000e+01 : f32
        %lt3A_92 = vector.broadcast %lt3A_91 : f32 to vector<16xf32>
        %lt3A_93 = arith.cmpf olt, %add3A_87, %lt3A_92 : vector<16xf32>
        %and3A_94 = arith.andi %and3A_90, %lt3A_93 : vector<16xi1>
        %all_reduce_population_count3A = tpu.all_reduce %and3A_94 {dim = 0 : i64, kind = #tpu.reduction_kind<sum>} : vector<16xi1> -> vector<16xi32>
        %slice3A_95 = vector.extract_strided_slice %all_reduce_population_count3A {offsets = [0], sizes = [1], strides = [1]} : vector<16xi32> to vector<1xi32>
        %squeeze3A_96 = vector.extract %slice3A_95[0] : i32 from vector<1xi32>
        %convert_element_type3A = arith.extui %and3A_94 : vector<16xi1> to vector<16xi32>
        %broadcast_in_dim3A_97 = arith.constant true
        %broadcast_in_dim3A_98 = vector.broadcast %broadcast_in_dim3A_97 : i1 to vector<16xi1>
        %masked_cumsum3A = tpu.scan <sum>, %convert_element_type3A masked %broadcast_in_dim3A_98 : vector<16xi32>, vector<16xi1> -> vector<16xi32>
        %add3A_99 = vector.broadcast %while3A_69 : i32 to vector<16xi32>
        %add3A_100 = arith.addi %add3A_99, %masked_cumsum3A : vector<16xi32>
        %sub3A_101 = arith.constant 1 : i32
        %sub3A_102 = vector.broadcast %sub3A_101 : i32 to vector<16xi32>
        %sub3A_103 = arith.subi %add3A_100, %sub3A_102 : vector<16xi32>
        %ge3A_104 = vector.broadcast %mul3A_2 : i32 to vector<16xi32>
        %ge3A_105 = arith.cmpi sge, %sub3A_103, %ge3A_104 : vector<16xi32>
        %and3A_106 = arith.andi %and3A_94, %ge3A_105 : vector<16xi1>
        %lt3A_107 = vector.broadcast %add3A_4 : i32 to vector<16xi32>
        %lt3A_108 = arith.cmpi slt, %sub3A_103, %lt3A_107 : vector<16xi32>
        %and3A_109 = arith.andi %and3A_106, %lt3A_108 : vector<16xi1>
        %sub3A_110 = vector.broadcast %mul3A_2 : i32 to vector<16xi32>
        %sub3A_111 = arith.subi %sub3A_103, %sub3A_110 : vector<16xi32>
        tpu.vector_store_idx %arg18[%sub3A_111], %broadcast_in_dim3A_54 masked %and3A_109 : memref<1040xi32, #tpu.memory_space<vmem>>[vector<16xi32>], vector<16xi32>, vector<16xi1>
        tpu.vector_store_idx %arg19[%sub3A_111], %add3A_74 masked %and3A_109 : memref<1040xi32, #tpu.memory_space<vmem>>[vector<16xi32>], vector<16xi32>, vector<16xi1>
        %max3A_112 = arith.constant 1.000000e-30 : f32
        %max3A_113 = vector.broadcast %max3A_112 : f32 to vector<16xf32>
        %max3A_114 = arith.maximumf %add3A_87, %max3A_113 : vector<16xf32>
        %bitcast3A = vector.bitcast %max3A_114 : vector<16xf32> to vector<16xi32>
        %shift_right_arithmetic3A = arith.constant 1 : i32
        %shift_right_arithmetic3A_115 = vector.broadcast %shift_right_arithmetic3A : i32 to vector<16xi32>
        %shift_right_arithmetic3A_116 = arith.shrsi %bitcast3A, %shift_right_arithmetic3A_115 : vector<16xi32>
        %sub3A_117 = arith.constant 1597463007 : i32
        %sub3A_118 = vector.broadcast %sub3A_117 : i32 to vector<16xi32>
        %sub3A_119 = arith.subi %sub3A_118, %shift_right_arithmetic3A_116 : vector<16xi32>
        %bitcast3A_120 = vector.bitcast %sub3A_119 : vector<16xi32> to vector<16xf32>
        %mul3A_121 = arith.constant 5.000000e-01 : f32
        %mul3A_122 = vector.broadcast %mul3A_121 : f32 to vector<16xf32>
        %mul3A_123 = arith.mulf %mul3A_122, %max3A_114 : vector<16xf32>
        %mul3A_124 = arith.mulf %mul3A_123, %bitcast3A_120 : vector<16xf32>
        %mul3A_125 = arith.mulf %mul3A_124, %bitcast3A_120 : vector<16xf32>
        %sub3A_126 = arith.constant 1.500000e+00 : f32
        %sub3A_127 = vector.broadcast %sub3A_126 : f32 to vector<16xf32>
        %sub3A_128 = arith.subf %sub3A_127, %mul3A_125 : vector<16xf32>
        %mul3A_129 = arith.mulf %bitcast3A_120, %sub3A_128 : vector<16xf32>
        %mul3A_130 = arith.constant 5.000000e-01 : f32
        %mul3A_131 = vector.broadcast %mul3A_130 : f32 to vector<16xf32>
        %mul3A_132 = arith.mulf %mul3A_131, %max3A_114 : vector<16xf32>
        %mul3A_133 = arith.mulf %mul3A_132, %mul3A_129 : vector<16xf32>
        %mul3A_134 = arith.mulf %mul3A_133, %mul3A_129 : vector<16xf32>
        %sub3A_135 = arith.constant 1.500000e+00 : f32
        %sub3A_136 = vector.broadcast %sub3A_135 : f32 to vector<16xf32>
        %sub3A_137 = arith.subf %sub3A_136, %mul3A_134 : vector<16xf32>
        %mul3A_138 = arith.mulf %mul3A_129, %sub3A_137 : vector<16xf32>
        %mul3A_139 = arith.constant 5.000000e-01 : f32
        %mul3A_140 = vector.broadcast %mul3A_139 : f32 to vector<16xf32>
        %mul3A_141 = arith.mulf %mul3A_140, %max3A_114 : vector<16xf32>
        %mul3A_142 = arith.mulf %mul3A_141, %mul3A_138 : vector<16xf32>
        %mul3A_143 = arith.mulf %mul3A_142, %mul3A_138 : vector<16xf32>
        %sub3A_144 = arith.constant 1.500000e+00 : f32
        %sub3A_145 = vector.broadcast %sub3A_144 : f32 to vector<16xf32>
        %sub3A_146 = arith.subf %sub3A_145, %mul3A_143 : vector<16xf32>
        %mul3A_147 = arith.mulf %mul3A_138, %sub3A_146 : vector<16xf32>
        %mul3A_148 = arith.mulf %max3A_114, %mul3A_147 : vector<16xf32>
        tpu.vector_store_idx %arg20[%sub3A_111], %mul3A_148 masked %and3A_109 : memref<1040xf32, #tpu.memory_space<vmem>>[vector<16xi32>], vector<16xf32>, vector<16xi1>
        tpu.vector_store_idx %arg21[%sub3A_111], %sub3A_76 masked %and3A_109 : memref<1040xf32, #tpu.memory_space<vmem>>[vector<16xi32>], vector<16xf32>, vector<16xi1>
        tpu.vector_store_idx %arg22[%sub3A_111], %sub3A_79 masked %and3A_109 : memref<1040xf32, #tpu.memory_space<vmem>>[vector<16xi32>], vector<16xf32>, vector<16xi1>
        tpu.vector_store_idx %arg23[%sub3A_111], %sub3A_82 masked %and3A_109 : memref<1040xf32, #tpu.memory_space<vmem>>[vector<16xi32>], vector<16xf32>, vector<16xi1>
        %add3A_149 = arith.addi %while3A_69, %squeeze3A_96 : i32
        %add3A_150 = arith.constant 16 : i32
        %add3A_151 = arith.addi %add3A_72, %add3A_150 : i32
        %add3A_152 = vector.broadcast %add3A_151 : i32 to vector<16xi32>
        %add3A_153 = arith.addi %add3A_152, %iota3A : vector<16xi32>
        %get3A_154 = arith.index_cast %add3A_151 : i32 to index
        %get3A_155 = tpu.vector_load %arg13[%get3A_154] {strides = array<i32>} : memref<4128xf32, #tpu.memory_space<vmem>>, vector<16xf32>,
        %sub3A_156 = arith.subf %gather3A_27, %get3A_155 : vector<16xf32>
        %get3A_157 = arith.index_cast %add3A_151 : i32 to index
        %get3A_158 = tpu.vector_load %arg14[%get3A_157] {strides = array<i32>} : memref<4128xf32, #tpu.memory_space<vmem>>, vector<16xf32>,
        %sub3A_159 = arith.subf %gather3A_28, %get3A_158 : vector<16xf32>
        %get3A_160 = arith.index_cast %add3A_151 : i32 to index
        %get3A_161 = tpu.vector_load %arg15[%get3A_160] {strides = array<i32>} : memref<4128xf32, #tpu.memory_space<vmem>>, vector<16xf32>,
        %sub3A_162 = arith.subf %gather3A_29, %get3A_161 : vector<16xf32>
        %mul3A_163 = arith.mulf %sub3A_156, %sub3A_156 : vector<16xf32>
        %mul3A_164 = arith.mulf %sub3A_159, %sub3A_159 : vector<16xf32>
        %add3A_165 = arith.addf %mul3A_163, %mul3A_164 : vector<16xf32>
        %mul3A_166 = arith.mulf %sub3A_162, %sub3A_162 : vector<16xf32>
        %add3A_167 = arith.addf %add3A_165, %mul3A_166 : vector<16xf32>
        %ge3A_168 = vector.broadcast %squeeze3A_26 : i32 to vector<16xi32>
        %ge3A_169 = arith.cmpi sge, %add3A_153, %ge3A_168 : vector<16xi32>
        %lt3A_170 = vector.broadcast %while3A_21 : i32 to vector<16xi32>
        %lt3A_171 = arith.cmpi slt, %add3A_153, %lt3A_170 : vector<16xi32>
        %and3A_172 = arith.andi %ge3A_169, %lt3A_171 : vector<16xi1>
        %lt3A_173 = arith.constant 2.500000e+01 : f32
        %lt3A_174 = vector.broadcast %lt3A_173 : f32 to vector<16xf32>
        %lt3A_175 = arith.cmpf olt, %add3A_167, %lt3A_174 : vector<16xf32>
        %and3A_176 = arith.andi %and3A_172, %lt3A_175 : vector<16xi1>
        %all_reduce_population_count3A_177 = tpu.all_reduce %and3A_176 {dim = 0 : i64, kind = #tpu.reduction_kind<sum>} : vector<16xi1> -> vector<16xi32>
        %slice3A_178 = vector.extract_strided_slice %all_reduce_population_count3A_177 {offsets = [0], sizes = [1], strides = [1]} : vector<16xi32> to vector<1xi32>
        %squeeze3A_179 = vector.extract %slice3A_178[0] : i32 from vector<1xi32>
        %convert_element_type3A_180 = arith.extui %and3A_176 : vector<16xi1> to vector<16xi32>
        %broadcast_in_dim3A_181 = arith.constant true
        %broadcast_in_dim3A_182 = vector.broadcast %broadcast_in_dim3A_181 : i1 to vector<16xi1>
        %masked_cumsum3A_183 = tpu.scan <sum>, %convert_element_type3A_180 masked %broadcast_in_dim3A_182 : vector<16xi32>, vector<16xi1> -> vector<16xi32>
        %add3A_184 = vector.broadcast %add3A_149 : i32 to vector<16xi32>
        %add3A_185 = arith.addi %add3A_184, %masked_cumsum3A_183 : vector<16xi32>
        %sub3A_186 = arith.constant 1 : i32
        %sub3A_187 = vector.broadcast %sub3A_186 : i32 to vector<16xi32>
        %sub3A_188 = arith.subi %add3A_185, %sub3A_187 : vector<16xi32>
        %ge3A_189 = vector.broadcast %mul3A_2 : i32 to vector<16xi32>
        %ge3A_190 = arith.cmpi sge, %sub3A_188, %ge3A_189 : vector<16xi32>
        %and3A_191 = arith.andi %and3A_176, %ge3A_190 : vector<16xi1>
        %lt3A_192 = vector.broadcast %add3A_4 : i32 to vector<16xi32>
        %lt3A_193 = arith.cmpi slt, %sub3A_188, %lt3A_192 : vector<16xi32>
        %and3A_194 = arith.andi %and3A_191, %lt3A_193 : vector<16xi1>
        %sub3A_195 = vector.broadcast %mul3A_2 : i32 to vector<16xi32>
        %sub3A_196 = arith.subi %sub3A_188, %sub3A_195 : vector<16xi32>
        tpu.vector_store_idx %arg18[%sub3A_196], %broadcast_in_dim3A_54 masked %and3A_194 : memref<1040xi32, #tpu.memory_space<vmem>>[vector<16xi32>], vector<16xi32>, vector<16xi1>
        tpu.vector_store_idx %arg19[%sub3A_196], %add3A_153 masked %and3A_194 : memref<1040xi32, #tpu.memory_space<vmem>>[vector<16xi32>], vector<16xi32>, vector<16xi1>
        %max3A_197 = arith.constant 1.000000e-30 : f32
        %max3A_198 = vector.broadcast %max3A_197 : f32 to vector<16xf32>
        %max3A_199 = arith.maximumf %add3A_167, %max3A_198 : vector<16xf32>
        %bitcast3A_200 = vector.bitcast %max3A_199 : vector<16xf32> to vector<16xi32>
        %shift_right_arithmetic3A_201 = arith.constant 1 : i32
        %shift_right_arithmetic3A_202 = vector.broadcast %shift_right_arithmetic3A_201 : i32 to vector<16xi32>
        %shift_right_arithmetic3A_203 = arith.shrsi %bitcast3A_200, %shift_right_arithmetic3A_202 : vector<16xi32>
        %sub3A_204 = arith.constant 1597463007 : i32
        %sub3A_205 = vector.broadcast %sub3A_204 : i32 to vector<16xi32>
        %sub3A_206 = arith.subi %sub3A_205, %shift_right_arithmetic3A_203 : vector<16xi32>
        %bitcast3A_207 = vector.bitcast %sub3A_206 : vector<16xi32> to vector<16xf32>
        %mul3A_208 = arith.constant 5.000000e-01 : f32
        %mul3A_209 = vector.broadcast %mul3A_208 : f32 to vector<16xf32>
        %mul3A_210 = arith.mulf %mul3A_209, %max3A_199 : vector<16xf32>
        %mul3A_211 = arith.mulf %mul3A_210, %bitcast3A_207 : vector<16xf32>
        %mul3A_212 = arith.mulf %mul3A_211, %bitcast3A_207 : vector<16xf32>
        %sub3A_213 = arith.constant 1.500000e+00 : f32
        %sub3A_214 = vector.broadcast %sub3A_213 : f32 to vector<16xf32>
        %sub3A_215 = arith.subf %sub3A_214, %mul3A_212 : vector<16xf32>
        %mul3A_216 = arith.mulf %bitcast3A_207, %sub3A_215 : vector<16xf32>
        %mul3A_217 = arith.constant 5.000000e-01 : f32
        %mul3A_218 = vector.broadcast %mul3A_217 : f32 to vector<16xf32>
        %mul3A_219 = arith.mulf %mul3A_218, %max3A_199 : vector<16xf32>
        %mul3A_220 = arith.mulf %mul3A_219, %mul3A_216 : vector<16xf32>
        %mul3A_221 = arith.mulf %mul3A_220, %mul3A_216 : vector<16xf32>
        %sub3A_222 = arith.constant 1.500000e+00 : f32
        %sub3A_223 = vector.broadcast %sub3A_222 : f32 to vector<16xf32>
        %sub3A_224 = arith.subf %sub3A_223, %mul3A_221 : vector<16xf32>
        %mul3A_225 = arith.mulf %mul3A_216, %sub3A_224 : vector<16xf32>
        %mul3A_226 = arith.constant 5.000000e-01 : f32
        %mul3A_227 = vector.broadcast %mul3A_226 : f32 to vector<16xf32>
        %mul3A_228 = arith.mulf %mul3A_227, %max3A_199 : vector<16xf32>
        %mul3A_229 = arith.mulf %mul3A_228, %mul3A_225 : vector<16xf32>
        %mul3A_230 = arith.mulf %mul3A_229, %mul3A_225 : vector<16xf32>
        %sub3A_231 = arith.constant 1.500000e+00 : f32
        %sub3A_232 = vector.broadcast %sub3A_231 : f32 to vector<16xf32>
        %sub3A_233 = arith.subf %sub3A_232, %mul3A_230 : vector<16xf32>
        %mul3A_234 = arith.mulf %mul3A_225, %sub3A_233 : vector<16xf32>
        %mul3A_235 = arith.mulf %max3A_199, %mul3A_234 : vector<16xf32>
        tpu.vector_store_idx %arg20[%sub3A_196], %mul3A_235 masked %and3A_194 : memref<1040xf32, #tpu.memory_space<vmem>>[vector<16xi32>], vector<16xf32>, vector<16xi1>
        tpu.vector_store_idx %arg21[%sub3A_196], %sub3A_156 masked %and3A_194 : memref<1040xf32, #tpu.memory_space<vmem>>[vector<16xi32>], vector<16xf32>, vector<16xi1>
        tpu.vector_store_idx %arg22[%sub3A_196], %sub3A_159 masked %and3A_194 : memref<1040xf32, #tpu.memory_space<vmem>>[vector<16xi32>], vector<16xf32>, vector<16xi1>
        tpu.vector_store_idx %arg23[%sub3A_196], %sub3A_162 masked %and3A_194 : memref<1040xf32, #tpu.memory_space<vmem>>[vector<16xi32>], vector<16xf32>, vector<16xi1>
        %add3A_236 = arith.addi %add3A_149, %squeeze3A_179 : i32
        scf.yield %add3A_236 : i32
      }
      %while3A_64 = arith.constant 1 : i32
      %while3A_65 = scf.for %while3A_68 = %while3A_61 to %while3A_57 step %while3A_64 iter_args(%while3A_69 = %while3A_63) -> (i32)  : i32 {
        %mul3A_70 = arith.constant 32 : i32
        %mul3A_71 = arith.muli %while3A_68, %mul3A_70 : i32
        %add3A_72 = arith.addi %mul3A_48, %mul3A_71 : i32
        %add3A_73 = vector.broadcast %add3A_72 : i32 to vector<16xi32>
        %add3A_74 = arith.addi %add3A_73, %iota3A : vector<16xi32>
        %get3A = arith.index_cast %add3A_72 : i32 to index
        %get3A_75 = tpu.vector_load %arg13[%get3A] {strides = array<i32>} : memref<4128xf32, #tpu.memory_space<vmem>>, vector<16xf32>,
        %sub3A_76 = arith.subf %gather3A_27, %get3A_75 : vector<16xf32>
        %get3A_77 = arith.index_cast %add3A_72 : i32 to index
        %get3A_78 = tpu.vector_load %arg14[%get3A_77] {strides = array<i32>} : memref<4128xf32, #tpu.memory_space<vmem>>, vector<16xf32>,
        %sub3A_79 = arith.subf %gather3A_28, %get3A_78 : vector<16xf32>
        %get3A_80 = arith.index_cast %add3A_72 : i32 to index
        %get3A_81 = tpu.vector_load %arg15[%get3A_80] {strides = array<i32>} : memref<4128xf32, #tpu.memory_space<vmem>>, vector<16xf32>,
        %sub3A_82 = arith.subf %gather3A_29, %get3A_81 : vector<16xf32>
        %mul3A_83 = arith.mulf %sub3A_76, %sub3A_76 : vector<16xf32>
        %mul3A_84 = arith.mulf %sub3A_79, %sub3A_79 : vector<16xf32>
        %add3A_85 = arith.addf %mul3A_83, %mul3A_84 : vector<16xf32>
        %mul3A_86 = arith.mulf %sub3A_82, %sub3A_82 : vector<16xf32>
        %add3A_87 = arith.addf %add3A_85, %mul3A_86 : vector<16xf32>
        %ge3A = vector.broadcast %squeeze3A_26 : i32 to vector<16xi32>
        %ge3A_88 = arith.cmpi sge, %add3A_74, %ge3A : vector<16xi32>
        %lt3A = vector.broadcast %while3A_21 : i32 to vector<16xi32>
        %lt3A_89 = arith.cmpi slt, %add3A_74, %lt3A : vector<16xi32>
        %and3A_90 = arith.andi %ge3A_88, %lt3A_89 : vector<16xi1>
        %lt3A_91 = arith.constant 2.500000e+01 : f32
        %lt3A_92 = vector.broadcast %lt3A_91 : f32 to vector<16xf32>
        %lt3A_93 = arith.cmpf olt, %add3A_87, %lt3A_92 : vector<16xf32>
        %and3A_94 = arith.andi %and3A_90, %lt3A_93 : vector<16xi1>
        %all_reduce_population_count3A = tpu.all_reduce %and3A_94 {dim = 0 : i64, kind = #tpu.reduction_kind<sum>} : vector<16xi1> -> vector<16xi32>
        %slice3A_95 = vector.extract_strided_slice %all_reduce_population_count3A {offsets = [0], sizes = [1], strides = [1]} : vector<16xi32> to vector<1xi32>
        %squeeze3A_96 = vector.extract %slice3A_95[0] : i32 from vector<1xi32>
        %convert_element_type3A = arith.extui %and3A_94 : vector<16xi1> to vector<16xi32>
        %broadcast_in_dim3A_97 = arith.constant true
        %broadcast_in_dim3A_98 = vector.broadcast %broadcast_in_dim3A_97 : i1 to vector<16xi1>
        %masked_cumsum3A = tpu.scan <sum>, %convert_element_type3A masked %broadcast_in_dim3A_98 : vector<16xi32>, vector<16xi1> -> vector<16xi32>
        %add3A_99 = vector.broadcast %while3A_69 : i32 to vector<16xi32>
        %add3A_100 = arith.addi %add3A_99, %masked_cumsum3A : vector<16xi32>
        %sub3A_101 = arith.constant 1 : i32
        %sub3A_102 = vector.broadcast %sub3A_101 : i32 to vector<16xi32>
        %sub3A_103 = arith.subi %add3A_100, %sub3A_102 : vector<16xi32>
        %ge3A_104 = vector.broadcast %mul3A_2 : i32 to vector<16xi32>
        %ge3A_105 = arith.cmpi sge, %sub3A_103, %ge3A_104 : vector<16xi32>
        %and3A_106 = arith.andi %and3A_94, %ge3A_105 : vector<16xi1>
        %lt3A_107 = vector.broadcast %add3A_4 : i32 to vector<16xi32>
        %lt3A_108 = arith.cmpi slt, %sub3A_103, %lt3A_107 : vector<16xi32>
        %and3A_109 = arith.andi %and3A_106, %lt3A_108 : vector<16xi1>
        %sub3A_110 = vector.broadcast %mul3A_2 : i32 to vector<16xi32>
        %sub3A_111 = arith.subi %sub3A_103, %sub3A_110 : vector<16xi32>
        tpu.vector_store_idx %arg18[%sub3A_111], %broadcast_in_dim3A_54 masked %and3A_109 : memref<1040xi32, #tpu.memory_space<vmem>>[vector<16xi32>], vector<16xi32>, vector<16xi1>
        tpu.vector_store_idx %arg19[%sub3A_111], %add3A_74 masked %and3A_109 : memref<1040xi32, #tpu.memory_space<vmem>>[vector<16xi32>], vector<16xi32>, vector<16xi1>
        %max3A_112 = arith.constant 1.000000e-30 : f32
        %max3A_113 = vector.broadcast %max3A_112 : f32 to vector<16xf32>
        %max3A_114 = arith.maximumf %add3A_87, %max3A_113 : vector<16xf32>
        %bitcast3A = vector.bitcast %max3A_114 : vector<16xf32> to vector<16xi32>
        %shift_right_arithmetic3A = arith.constant 1 : i32
        %shift_right_arithmetic3A_115 = vector.broadcast %shift_right_arithmetic3A : i32 to vector<16xi32>
        %shift_right_arithmetic3A_116 = arith.shrsi %bitcast3A, %shift_right_arithmetic3A_115 : vector<16xi32>
        %sub3A_117 = arith.constant 1597463007 : i32
        %sub3A_118 = vector.broadcast %sub3A_117 : i32 to vector<16xi32>
        %sub3A_119 = arith.subi %sub3A_118, %shift_right_arithmetic3A_116 : vector<16xi32>
        %bitcast3A_120 = vector.bitcast %sub3A_119 : vector<16xi32> to vector<16xf32>
        %mul3A_121 = arith.constant 5.000000e-01 : f32
        %mul3A_122 = vector.broadcast %mul3A_121 : f32 to vector<16xf32>
        %mul3A_123 = arith.mulf %mul3A_122, %max3A_114 : vector<16xf32>
        %mul3A_124 = arith.mulf %mul3A_123, %bitcast3A_120 : vector<16xf32>
        %mul3A_125 = arith.mulf %mul3A_124, %bitcast3A_120 : vector<16xf32>
        %sub3A_126 = arith.constant 1.500000e+00 : f32
        %sub3A_127 = vector.broadcast %sub3A_126 : f32 to vector<16xf32>
        %sub3A_128 = arith.subf %sub3A_127, %mul3A_125 : vector<16xf32>
        %mul3A_129 = arith.mulf %bitcast3A_120, %sub3A_128 : vector<16xf32>
        %mul3A_130 = arith.constant 5.000000e-01 : f32
        %mul3A_131 = vector.broadcast %mul3A_130 : f32 to vector<16xf32>
        %mul3A_132 = arith.mulf %mul3A_131, %max3A_114 : vector<16xf32>
        %mul3A_133 = arith.mulf %mul3A_132, %mul3A_129 : vector<16xf32>
        %mul3A_134 = arith.mulf %mul3A_133, %mul3A_129 : vector<16xf32>
        %sub3A_135 = arith.constant 1.500000e+00 : f32
        %sub3A_136 = vector.broadcast %sub3A_135 : f32 to vector<16xf32>
        %sub3A_137 = arith.subf %sub3A_136, %mul3A_134 : vector<16xf32>
        %mul3A_138 = arith.mulf %mul3A_129, %sub3A_137 : vector<16xf32>
        %mul3A_139 = arith.constant 5.000000e-01 : f32
        %mul3A_140 = vector.broadcast %mul3A_139 : f32 to vector<16xf32>
        %mul3A_141 = arith.mulf %mul3A_140, %max3A_114 : vector<16xf32>
        %mul3A_142 = arith.mulf %mul3A_141, %mul3A_138 : vector<16xf32>
        %mul3A_143 = arith.mulf %mul3A_142, %mul3A_138 : vector<16xf32>
        %sub3A_144 = arith.constant 1.500000e+00 : f32
        %sub3A_145 = vector.broadcast %sub3A_144 : f32 to vector<16xf32>
        %sub3A_146 = arith.subf %sub3A_145, %mul3A_143 : vector<16xf32>
        %mul3A_147 = arith.mulf %mul3A_138, %sub3A_146 : vector<16xf32>
        %mul3A_148 = arith.mulf %max3A_114, %mul3A_147 : vector<16xf32>
        tpu.vector_store_idx %arg20[%sub3A_111], %mul3A_148 masked %and3A_109 : memref<1040xf32, #tpu.memory_space<vmem>>[vector<16xi32>], vector<16xf32>, vector<16xi1>
        tpu.vector_store_idx %arg21[%sub3A_111], %sub3A_76 masked %and3A_109 : memref<1040xf32, #tpu.memory_space<vmem>>[vector<16xi32>], vector<16xf32>, vector<16xi1>
        tpu.vector_store_idx %arg22[%sub3A_111], %sub3A_79 masked %and3A_109 : memref<1040xf32, #tpu.memory_space<vmem>>[vector<16xi32>], vector<16xf32>, vector<16xi1>
        tpu.vector_store_idx %arg23[%sub3A_111], %sub3A_82 masked %and3A_109 : memref<1040xf32, #tpu.memory_space<vmem>>[vector<16xi32>], vector<16xf32>, vector<16xi1>
        %add3A_149 = arith.addi %while3A_69, %squeeze3A_96 : i32
        %add3A_150 = arith.constant 16 : i32
        %add3A_151 = arith.addi %add3A_72, %add3A_150 : i32
        %add3A_152 = vector.broadcast %add3A_151 : i32 to vector<16xi32>
        %add3A_153 = arith.addi %add3A_152, %iota3A : vector<16xi32>
        %get3A_154 = arith.index_cast %add3A_151 : i32 to index
        %get3A_155 = tpu.vector_load %arg13[%get3A_154] {strides = array<i32>} : memref<4128xf32, #tpu.memory_space<vmem>>, vector<16xf32>,
        %sub3A_156 = arith.subf %gather3A_27, %get3A_155 : vector<16xf32>
        %get3A_157 = arith.index_cast %add3A_151 : i32 to index
        %get3A_158 = tpu.vector_load %arg14[%get3A_157] {strides = array<i32>} : memref<4128xf32, #tpu.memory_space<vmem>>, vector<16xf32>,
        %sub3A_159 = arith.subf %gather3A_28, %get3A_158 : vector<16xf32>
        %get3A_160 = arith.index_cast %add3A_151 : i32 to index
        %get3A_161 = tpu.vector_load %arg15[%get3A_160] {strides = array<i32>} : memref<4128xf32, #tpu.memory_space<vmem>>, vector<16xf32>,
        %sub3A_162 = arith.subf %gather3A_29, %get3A_161 : vector<16xf32>
        %mul3A_163 = arith.mulf %sub3A_156, %sub3A_156 : vector<16xf32>
        %mul3A_164 = arith.mulf %sub3A_159, %sub3A_159 : vector<16xf32>
        %add3A_165 = arith.addf %mul3A_163, %mul3A_164 : vector<16xf32>
        %mul3A_166 = arith.mulf %sub3A_162, %sub3A_162 : vector<16xf32>
        %add3A_167 = arith.addf %add3A_165, %mul3A_166 : vector<16xf32>
        %ge3A_168 = vector.broadcast %squeeze3A_26 : i32 to vector<16xi32>
        %ge3A_169 = arith.cmpi sge, %add3A_153, %ge3A_168 : vector<16xi32>
        %lt3A_170 = vector.broadcast %while3A_21 : i32 to vector<16xi32>
        %lt3A_171 = arith.cmpi slt, %add3A_153, %lt3A_170 : vector<16xi32>
        %and3A_172 = arith.andi %ge3A_169, %lt3A_171 : vector<16xi1>
        %lt3A_173 = arith.constant 2.500000e+01 : f32
        %lt3A_174 = vector.broadcast %lt3A_173 : f32 to vector<16xf32>
        %lt3A_175 = arith.cmpf olt, %add3A_167, %lt3A_174 : vector<16xf32>
        %and3A_176 = arith.andi %and3A_172, %lt3A_175 : vector<16xi1>
        %all_reduce_population_count3A_177 = tpu.all_reduce %and3A_176 {dim = 0 : i64, kind = #tpu.reduction_kind<sum>} : vector<16xi1> -> vector<16xi32>
        %slice3A_178 = vector.extract_strided_slice %all_reduce_population_count3A_177 {offsets = [0], sizes = [1], strides = [1]} : vector<16xi32> to vector<1xi32>
        %squeeze3A_179 = vector.extract %slice3A_178[0] : i32 from vector<1xi32>
        %convert_element_type3A_180 = arith.extui %and3A_176 : vector<16xi1> to vector<16xi32>
        %broadcast_in_dim3A_181 = arith.constant true
        %broadcast_in_dim3A_182 = vector.broadcast %broadcast_in_dim3A_181 : i1 to vector<16xi1>
        %masked_cumsum3A_183 = tpu.scan <sum>, %convert_element_type3A_180 masked %broadcast_in_dim3A_182 : vector<16xi32>, vector<16xi1> -> vector<16xi32>
        %add3A_184 = vector.broadcast %add3A_149 : i32 to vector<16xi32>
        %add3A_185 = arith.addi %add3A_184, %masked_cumsum3A_183 : vector<16xi32>
        %sub3A_186 = arith.constant 1 : i32
        %sub3A_187 = vector.broadcast %sub3A_186 : i32 to vector<16xi32>
        %sub3A_188 = arith.subi %add3A_185, %sub3A_187 : vector<16xi32>
        %ge3A_189 = vector.broadcast %mul3A_2 : i32 to vector<16xi32>
        %ge3A_190 = arith.cmpi sge, %sub3A_188, %ge3A_189 : vector<16xi32>
        %and3A_191 = arith.andi %and3A_176, %ge3A_190 : vector<16xi1>
        %lt3A_192 = vector.broadcast %add3A_4 : i32 to vector<16xi32>
        %lt3A_193 = arith.cmpi slt, %sub3A_188, %lt3A_192 : vector<16xi32>
        %and3A_194 = arith.andi %and3A_191, %lt3A_193 : vector<16xi1>
        %sub3A_195 = vector.broadcast %mul3A_2 : i32 to vector<16xi32>
        %sub3A_196 = arith.subi %sub3A_188, %sub3A_195 : vector<16xi32>
        tpu.vector_store_idx %arg18[%sub3A_196], %broadcast_in_dim3A_54 masked %and3A_194 : memref<1040xi32, #tpu.memory_space<vmem>>[vector<16xi32>], vector<16xi32>, vector<16xi1>
        tpu.vector_store_idx %arg19[%sub3A_196], %add3A_153 masked %and3A_194 : memref<1040xi32, #tpu.memory_space<vmem>>[vector<16xi32>], vector<16xi32>, vector<16xi1>
        %max3A_197 = arith.constant 1.000000e-30 : f32
        %max3A_198 = vector.broadcast %max3A_197 : f32 to vector<16xf32>
        %max3A_199 = arith.maximumf %add3A_167, %max3A_198 : vector<16xf32>
        %bitcast3A_200 = vector.bitcast %max3A_199 : vector<16xf32> to vector<16xi32>
        %shift_right_arithmetic3A_201 = arith.constant 1 : i32
        %shift_right_arithmetic3A_202 = vector.broadcast %shift_right_arithmetic3A_201 : i32 to vector<16xi32>
        %shift_right_arithmetic3A_203 = arith.shrsi %bitcast3A_200, %shift_right_arithmetic3A_202 : vector<16xi32>
        %sub3A_204 = arith.constant 1597463007 : i32
        %sub3A_205 = vector.broadcast %sub3A_204 : i32 to vector<16xi32>
        %sub3A_206 = arith.subi %sub3A_205, %shift_right_arithmetic3A_203 : vector<16xi32>
        %bitcast3A_207 = vector.bitcast %sub3A_206 : vector<16xi32> to vector<16xf32>
        %mul3A_208 = arith.constant 5.000000e-01 : f32
        %mul3A_209 = vector.broadcast %mul3A_208 : f32 to vector<16xf32>
        %mul3A_210 = arith.mulf %mul3A_209, %max3A_199 : vector<16xf32>
        %mul3A_211 = arith.mulf %mul3A_210, %bitcast3A_207 : vector<16xf32>
        %mul3A_212 = arith.mulf %mul3A_211, %bitcast3A_207 : vector<16xf32>
        %sub3A_213 = arith.constant 1.500000e+00 : f32
        %sub3A_214 = vector.broadcast %sub3A_213 : f32 to vector<16xf32>
        %sub3A_215 = arith.subf %sub3A_214, %mul3A_212 : vector<16xf32>
        %mul3A_216 = arith.mulf %bitcast3A_207, %sub3A_215 : vector<16xf32>
        %mul3A_217 = arith.constant 5.000000e-01 : f32
        %mul3A_218 = vector.broadcast %mul3A_217 : f32 to vector<16xf32>
        %mul3A_219 = arith.mulf %mul3A_218, %max3A_199 : vector<16xf32>
        %mul3A_220 = arith.mulf %mul3A_219, %mul3A_216 : vector<16xf32>
        %mul3A_221 = arith.mulf %mul3A_220, %mul3A_216 : vector<16xf32>
        %sub3A_222 = arith.constant 1.500000e+00 : f32
        %sub3A_223 = vector.broadcast %sub3A_222 : f32 to vector<16xf32>
        %sub3A_224 = arith.subf %sub3A_223, %mul3A_221 : vector<16xf32>
        %mul3A_225 = arith.mulf %mul3A_216, %sub3A_224 : vector<16xf32>
        %mul3A_226 = arith.constant 5.000000e-01 : f32
        %mul3A_227 = vector.broadcast %mul3A_226 : f32 to vector<16xf32>
        %mul3A_228 = arith.mulf %mul3A_227, %max3A_199 : vector<16xf32>
        %mul3A_229 = arith.mulf %mul3A_228, %mul3A_225 : vector<16xf32>
        %mul3A_230 = arith.mulf %mul3A_229, %mul3A_225 : vector<16xf32>
        %sub3A_231 = arith.constant 1.500000e+00 : f32
        %sub3A_232 = vector.broadcast %sub3A_231 : f32 to vector<16xf32>
        %sub3A_233 = arith.subf %sub3A_232, %mul3A_230 : vector<16xf32>
        %mul3A_234 = arith.mulf %mul3A_225, %sub3A_233 : vector<16xf32>
        %mul3A_235 = arith.mulf %max3A_199, %mul3A_234 : vector<16xf32>
        tpu.vector_store_idx %arg20[%sub3A_196], %mul3A_235 masked %and3A_194 : memref<1040xf32, #tpu.memory_space<vmem>>[vector<16xi32>], vector<16xf32>, vector<16xi1>
        tpu.vector_store_idx %arg21[%sub3A_196], %sub3A_156 masked %and3A_194 : memref<1040xf32, #tpu.memory_space<vmem>>[vector<16xi32>], vector<16xf32>, vector<16xi1>
        tpu.vector_store_idx %arg22[%sub3A_196], %sub3A_159 masked %and3A_194 : memref<1040xf32, #tpu.memory_space<vmem>>[vector<16xi32>], vector<16xf32>, vector<16xi1>
        tpu.vector_store_idx %arg23[%sub3A_196], %sub3A_162 masked %and3A_194 : memref<1040xf32, #tpu.memory_space<vmem>>[vector<16xi32>], vector<16xf32>, vector<16xi1>
        %add3A_236 = arith.addi %add3A_149, %squeeze3A_179 : i32
        scf.yield %add3A_236 : i32
      }
      %add3A_66 = arith.constant 1 : i32
      %add3A_67 = arith.addi %while3A_21, %add3A_66 : i32
      scf.yield %add3A_67, %while3A_65 : i32, i32
    }
    "tpu.region"() ({
      %run_scoped3A = tpu.sem_alloc : memref<!tpu.dma_semaphore, #tpu.memory_space<semaphore_mem>>
      %dma_start3A = arith.constant 0 : i32
      %dma_start3A_21 = tpu.memref_slice %arg18[%dma_start3A] : memref<1040xi32, #tpu.memory_space<vmem>> -> memref<1024xi32, #tpu.memory_space<vmem>>
      %dma_start3A_22 = tpu.memref_slice %arg7[%mul3A_2] : memref<32768xi32, #tpu.memory_space<hbm>> -> memref<1024xi32, #tpu.memory_space<hbm>>
      %dma_start3A_23 = tpu.memref_slice %arg7[%mul3A_2] : memref<32768xi32, #tpu.memory_space<hbm>> -> memref<1024xi32, #tpu.memory_space<hbm>>
      %dma_start3A_24 = arith.constant 0 : i32
      %dma_start3A_25 = tpu.memref_slice %arg18[%dma_start3A_24] : memref<1040xi32, #tpu.memory_space<vmem>> -> memref<1024xi32, #tpu.memory_space<vmem>>
      tpu.enqueue_dma source(%dma_start3A_25 : memref<1024xi32, #tpu.memory_space<vmem>>) target(%dma_start3A_23 : memref<1024xi32, #tpu.memory_space<hbm>>) target_semaphore(%run_scoped3A : memref<!tpu.dma_semaphore, #tpu.memory_space<semaphore_mem>>)
      %dma_wait3A = arith.constant 0 : i32
      %dma_wait3A_26 = tpu.memref_slice %arg18[%dma_wait3A] : memref<1040xi32, #tpu.memory_space<vmem>> -> memref<1024xi32, #tpu.memory_space<vmem>>
      %dma_wait3A_27 = tpu.memref_slice %arg7[%mul3A_2] : memref<32768xi32, #tpu.memory_space<hbm>> -> memref<1024xi32, #tpu.memory_space<hbm>>
      %dma_wait3A_28 = tpu.memref_slice %arg7[%mul3A_2] : memref<32768xi32, #tpu.memory_space<hbm>> -> memref<1024xi32, #tpu.memory_space<hbm>>
      %dma_wait3A_29 = arith.constant 0 : i32
      %dma_wait3A_30 = tpu.memref_slice %arg18[%dma_wait3A_29] : memref<1040xi32, #tpu.memory_space<vmem>> -> memref<1024xi32, #tpu.memory_space<vmem>>
      tpu.wait_dma2 semaphore(%run_scoped3A : memref<!tpu.dma_semaphore, #tpu.memory_space<semaphore_mem>>) src(%dma_wait3A_30 : memref<1024xi32, #tpu.memory_space<vmem>>) dst(%dma_wait3A_28 : memref<1024xi32, #tpu.memory_space<hbm>>)
      tpu.yield
    }) : () -> ()
    "tpu.region"() ({
      %run_scoped3A = tpu.sem_alloc : memref<!tpu.dma_semaphore, #tpu.memory_space<semaphore_mem>>
      %dma_start3A = arith.constant 0 : i32
      %dma_start3A_21 = tpu.memref_slice %arg19[%dma_start3A] : memref<1040xi32, #tpu.memory_space<vmem>> -> memref<1024xi32, #tpu.memory_space<vmem>>
      %dma_start3A_22 = tpu.memref_slice %arg8[%mul3A_2] : memref<32768xi32, #tpu.memory_space<hbm>> -> memref<1024xi32, #tpu.memory_space<hbm>>
      %dma_start3A_23 = tpu.memref_slice %arg8[%mul3A_2] : memref<32768xi32, #tpu.memory_space<hbm>> -> memref<1024xi32, #tpu.memory_space<hbm>>
      %dma_start3A_24 = arith.constant 0 : i32
      %dma_start3A_25 = tpu.memref_slice %arg19[%dma_start3A_24] : memref<1040xi32, #tpu.memory_space<vmem>> -> memref<1024xi32, #tpu.memory_space<vmem>>
      tpu.enqueue_dma source(%dma_start3A_25 : memref<1024xi32, #tpu.memory_space<vmem>>) target(%dma_start3A_23 : memref<1024xi32, #tpu.memory_space<hbm>>) target_semaphore(%run_scoped3A : memref<!tpu.dma_semaphore, #tpu.memory_space<semaphore_mem>>)
      %dma_wait3A = arith.constant 0 : i32
      %dma_wait3A_26 = tpu.memref_slice %arg19[%dma_wait3A] : memref<1040xi32, #tpu.memory_space<vmem>> -> memref<1024xi32, #tpu.memory_space<vmem>>
      %dma_wait3A_27 = tpu.memref_slice %arg8[%mul3A_2] : memref<32768xi32, #tpu.memory_space<hbm>> -> memref<1024xi32, #tpu.memory_space<hbm>>
      %dma_wait3A_28 = tpu.memref_slice %arg8[%mul3A_2] : memref<32768xi32, #tpu.memory_space<hbm>> -> memref<1024xi32, #tpu.memory_space<hbm>>
      %dma_wait3A_29 = arith.constant 0 : i32
      %dma_wait3A_30 = tpu.memref_slice %arg19[%dma_wait3A_29] : memref<1040xi32, #tpu.memory_space<vmem>> -> memref<1024xi32, #tpu.memory_space<vmem>>
      tpu.wait_dma2 semaphore(%run_scoped3A : memref<!tpu.dma_semaphore, #tpu.memory_space<semaphore_mem>>) src(%dma_wait3A_30 : memref<1024xi32, #tpu.memory_space<vmem>>) dst(%dma_wait3A_28 : memref<1024xi32, #tpu.memory_space<hbm>>)
      tpu.yield
    }) : () -> ()
    "tpu.region"() ({
      %run_scoped3A = tpu.sem_alloc : memref<!tpu.dma_semaphore, #tpu.memory_space<semaphore_mem>>
      %dma_start3A = arith.constant 0 : i32
      %dma_start3A_21 = tpu.memref_slice %arg20[%dma_start3A] : memref<1040xf32, #tpu.memory_space<vmem>> -> memref<1024xf32, #tpu.memory_space<vmem>>
      %dma_start3A_22 = tpu.memref_slice %arg9[%mul3A_2] : memref<32768xf32, #tpu.memory_space<hbm>> -> memref<1024xf32, #tpu.memory_space<hbm>>
      %dma_start3A_23 = tpu.memref_slice %arg9[%mul3A_2] : memref<32768xf32, #tpu.memory_space<hbm>> -> memref<1024xf32, #tpu.memory_space<hbm>>
      %dma_start3A_24 = arith.constant 0 : i32
      %dma_start3A_25 = tpu.memref_slice %arg20[%dma_start3A_24] : memref<1040xf32, #tpu.memory_space<vmem>> -> memref<1024xf32, #tpu.memory_space<vmem>>
      tpu.enqueue_dma source(%dma_start3A_25 : memref<1024xf32, #tpu.memory_space<vmem>>) target(%dma_start3A_23 : memref<1024xf32, #tpu.memory_space<hbm>>) target_semaphore(%run_scoped3A : memref<!tpu.dma_semaphore, #tpu.memory_space<semaphore_mem>>)
      %dma_wait3A = arith.constant 0 : i32
      %dma_wait3A_26 = tpu.memref_slice %arg20[%dma_wait3A] : memref<1040xf32, #tpu.memory_space<vmem>> -> memref<1024xf32, #tpu.memory_space<vmem>>
      %dma_wait3A_27 = tpu.memref_slice %arg9[%mul3A_2] : memref<32768xf32, #tpu.memory_space<hbm>> -> memref<1024xf32, #tpu.memory_space<hbm>>
      %dma_wait3A_28 = tpu.memref_slice %arg9[%mul3A_2] : memref<32768xf32, #tpu.memory_space<hbm>> -> memref<1024xf32, #tpu.memory_space<hbm>>
      %dma_wait3A_29 = arith.constant 0 : i32
      %dma_wait3A_30 = tpu.memref_slice %arg20[%dma_wait3A_29] : memref<1040xf32, #tpu.memory_space<vmem>> -> memref<1024xf32, #tpu.memory_space<vmem>>
      tpu.wait_dma2 semaphore(%run_scoped3A : memref<!tpu.dma_semaphore, #tpu.memory_space<semaphore_mem>>) src(%dma_wait3A_30 : memref<1024xf32, #tpu.memory_space<vmem>>) dst(%dma_wait3A_28 : memref<1024xf32, #tpu.memory_space<hbm>>)
      tpu.yield
    }) : () -> ()
    "tpu.region"() ({
      %run_scoped3A = tpu.sem_alloc : memref<!tpu.dma_semaphore, #tpu.memory_space<semaphore_mem>>
      %dma_start3A = arith.constant 0 : i32
      %dma_start3A_21 = tpu.memref_slice %arg21[%dma_start3A] : memref<1040xf32, #tpu.memory_space<vmem>> -> memref<1024xf32, #tpu.memory_space<vmem>>
      %dma_start3A_22 = tpu.memref_slice %arg10[%mul3A_2] : memref<32768xf32, #tpu.memory_space<hbm>> -> memref<1024xf32, #tpu.memory_space<hbm>>
      %dma_start3A_23 = tpu.memref_slice %arg10[%mul3A_2] : memref<32768xf32, #tpu.memory_space<hbm>> -> memref<1024xf32, #tpu.memory_space<hbm>>
      %dma_start3A_24 = arith.constant 0 : i32
      %dma_start3A_25 = tpu.memref_slice %arg21[%dma_start3A_24] : memref<1040xf32, #tpu.memory_space<vmem>> -> memref<1024xf32, #tpu.memory_space<vmem>>
      tpu.enqueue_dma source(%dma_start3A_25 : memref<1024xf32, #tpu.memory_space<vmem>>) target(%dma_start3A_23 : memref<1024xf32, #tpu.memory_space<hbm>>) target_semaphore(%run_scoped3A : memref<!tpu.dma_semaphore, #tpu.memory_space<semaphore_mem>>)
      %dma_wait3A = arith.constant 0 : i32
      %dma_wait3A_26 = tpu.memref_slice %arg21[%dma_wait3A] : memref<1040xf32, #tpu.memory_space<vmem>> -> memref<1024xf32, #tpu.memory_space<vmem>>
      %dma_wait3A_27 = tpu.memref_slice %arg10[%mul3A_2] : memref<32768xf32, #tpu.memory_space<hbm>> -> memref<1024xf32, #tpu.memory_space<hbm>>
      %dma_wait3A_28 = tpu.memref_slice %arg10[%mul3A_2] : memref<32768xf32, #tpu.memory_space<hbm>> -> memref<1024xf32, #tpu.memory_space<hbm>>
      %dma_wait3A_29 = arith.constant 0 : i32
      %dma_wait3A_30 = tpu.memref_slice %arg21[%dma_wait3A_29] : memref<1040xf32, #tpu.memory_space<vmem>> -> memref<1024xf32, #tpu.memory_space<vmem>>
      tpu.wait_dma2 semaphore(%run_scoped3A : memref<!tpu.dma_semaphore, #tpu.memory_space<semaphore_mem>>) src(%dma_wait3A_30 : memref<1024xf32, #tpu.memory_space<vmem>>) dst(%dma_wait3A_28 : memref<1024xf32, #tpu.memory_space<hbm>>)
      tpu.yield
    }) : () -> ()
    "tpu.region"() ({
      %run_scoped3A = tpu.sem_alloc : memref<!tpu.dma_semaphore, #tpu.memory_space<semaphore_mem>>
      %dma_start3A = arith.constant 0 : i32
      %dma_start3A_21 = tpu.memref_slice %arg22[%dma_start3A] : memref<1040xf32, #tpu.memory_space<vmem>> -> memref<1024xf32, #tpu.memory_space<vmem>>
      %dma_start3A_22 = tpu.memref_slice %arg11[%mul3A_2] : memref<32768xf32, #tpu.memory_space<hbm>> -> memref<1024xf32, #tpu.memory_space<hbm>>
      %dma_start3A_23 = tpu.memref_slice %arg11[%mul3A_2] : memref<32768xf32, #tpu.memory_space<hbm>> -> memref<1024xf32, #tpu.memory_space<hbm>>
      %dma_start3A_24 = arith.constant 0 : i32
      %dma_start3A_25 = tpu.memref_slice %arg22[%dma_start3A_24] : memref<1040xf32, #tpu.memory_space<vmem>> -> memref<1024xf32, #tpu.memory_space<vmem>>
      tpu.enqueue_dma source(%dma_start3A_25 : memref<1024xf32, #tpu.memory_space<vmem>>) target(%dma_start3A_23 : memref<1024xf32, #tpu.memory_space<hbm>>) target_semaphore(%run_scoped3A : memref<!tpu.dma_semaphore, #tpu.memory_space<semaphore_mem>>)
      %dma_wait3A = arith.constant 0 : i32
      %dma_wait3A_26 = tpu.memref_slice %arg22[%dma_wait3A] : memref<1040xf32, #tpu.memory_space<vmem>> -> memref<1024xf32, #tpu.memory_space<vmem>>
      %dma_wait3A_27 = tpu.memref_slice %arg11[%mul3A_2] : memref<32768xf32, #tpu.memory_space<hbm>> -> memref<1024xf32, #tpu.memory_space<hbm>>
      %dma_wait3A_28 = tpu.memref_slice %arg11[%mul3A_2] : memref<32768xf32, #tpu.memory_space<hbm>> -> memref<1024xf32, #tpu.memory_space<hbm>>
      %dma_wait3A_29 = arith.constant 0 : i32
      %dma_wait3A_30 = tpu.memref_slice %arg22[%dma_wait3A_29] : memref<1040xf32, #tpu.memory_space<vmem>> -> memref<1024xf32, #tpu.memory_space<vmem>>
      tpu.wait_dma2 semaphore(%run_scoped3A : memref<!tpu.dma_semaphore, #tpu.memory_space<semaphore_mem>>) src(%dma_wait3A_30 : memref<1024xf32, #tpu.memory_space<vmem>>) dst(%dma_wait3A_28 : memref<1024xf32, #tpu.memory_space<hbm>>)
      tpu.yield
    }) : () -> ()
    "tpu.region"() ({
      %run_scoped3A = tpu.sem_alloc : memref<!tpu.dma_semaphore, #tpu.memory_space<semaphore_mem>>
      %dma_start3A = arith.constant 0 : i32
      %dma_start3A_21 = tpu.memref_slice %arg23[%dma_start3A] : memref<1040xf32, #tpu.memory_space<vmem>> -> memref<1024xf32, #tpu.memory_space<vmem>>
      %dma_start3A_22 = tpu.memref_slice %arg12[%mul3A_2] : memref<32768xf32, #tpu.memory_space<hbm>> -> memref<1024xf32, #tpu.memory_space<hbm>>
      %dma_start3A_23 = tpu.memref_slice %arg12[%mul3A_2] : memref<32768xf32, #tpu.memory_space<hbm>> -> memref<1024xf32, #tpu.memory_space<hbm>>
      %dma_start3A_24 = arith.constant 0 : i32
      %dma_start3A_25 = tpu.memref_slice %arg23[%dma_start3A_24] : memref<1040xf32, #tpu.memory_space<vmem>> -> memref<1024xf32, #tpu.memory_space<vmem>>
      tpu.enqueue_dma source(%dma_start3A_25 : memref<1024xf32, #tpu.memory_space<vmem>>) target(%dma_start3A_23 : memref<1024xf32, #tpu.memory_space<hbm>>) target_semaphore(%run_scoped3A : memref<!tpu.dma_semaphore, #tpu.memory_space<semaphore_mem>>)
      %dma_wait3A = arith.constant 0 : i32
      %dma_wait3A_26 = tpu.memref_slice %arg23[%dma_wait3A] : memref<1040xf32, #tpu.memory_space<vmem>> -> memref<1024xf32, #tpu.memory_space<vmem>>
      %dma_wait3A_27 = tpu.memref_slice %arg12[%mul3A_2] : memref<32768xf32, #tpu.memory_space<hbm>> -> memref<1024xf32, #tpu.memory_space<hbm>>
      %dma_wait3A_28 = tpu.memref_slice %arg12[%mul3A_2] : memref<32768xf32, #tpu.memory_space<hbm>> -> memref<1024xf32, #tpu.memory_space<hbm>>
      %dma_wait3A_29 = arith.constant 0 : i32
      %dma_wait3A_30 = tpu.memref_slice %arg23[%dma_wait3A_29] : memref<1040xf32, #tpu.memory_space<vmem>> -> memref<1024xf32, #tpu.memory_space<vmem>>
      tpu.wait_dma2 semaphore(%run_scoped3A : memref<!tpu.dma_semaphore, #tpu.memory_space<semaphore_mem>>) src(%dma_wait3A_30 : memref<1024xf32, #tpu.memory_space<vmem>>) dst(%dma_wait3A_28 : memref<1024xf32, #tpu.memory_space<hbm>>)
      tpu.yield
    }) : () -> ()
    return
  }
}

#map = affine_map<(d0, d1) -> (0)>
module attributes {stable_mosaic.version = 14 : i64} {
  func.func @_count_body(%arg0: i32, %arg1: i32, %arg2: memref<4096xf32, #tpu.memory_space<hbm>>, %arg3: memref<4096xf32, #tpu.memory_space<hbm>>, %arg4: memref<4096xf32, #tpu.memory_space<hbm>>, %arg5: memref<4096xi32, #tpu.memory_space<hbm>>, %arg6: memref<4096xi32, #tpu.memory_space<hbm>>, %arg7: memref<4128xf32, #tpu.memory_space<vmem>>, %arg8: memref<4128xf32, #tpu.memory_space<vmem>>, %arg9: memref<4128xf32, #tpu.memory_space<vmem>>, %arg10: memref<4096xi32, #tpu.memory_space<vmem>>, %arg11: memref<16xi32, #tpu.memory_space<vmem>>, %arg12: memref<16xi32, #tpu.memory_space<vmem>>, %arg13: memref<!tpu.dma_semaphore, #tpu.memory_space<semaphore_mem>>) attributes {dimension_semantics = [#tpu.dimension_semantics<core_parallel>, #tpu.dimension_semantics<subcore_parallel>], iteration_bounds = array<i64: 2, 16>, scalar_prefetch = 0 : i64, scratch_operands = 7 : i64, tpu.core_type = #tpu.core_type<sc_vector_subcore>, window_params = [{transform_indices = #map}, {transform_indices = #map}, {transform_indices = #map}, {transform_indices = #map}, {transform_indices = #map}]} {
    %mul3A = arith.constant 2 : i32
    %mul3A_0 = arith.muli %arg1, %mul3A : i32
    %add3A = arith.addi %mul3A_0, %arg0 : i32
    "tpu.region"() ({
      %run_scoped3A = tpu.sem_alloc : memref<!tpu.dma_semaphore, #tpu.memory_space<semaphore_mem>>
      %dma_start3A = arith.constant 0 : i32
      %dma_start3A_18 = tpu.memref_slice %arg7[%dma_start3A] : memref<4128xf32, #tpu.memory_space<vmem>> -> memref<4096xf32, #tpu.memory_space<vmem>>
      %dma_start3A_19 = arith.constant 0 : i32
      %dma_start3A_20 = tpu.memref_slice %arg7[%dma_start3A_19] : memref<4128xf32, #tpu.memory_space<vmem>> -> memref<4096xf32, #tpu.memory_space<vmem>>
      tpu.enqueue_dma source(%arg2 : memref<4096xf32, #tpu.memory_space<hbm>>) target(%dma_start3A_20 : memref<4096xf32, #tpu.memory_space<vmem>>) target_semaphore(%run_scoped3A : memref<!tpu.dma_semaphore, #tpu.memory_space<semaphore_mem>>)
      %dma_wait3A = arith.constant 0 : i32
      %dma_wait3A_21 = tpu.memref_slice %arg7[%dma_wait3A] : memref<4128xf32, #tpu.memory_space<vmem>> -> memref<4096xf32, #tpu.memory_space<vmem>>
      %dma_wait3A_22 = arith.constant 0 : i32
      %dma_wait3A_23 = tpu.memref_slice %arg7[%dma_wait3A_22] : memref<4128xf32, #tpu.memory_space<vmem>> -> memref<4096xf32, #tpu.memory_space<vmem>>
      tpu.wait_dma2 semaphore(%run_scoped3A : memref<!tpu.dma_semaphore, #tpu.memory_space<semaphore_mem>>) src(%arg2 : memref<4096xf32, #tpu.memory_space<hbm>>) dst(%dma_wait3A_23 : memref<4096xf32, #tpu.memory_space<vmem>>)
      tpu.yield
    }) : () -> ()
    "tpu.region"() ({
      %run_scoped3A = tpu.sem_alloc : memref<!tpu.dma_semaphore, #tpu.memory_space<semaphore_mem>>
      %dma_start3A = arith.constant 0 : i32
      %dma_start3A_18 = tpu.memref_slice %arg8[%dma_start3A] : memref<4128xf32, #tpu.memory_space<vmem>> -> memref<4096xf32, #tpu.memory_space<vmem>>
      %dma_start3A_19 = arith.constant 0 : i32
      %dma_start3A_20 = tpu.memref_slice %arg8[%dma_start3A_19] : memref<4128xf32, #tpu.memory_space<vmem>> -> memref<4096xf32, #tpu.memory_space<vmem>>
      tpu.enqueue_dma source(%arg3 : memref<4096xf32, #tpu.memory_space<hbm>>) target(%dma_start3A_20 : memref<4096xf32, #tpu.memory_space<vmem>>) target_semaphore(%run_scoped3A : memref<!tpu.dma_semaphore, #tpu.memory_space<semaphore_mem>>)
      %dma_wait3A = arith.constant 0 : i32
      %dma_wait3A_21 = tpu.memref_slice %arg8[%dma_wait3A] : memref<4128xf32, #tpu.memory_space<vmem>> -> memref<4096xf32, #tpu.memory_space<vmem>>
      %dma_wait3A_22 = arith.constant 0 : i32
      %dma_wait3A_23 = tpu.memref_slice %arg8[%dma_wait3A_22] : memref<4128xf32, #tpu.memory_space<vmem>> -> memref<4096xf32, #tpu.memory_space<vmem>>
      tpu.wait_dma2 semaphore(%run_scoped3A : memref<!tpu.dma_semaphore, #tpu.memory_space<semaphore_mem>>) src(%arg3 : memref<4096xf32, #tpu.memory_space<hbm>>) dst(%dma_wait3A_23 : memref<4096xf32, #tpu.memory_space<vmem>>)
      tpu.yield
    }) : () -> ()
    "tpu.region"() ({
      %run_scoped3A = tpu.sem_alloc : memref<!tpu.dma_semaphore, #tpu.memory_space<semaphore_mem>>
      %dma_start3A = arith.constant 0 : i32
      %dma_start3A_18 = tpu.memref_slice %arg9[%dma_start3A] : memref<4128xf32, #tpu.memory_space<vmem>> -> memref<4096xf32, #tpu.memory_space<vmem>>
      %dma_start3A_19 = arith.constant 0 : i32
      %dma_start3A_20 = tpu.memref_slice %arg9[%dma_start3A_19] : memref<4128xf32, #tpu.memory_space<vmem>> -> memref<4096xf32, #tpu.memory_space<vmem>>
      tpu.enqueue_dma source(%arg4 : memref<4096xf32, #tpu.memory_space<hbm>>) target(%dma_start3A_20 : memref<4096xf32, #tpu.memory_space<vmem>>) target_semaphore(%run_scoped3A : memref<!tpu.dma_semaphore, #tpu.memory_space<semaphore_mem>>)
      %dma_wait3A = arith.constant 0 : i32
      %dma_wait3A_21 = tpu.memref_slice %arg9[%dma_wait3A] : memref<4128xf32, #tpu.memory_space<vmem>> -> memref<4096xf32, #tpu.memory_space<vmem>>
      %dma_wait3A_22 = arith.constant 0 : i32
      %dma_wait3A_23 = tpu.memref_slice %arg9[%dma_wait3A_22] : memref<4128xf32, #tpu.memory_space<vmem>> -> memref<4096xf32, #tpu.memory_space<vmem>>
      tpu.wait_dma2 semaphore(%run_scoped3A : memref<!tpu.dma_semaphore, #tpu.memory_space<semaphore_mem>>) src(%arg4 : memref<4096xf32, #tpu.memory_space<hbm>>) dst(%dma_wait3A_23 : memref<4096xf32, #tpu.memory_space<vmem>>)
      tpu.yield
    }) : () -> ()
    "tpu.region"() ({
      %run_scoped3A = tpu.sem_alloc : memref<!tpu.dma_semaphore, #tpu.memory_space<semaphore_mem>>
      tpu.enqueue_dma source(%arg5 : memref<4096xi32, #tpu.memory_space<hbm>>) target(%arg10 : memref<4096xi32, #tpu.memory_space<vmem>>) target_semaphore(%run_scoped3A : memref<!tpu.dma_semaphore, #tpu.memory_space<semaphore_mem>>)
      tpu.wait_dma2 semaphore(%run_scoped3A : memref<!tpu.dma_semaphore, #tpu.memory_space<semaphore_mem>>) src(%arg5 : memref<4096xi32, #tpu.memory_space<hbm>>) dst(%arg10 : memref<4096xi32, #tpu.memory_space<vmem>>)
      tpu.yield
    }) : () -> ()
    %iota3A = tpu.iota {dimensions = array<i32: 0>} : vector<16xi32>
    %broadcast_in_dim3A = arith.constant 0 : i32
    %broadcast_in_dim3A_1 = vector.broadcast %broadcast_in_dim3A : i32 to vector<16xi32>
    %broadcast_in_dim3A_2 = arith.constant 4096 : i32
    %broadcast_in_dim3A_3 = vector.broadcast %broadcast_in_dim3A_2 : i32 to vector<16xi32>
    %scan3A = arith.constant 0 : i32
    %scan3A_4 = arith.constant 12 : i32
    %scan3A_5 = arith.addi %scan3A, %scan3A_4 : i32
    %scan3A_6 = arith.constant 1 : i32
    %scan3A_7:2 = scf.for %scan3A_18 = %scan3A to %scan3A_5 step %scan3A_6 iter_args(%scan3A_19 = %broadcast_in_dim3A_1, %scan3A_20 = %broadcast_in_dim3A_3) -> (vector<16xi32>, vector<16xi32>)  : i32 {
      %add3A_21 = arith.addi %scan3A_19, %scan3A_20 : vector<16xi32>
      %div3A = arith.constant 2 : i32
      %div3A_22 = vector.broadcast %div3A : i32 to vector<16xi32>
      %div3A_23 = arith.divsi %add3A_21, %div3A_22 : vector<16xi32>
      %gather3A = tpu.vector_load_idx %arg10[%div3A_23] : memref<4096xi32, #tpu.memory_space<vmem>>[vector<16xi32>], vector<16xi32>,
      %lt3A = arith.cmpi slt, %gather3A, %iota3A : vector<16xi32>
      %add3A_24 = arith.constant 1 : i32
      %add3A_25 = vector.broadcast %add3A_24 : i32 to vector<16xi32>
      %add3A_26 = arith.addi %div3A_23, %add3A_25 : vector<16xi32>
      %select_n3A = arith.select %lt3A, %add3A_26, %scan3A_19 : vector<16xi1>, vector<16xi32>
      %select_n3A_27 = arith.select %lt3A, %scan3A_20, %div3A_23 : vector<16xi1>, vector<16xi32>
      scf.yield %select_n3A, %select_n3A_27 : vector<16xi32>, vector<16xi32>
    }
    %scan3A_8 = arith.constant 12 : i32
    %swap3A = arith.constant 0 : index
    %swap3A_9 = tpu.vector_load %arg11[%swap3A] {strides = array<i32>} : memref<16xi32, #tpu.memory_space<vmem>>, vector<16xi32>,
    tpu.vector_store %arg11[%swap3A], %scan3A_7#0 {strides = array<i32>} : memref<16xi32, #tpu.memory_space<vmem>>, vector<16xi32>,
    %iota3A_10 = tpu.iota {dimensions = array<i32: 0>} : vector<16xi32>
    %scan3A_11 = arith.constant 0 : i32
    %scan3A_12 = arith.constant 0 : i32
    %scan3A_13 = arith.constant 8 : i32
    %scan3A_14 = arith.addi %scan3A_12, %scan3A_13 : i32
    %scan3A_15 = arith.constant 1 : i32
    %scan3A_16 = scf.for %scan3A_18 = %scan3A_12 to %scan3A_14 step %scan3A_15 iter_args(%scan3A_19 = %scan3A_11) -> (i32)  : i32 {
      %mul3A_20 = arith.constant 32 : i32
      %mul3A_21 = arith.muli %scan3A_18, %mul3A_20 : i32
      %add3A_22 = arith.addi %add3A, %mul3A_21 : i32
      %mul3A_23 = arith.constant 16 : i32
      %mul3A_24 = arith.muli %add3A_22, %mul3A_23 : i32
      %get3A = arith.index_cast %mul3A_24 : i32 to index
      %get3A_25 = tpu.vector_load %arg10[%get3A] {strides = array<i32>} : memref<4096xi32, #tpu.memory_space<vmem>>, vector<16xi32>,
      %gather3A = tpu.vector_load_idx %arg11[%get3A_25] : memref<16xi32, #tpu.memory_space<vmem>>[vector<16xi32>], vector<16xi32>,
      %get3A_26 = arith.index_cast %mul3A_24 : i32 to index
      %get3A_27 = tpu.vector_load %arg7[%get3A_26] {strides = array<i32>} : memref<4128xf32, #tpu.memory_space<vmem>>, vector<16xf32>,
      %get3A_28 = arith.index_cast %mul3A_24 : i32 to index
      %get3A_29 = tpu.vector_load %arg8[%get3A_28] {strides = array<i32>} : memref<4128xf32, #tpu.memory_space<vmem>>, vector<16xf32>,
      %get3A_30 = arith.index_cast %mul3A_24 : i32 to index
      %get3A_31 = tpu.vector_load %arg9[%get3A_30] {strides = array<i32>} : memref<4128xf32, #tpu.memory_space<vmem>>, vector<16xf32>,
      %broadcast_in_dim3A_32 = arith.constant 0 : i32
      %broadcast_in_dim3A_33 = vector.broadcast %broadcast_in_dim3A_32 : i32 to vector<16xi32>
      %add3A_34 = arith.constant 0 : i32
      %add3A_35 = arith.addi %mul3A_24, %add3A_34 : i32
      %slice3A = vector.extract_strided_slice %gather3A {offsets = [0], sizes = [1], strides = [1]} : vector<16xi32> to vector<1xi32>
      %squeeze3A = vector.extract %slice3A[0] : i32 from vector<1xi32>
      %slice3A_36 = vector.extract_strided_slice %get3A_27 {offsets = [0], sizes = [1], strides = [1]} : vector<16xf32> to vector<1xf32>
      %squeeze3A_37 = vector.extract %slice3A_36[0] : f32 from vector<1xf32>
      %slice3A_38 = vector.extract_strided_slice %get3A_29 {offsets = [0], sizes = [1], strides = [1]} : vector<16xf32> to vector<1xf32>
      %squeeze3A_39 = vector.extract %slice3A_38[0] : f32 from vector<1xf32>
      %slice3A_40 = vector.extract_strided_slice %get3A_31 {offsets = [0], sizes = [1], strides = [1]} : vector<16xf32> to vector<1xf32>
      %squeeze3A_41 = vector.extract %slice3A_40[0] : f32 from vector<1xf32>
      %jit3A = arith.constant 16 : i32
      %div3A = arith.divsi %squeeze3A, %jit3A : i32
      %sign3A = arith.constant 0 : i32
      %sign3A_42 = arith.cmpi sgt, %squeeze3A, %sign3A : i32
      %sign3A_43 = arith.extui %sign3A_42 : i1 to i32
      %sign3A_44 = arith.constant 0 : i32
      %sign3A_45 = arith.cmpi slt, %squeeze3A, %sign3A_44 : i32
      %sign3A_46 = arith.extui %sign3A_45 : i1 to i32
      %sign3A_47 = arith.subi %sign3A_43, %sign3A_46 : i32
      %sign3A_48 = arith.constant 0 : i32
      %sign3A_49 = arith.cmpi sgt, %jit3A, %sign3A_48 : i32
      %sign3A_50 = arith.extui %sign3A_49 : i1 to i32
      %sign3A_51 = arith.constant 0 : i32
      %sign3A_52 = arith.cmpi slt, %jit3A, %sign3A_51 : i32
      %sign3A_53 = arith.extui %sign3A_52 : i1 to i32
      %sign3A_54 = arith.subi %sign3A_50, %sign3A_53 : i32
      %ne3A = arith.cmpi ne, %sign3A_47, %sign3A_54 : i32
      %rem3A = arith.remsi %squeeze3A, %jit3A : i32
      %ne3A_55 = arith.constant 0 : i32
      %ne3A_56 = arith.cmpi ne, %rem3A, %ne3A_55 : i32
      %and3A = arith.andi %ne3A, %ne3A_56 : i1
      %sub3A = arith.constant 1 : i32
      %sub3A_57 = arith.subi %div3A, %sub3A : i32
      %select_n3A = arith.select %and3A, %sub3A_57, %div3A : i32
      %mul3A_58 = arith.constant 16 : i32
      %mul3A_59 = arith.muli %select_n3A, %mul3A_58 : i32
      %sub3A_60 = arith.subi %add3A_35, %mul3A_59 : i32
      %add3A_61 = arith.constant 15 : i32
      %add3A_62 = arith.addi %sub3A_60, %add3A_61 : i32
      %div3A_63 = arith.constant 16 : i32
      %div3A_64 = arith.divsi %add3A_62, %div3A_63 : i32
      %add3A_65 = vector.broadcast %mul3A_59 : i32 to vector<16xi32>
      %add3A_66 = arith.addi %add3A_65, %iota3A_10 : vector<16xi32>
      %broadcast_in_dim3A_67 = arith.constant 0 : i32
      %broadcast_in_dim3A_68 = vector.broadcast %broadcast_in_dim3A_67 : i32 to vector<16xi32>
      %while3A = arith.constant 0 : i32
      %while3A_69 = arith.subi %div3A_64, %while3A : i32
      %while3A_70 = arith.addi %while3A, %while3A_69 : i32
      %while3A_71 = arith.constant 1 : i32
      %while3A_72 = arith.divsi %while3A_69, %while3A_71 : i32
      %while3A_73 = arith.muli %while3A_72, %while3A_71 : i32
      %while3A_74 = arith.addi %while3A, %while3A_73 : i32
      %while3A_75 = arith.constant 1 : i32
      %while3A_76 = scf.for %while3A_1064 = %while3A to %while3A_74 step %while3A_75 iter_args(%while3A_1065 = %broadcast_in_dim3A_68) -> (vector<16xi32>)  : i32 {
        %mul3A_1066 = arith.constant 16 : i32
        %mul3A_1067 = arith.muli %while3A_1064, %mul3A_1066 : i32
        %add3A_1068 = arith.addi %mul3A_59, %mul3A_1067 : i32
        %mul3A_1069 = arith.constant 16 : i32
        %mul3A_1070 = arith.muli %while3A_1064, %mul3A_1069 : i32
        %add3A_1071 = vector.broadcast %mul3A_1070 : i32 to vector<16xi32>
        %add3A_1072 = arith.addi %add3A_66, %add3A_1071 : vector<16xi32>
        %get3A_1073 = arith.index_cast %add3A_1068 : i32 to index
        %get3A_1074 = tpu.vector_load %arg7[%get3A_1073] {strides = array<i32>} : memref<4128xf32, #tpu.memory_space<vmem>>, vector<16xf32>,
        %sub3A_1075 = vector.broadcast %squeeze3A_37 : f32 to vector<16xf32>
        %sub3A_1076 = arith.subf %get3A_1074, %sub3A_1075 : vector<16xf32>
        %get3A_1077 = arith.index_cast %add3A_1068 : i32 to index
        %get3A_1078 = tpu.vector_load %arg8[%get3A_1077] {strides = array<i32>} : memref<4128xf32, #tpu.memory_space<vmem>>, vector<16xf32>,
        %sub3A_1079 = vector.broadcast %squeeze3A_39 : f32 to vector<16xf32>
        %sub3A_1080 = arith.subf %get3A_1078, %sub3A_1079 : vector<16xf32>
        %get3A_1081 = arith.index_cast %add3A_1068 : i32 to index
        %get3A_1082 = tpu.vector_load %arg9[%get3A_1081] {strides = array<i32>} : memref<4128xf32, #tpu.memory_space<vmem>>, vector<16xf32>,
        %sub3A_1083 = vector.broadcast %squeeze3A_41 : f32 to vector<16xf32>
        %sub3A_1084 = arith.subf %get3A_1082, %sub3A_1083 : vector<16xf32>
        %mul3A_1085 = arith.mulf %sub3A_1076, %sub3A_1076 : vector<16xf32>
        %mul3A_1086 = arith.mulf %sub3A_1080, %sub3A_1080 : vector<16xf32>
        %add3A_1087 = arith.addf %mul3A_1085, %mul3A_1086 : vector<16xf32>
        %mul3A_1088 = arith.mulf %sub3A_1084, %sub3A_1084 : vector<16xf32>
        %add3A_1089 = arith.addf %add3A_1087, %mul3A_1088 : vector<16xf32>
        %ge3A = vector.broadcast %squeeze3A : i32 to vector<16xi32>
        %ge3A_1090 = arith.cmpi sge, %add3A_1072, %ge3A : vector<16xi32>
        %lt3A = vector.broadcast %add3A_35 : i32 to vector<16xi32>
        %lt3A_1091 = arith.cmpi slt, %add3A_1072, %lt3A : vector<16xi32>
        %and3A_1092 = arith.andi %ge3A_1090, %lt3A_1091 : vector<16xi1>
        %lt3A_1093 = arith.constant 2.500000e+01 : f32
        %lt3A_1094 = vector.broadcast %lt3A_1093 : f32 to vector<16xf32>
        %lt3A_1095 = arith.cmpf olt, %add3A_1089, %lt3A_1094 : vector<16xf32>
        %and3A_1096 = arith.andi %and3A_1092, %lt3A_1095 : vector<16xi1>
        %convert_element_type3A = arith.extui %and3A_1096 : vector<16xi1> to vector<16xi32>
        %add3A_1097 = arith.addi %while3A_1065, %convert_element_type3A : vector<16xi32>
        scf.yield %add3A_1097 : vector<16xi32>
      }
      %while3A_77 = arith.constant 1 : i32
      %while3A_78 = scf.for %while3A_1064 = %while3A_74 to %while3A_70 step %while3A_77 iter_args(%while3A_1065 = %while3A_76) -> (vector<16xi32>)  : i32 {
        %mul3A_1066 = arith.constant 16 : i32
        %mul3A_1067 = arith.muli %while3A_1064, %mul3A_1066 : i32
        %add3A_1068 = arith.addi %mul3A_59, %mul3A_1067 : i32
        %mul3A_1069 = arith.constant 16 : i32
        %mul3A_1070 = arith.muli %while3A_1064, %mul3A_1069 : i32
        %add3A_1071 = vector.broadcast %mul3A_1070 : i32 to vector<16xi32>
        %add3A_1072 = arith.addi %add3A_66, %add3A_1071 : vector<16xi32>
        %get3A_1073 = arith.index_cast %add3A_1068 : i32 to index
        %get3A_1074 = tpu.vector_load %arg7[%get3A_1073] {strides = array<i32>} : memref<4128xf32, #tpu.memory_space<vmem>>, vector<16xf32>,
        %sub3A_1075 = vector.broadcast %squeeze3A_37 : f32 to vector<16xf32>
        %sub3A_1076 = arith.subf %get3A_1074, %sub3A_1075 : vector<16xf32>
        %get3A_1077 = arith.index_cast %add3A_1068 : i32 to index
        %get3A_1078 = tpu.vector_load %arg8[%get3A_1077] {strides = array<i32>} : memref<4128xf32, #tpu.memory_space<vmem>>, vector<16xf32>,
        %sub3A_1079 = vector.broadcast %squeeze3A_39 : f32 to vector<16xf32>
        %sub3A_1080 = arith.subf %get3A_1078, %sub3A_1079 : vector<16xf32>
        %get3A_1081 = arith.index_cast %add3A_1068 : i32 to index
        %get3A_1082 = tpu.vector_load %arg9[%get3A_1081] {strides = array<i32>} : memref<4128xf32, #tpu.memory_space<vmem>>, vector<16xf32>,
        %sub3A_1083 = vector.broadcast %squeeze3A_41 : f32 to vector<16xf32>
        %sub3A_1084 = arith.subf %get3A_1082, %sub3A_1083 : vector<16xf32>
        %mul3A_1085 = arith.mulf %sub3A_1076, %sub3A_1076 : vector<16xf32>
        %mul3A_1086 = arith.mulf %sub3A_1080, %sub3A_1080 : vector<16xf32>
        %add3A_1087 = arith.addf %mul3A_1085, %mul3A_1086 : vector<16xf32>
        %mul3A_1088 = arith.mulf %sub3A_1084, %sub3A_1084 : vector<16xf32>
        %add3A_1089 = arith.addf %add3A_1087, %mul3A_1088 : vector<16xf32>
        %ge3A = vector.broadcast %squeeze3A : i32 to vector<16xi32>
        %ge3A_1090 = arith.cmpi sge, %add3A_1072, %ge3A : vector<16xi32>
        %lt3A = vector.broadcast %add3A_35 : i32 to vector<16xi32>
        %lt3A_1091 = arith.cmpi slt, %add3A_1072, %lt3A : vector<16xi32>
        %and3A_1092 = arith.andi %ge3A_1090, %lt3A_1091 : vector<16xi1>
        %lt3A_1093 = arith.constant 2.500000e+01 : f32
        %lt3A_1094 = vector.broadcast %lt3A_1093 : f32 to vector<16xf32>
        %lt3A_1095 = arith.cmpf olt, %add3A_1089, %lt3A_1094 : vector<16xf32>
        %and3A_1096 = arith.andi %and3A_1092, %lt3A_1095 : vector<16xi1>
        %convert_element_type3A = arith.extui %and3A_1096 : vector<16xi1> to vector<16xi32>
        %add3A_1097 = arith.addi %while3A_1065, %convert_element_type3A : vector<16xi32>
        scf.yield %add3A_1097 : vector<16xi32>
      }
      %eq3A = arith.constant 0 : i32
      %eq3A_79 = vector.broadcast %eq3A : i32 to vector<16xi32>
      %eq3A_80 = arith.cmpi eq, %iota3A_10, %eq3A_79 : vector<16xi32>
      %reduce_sum3A = arith.constant true
      %reduce_sum3A_81 = vector.broadcast %reduce_sum3A : i1 to vector<16xi1>
      %reduce_sum3A_82 = tpu.scan <sum>, %while3A_78 masked %reduce_sum3A_81 : vector<16xi32>, vector<16xi1> -> vector<16xi32>
      %reduce_sum3A_83 = vector.extract %reduce_sum3A_82[15] : i32 from vector<16xi32>
      %broadcast_in_dim3A_84 = vector.broadcast %reduce_sum3A_83 : i32 to vector<16xi32>
      %select_n3A_85 = arith.select %eq3A_80, %broadcast_in_dim3A_84, %broadcast_in_dim3A_33 : vector<16xi1>, vector<16xi32>
      %add3A_86 = arith.constant 1 : i32
      %add3A_87 = arith.addi %mul3A_24, %add3A_86 : i32
      %slice3A_88 = vector.extract_strided_slice %gather3A {offsets = [1], sizes = [1], strides = [1]} : vector<16xi32> to vector<1xi32>
      %squeeze3A_89 = vector.extract %slice3A_88[0] : i32 from vector<1xi32>
      %slice3A_90 = vector.extract_strided_slice %get3A_27 {offsets = [1], sizes = [1], strides = [1]} : vector<16xf32> to vector<1xf32>
      %squeeze3A_91 = vector.extract %slice3A_90[0] : f32 from vector<1xf32>
      %slice3A_92 = vector.extract_strided_slice %get3A_29 {offsets = [1], sizes = [1], strides = [1]} : vector<16xf32> to vector<1xf32>
      %squeeze3A_93 = vector.extract %slice3A_92[0] : f32 from vector<1xf32>
      %slice3A_94 = vector.extract_strided_slice %get3A_31 {offsets = [1], sizes = [1], strides = [1]} : vector<16xf32> to vector<1xf32>
      %squeeze3A_95 = vector.extract %slice3A_94[0] : f32 from vector<1xf32>
      %jit3A_96 = arith.constant 16 : i32
      %div3A_97 = arith.divsi %squeeze3A_89, %jit3A_96 : i32
      %sign3A_98 = arith.constant 0 : i32
      %sign3A_99 = arith.cmpi sgt, %squeeze3A_89, %sign3A_98 : i32
      %sign3A_100 = arith.extui %sign3A_99 : i1 to i32
      %sign3A_101 = arith.constant 0 : i32
      %sign3A_102 = arith.cmpi slt, %squeeze3A_89, %sign3A_101 : i32
      %sign3A_103 = arith.extui %sign3A_102 : i1 to i32
      %sign3A_104 = arith.subi %sign3A_100, %sign3A_103 : i32
      %sign3A_105 = arith.constant 0 : i32
      %sign3A_106 = arith.cmpi sgt, %jit3A_96, %sign3A_105 : i32
      %sign3A_107 = arith.extui %sign3A_106 : i1 to i32
      %sign3A_108 = arith.constant 0 : i32
      %sign3A_109 = arith.cmpi slt, %jit3A_96, %sign3A_108 : i32
      %sign3A_110 = arith.extui %sign3A_109 : i1 to i32
      %sign3A_111 = arith.subi %sign3A_107, %sign3A_110 : i32
      %ne3A_112 = arith.cmpi ne, %sign3A_104, %sign3A_111 : i32
      %rem3A_113 = arith.remsi %squeeze3A_89, %jit3A_96 : i32
      %ne3A_114 = arith.constant 0 : i32
      %ne3A_115 = arith.cmpi ne, %rem3A_113, %ne3A_114 : i32
      %and3A_116 = arith.andi %ne3A_112, %ne3A_115 : i1
      %sub3A_117 = arith.constant 1 : i32
      %sub3A_118 = arith.subi %div3A_97, %sub3A_117 : i32
      %select_n3A_119 = arith.select %and3A_116, %sub3A_118, %div3A_97 : i32
      %mul3A_120 = arith.constant 16 : i32
      %mul3A_121 = arith.muli %select_n3A_119, %mul3A_120 : i32
      %sub3A_122 = arith.subi %add3A_87, %mul3A_121 : i32
      %add3A_123 = arith.constant 15 : i32
      %add3A_124 = arith.addi %sub3A_122, %add3A_123 : i32
      %div3A_125 = arith.constant 16 : i32
      %div3A_126 = arith.divsi %add3A_124, %div3A_125 : i32
      %add3A_127 = vector.broadcast %mul3A_121 : i32 to vector<16xi32>
      %add3A_128 = arith.addi %add3A_127, %iota3A_10 : vector<16xi32>
      %broadcast_in_dim3A_129 = arith.constant 0 : i32
      %broadcast_in_dim3A_130 = vector.broadcast %broadcast_in_dim3A_129 : i32 to vector<16xi32>
      %while3A_131 = arith.constant 0 : i32
      %while3A_132 = arith.subi %div3A_126, %while3A_131 : i32
      %while3A_133 = arith.addi %while3A_131, %while3A_132 : i32
      %while3A_134 = arith.constant 1 : i32
      %while3A_135 = arith.divsi %while3A_132, %while3A_134 : i32
      %while3A_136 = arith.muli %while3A_135, %while3A_134 : i32
      %while3A_137 = arith.addi %while3A_131, %while3A_136 : i32
      %while3A_138 = arith.constant 1 : i32
      %while3A_139 = scf.for %while3A_1064 = %while3A_131 to %while3A_137 step %while3A_138 iter_args(%while3A_1065 = %broadcast_in_dim3A_130) -> (vector<16xi32>)  : i32 {
        %mul3A_1066 = arith.constant 16 : i32
        %mul3A_1067 = arith.muli %while3A_1064, %mul3A_1066 : i32
        %add3A_1068 = arith.addi %mul3A_121, %mul3A_1067 : i32
        %mul3A_1069 = arith.constant 16 : i32
        %mul3A_1070 = arith.muli %while3A_1064, %mul3A_1069 : i32
        %add3A_1071 = vector.broadcast %mul3A_1070 : i32 to vector<16xi32>
        %add3A_1072 = arith.addi %add3A_128, %add3A_1071 : vector<16xi32>
        %get3A_1073 = arith.index_cast %add3A_1068 : i32 to index
        %get3A_1074 = tpu.vector_load %arg7[%get3A_1073] {strides = array<i32>} : memref<4128xf32, #tpu.memory_space<vmem>>, vector<16xf32>,
        %sub3A_1075 = vector.broadcast %squeeze3A_91 : f32 to vector<16xf32>
        %sub3A_1076 = arith.subf %get3A_1074, %sub3A_1075 : vector<16xf32>
        %get3A_1077 = arith.index_cast %add3A_1068 : i32 to index
        %get3A_1078 = tpu.vector_load %arg8[%get3A_1077] {strides = array<i32>} : memref<4128xf32, #tpu.memory_space<vmem>>, vector<16xf32>,
        %sub3A_1079 = vector.broadcast %squeeze3A_93 : f32 to vector<16xf32>
        %sub3A_1080 = arith.subf %get3A_1078, %sub3A_1079 : vector<16xf32>
        %get3A_1081 = arith.index_cast %add3A_1068 : i32 to index
        %get3A_1082 = tpu.vector_load %arg9[%get3A_1081] {strides = array<i32>} : memref<4128xf32, #tpu.memory_space<vmem>>, vector<16xf32>,
        %sub3A_1083 = vector.broadcast %squeeze3A_95 : f32 to vector<16xf32>
        %sub3A_1084 = arith.subf %get3A_1082, %sub3A_1083 : vector<16xf32>
        %mul3A_1085 = arith.mulf %sub3A_1076, %sub3A_1076 : vector<16xf32>
        %mul3A_1086 = arith.mulf %sub3A_1080, %sub3A_1080 : vector<16xf32>
        %add3A_1087 = arith.addf %mul3A_1085, %mul3A_1086 : vector<16xf32>
        %mul3A_1088 = arith.mulf %sub3A_1084, %sub3A_1084 : vector<16xf32>
        %add3A_1089 = arith.addf %add3A_1087, %mul3A_1088 : vector<16xf32>
        %ge3A = vector.broadcast %squeeze3A_89 : i32 to vector<16xi32>
        %ge3A_1090 = arith.cmpi sge, %add3A_1072, %ge3A : vector<16xi32>
        %lt3A = vector.broadcast %add3A_87 : i32 to vector<16xi32>
        %lt3A_1091 = arith.cmpi slt, %add3A_1072, %lt3A : vector<16xi32>
        %and3A_1092 = arith.andi %ge3A_1090, %lt3A_1091 : vector<16xi1>
        %lt3A_1093 = arith.constant 2.500000e+01 : f32
        %lt3A_1094 = vector.broadcast %lt3A_1093 : f32 to vector<16xf32>
        %lt3A_1095 = arith.cmpf olt, %add3A_1089, %lt3A_1094 : vector<16xf32>
        %and3A_1096 = arith.andi %and3A_1092, %lt3A_1095 : vector<16xi1>
        %convert_element_type3A = arith.extui %and3A_1096 : vector<16xi1> to vector<16xi32>
        %add3A_1097 = arith.addi %while3A_1065, %convert_element_type3A : vector<16xi32>
        scf.yield %add3A_1097 : vector<16xi32>
      }
      %while3A_140 = arith.constant 1 : i32
      %while3A_141 = scf.for %while3A_1064 = %while3A_137 to %while3A_133 step %while3A_140 iter_args(%while3A_1065 = %while3A_139) -> (vector<16xi32>)  : i32 {
        %mul3A_1066 = arith.constant 16 : i32
        %mul3A_1067 = arith.muli %while3A_1064, %mul3A_1066 : i32
        %add3A_1068 = arith.addi %mul3A_121, %mul3A_1067 : i32
        %mul3A_1069 = arith.constant 16 : i32
        %mul3A_1070 = arith.muli %while3A_1064, %mul3A_1069 : i32
        %add3A_1071 = vector.broadcast %mul3A_1070 : i32 to vector<16xi32>
        %add3A_1072 = arith.addi %add3A_128, %add3A_1071 : vector<16xi32>
        %get3A_1073 = arith.index_cast %add3A_1068 : i32 to index
        %get3A_1074 = tpu.vector_load %arg7[%get3A_1073] {strides = array<i32>} : memref<4128xf32, #tpu.memory_space<vmem>>, vector<16xf32>,
        %sub3A_1075 = vector.broadcast %squeeze3A_91 : f32 to vector<16xf32>
        %sub3A_1076 = arith.subf %get3A_1074, %sub3A_1075 : vector<16xf32>
        %get3A_1077 = arith.index_cast %add3A_1068 : i32 to index
        %get3A_1078 = tpu.vector_load %arg8[%get3A_1077] {strides = array<i32>} : memref<4128xf32, #tpu.memory_space<vmem>>, vector<16xf32>,
        %sub3A_1079 = vector.broadcast %squeeze3A_93 : f32 to vector<16xf32>
        %sub3A_1080 = arith.subf %get3A_1078, %sub3A_1079 : vector<16xf32>
        %get3A_1081 = arith.index_cast %add3A_1068 : i32 to index
        %get3A_1082 = tpu.vector_load %arg9[%get3A_1081] {strides = array<i32>} : memref<4128xf32, #tpu.memory_space<vmem>>, vector<16xf32>,
        %sub3A_1083 = vector.broadcast %squeeze3A_95 : f32 to vector<16xf32>
        %sub3A_1084 = arith.subf %get3A_1082, %sub3A_1083 : vector<16xf32>
        %mul3A_1085 = arith.mulf %sub3A_1076, %sub3A_1076 : vector<16xf32>
        %mul3A_1086 = arith.mulf %sub3A_1080, %sub3A_1080 : vector<16xf32>
        %add3A_1087 = arith.addf %mul3A_1085, %mul3A_1086 : vector<16xf32>
        %mul3A_1088 = arith.mulf %sub3A_1084, %sub3A_1084 : vector<16xf32>
        %add3A_1089 = arith.addf %add3A_1087, %mul3A_1088 : vector<16xf32>
        %ge3A = vector.broadcast %squeeze3A_89 : i32 to vector<16xi32>
        %ge3A_1090 = arith.cmpi sge, %add3A_1072, %ge3A : vector<16xi32>
        %lt3A = vector.broadcast %add3A_87 : i32 to vector<16xi32>
        %lt3A_1091 = arith.cmpi slt, %add3A_1072, %lt3A : vector<16xi32>
        %and3A_1092 = arith.andi %ge3A_1090, %lt3A_1091 : vector<16xi1>
        %lt3A_1093 = arith.constant 2.500000e+01 : f32
        %lt3A_1094 = vector.broadcast %lt3A_1093 : f32 to vector<16xf32>
        %lt3A_1095 = arith.cmpf olt, %add3A_1089, %lt3A_1094 : vector<16xf32>
        %and3A_1096 = arith.andi %and3A_1092, %lt3A_1095 : vector<16xi1>
        %convert_element_type3A = arith.extui %and3A_1096 : vector<16xi1> to vector<16xi32>
        %add3A_1097 = arith.addi %while3A_1065, %convert_element_type3A : vector<16xi32>
        scf.yield %add3A_1097 : vector<16xi32>
      }
      %eq3A_142 = arith.constant 1 : i32
      %eq3A_143 = vector.broadcast %eq3A_142 : i32 to vector<16xi32>
      %eq3A_144 = arith.cmpi eq, %iota3A_10, %eq3A_143 : vector<16xi32>
      %reduce_sum3A_145 = arith.constant true
      %reduce_sum3A_146 = vector.broadcast %reduce_sum3A_145 : i1 to vector<16xi1>
      %reduce_sum3A_147 = tpu.scan <sum>, %while3A_141 masked %reduce_sum3A_146 : vector<16xi32>, vector<16xi1> -> vector<16xi32>
      %reduce_sum3A_148 = vector.extract %reduce_sum3A_147[15] : i32 from vector<16xi32>
      %broadcast_in_dim3A_149 = vector.broadcast %reduce_sum3A_148 : i32 to vector<16xi32>
      %select_n3A_150 = arith.select %eq3A_144, %broadcast_in_dim3A_149, %select_n3A_85 : vector<16xi1>, vector<16xi32>
      %add3A_151 = arith.constant 2 : i32
      %add3A_152 = arith.addi %mul3A_24, %add3A_151 : i32
      %slice3A_153 = vector.extract_strided_slice %gather3A {offsets = [2], sizes = [1], strides = [1]} : vector<16xi32> to vector<1xi32>
      %squeeze3A_154 = vector.extract %slice3A_153[0] : i32 from vector<1xi32>
      %slice3A_155 = vector.extract_strided_slice %get3A_27 {offsets = [2], sizes = [1], strides = [1]} : vector<16xf32> to vector<1xf32>
      %squeeze3A_156 = vector.extract %slice3A_155[0] : f32 from vector<1xf32>
      %slice3A_157 = vector.extract_strided_slice %get3A_29 {offsets = [2], sizes = [1], strides = [1]} : vector<16xf32> to vector<1xf32>
      %squeeze3A_158 = vector.extract %slice3A_157[0] : f32 from vector<1xf32>
      %slice3A_159 = vector.extract_strided_slice %get3A_31 {offsets = [2], sizes = [1], strides = [1]} : vector<16xf32> to vector<1xf32>
      %squeeze3A_160 = vector.extract %slice3A_159[0] : f32 from vector<1xf32>
      %jit3A_161 = arith.constant 16 : i32
      %div3A_162 = arith.divsi %squeeze3A_154, %jit3A_161 : i32
      %sign3A_163 = arith.constant 0 : i32
      %sign3A_164 = arith.cmpi sgt, %squeeze3A_154, %sign3A_163 : i32
      %sign3A_165 = arith.extui %sign3A_164 : i1 to i32
      %sign3A_166 = arith.constant 0 : i32
      %sign3A_167 = arith.cmpi slt, %squeeze3A_154, %sign3A_166 : i32
      %sign3A_168 = arith.extui %sign3A_167 : i1 to i32
      %sign3A_169 = arith.subi %sign3A_165, %sign3A_168 : i32
      %sign3A_170 = arith.constant 0 : i32
      %sign3A_171 = arith.cmpi sgt, %jit3A_161, %sign3A_170 : i32
      %sign3A_172 = arith.extui %sign3A_171 : i1 to i32
      %sign3A_173 = arith.constant 0 : i32
      %sign3A_174 = arith.cmpi slt, %jit3A_161, %sign3A_173 : i32
      %sign3A_175 = arith.extui %sign3A_174 : i1 to i32
      %sign3A_176 = arith.subi %sign3A_172, %sign3A_175 : i32
      %ne3A_177 = arith.cmpi ne, %sign3A_169, %sign3A_176 : i32
      %rem3A_178 = arith.remsi %squeeze3A_154, %jit3A_161 : i32
      %ne3A_179 = arith.constant 0 : i32
      %ne3A_180 = arith.cmpi ne, %rem3A_178, %ne3A_179 : i32
      %and3A_181 = arith.andi %ne3A_177, %ne3A_180 : i1
      %sub3A_182 = arith.constant 1 : i32
      %sub3A_183 = arith.subi %div3A_162, %sub3A_182 : i32
      %select_n3A_184 = arith.select %and3A_181, %sub3A_183, %div3A_162 : i32
      %mul3A_185 = arith.constant 16 : i32
      %mul3A_186 = arith.muli %select_n3A_184, %mul3A_185 : i32
      %sub3A_187 = arith.subi %add3A_152, %mul3A_186 : i32
      %add3A_188 = arith.constant 15 : i32
      %add3A_189 = arith.addi %sub3A_187, %add3A_188 : i32
      %div3A_190 = arith.constant 16 : i32
      %div3A_191 = arith.divsi %add3A_189, %div3A_190 : i32
      %add3A_192 = vector.broadcast %mul3A_186 : i32 to vector<16xi32>
      %add3A_193 = arith.addi %add3A_192, %iota3A_10 : vector<16xi32>
      %broadcast_in_dim3A_194 = arith.constant 0 : i32
      %broadcast_in_dim3A_195 = vector.broadcast %broadcast_in_dim3A_194 : i32 to vector<16xi32>
      %while3A_196 = arith.constant 0 : i32
      %while3A_197 = arith.subi %div3A_191, %while3A_196 : i32
      %while3A_198 = arith.addi %while3A_196, %while3A_197 : i32
      %while3A_199 = arith.constant 1 : i32
      %while3A_200 = arith.divsi %while3A_197, %while3A_199 : i32
      %while3A_201 = arith.muli %while3A_200, %while3A_199 : i32
      %while3A_202 = arith.addi %while3A_196, %while3A_201 : i32
      %while3A_203 = arith.constant 1 : i32
      %while3A_204 = scf.for %while3A_1064 = %while3A_196 to %while3A_202 step %while3A_203 iter_args(%while3A_1065 = %broadcast_in_dim3A_195) -> (vector<16xi32>)  : i32 {
        %mul3A_1066 = arith.constant 16 : i32
        %mul3A_1067 = arith.muli %while3A_1064, %mul3A_1066 : i32
        %add3A_1068 = arith.addi %mul3A_186, %mul3A_1067 : i32
        %mul3A_1069 = arith.constant 16 : i32
        %mul3A_1070 = arith.muli %while3A_1064, %mul3A_1069 : i32
        %add3A_1071 = vector.broadcast %mul3A_1070 : i32 to vector<16xi32>
        %add3A_1072 = arith.addi %add3A_193, %add3A_1071 : vector<16xi32>
        %get3A_1073 = arith.index_cast %add3A_1068 : i32 to index
        %get3A_1074 = tpu.vector_load %arg7[%get3A_1073] {strides = array<i32>} : memref<4128xf32, #tpu.memory_space<vmem>>, vector<16xf32>,
        %sub3A_1075 = vector.broadcast %squeeze3A_156 : f32 to vector<16xf32>
        %sub3A_1076 = arith.subf %get3A_1074, %sub3A_1075 : vector<16xf32>
        %get3A_1077 = arith.index_cast %add3A_1068 : i32 to index
        %get3A_1078 = tpu.vector_load %arg8[%get3A_1077] {strides = array<i32>} : memref<4128xf32, #tpu.memory_space<vmem>>, vector<16xf32>,
        %sub3A_1079 = vector.broadcast %squeeze3A_158 : f32 to vector<16xf32>
        %sub3A_1080 = arith.subf %get3A_1078, %sub3A_1079 : vector<16xf32>
        %get3A_1081 = arith.index_cast %add3A_1068 : i32 to index
        %get3A_1082 = tpu.vector_load %arg9[%get3A_1081] {strides = array<i32>} : memref<4128xf32, #tpu.memory_space<vmem>>, vector<16xf32>,
        %sub3A_1083 = vector.broadcast %squeeze3A_160 : f32 to vector<16xf32>
        %sub3A_1084 = arith.subf %get3A_1082, %sub3A_1083 : vector<16xf32>
        %mul3A_1085 = arith.mulf %sub3A_1076, %sub3A_1076 : vector<16xf32>
        %mul3A_1086 = arith.mulf %sub3A_1080, %sub3A_1080 : vector<16xf32>
        %add3A_1087 = arith.addf %mul3A_1085, %mul3A_1086 : vector<16xf32>
        %mul3A_1088 = arith.mulf %sub3A_1084, %sub3A_1084 : vector<16xf32>
        %add3A_1089 = arith.addf %add3A_1087, %mul3A_1088 : vector<16xf32>
        %ge3A = vector.broadcast %squeeze3A_154 : i32 to vector<16xi32>
        %ge3A_1090 = arith.cmpi sge, %add3A_1072, %ge3A : vector<16xi32>
        %lt3A = vector.broadcast %add3A_152 : i32 to vector<16xi32>
        %lt3A_1091 = arith.cmpi slt, %add3A_1072, %lt3A : vector<16xi32>
        %and3A_1092 = arith.andi %ge3A_1090, %lt3A_1091 : vector<16xi1>
        %lt3A_1093 = arith.constant 2.500000e+01 : f32
        %lt3A_1094 = vector.broadcast %lt3A_1093 : f32 to vector<16xf32>
        %lt3A_1095 = arith.cmpf olt, %add3A_1089, %lt3A_1094 : vector<16xf32>
        %and3A_1096 = arith.andi %and3A_1092, %lt3A_1095 : vector<16xi1>
        %convert_element_type3A = arith.extui %and3A_1096 : vector<16xi1> to vector<16xi32>
        %add3A_1097 = arith.addi %while3A_1065, %convert_element_type3A : vector<16xi32>
        scf.yield %add3A_1097 : vector<16xi32>
      }
      %while3A_205 = arith.constant 1 : i32
      %while3A_206 = scf.for %while3A_1064 = %while3A_202 to %while3A_198 step %while3A_205 iter_args(%while3A_1065 = %while3A_204) -> (vector<16xi32>)  : i32 {
        %mul3A_1066 = arith.constant 16 : i32
        %mul3A_1067 = arith.muli %while3A_1064, %mul3A_1066 : i32
        %add3A_1068 = arith.addi %mul3A_186, %mul3A_1067 : i32
        %mul3A_1069 = arith.constant 16 : i32
        %mul3A_1070 = arith.muli %while3A_1064, %mul3A_1069 : i32
        %add3A_1071 = vector.broadcast %mul3A_1070 : i32 to vector<16xi32>
        %add3A_1072 = arith.addi %add3A_193, %add3A_1071 : vector<16xi32>
        %get3A_1073 = arith.index_cast %add3A_1068 : i32 to index
        %get3A_1074 = tpu.vector_load %arg7[%get3A_1073] {strides = array<i32>} : memref<4128xf32, #tpu.memory_space<vmem>>, vector<16xf32>,
        %sub3A_1075 = vector.broadcast %squeeze3A_156 : f32 to vector<16xf32>
        %sub3A_1076 = arith.subf %get3A_1074, %sub3A_1075 : vector<16xf32>
        %get3A_1077 = arith.index_cast %add3A_1068 : i32 to index
        %get3A_1078 = tpu.vector_load %arg8[%get3A_1077] {strides = array<i32>} : memref<4128xf32, #tpu.memory_space<vmem>>, vector<16xf32>,
        %sub3A_1079 = vector.broadcast %squeeze3A_158 : f32 to vector<16xf32>
        %sub3A_1080 = arith.subf %get3A_1078, %sub3A_1079 : vector<16xf32>
        %get3A_1081 = arith.index_cast %add3A_1068 : i32 to index
        %get3A_1082 = tpu.vector_load %arg9[%get3A_1081] {strides = array<i32>} : memref<4128xf32, #tpu.memory_space<vmem>>, vector<16xf32>,
        %sub3A_1083 = vector.broadcast %squeeze3A_160 : f32 to vector<16xf32>
        %sub3A_1084 = arith.subf %get3A_1082, %sub3A_1083 : vector<16xf32>
        %mul3A_1085 = arith.mulf %sub3A_1076, %sub3A_1076 : vector<16xf32>
        %mul3A_1086 = arith.mulf %sub3A_1080, %sub3A_1080 : vector<16xf32>
        %add3A_1087 = arith.addf %mul3A_1085, %mul3A_1086 : vector<16xf32>
        %mul3A_1088 = arith.mulf %sub3A_1084, %sub3A_1084 : vector<16xf32>
        %add3A_1089 = arith.addf %add3A_1087, %mul3A_1088 : vector<16xf32>
        %ge3A = vector.broadcast %squeeze3A_154 : i32 to vector<16xi32>
        %ge3A_1090 = arith.cmpi sge, %add3A_1072, %ge3A : vector<16xi32>
        %lt3A = vector.broadcast %add3A_152 : i32 to vector<16xi32>
        %lt3A_1091 = arith.cmpi slt, %add3A_1072, %lt3A : vector<16xi32>
        %and3A_1092 = arith.andi %ge3A_1090, %lt3A_1091 : vector<16xi1>
        %lt3A_1093 = arith.constant 2.500000e+01 : f32
        %lt3A_1094 = vector.broadcast %lt3A_1093 : f32 to vector<16xf32>
        %lt3A_1095 = arith.cmpf olt, %add3A_1089, %lt3A_1094 : vector<16xf32>
        %and3A_1096 = arith.andi %and3A_1092, %lt3A_1095 : vector<16xi1>
        %convert_element_type3A = arith.extui %and3A_1096 : vector<16xi1> to vector<16xi32>
        %add3A_1097 = arith.addi %while3A_1065, %convert_element_type3A : vector<16xi32>
        scf.yield %add3A_1097 : vector<16xi32>
      }
      %eq3A_207 = arith.constant 2 : i32
      %eq3A_208 = vector.broadcast %eq3A_207 : i32 to vector<16xi32>
      %eq3A_209 = arith.cmpi eq, %iota3A_10, %eq3A_208 : vector<16xi32>
      %reduce_sum3A_210 = arith.constant true
      %reduce_sum3A_211 = vector.broadcast %reduce_sum3A_210 : i1 to vector<16xi1>
      %reduce_sum3A_212 = tpu.scan <sum>, %while3A_206 masked %reduce_sum3A_211 : vector<16xi32>, vector<16xi1> -> vector<16xi32>
      %reduce_sum3A_213 = vector.extract %reduce_sum3A_212[15] : i32 from vector<16xi32>
      %broadcast_in_dim3A_214 = vector.broadcast %reduce_sum3A_213 : i32 to vector<16xi32>
      %select_n3A_215 = arith.select %eq3A_209, %broadcast_in_dim3A_214, %select_n3A_150 : vector<16xi1>, vector<16xi32>
      %add3A_216 = arith.constant 3 : i32
      %add3A_217 = arith.addi %mul3A_24, %add3A_216 : i32
      %slice3A_218 = vector.extract_strided_slice %gather3A {offsets = [3], sizes = [1], strides = [1]} : vector<16xi32> to vector<1xi32>
      %squeeze3A_219 = vector.extract %slice3A_218[0] : i32 from vector<1xi32>
      %slice3A_220 = vector.extract_strided_slice %get3A_27 {offsets = [3], sizes = [1], strides = [1]} : vector<16xf32> to vector<1xf32>
      %squeeze3A_221 = vector.extract %slice3A_220[0] : f32 from vector<1xf32>
      %slice3A_222 = vector.extract_strided_slice %get3A_29 {offsets = [3], sizes = [1], strides = [1]} : vector<16xf32> to vector<1xf32>
      %squeeze3A_223 = vector.extract %slice3A_222[0] : f32 from vector<1xf32>
      %slice3A_224 = vector.extract_strided_slice %get3A_31 {offsets = [3], sizes = [1], strides = [1]} : vector<16xf32> to vector<1xf32>
      %squeeze3A_225 = vector.extract %slice3A_224[0] : f32 from vector<1xf32>
      %jit3A_226 = arith.constant 16 : i32
      %div3A_227 = arith.divsi %squeeze3A_219, %jit3A_226 : i32
      %sign3A_228 = arith.constant 0 : i32
      %sign3A_229 = arith.cmpi sgt, %squeeze3A_219, %sign3A_228 : i32
      %sign3A_230 = arith.extui %sign3A_229 : i1 to i32
      %sign3A_231 = arith.constant 0 : i32
      %sign3A_232 = arith.cmpi slt, %squeeze3A_219, %sign3A_231 : i32
      %sign3A_233 = arith.extui %sign3A_232 : i1 to i32
      %sign3A_234 = arith.subi %sign3A_230, %sign3A_233 : i32
      %sign3A_235 = arith.constant 0 : i32
      %sign3A_236 = arith.cmpi sgt, %jit3A_226, %sign3A_235 : i32
      %sign3A_237 = arith.extui %sign3A_236 : i1 to i32
      %sign3A_238 = arith.constant 0 : i32
      %sign3A_239 = arith.cmpi slt, %jit3A_226, %sign3A_238 : i32
      %sign3A_240 = arith.extui %sign3A_239 : i1 to i32
      %sign3A_241 = arith.subi %sign3A_237, %sign3A_240 : i32
      %ne3A_242 = arith.cmpi ne, %sign3A_234, %sign3A_241 : i32
      %rem3A_243 = arith.remsi %squeeze3A_219, %jit3A_226 : i32
      %ne3A_244 = arith.constant 0 : i32
      %ne3A_245 = arith.cmpi ne, %rem3A_243, %ne3A_244 : i32
      %and3A_246 = arith.andi %ne3A_242, %ne3A_245 : i1
      %sub3A_247 = arith.constant 1 : i32
      %sub3A_248 = arith.subi %div3A_227, %sub3A_247 : i32
      %select_n3A_249 = arith.select %and3A_246, %sub3A_248, %div3A_227 : i32
      %mul3A_250 = arith.constant 16 : i32
      %mul3A_251 = arith.muli %select_n3A_249, %mul3A_250 : i32
      %sub3A_252 = arith.subi %add3A_217, %mul3A_251 : i32
      %add3A_253 = arith.constant 15 : i32
      %add3A_254 = arith.addi %sub3A_252, %add3A_253 : i32
      %div3A_255 = arith.constant 16 : i32
      %div3A_256 = arith.divsi %add3A_254, %div3A_255 : i32
      %add3A_257 = vector.broadcast %mul3A_251 : i32 to vector<16xi32>
      %add3A_258 = arith.addi %add3A_257, %iota3A_10 : vector<16xi32>
      %broadcast_in_dim3A_259 = arith.constant 0 : i32
      %broadcast_in_dim3A_260 = vector.broadcast %broadcast_in_dim3A_259 : i32 to vector<16xi32>
      %while3A_261 = arith.constant 0 : i32
      %while3A_262 = arith.subi %div3A_256, %while3A_261 : i32
      %while3A_263 = arith.addi %while3A_261, %while3A_262 : i32
      %while3A_264 = arith.constant 1 : i32
      %while3A_265 = arith.divsi %while3A_262, %while3A_264 : i32
      %while3A_266 = arith.muli %while3A_265, %while3A_264 : i32
      %while3A_267 = arith.addi %while3A_261, %while3A_266 : i32
      %while3A_268 = arith.constant 1 : i32
      %while3A_269 = scf.for %while3A_1064 = %while3A_261 to %while3A_267 step %while3A_268 iter_args(%while3A_1065 = %broadcast_in_dim3A_260) -> (vector<16xi32>)  : i32 {
        %mul3A_1066 = arith.constant 16 : i32
        %mul3A_1067 = arith.muli %while3A_1064, %mul3A_1066 : i32
        %add3A_1068 = arith.addi %mul3A_251, %mul3A_1067 : i32
        %mul3A_1069 = arith.constant 16 : i32
        %mul3A_1070 = arith.muli %while3A_1064, %mul3A_1069 : i32
        %add3A_1071 = vector.broadcast %mul3A_1070 : i32 to vector<16xi32>
        %add3A_1072 = arith.addi %add3A_258, %add3A_1071 : vector<16xi32>
        %get3A_1073 = arith.index_cast %add3A_1068 : i32 to index
        %get3A_1074 = tpu.vector_load %arg7[%get3A_1073] {strides = array<i32>} : memref<4128xf32, #tpu.memory_space<vmem>>, vector<16xf32>,
        %sub3A_1075 = vector.broadcast %squeeze3A_221 : f32 to vector<16xf32>
        %sub3A_1076 = arith.subf %get3A_1074, %sub3A_1075 : vector<16xf32>
        %get3A_1077 = arith.index_cast %add3A_1068 : i32 to index
        %get3A_1078 = tpu.vector_load %arg8[%get3A_1077] {strides = array<i32>} : memref<4128xf32, #tpu.memory_space<vmem>>, vector<16xf32>,
        %sub3A_1079 = vector.broadcast %squeeze3A_223 : f32 to vector<16xf32>
        %sub3A_1080 = arith.subf %get3A_1078, %sub3A_1079 : vector<16xf32>
        %get3A_1081 = arith.index_cast %add3A_1068 : i32 to index
        %get3A_1082 = tpu.vector_load %arg9[%get3A_1081] {strides = array<i32>} : memref<4128xf32, #tpu.memory_space<vmem>>, vector<16xf32>,
        %sub3A_1083 = vector.broadcast %squeeze3A_225 : f32 to vector<16xf32>
        %sub3A_1084 = arith.subf %get3A_1082, %sub3A_1083 : vector<16xf32>
        %mul3A_1085 = arith.mulf %sub3A_1076, %sub3A_1076 : vector<16xf32>
        %mul3A_1086 = arith.mulf %sub3A_1080, %sub3A_1080 : vector<16xf32>
        %add3A_1087 = arith.addf %mul3A_1085, %mul3A_1086 : vector<16xf32>
        %mul3A_1088 = arith.mulf %sub3A_1084, %sub3A_1084 : vector<16xf32>
        %add3A_1089 = arith.addf %add3A_1087, %mul3A_1088 : vector<16xf32>
        %ge3A = vector.broadcast %squeeze3A_219 : i32 to vector<16xi32>
        %ge3A_1090 = arith.cmpi sge, %add3A_1072, %ge3A : vector<16xi32>
        %lt3A = vector.broadcast %add3A_217 : i32 to vector<16xi32>
        %lt3A_1091 = arith.cmpi slt, %add3A_1072, %lt3A : vector<16xi32>
        %and3A_1092 = arith.andi %ge3A_1090, %lt3A_1091 : vector<16xi1>
        %lt3A_1093 = arith.constant 2.500000e+01 : f32
        %lt3A_1094 = vector.broadcast %lt3A_1093 : f32 to vector<16xf32>
        %lt3A_1095 = arith.cmpf olt, %add3A_1089, %lt3A_1094 : vector<16xf32>
        %and3A_1096 = arith.andi %and3A_1092, %lt3A_1095 : vector<16xi1>
        %convert_element_type3A = arith.extui %and3A_1096 : vector<16xi1> to vector<16xi32>
        %add3A_1097 = arith.addi %while3A_1065, %convert_element_type3A : vector<16xi32>
        scf.yield %add3A_1097 : vector<16xi32>
      }
      %while3A_270 = arith.constant 1 : i32
      %while3A_271 = scf.for %while3A_1064 = %while3A_267 to %while3A_263 step %while3A_270 iter_args(%while3A_1065 = %while3A_269) -> (vector<16xi32>)  : i32 {
        %mul3A_1066 = arith.constant 16 : i32
        %mul3A_1067 = arith.muli %while3A_1064, %mul3A_1066 : i32
        %add3A_1068 = arith.addi %mul3A_251, %mul3A_1067 : i32
        %mul3A_1069 = arith.constant 16 : i32
        %mul3A_1070 = arith.muli %while3A_1064, %mul3A_1069 : i32
        %add3A_1071 = vector.broadcast %mul3A_1070 : i32 to vector<16xi32>
        %add3A_1072 = arith.addi %add3A_258, %add3A_1071 : vector<16xi32>
        %get3A_1073 = arith.index_cast %add3A_1068 : i32 to index
        %get3A_1074 = tpu.vector_load %arg7[%get3A_1073] {strides = array<i32>} : memref<4128xf32, #tpu.memory_space<vmem>>, vector<16xf32>,
        %sub3A_1075 = vector.broadcast %squeeze3A_221 : f32 to vector<16xf32>
        %sub3A_1076 = arith.subf %get3A_1074, %sub3A_1075 : vector<16xf32>
        %get3A_1077 = arith.index_cast %add3A_1068 : i32 to index
        %get3A_1078 = tpu.vector_load %arg8[%get3A_1077] {strides = array<i32>} : memref<4128xf32, #tpu.memory_space<vmem>>, vector<16xf32>,
        %sub3A_1079 = vector.broadcast %squeeze3A_223 : f32 to vector<16xf32>
        %sub3A_1080 = arith.subf %get3A_1078, %sub3A_1079 : vector<16xf32>
        %get3A_1081 = arith.index_cast %add3A_1068 : i32 to index
        %get3A_1082 = tpu.vector_load %arg9[%get3A_1081] {strides = array<i32>} : memref<4128xf32, #tpu.memory_space<vmem>>, vector<16xf32>,
        %sub3A_1083 = vector.broadcast %squeeze3A_225 : f32 to vector<16xf32>
        %sub3A_1084 = arith.subf %get3A_1082, %sub3A_1083 : vector<16xf32>
        %mul3A_1085 = arith.mulf %sub3A_1076, %sub3A_1076 : vector<16xf32>
        %mul3A_1086 = arith.mulf %sub3A_1080, %sub3A_1080 : vector<16xf32>
        %add3A_1087 = arith.addf %mul3A_1085, %mul3A_1086 : vector<16xf32>
        %mul3A_1088 = arith.mulf %sub3A_1084, %sub3A_1084 : vector<16xf32>
        %add3A_1089 = arith.addf %add3A_1087, %mul3A_1088 : vector<16xf32>
        %ge3A = vector.broadcast %squeeze3A_219 : i32 to vector<16xi32>
        %ge3A_1090 = arith.cmpi sge, %add3A_1072, %ge3A : vector<16xi32>
        %lt3A = vector.broadcast %add3A_217 : i32 to vector<16xi32>
        %lt3A_1091 = arith.cmpi slt, %add3A_1072, %lt3A : vector<16xi32>
        %and3A_1092 = arith.andi %ge3A_1090, %lt3A_1091 : vector<16xi1>
        %lt3A_1093 = arith.constant 2.500000e+01 : f32
        %lt3A_1094 = vector.broadcast %lt3A_1093 : f32 to vector<16xf32>
        %lt3A_1095 = arith.cmpf olt, %add3A_1089, %lt3A_1094 : vector<16xf32>
        %and3A_1096 = arith.andi %and3A_1092, %lt3A_1095 : vector<16xi1>
        %convert_element_type3A = arith.extui %and3A_1096 : vector<16xi1> to vector<16xi32>
        %add3A_1097 = arith.addi %while3A_1065, %convert_element_type3A : vector<16xi32>
        scf.yield %add3A_1097 : vector<16xi32>
      }
      %eq3A_272 = arith.constant 3 : i32
      %eq3A_273 = vector.broadcast %eq3A_272 : i32 to vector<16xi32>
      %eq3A_274 = arith.cmpi eq, %iota3A_10, %eq3A_273 : vector<16xi32>
      %reduce_sum3A_275 = arith.constant true
      %reduce_sum3A_276 = vector.broadcast %reduce_sum3A_275 : i1 to vector<16xi1>
      %reduce_sum3A_277 = tpu.scan <sum>, %while3A_271 masked %reduce_sum3A_276 : vector<16xi32>, vector<16xi1> -> vector<16xi32>
      %reduce_sum3A_278 = vector.extract %reduce_sum3A_277[15] : i32 from vector<16xi32>
      %broadcast_in_dim3A_279 = vector.broadcast %reduce_sum3A_278 : i32 to vector<16xi32>
      %select_n3A_280 = arith.select %eq3A_274, %broadcast_in_dim3A_279, %select_n3A_215 : vector<16xi1>, vector<16xi32>
      %add3A_281 = arith.constant 4 : i32
      %add3A_282 = arith.addi %mul3A_24, %add3A_281 : i32
      %slice3A_283 = vector.extract_strided_slice %gather3A {offsets = [4], sizes = [1], strides = [1]} : vector<16xi32> to vector<1xi32>
      %squeeze3A_284 = vector.extract %slice3A_283[0] : i32 from vector<1xi32>
      %slice3A_285 = vector.extract_strided_slice %get3A_27 {offsets = [4], sizes = [1], strides = [1]} : vector<16xf32> to vector<1xf32>
      %squeeze3A_286 = vector.extract %slice3A_285[0] : f32 from vector<1xf32>
      %slice3A_287 = vector.extract_strided_slice %get3A_29 {offsets = [4], sizes = [1], strides = [1]} : vector<16xf32> to vector<1xf32>
      %squeeze3A_288 = vector.extract %slice3A_287[0] : f32 from vector<1xf32>
      %slice3A_289 = vector.extract_strided_slice %get3A_31 {offsets = [4], sizes = [1], strides = [1]} : vector<16xf32> to vector<1xf32>
      %squeeze3A_290 = vector.extract %slice3A_289[0] : f32 from vector<1xf32>
      %jit3A_291 = arith.constant 16 : i32
      %div3A_292 = arith.divsi %squeeze3A_284, %jit3A_291 : i32
      %sign3A_293 = arith.constant 0 : i32
      %sign3A_294 = arith.cmpi sgt, %squeeze3A_284, %sign3A_293 : i32
      %sign3A_295 = arith.extui %sign3A_294 : i1 to i32
      %sign3A_296 = arith.constant 0 : i32
      %sign3A_297 = arith.cmpi slt, %squeeze3A_284, %sign3A_296 : i32
      %sign3A_298 = arith.extui %sign3A_297 : i1 to i32
      %sign3A_299 = arith.subi %sign3A_295, %sign3A_298 : i32
      %sign3A_300 = arith.constant 0 : i32
      %sign3A_301 = arith.cmpi sgt, %jit3A_291, %sign3A_300 : i32
      %sign3A_302 = arith.extui %sign3A_301 : i1 to i32
      %sign3A_303 = arith.constant 0 : i32
      %sign3A_304 = arith.cmpi slt, %jit3A_291, %sign3A_303 : i32
      %sign3A_305 = arith.extui %sign3A_304 : i1 to i32
      %sign3A_306 = arith.subi %sign3A_302, %sign3A_305 : i32
      %ne3A_307 = arith.cmpi ne, %sign3A_299, %sign3A_306 : i32
      %rem3A_308 = arith.remsi %squeeze3A_284, %jit3A_291 : i32
      %ne3A_309 = arith.constant 0 : i32
      %ne3A_310 = arith.cmpi ne, %rem3A_308, %ne3A_309 : i32
      %and3A_311 = arith.andi %ne3A_307, %ne3A_310 : i1
      %sub3A_312 = arith.constant 1 : i32
      %sub3A_313 = arith.subi %div3A_292, %sub3A_312 : i32
      %select_n3A_314 = arith.select %and3A_311, %sub3A_313, %div3A_292 : i32
      %mul3A_315 = arith.constant 16 : i32
      %mul3A_316 = arith.muli %select_n3A_314, %mul3A_315 : i32
      %sub3A_317 = arith.subi %add3A_282, %mul3A_316 : i32
      %add3A_318 = arith.constant 15 : i32
      %add3A_319 = arith.addi %sub3A_317, %add3A_318 : i32
      %div3A_320 = arith.constant 16 : i32
      %div3A_321 = arith.divsi %add3A_319, %div3A_320 : i32
      %add3A_322 = vector.broadcast %mul3A_316 : i32 to vector<16xi32>
      %add3A_323 = arith.addi %add3A_322, %iota3A_10 : vector<16xi32>
      %broadcast_in_dim3A_324 = arith.constant 0 : i32
      %broadcast_in_dim3A_325 = vector.broadcast %broadcast_in_dim3A_324 : i32 to vector<16xi32>
      %while3A_326 = arith.constant 0 : i32
      %while3A_327 = arith.subi %div3A_321, %while3A_326 : i32
      %while3A_328 = arith.addi %while3A_326, %while3A_327 : i32
      %while3A_329 = arith.constant 1 : i32
      %while3A_330 = arith.divsi %while3A_327, %while3A_329 : i32
      %while3A_331 = arith.muli %while3A_330, %while3A_329 : i32
      %while3A_332 = arith.addi %while3A_326, %while3A_331 : i32
      %while3A_333 = arith.constant 1 : i32
      %while3A_334 = scf.for %while3A_1064 = %while3A_326 to %while3A_332 step %while3A_333 iter_args(%while3A_1065 = %broadcast_in_dim3A_325) -> (vector<16xi32>)  : i32 {
        %mul3A_1066 = arith.constant 16 : i32
        %mul3A_1067 = arith.muli %while3A_1064, %mul3A_1066 : i32
        %add3A_1068 = arith.addi %mul3A_316, %mul3A_1067 : i32
        %mul3A_1069 = arith.constant 16 : i32
        %mul3A_1070 = arith.muli %while3A_1064, %mul3A_1069 : i32
        %add3A_1071 = vector.broadcast %mul3A_1070 : i32 to vector<16xi32>
        %add3A_1072 = arith.addi %add3A_323, %add3A_1071 : vector<16xi32>
        %get3A_1073 = arith.index_cast %add3A_1068 : i32 to index
        %get3A_1074 = tpu.vector_load %arg7[%get3A_1073] {strides = array<i32>} : memref<4128xf32, #tpu.memory_space<vmem>>, vector<16xf32>,
        %sub3A_1075 = vector.broadcast %squeeze3A_286 : f32 to vector<16xf32>
        %sub3A_1076 = arith.subf %get3A_1074, %sub3A_1075 : vector<16xf32>
        %get3A_1077 = arith.index_cast %add3A_1068 : i32 to index
        %get3A_1078 = tpu.vector_load %arg8[%get3A_1077] {strides = array<i32>} : memref<4128xf32, #tpu.memory_space<vmem>>, vector<16xf32>,
        %sub3A_1079 = vector.broadcast %squeeze3A_288 : f32 to vector<16xf32>
        %sub3A_1080 = arith.subf %get3A_1078, %sub3A_1079 : vector<16xf32>
        %get3A_1081 = arith.index_cast %add3A_1068 : i32 to index
        %get3A_1082 = tpu.vector_load %arg9[%get3A_1081] {strides = array<i32>} : memref<4128xf32, #tpu.memory_space<vmem>>, vector<16xf32>,
        %sub3A_1083 = vector.broadcast %squeeze3A_290 : f32 to vector<16xf32>
        %sub3A_1084 = arith.subf %get3A_1082, %sub3A_1083 : vector<16xf32>
        %mul3A_1085 = arith.mulf %sub3A_1076, %sub3A_1076 : vector<16xf32>
        %mul3A_1086 = arith.mulf %sub3A_1080, %sub3A_1080 : vector<16xf32>
        %add3A_1087 = arith.addf %mul3A_1085, %mul3A_1086 : vector<16xf32>
        %mul3A_1088 = arith.mulf %sub3A_1084, %sub3A_1084 : vector<16xf32>
        %add3A_1089 = arith.addf %add3A_1087, %mul3A_1088 : vector<16xf32>
        %ge3A = vector.broadcast %squeeze3A_284 : i32 to vector<16xi32>
        %ge3A_1090 = arith.cmpi sge, %add3A_1072, %ge3A : vector<16xi32>
        %lt3A = vector.broadcast %add3A_282 : i32 to vector<16xi32>
        %lt3A_1091 = arith.cmpi slt, %add3A_1072, %lt3A : vector<16xi32>
        %and3A_1092 = arith.andi %ge3A_1090, %lt3A_1091 : vector<16xi1>
        %lt3A_1093 = arith.constant 2.500000e+01 : f32
        %lt3A_1094 = vector.broadcast %lt3A_1093 : f32 to vector<16xf32>
        %lt3A_1095 = arith.cmpf olt, %add3A_1089, %lt3A_1094 : vector<16xf32>
        %and3A_1096 = arith.andi %and3A_1092, %lt3A_1095 : vector<16xi1>
        %convert_element_type3A = arith.extui %and3A_1096 : vector<16xi1> to vector<16xi32>
        %add3A_1097 = arith.addi %while3A_1065, %convert_element_type3A : vector<16xi32>
        scf.yield %add3A_1097 : vector<16xi32>
      }
      %while3A_335 = arith.constant 1 : i32
      %while3A_336 = scf.for %while3A_1064 = %while3A_332 to %while3A_328 step %while3A_335 iter_args(%while3A_1065 = %while3A_334) -> (vector<16xi32>)  : i32 {
        %mul3A_1066 = arith.constant 16 : i32
        %mul3A_1067 = arith.muli %while3A_1064, %mul3A_1066 : i32
        %add3A_1068 = arith.addi %mul3A_316, %mul3A_1067 : i32
        %mul3A_1069 = arith.constant 16 : i32
        %mul3A_1070 = arith.muli %while3A_1064, %mul3A_1069 : i32
        %add3A_1071 = vector.broadcast %mul3A_1070 : i32 to vector<16xi32>
        %add3A_1072 = arith.addi %add3A_323, %add3A_1071 : vector<16xi32>
        %get3A_1073 = arith.index_cast %add3A_1068 : i32 to index
        %get3A_1074 = tpu.vector_load %arg7[%get3A_1073] {strides = array<i32>} : memref<4128xf32, #tpu.memory_space<vmem>>, vector<16xf32>,
        %sub3A_1075 = vector.broadcast %squeeze3A_286 : f32 to vector<16xf32>
        %sub3A_1076 = arith.subf %get3A_1074, %sub3A_1075 : vector<16xf32>
        %get3A_1077 = arith.index_cast %add3A_1068 : i32 to index
        %get3A_1078 = tpu.vector_load %arg8[%get3A_1077] {strides = array<i32>} : memref<4128xf32, #tpu.memory_space<vmem>>, vector<16xf32>,
        %sub3A_1079 = vector.broadcast %squeeze3A_288 : f32 to vector<16xf32>
        %sub3A_1080 = arith.subf %get3A_1078, %sub3A_1079 : vector<16xf32>
        %get3A_1081 = arith.index_cast %add3A_1068 : i32 to index
        %get3A_1082 = tpu.vector_load %arg9[%get3A_1081] {strides = array<i32>} : memref<4128xf32, #tpu.memory_space<vmem>>, vector<16xf32>,
        %sub3A_1083 = vector.broadcast %squeeze3A_290 : f32 to vector<16xf32>
        %sub3A_1084 = arith.subf %get3A_1082, %sub3A_1083 : vector<16xf32>
        %mul3A_1085 = arith.mulf %sub3A_1076, %sub3A_1076 : vector<16xf32>
        %mul3A_1086 = arith.mulf %sub3A_1080, %sub3A_1080 : vector<16xf32>
        %add3A_1087 = arith.addf %mul3A_1085, %mul3A_1086 : vector<16xf32>
        %mul3A_1088 = arith.mulf %sub3A_1084, %sub3A_1084 : vector<16xf32>
        %add3A_1089 = arith.addf %add3A_1087, %mul3A_1088 : vector<16xf32>
        %ge3A = vector.broadcast %squeeze3A_284 : i32 to vector<16xi32>
        %ge3A_1090 = arith.cmpi sge, %add3A_1072, %ge3A : vector<16xi32>
        %lt3A = vector.broadcast %add3A_282 : i32 to vector<16xi32>
        %lt3A_1091 = arith.cmpi slt, %add3A_1072, %lt3A : vector<16xi32>
        %and3A_1092 = arith.andi %ge3A_1090, %lt3A_1091 : vector<16xi1>
        %lt3A_1093 = arith.constant 2.500000e+01 : f32
        %lt3A_1094 = vector.broadcast %lt3A_1093 : f32 to vector<16xf32>
        %lt3A_1095 = arith.cmpf olt, %add3A_1089, %lt3A_1094 : vector<16xf32>
        %and3A_1096 = arith.andi %and3A_1092, %lt3A_1095 : vector<16xi1>
        %convert_element_type3A = arith.extui %and3A_1096 : vector<16xi1> to vector<16xi32>
        %add3A_1097 = arith.addi %while3A_1065, %convert_element_type3A : vector<16xi32>
        scf.yield %add3A_1097 : vector<16xi32>
      }
      %eq3A_337 = arith.constant 4 : i32
      %eq3A_338 = vector.broadcast %eq3A_337 : i32 to vector<16xi32>
      %eq3A_339 = arith.cmpi eq, %iota3A_10, %eq3A_338 : vector<16xi32>
      %reduce_sum3A_340 = arith.constant true
      %reduce_sum3A_341 = vector.broadcast %reduce_sum3A_340 : i1 to vector<16xi1>
      %reduce_sum3A_342 = tpu.scan <sum>, %while3A_336 masked %reduce_sum3A_341 : vector<16xi32>, vector<16xi1> -> vector<16xi32>
      %reduce_sum3A_343 = vector.extract %reduce_sum3A_342[15] : i32 from vector<16xi32>
      %broadcast_in_dim3A_344 = vector.broadcast %reduce_sum3A_343 : i32 to vector<16xi32>
      %select_n3A_345 = arith.select %eq3A_339, %broadcast_in_dim3A_344, %select_n3A_280 : vector<16xi1>, vector<16xi32>
      %add3A_346 = arith.constant 5 : i32
      %add3A_347 = arith.addi %mul3A_24, %add3A_346 : i32
      %slice3A_348 = vector.extract_strided_slice %gather3A {offsets = [5], sizes = [1], strides = [1]} : vector<16xi32> to vector<1xi32>
      %squeeze3A_349 = vector.extract %slice3A_348[0] : i32 from vector<1xi32>
      %slice3A_350 = vector.extract_strided_slice %get3A_27 {offsets = [5], sizes = [1], strides = [1]} : vector<16xf32> to vector<1xf32>
      %squeeze3A_351 = vector.extract %slice3A_350[0] : f32 from vector<1xf32>
      %slice3A_352 = vector.extract_strided_slice %get3A_29 {offsets = [5], sizes = [1], strides = [1]} : vector<16xf32> to vector<1xf32>
      %squeeze3A_353 = vector.extract %slice3A_352[0] : f32 from vector<1xf32>
      %slice3A_354 = vector.extract_strided_slice %get3A_31 {offsets = [5], sizes = [1], strides = [1]} : vector<16xf32> to vector<1xf32>
      %squeeze3A_355 = vector.extract %slice3A_354[0] : f32 from vector<1xf32>
      %jit3A_356 = arith.constant 16 : i32
      %div3A_357 = arith.divsi %squeeze3A_349, %jit3A_356 : i32
      %sign3A_358 = arith.constant 0 : i32
      %sign3A_359 = arith.cmpi sgt, %squeeze3A_349, %sign3A_358 : i32
      %sign3A_360 = arith.extui %sign3A_359 : i1 to i32
      %sign3A_361 = arith.constant 0 : i32
      %sign3A_362 = arith.cmpi slt, %squeeze3A_349, %sign3A_361 : i32
      %sign3A_363 = arith.extui %sign3A_362 : i1 to i32
      %sign3A_364 = arith.subi %sign3A_360, %sign3A_363 : i32
      %sign3A_365 = arith.constant 0 : i32
      %sign3A_366 = arith.cmpi sgt, %jit3A_356, %sign3A_365 : i32
      %sign3A_367 = arith.extui %sign3A_366 : i1 to i32
      %sign3A_368 = arith.constant 0 : i32
      %sign3A_369 = arith.cmpi slt, %jit3A_356, %sign3A_368 : i32
      %sign3A_370 = arith.extui %sign3A_369 : i1 to i32
      %sign3A_371 = arith.subi %sign3A_367, %sign3A_370 : i32
      %ne3A_372 = arith.cmpi ne, %sign3A_364, %sign3A_371 : i32
      %rem3A_373 = arith.remsi %squeeze3A_349, %jit3A_356 : i32
      %ne3A_374 = arith.constant 0 : i32
      %ne3A_375 = arith.cmpi ne, %rem3A_373, %ne3A_374 : i32
      %and3A_376 = arith.andi %ne3A_372, %ne3A_375 : i1
      %sub3A_377 = arith.constant 1 : i32
      %sub3A_378 = arith.subi %div3A_357, %sub3A_377 : i32
      %select_n3A_379 = arith.select %and3A_376, %sub3A_378, %div3A_357 : i32
      %mul3A_380 = arith.constant 16 : i32
      %mul3A_381 = arith.muli %select_n3A_379, %mul3A_380 : i32
      %sub3A_382 = arith.subi %add3A_347, %mul3A_381 : i32
      %add3A_383 = arith.constant 15 : i32
      %add3A_384 = arith.addi %sub3A_382, %add3A_383 : i32
      %div3A_385 = arith.constant 16 : i32
      %div3A_386 = arith.divsi %add3A_384, %div3A_385 : i32
      %add3A_387 = vector.broadcast %mul3A_381 : i32 to vector<16xi32>
      %add3A_388 = arith.addi %add3A_387, %iota3A_10 : vector<16xi32>
      %broadcast_in_dim3A_389 = arith.constant 0 : i32
      %broadcast_in_dim3A_390 = vector.broadcast %broadcast_in_dim3A_389 : i32 to vector<16xi32>
      %while3A_391 = arith.constant 0 : i32
      %while3A_392 = arith.subi %div3A_386, %while3A_391 : i32
      %while3A_393 = arith.addi %while3A_391, %while3A_392 : i32
      %while3A_394 = arith.constant 1 : i32
      %while3A_395 = arith.divsi %while3A_392, %while3A_394 : i32
      %while3A_396 = arith.muli %while3A_395, %while3A_394 : i32
      %while3A_397 = arith.addi %while3A_391, %while3A_396 : i32
      %while3A_398 = arith.constant 1 : i32
      %while3A_399 = scf.for %while3A_1064 = %while3A_391 to %while3A_397 step %while3A_398 iter_args(%while3A_1065 = %broadcast_in_dim3A_390) -> (vector<16xi32>)  : i32 {
        %mul3A_1066 = arith.constant 16 : i32
        %mul3A_1067 = arith.muli %while3A_1064, %mul3A_1066 : i32
        %add3A_1068 = arith.addi %mul3A_381, %mul3A_1067 : i32
        %mul3A_1069 = arith.constant 16 : i32
        %mul3A_1070 = arith.muli %while3A_1064, %mul3A_1069 : i32
        %add3A_1071 = vector.broadcast %mul3A_1070 : i32 to vector<16xi32>
        %add3A_1072 = arith.addi %add3A_388, %add3A_1071 : vector<16xi32>
        %get3A_1073 = arith.index_cast %add3A_1068 : i32 to index
        %get3A_1074 = tpu.vector_load %arg7[%get3A_1073] {strides = array<i32>} : memref<4128xf32, #tpu.memory_space<vmem>>, vector<16xf32>,
        %sub3A_1075 = vector.broadcast %squeeze3A_351 : f32 to vector<16xf32>
        %sub3A_1076 = arith.subf %get3A_1074, %sub3A_1075 : vector<16xf32>
        %get3A_1077 = arith.index_cast %add3A_1068 : i32 to index
        %get3A_1078 = tpu.vector_load %arg8[%get3A_1077] {strides = array<i32>} : memref<4128xf32, #tpu.memory_space<vmem>>, vector<16xf32>,
        %sub3A_1079 = vector.broadcast %squeeze3A_353 : f32 to vector<16xf32>
        %sub3A_1080 = arith.subf %get3A_1078, %sub3A_1079 : vector<16xf32>
        %get3A_1081 = arith.index_cast %add3A_1068 : i32 to index
        %get3A_1082 = tpu.vector_load %arg9[%get3A_1081] {strides = array<i32>} : memref<4128xf32, #tpu.memory_space<vmem>>, vector<16xf32>,
        %sub3A_1083 = vector.broadcast %squeeze3A_355 : f32 to vector<16xf32>
        %sub3A_1084 = arith.subf %get3A_1082, %sub3A_1083 : vector<16xf32>
        %mul3A_1085 = arith.mulf %sub3A_1076, %sub3A_1076 : vector<16xf32>
        %mul3A_1086 = arith.mulf %sub3A_1080, %sub3A_1080 : vector<16xf32>
        %add3A_1087 = arith.addf %mul3A_1085, %mul3A_1086 : vector<16xf32>
        %mul3A_1088 = arith.mulf %sub3A_1084, %sub3A_1084 : vector<16xf32>
        %add3A_1089 = arith.addf %add3A_1087, %mul3A_1088 : vector<16xf32>
        %ge3A = vector.broadcast %squeeze3A_349 : i32 to vector<16xi32>
        %ge3A_1090 = arith.cmpi sge, %add3A_1072, %ge3A : vector<16xi32>
        %lt3A = vector.broadcast %add3A_347 : i32 to vector<16xi32>
        %lt3A_1091 = arith.cmpi slt, %add3A_1072, %lt3A : vector<16xi32>
        %and3A_1092 = arith.andi %ge3A_1090, %lt3A_1091 : vector<16xi1>
        %lt3A_1093 = arith.constant 2.500000e+01 : f32
        %lt3A_1094 = vector.broadcast %lt3A_1093 : f32 to vector<16xf32>
        %lt3A_1095 = arith.cmpf olt, %add3A_1089, %lt3A_1094 : vector<16xf32>
        %and3A_1096 = arith.andi %and3A_1092, %lt3A_1095 : vector<16xi1>
        %convert_element_type3A = arith.extui %and3A_1096 : vector<16xi1> to vector<16xi32>
        %add3A_1097 = arith.addi %while3A_1065, %convert_element_type3A : vector<16xi32>
        scf.yield %add3A_1097 : vector<16xi32>
      }
      %while3A_400 = arith.constant 1 : i32
      %while3A_401 = scf.for %while3A_1064 = %while3A_397 to %while3A_393 step %while3A_400 iter_args(%while3A_1065 = %while3A_399) -> (vector<16xi32>)  : i32 {
        %mul3A_1066 = arith.constant 16 : i32
        %mul3A_1067 = arith.muli %while3A_1064, %mul3A_1066 : i32
        %add3A_1068 = arith.addi %mul3A_381, %mul3A_1067 : i32
        %mul3A_1069 = arith.constant 16 : i32
        %mul3A_1070 = arith.muli %while3A_1064, %mul3A_1069 : i32
        %add3A_1071 = vector.broadcast %mul3A_1070 : i32 to vector<16xi32>
        %add3A_1072 = arith.addi %add3A_388, %add3A_1071 : vector<16xi32>
        %get3A_1073 = arith.index_cast %add3A_1068 : i32 to index
        %get3A_1074 = tpu.vector_load %arg7[%get3A_1073] {strides = array<i32>} : memref<4128xf32, #tpu.memory_space<vmem>>, vector<16xf32>,
        %sub3A_1075 = vector.broadcast %squeeze3A_351 : f32 to vector<16xf32>
        %sub3A_1076 = arith.subf %get3A_1074, %sub3A_1075 : vector<16xf32>
        %get3A_1077 = arith.index_cast %add3A_1068 : i32 to index
        %get3A_1078 = tpu.vector_load %arg8[%get3A_1077] {strides = array<i32>} : memref<4128xf32, #tpu.memory_space<vmem>>, vector<16xf32>,
        %sub3A_1079 = vector.broadcast %squeeze3A_353 : f32 to vector<16xf32>
        %sub3A_1080 = arith.subf %get3A_1078, %sub3A_1079 : vector<16xf32>
        %get3A_1081 = arith.index_cast %add3A_1068 : i32 to index
        %get3A_1082 = tpu.vector_load %arg9[%get3A_1081] {strides = array<i32>} : memref<4128xf32, #tpu.memory_space<vmem>>, vector<16xf32>,
        %sub3A_1083 = vector.broadcast %squeeze3A_355 : f32 to vector<16xf32>
        %sub3A_1084 = arith.subf %get3A_1082, %sub3A_1083 : vector<16xf32>
        %mul3A_1085 = arith.mulf %sub3A_1076, %sub3A_1076 : vector<16xf32>
        %mul3A_1086 = arith.mulf %sub3A_1080, %sub3A_1080 : vector<16xf32>
        %add3A_1087 = arith.addf %mul3A_1085, %mul3A_1086 : vector<16xf32>
        %mul3A_1088 = arith.mulf %sub3A_1084, %sub3A_1084 : vector<16xf32>
        %add3A_1089 = arith.addf %add3A_1087, %mul3A_1088 : vector<16xf32>
        %ge3A = vector.broadcast %squeeze3A_349 : i32 to vector<16xi32>
        %ge3A_1090 = arith.cmpi sge, %add3A_1072, %ge3A : vector<16xi32>
        %lt3A = vector.broadcast %add3A_347 : i32 to vector<16xi32>
        %lt3A_1091 = arith.cmpi slt, %add3A_1072, %lt3A : vector<16xi32>
        %and3A_1092 = arith.andi %ge3A_1090, %lt3A_1091 : vector<16xi1>
        %lt3A_1093 = arith.constant 2.500000e+01 : f32
        %lt3A_1094 = vector.broadcast %lt3A_1093 : f32 to vector<16xf32>
        %lt3A_1095 = arith.cmpf olt, %add3A_1089, %lt3A_1094 : vector<16xf32>
        %and3A_1096 = arith.andi %and3A_1092, %lt3A_1095 : vector<16xi1>
        %convert_element_type3A = arith.extui %and3A_1096 : vector<16xi1> to vector<16xi32>
        %add3A_1097 = arith.addi %while3A_1065, %convert_element_type3A : vector<16xi32>
        scf.yield %add3A_1097 : vector<16xi32>
      }
      %eq3A_402 = arith.constant 5 : i32
      %eq3A_403 = vector.broadcast %eq3A_402 : i32 to vector<16xi32>
      %eq3A_404 = arith.cmpi eq, %iota3A_10, %eq3A_403 : vector<16xi32>
      %reduce_sum3A_405 = arith.constant true
      %reduce_sum3A_406 = vector.broadcast %reduce_sum3A_405 : i1 to vector<16xi1>
      %reduce_sum3A_407 = tpu.scan <sum>, %while3A_401 masked %reduce_sum3A_406 : vector<16xi32>, vector<16xi1> -> vector<16xi32>
      %reduce_sum3A_408 = vector.extract %reduce_sum3A_407[15] : i32 from vector<16xi32>
      %broadcast_in_dim3A_409 = vector.broadcast %reduce_sum3A_408 : i32 to vector<16xi32>
      %select_n3A_410 = arith.select %eq3A_404, %broadcast_in_dim3A_409, %select_n3A_345 : vector<16xi1>, vector<16xi32>
      %add3A_411 = arith.constant 6 : i32
      %add3A_412 = arith.addi %mul3A_24, %add3A_411 : i32
      %slice3A_413 = vector.extract_strided_slice %gather3A {offsets = [6], sizes = [1], strides = [1]} : vector<16xi32> to vector<1xi32>
      %squeeze3A_414 = vector.extract %slice3A_413[0] : i32 from vector<1xi32>
      %slice3A_415 = vector.extract_strided_slice %get3A_27 {offsets = [6], sizes = [1], strides = [1]} : vector<16xf32> to vector<1xf32>
      %squeeze3A_416 = vector.extract %slice3A_415[0] : f32 from vector<1xf32>
      %slice3A_417 = vector.extract_strided_slice %get3A_29 {offsets = [6], sizes = [1], strides = [1]} : vector<16xf32> to vector<1xf32>
      %squeeze3A_418 = vector.extract %slice3A_417[0] : f32 from vector<1xf32>
      %slice3A_419 = vector.extract_strided_slice %get3A_31 {offsets = [6], sizes = [1], strides = [1]} : vector<16xf32> to vector<1xf32>
      %squeeze3A_420 = vector.extract %slice3A_419[0] : f32 from vector<1xf32>
      %jit3A_421 = arith.constant 16 : i32
      %div3A_422 = arith.divsi %squeeze3A_414, %jit3A_421 : i32
      %sign3A_423 = arith.constant 0 : i32
      %sign3A_424 = arith.cmpi sgt, %squeeze3A_414, %sign3A_423 : i32
      %sign3A_425 = arith.extui %sign3A_424 : i1 to i32
      %sign3A_426 = arith.constant 0 : i32
      %sign3A_427 = arith.cmpi slt, %squeeze3A_414, %sign3A_426 : i32
      %sign3A_428 = arith.extui %sign3A_427 : i1 to i32
      %sign3A_429 = arith.subi %sign3A_425, %sign3A_428 : i32
      %sign3A_430 = arith.constant 0 : i32
      %sign3A_431 = arith.cmpi sgt, %jit3A_421, %sign3A_430 : i32
      %sign3A_432 = arith.extui %sign3A_431 : i1 to i32
      %sign3A_433 = arith.constant 0 : i32
      %sign3A_434 = arith.cmpi slt, %jit3A_421, %sign3A_433 : i32
      %sign3A_435 = arith.extui %sign3A_434 : i1 to i32
      %sign3A_436 = arith.subi %sign3A_432, %sign3A_435 : i32
      %ne3A_437 = arith.cmpi ne, %sign3A_429, %sign3A_436 : i32
      %rem3A_438 = arith.remsi %squeeze3A_414, %jit3A_421 : i32
      %ne3A_439 = arith.constant 0 : i32
      %ne3A_440 = arith.cmpi ne, %rem3A_438, %ne3A_439 : i32
      %and3A_441 = arith.andi %ne3A_437, %ne3A_440 : i1
      %sub3A_442 = arith.constant 1 : i32
      %sub3A_443 = arith.subi %div3A_422, %sub3A_442 : i32
      %select_n3A_444 = arith.select %and3A_441, %sub3A_443, %div3A_422 : i32
      %mul3A_445 = arith.constant 16 : i32
      %mul3A_446 = arith.muli %select_n3A_444, %mul3A_445 : i32
      %sub3A_447 = arith.subi %add3A_412, %mul3A_446 : i32
      %add3A_448 = arith.constant 15 : i32
      %add3A_449 = arith.addi %sub3A_447, %add3A_448 : i32
      %div3A_450 = arith.constant 16 : i32
      %div3A_451 = arith.divsi %add3A_449, %div3A_450 : i32
      %add3A_452 = vector.broadcast %mul3A_446 : i32 to vector<16xi32>
      %add3A_453 = arith.addi %add3A_452, %iota3A_10 : vector<16xi32>
      %broadcast_in_dim3A_454 = arith.constant 0 : i32
      %broadcast_in_dim3A_455 = vector.broadcast %broadcast_in_dim3A_454 : i32 to vector<16xi32>
      %while3A_456 = arith.constant 0 : i32
      %while3A_457 = arith.subi %div3A_451, %while3A_456 : i32
      %while3A_458 = arith.addi %while3A_456, %while3A_457 : i32
      %while3A_459 = arith.constant 1 : i32
      %while3A_460 = arith.divsi %while3A_457, %while3A_459 : i32
      %while3A_461 = arith.muli %while3A_460, %while3A_459 : i32
      %while3A_462 = arith.addi %while3A_456, %while3A_461 : i32
      %while3A_463 = arith.constant 1 : i32
      %while3A_464 = scf.for %while3A_1064 = %while3A_456 to %while3A_462 step %while3A_463 iter_args(%while3A_1065 = %broadcast_in_dim3A_455) -> (vector<16xi32>)  : i32 {
        %mul3A_1066 = arith.constant 16 : i32
        %mul3A_1067 = arith.muli %while3A_1064, %mul3A_1066 : i32
        %add3A_1068 = arith.addi %mul3A_446, %mul3A_1067 : i32
        %mul3A_1069 = arith.constant 16 : i32
        %mul3A_1070 = arith.muli %while3A_1064, %mul3A_1069 : i32
        %add3A_1071 = vector.broadcast %mul3A_1070 : i32 to vector<16xi32>
        %add3A_1072 = arith.addi %add3A_453, %add3A_1071 : vector<16xi32>
        %get3A_1073 = arith.index_cast %add3A_1068 : i32 to index
        %get3A_1074 = tpu.vector_load %arg7[%get3A_1073] {strides = array<i32>} : memref<4128xf32, #tpu.memory_space<vmem>>, vector<16xf32>,
        %sub3A_1075 = vector.broadcast %squeeze3A_416 : f32 to vector<16xf32>
        %sub3A_1076 = arith.subf %get3A_1074, %sub3A_1075 : vector<16xf32>
        %get3A_1077 = arith.index_cast %add3A_1068 : i32 to index
        %get3A_1078 = tpu.vector_load %arg8[%get3A_1077] {strides = array<i32>} : memref<4128xf32, #tpu.memory_space<vmem>>, vector<16xf32>,
        %sub3A_1079 = vector.broadcast %squeeze3A_418 : f32 to vector<16xf32>
        %sub3A_1080 = arith.subf %get3A_1078, %sub3A_1079 : vector<16xf32>
        %get3A_1081 = arith.index_cast %add3A_1068 : i32 to index
        %get3A_1082 = tpu.vector_load %arg9[%get3A_1081] {strides = array<i32>} : memref<4128xf32, #tpu.memory_space<vmem>>, vector<16xf32>,
        %sub3A_1083 = vector.broadcast %squeeze3A_420 : f32 to vector<16xf32>
        %sub3A_1084 = arith.subf %get3A_1082, %sub3A_1083 : vector<16xf32>
        %mul3A_1085 = arith.mulf %sub3A_1076, %sub3A_1076 : vector<16xf32>
        %mul3A_1086 = arith.mulf %sub3A_1080, %sub3A_1080 : vector<16xf32>
        %add3A_1087 = arith.addf %mul3A_1085, %mul3A_1086 : vector<16xf32>
        %mul3A_1088 = arith.mulf %sub3A_1084, %sub3A_1084 : vector<16xf32>
        %add3A_1089 = arith.addf %add3A_1087, %mul3A_1088 : vector<16xf32>
        %ge3A = vector.broadcast %squeeze3A_414 : i32 to vector<16xi32>
        %ge3A_1090 = arith.cmpi sge, %add3A_1072, %ge3A : vector<16xi32>
        %lt3A = vector.broadcast %add3A_412 : i32 to vector<16xi32>
        %lt3A_1091 = arith.cmpi slt, %add3A_1072, %lt3A : vector<16xi32>
        %and3A_1092 = arith.andi %ge3A_1090, %lt3A_1091 : vector<16xi1>
        %lt3A_1093 = arith.constant 2.500000e+01 : f32
        %lt3A_1094 = vector.broadcast %lt3A_1093 : f32 to vector<16xf32>
        %lt3A_1095 = arith.cmpf olt, %add3A_1089, %lt3A_1094 : vector<16xf32>
        %and3A_1096 = arith.andi %and3A_1092, %lt3A_1095 : vector<16xi1>
        %convert_element_type3A = arith.extui %and3A_1096 : vector<16xi1> to vector<16xi32>
        %add3A_1097 = arith.addi %while3A_1065, %convert_element_type3A : vector<16xi32>
        scf.yield %add3A_1097 : vector<16xi32>
      }
      %while3A_465 = arith.constant 1 : i32
      %while3A_466 = scf.for %while3A_1064 = %while3A_462 to %while3A_458 step %while3A_465 iter_args(%while3A_1065 = %while3A_464) -> (vector<16xi32>)  : i32 {
        %mul3A_1066 = arith.constant 16 : i32
        %mul3A_1067 = arith.muli %while3A_1064, %mul3A_1066 : i32
        %add3A_1068 = arith.addi %mul3A_446, %mul3A_1067 : i32
        %mul3A_1069 = arith.constant 16 : i32
        %mul3A_1070 = arith.muli %while3A_1064, %mul3A_1069 : i32
        %add3A_1071 = vector.broadcast %mul3A_1070 : i32 to vector<16xi32>
        %add3A_1072 = arith.addi %add3A_453, %add3A_1071 : vector<16xi32>
        %get3A_1073 = arith.index_cast %add3A_1068 : i32 to index
        %get3A_1074 = tpu.vector_load %arg7[%get3A_1073] {strides = array<i32>} : memref<4128xf32, #tpu.memory_space<vmem>>, vector<16xf32>,
        %sub3A_1075 = vector.broadcast %squeeze3A_416 : f32 to vector<16xf32>
        %sub3A_1076 = arith.subf %get3A_1074, %sub3A_1075 : vector<16xf32>
        %get3A_1077 = arith.index_cast %add3A_1068 : i32 to index
        %get3A_1078 = tpu.vector_load %arg8[%get3A_1077] {strides = array<i32>} : memref<4128xf32, #tpu.memory_space<vmem>>, vector<16xf32>,
        %sub3A_1079 = vector.broadcast %squeeze3A_418 : f32 to vector<16xf32>
        %sub3A_1080 = arith.subf %get3A_1078, %sub3A_1079 : vector<16xf32>
        %get3A_1081 = arith.index_cast %add3A_1068 : i32 to index
        %get3A_1082 = tpu.vector_load %arg9[%get3A_1081] {strides = array<i32>} : memref<4128xf32, #tpu.memory_space<vmem>>, vector<16xf32>,
        %sub3A_1083 = vector.broadcast %squeeze3A_420 : f32 to vector<16xf32>
        %sub3A_1084 = arith.subf %get3A_1082, %sub3A_1083 : vector<16xf32>
        %mul3A_1085 = arith.mulf %sub3A_1076, %sub3A_1076 : vector<16xf32>
        %mul3A_1086 = arith.mulf %sub3A_1080, %sub3A_1080 : vector<16xf32>
        %add3A_1087 = arith.addf %mul3A_1085, %mul3A_1086 : vector<16xf32>
        %mul3A_1088 = arith.mulf %sub3A_1084, %sub3A_1084 : vector<16xf32>
        %add3A_1089 = arith.addf %add3A_1087, %mul3A_1088 : vector<16xf32>
        %ge3A = vector.broadcast %squeeze3A_414 : i32 to vector<16xi32>
        %ge3A_1090 = arith.cmpi sge, %add3A_1072, %ge3A : vector<16xi32>
        %lt3A = vector.broadcast %add3A_412 : i32 to vector<16xi32>
        %lt3A_1091 = arith.cmpi slt, %add3A_1072, %lt3A : vector<16xi32>
        %and3A_1092 = arith.andi %ge3A_1090, %lt3A_1091 : vector<16xi1>
        %lt3A_1093 = arith.constant 2.500000e+01 : f32
        %lt3A_1094 = vector.broadcast %lt3A_1093 : f32 to vector<16xf32>
        %lt3A_1095 = arith.cmpf olt, %add3A_1089, %lt3A_1094 : vector<16xf32>
        %and3A_1096 = arith.andi %and3A_1092, %lt3A_1095 : vector<16xi1>
        %convert_element_type3A = arith.extui %and3A_1096 : vector<16xi1> to vector<16xi32>
        %add3A_1097 = arith.addi %while3A_1065, %convert_element_type3A : vector<16xi32>
        scf.yield %add3A_1097 : vector<16xi32>
      }
      %eq3A_467 = arith.constant 6 : i32
      %eq3A_468 = vector.broadcast %eq3A_467 : i32 to vector<16xi32>
      %eq3A_469 = arith.cmpi eq, %iota3A_10, %eq3A_468 : vector<16xi32>
      %reduce_sum3A_470 = arith.constant true
      %reduce_sum3A_471 = vector.broadcast %reduce_sum3A_470 : i1 to vector<16xi1>
      %reduce_sum3A_472 = tpu.scan <sum>, %while3A_466 masked %reduce_sum3A_471 : vector<16xi32>, vector<16xi1> -> vector<16xi32>
      %reduce_sum3A_473 = vector.extract %reduce_sum3A_472[15] : i32 from vector<16xi32>
      %broadcast_in_dim3A_474 = vector.broadcast %reduce_sum3A_473 : i32 to vector<16xi32>
      %select_n3A_475 = arith.select %eq3A_469, %broadcast_in_dim3A_474, %select_n3A_410 : vector<16xi1>, vector<16xi32>
      %add3A_476 = arith.constant 7 : i32
      %add3A_477 = arith.addi %mul3A_24, %add3A_476 : i32
      %slice3A_478 = vector.extract_strided_slice %gather3A {offsets = [7], sizes = [1], strides = [1]} : vector<16xi32> to vector<1xi32>
      %squeeze3A_479 = vector.extract %slice3A_478[0] : i32 from vector<1xi32>
      %slice3A_480 = vector.extract_strided_slice %get3A_27 {offsets = [7], sizes = [1], strides = [1]} : vector<16xf32> to vector<1xf32>
      %squeeze3A_481 = vector.extract %slice3A_480[0] : f32 from vector<1xf32>
      %slice3A_482 = vector.extract_strided_slice %get3A_29 {offsets = [7], sizes = [1], strides = [1]} : vector<16xf32> to vector<1xf32>
      %squeeze3A_483 = vector.extract %slice3A_482[0] : f32 from vector<1xf32>
      %slice3A_484 = vector.extract_strided_slice %get3A_31 {offsets = [7], sizes = [1], strides = [1]} : vector<16xf32> to vector<1xf32>
      %squeeze3A_485 = vector.extract %slice3A_484[0] : f32 from vector<1xf32>
      %jit3A_486 = arith.constant 16 : i32
      %div3A_487 = arith.divsi %squeeze3A_479, %jit3A_486 : i32
      %sign3A_488 = arith.constant 0 : i32
      %sign3A_489 = arith.cmpi sgt, %squeeze3A_479, %sign3A_488 : i32
      %sign3A_490 = arith.extui %sign3A_489 : i1 to i32
      %sign3A_491 = arith.constant 0 : i32
      %sign3A_492 = arith.cmpi slt, %squeeze3A_479, %sign3A_491 : i32
      %sign3A_493 = arith.extui %sign3A_492 : i1 to i32
      %sign3A_494 = arith.subi %sign3A_490, %sign3A_493 : i32
      %sign3A_495 = arith.constant 0 : i32
      %sign3A_496 = arith.cmpi sgt, %jit3A_486, %sign3A_495 : i32
      %sign3A_497 = arith.extui %sign3A_496 : i1 to i32
      %sign3A_498 = arith.constant 0 : i32
      %sign3A_499 = arith.cmpi slt, %jit3A_486, %sign3A_498 : i32
      %sign3A_500 = arith.extui %sign3A_499 : i1 to i32
      %sign3A_501 = arith.subi %sign3A_497, %sign3A_500 : i32
      %ne3A_502 = arith.cmpi ne, %sign3A_494, %sign3A_501 : i32
      %rem3A_503 = arith.remsi %squeeze3A_479, %jit3A_486 : i32
      %ne3A_504 = arith.constant 0 : i32
      %ne3A_505 = arith.cmpi ne, %rem3A_503, %ne3A_504 : i32
      %and3A_506 = arith.andi %ne3A_502, %ne3A_505 : i1
      %sub3A_507 = arith.constant 1 : i32
      %sub3A_508 = arith.subi %div3A_487, %sub3A_507 : i32
      %select_n3A_509 = arith.select %and3A_506, %sub3A_508, %div3A_487 : i32
      %mul3A_510 = arith.constant 16 : i32
      %mul3A_511 = arith.muli %select_n3A_509, %mul3A_510 : i32
      %sub3A_512 = arith.subi %add3A_477, %mul3A_511 : i32
      %add3A_513 = arith.constant 15 : i32
      %add3A_514 = arith.addi %sub3A_512, %add3A_513 : i32
      %div3A_515 = arith.constant 16 : i32
      %div3A_516 = arith.divsi %add3A_514, %div3A_515 : i32
      %add3A_517 = vector.broadcast %mul3A_511 : i32 to vector<16xi32>
      %add3A_518 = arith.addi %add3A_517, %iota3A_10 : vector<16xi32>
      %broadcast_in_dim3A_519 = arith.constant 0 : i32
      %broadcast_in_dim3A_520 = vector.broadcast %broadcast_in_dim3A_519 : i32 to vector<16xi32>
      %while3A_521 = arith.constant 0 : i32
      %while3A_522 = arith.subi %div3A_516, %while3A_521 : i32
      %while3A_523 = arith.addi %while3A_521, %while3A_522 : i32
      %while3A_524 = arith.constant 1 : i32
      %while3A_525 = arith.divsi %while3A_522, %while3A_524 : i32
      %while3A_526 = arith.muli %while3A_525, %while3A_524 : i32
      %while3A_527 = arith.addi %while3A_521, %while3A_526 : i32
      %while3A_528 = arith.constant 1 : i32
      %while3A_529 = scf.for %while3A_1064 = %while3A_521 to %while3A_527 step %while3A_528 iter_args(%while3A_1065 = %broadcast_in_dim3A_520) -> (vector<16xi32>)  : i32 {
        %mul3A_1066 = arith.constant 16 : i32
        %mul3A_1067 = arith.muli %while3A_1064, %mul3A_1066 : i32
        %add3A_1068 = arith.addi %mul3A_511, %mul3A_1067 : i32
        %mul3A_1069 = arith.constant 16 : i32
        %mul3A_1070 = arith.muli %while3A_1064, %mul3A_1069 : i32
        %add3A_1071 = vector.broadcast %mul3A_1070 : i32 to vector<16xi32>
        %add3A_1072 = arith.addi %add3A_518, %add3A_1071 : vector<16xi32>
        %get3A_1073 = arith.index_cast %add3A_1068 : i32 to index
        %get3A_1074 = tpu.vector_load %arg7[%get3A_1073] {strides = array<i32>} : memref<4128xf32, #tpu.memory_space<vmem>>, vector<16xf32>,
        %sub3A_1075 = vector.broadcast %squeeze3A_481 : f32 to vector<16xf32>
        %sub3A_1076 = arith.subf %get3A_1074, %sub3A_1075 : vector<16xf32>
        %get3A_1077 = arith.index_cast %add3A_1068 : i32 to index
        %get3A_1078 = tpu.vector_load %arg8[%get3A_1077] {strides = array<i32>} : memref<4128xf32, #tpu.memory_space<vmem>>, vector<16xf32>,
        %sub3A_1079 = vector.broadcast %squeeze3A_483 : f32 to vector<16xf32>
        %sub3A_1080 = arith.subf %get3A_1078, %sub3A_1079 : vector<16xf32>
        %get3A_1081 = arith.index_cast %add3A_1068 : i32 to index
        %get3A_1082 = tpu.vector_load %arg9[%get3A_1081] {strides = array<i32>} : memref<4128xf32, #tpu.memory_space<vmem>>, vector<16xf32>,
        %sub3A_1083 = vector.broadcast %squeeze3A_485 : f32 to vector<16xf32>
        %sub3A_1084 = arith.subf %get3A_1082, %sub3A_1083 : vector<16xf32>
        %mul3A_1085 = arith.mulf %sub3A_1076, %sub3A_1076 : vector<16xf32>
        %mul3A_1086 = arith.mulf %sub3A_1080, %sub3A_1080 : vector<16xf32>
        %add3A_1087 = arith.addf %mul3A_1085, %mul3A_1086 : vector<16xf32>
        %mul3A_1088 = arith.mulf %sub3A_1084, %sub3A_1084 : vector<16xf32>
        %add3A_1089 = arith.addf %add3A_1087, %mul3A_1088 : vector<16xf32>
        %ge3A = vector.broadcast %squeeze3A_479 : i32 to vector<16xi32>
        %ge3A_1090 = arith.cmpi sge, %add3A_1072, %ge3A : vector<16xi32>
        %lt3A = vector.broadcast %add3A_477 : i32 to vector<16xi32>
        %lt3A_1091 = arith.cmpi slt, %add3A_1072, %lt3A : vector<16xi32>
        %and3A_1092 = arith.andi %ge3A_1090, %lt3A_1091 : vector<16xi1>
        %lt3A_1093 = arith.constant 2.500000e+01 : f32
        %lt3A_1094 = vector.broadcast %lt3A_1093 : f32 to vector<16xf32>
        %lt3A_1095 = arith.cmpf olt, %add3A_1089, %lt3A_1094 : vector<16xf32>
        %and3A_1096 = arith.andi %and3A_1092, %lt3A_1095 : vector<16xi1>
        %convert_element_type3A = arith.extui %and3A_1096 : vector<16xi1> to vector<16xi32>
        %add3A_1097 = arith.addi %while3A_1065, %convert_element_type3A : vector<16xi32>
        scf.yield %add3A_1097 : vector<16xi32>
      }
      %while3A_530 = arith.constant 1 : i32
      %while3A_531 = scf.for %while3A_1064 = %while3A_527 to %while3A_523 step %while3A_530 iter_args(%while3A_1065 = %while3A_529) -> (vector<16xi32>)  : i32 {
        %mul3A_1066 = arith.constant 16 : i32
        %mul3A_1067 = arith.muli %while3A_1064, %mul3A_1066 : i32
        %add3A_1068 = arith.addi %mul3A_511, %mul3A_1067 : i32
        %mul3A_1069 = arith.constant 16 : i32
        %mul3A_1070 = arith.muli %while3A_1064, %mul3A_1069 : i32
        %add3A_1071 = vector.broadcast %mul3A_1070 : i32 to vector<16xi32>
        %add3A_1072 = arith.addi %add3A_518, %add3A_1071 : vector<16xi32>
        %get3A_1073 = arith.index_cast %add3A_1068 : i32 to index
        %get3A_1074 = tpu.vector_load %arg7[%get3A_1073] {strides = array<i32>} : memref<4128xf32, #tpu.memory_space<vmem>>, vector<16xf32>,
        %sub3A_1075 = vector.broadcast %squeeze3A_481 : f32 to vector<16xf32>
        %sub3A_1076 = arith.subf %get3A_1074, %sub3A_1075 : vector<16xf32>
        %get3A_1077 = arith.index_cast %add3A_1068 : i32 to index
        %get3A_1078 = tpu.vector_load %arg8[%get3A_1077] {strides = array<i32>} : memref<4128xf32, #tpu.memory_space<vmem>>, vector<16xf32>,
        %sub3A_1079 = vector.broadcast %squeeze3A_483 : f32 to vector<16xf32>
        %sub3A_1080 = arith.subf %get3A_1078, %sub3A_1079 : vector<16xf32>
        %get3A_1081 = arith.index_cast %add3A_1068 : i32 to index
        %get3A_1082 = tpu.vector_load %arg9[%get3A_1081] {strides = array<i32>} : memref<4128xf32, #tpu.memory_space<vmem>>, vector<16xf32>,
        %sub3A_1083 = vector.broadcast %squeeze3A_485 : f32 to vector<16xf32>
        %sub3A_1084 = arith.subf %get3A_1082, %sub3A_1083 : vector<16xf32>
        %mul3A_1085 = arith.mulf %sub3A_1076, %sub3A_1076 : vector<16xf32>
        %mul3A_1086 = arith.mulf %sub3A_1080, %sub3A_1080 : vector<16xf32>
        %add3A_1087 = arith.addf %mul3A_1085, %mul3A_1086 : vector<16xf32>
        %mul3A_1088 = arith.mulf %sub3A_1084, %sub3A_1084 : vector<16xf32>
        %add3A_1089 = arith.addf %add3A_1087, %mul3A_1088 : vector<16xf32>
        %ge3A = vector.broadcast %squeeze3A_479 : i32 to vector<16xi32>
        %ge3A_1090 = arith.cmpi sge, %add3A_1072, %ge3A : vector<16xi32>
        %lt3A = vector.broadcast %add3A_477 : i32 to vector<16xi32>
        %lt3A_1091 = arith.cmpi slt, %add3A_1072, %lt3A : vector<16xi32>
        %and3A_1092 = arith.andi %ge3A_1090, %lt3A_1091 : vector<16xi1>
        %lt3A_1093 = arith.constant 2.500000e+01 : f32
        %lt3A_1094 = vector.broadcast %lt3A_1093 : f32 to vector<16xf32>
        %lt3A_1095 = arith.cmpf olt, %add3A_1089, %lt3A_1094 : vector<16xf32>
        %and3A_1096 = arith.andi %and3A_1092, %lt3A_1095 : vector<16xi1>
        %convert_element_type3A = arith.extui %and3A_1096 : vector<16xi1> to vector<16xi32>
        %add3A_1097 = arith.addi %while3A_1065, %convert_element_type3A : vector<16xi32>
        scf.yield %add3A_1097 : vector<16xi32>
      }
      %eq3A_532 = arith.constant 7 : i32
      %eq3A_533 = vector.broadcast %eq3A_532 : i32 to vector<16xi32>
      %eq3A_534 = arith.cmpi eq, %iota3A_10, %eq3A_533 : vector<16xi32>
      %reduce_sum3A_535 = arith.constant true
      %reduce_sum3A_536 = vector.broadcast %reduce_sum3A_535 : i1 to vector<16xi1>
      %reduce_sum3A_537 = tpu.scan <sum>, %while3A_531 masked %reduce_sum3A_536 : vector<16xi32>, vector<16xi1> -> vector<16xi32>
      %reduce_sum3A_538 = vector.extract %reduce_sum3A_537[15] : i32 from vector<16xi32>
      %broadcast_in_dim3A_539 = vector.broadcast %reduce_sum3A_538 : i32 to vector<16xi32>
      %select_n3A_540 = arith.select %eq3A_534, %broadcast_in_dim3A_539, %select_n3A_475 : vector<16xi1>, vector<16xi32>
      %add3A_541 = arith.constant 8 : i32
      %add3A_542 = arith.addi %mul3A_24, %add3A_541 : i32
      %slice3A_543 = vector.extract_strided_slice %gather3A {offsets = [8], sizes = [1], strides = [1]} : vector<16xi32> to vector<1xi32>
      %squeeze3A_544 = vector.extract %slice3A_543[0] : i32 from vector<1xi32>
      %slice3A_545 = vector.extract_strided_slice %get3A_27 {offsets = [8], sizes = [1], strides = [1]} : vector<16xf32> to vector<1xf32>
      %squeeze3A_546 = vector.extract %slice3A_545[0] : f32 from vector<1xf32>
      %slice3A_547 = vector.extract_strided_slice %get3A_29 {offsets = [8], sizes = [1], strides = [1]} : vector<16xf32> to vector<1xf32>
      %squeeze3A_548 = vector.extract %slice3A_547[0] : f32 from vector<1xf32>
      %slice3A_549 = vector.extract_strided_slice %get3A_31 {offsets = [8], sizes = [1], strides = [1]} : vector<16xf32> to vector<1xf32>
      %squeeze3A_550 = vector.extract %slice3A_549[0] : f32 from vector<1xf32>
      %jit3A_551 = arith.constant 16 : i32
      %div3A_552 = arith.divsi %squeeze3A_544, %jit3A_551 : i32
      %sign3A_553 = arith.constant 0 : i32
      %sign3A_554 = arith.cmpi sgt, %squeeze3A_544, %sign3A_553 : i32
      %sign3A_555 = arith.extui %sign3A_554 : i1 to i32
      %sign3A_556 = arith.constant 0 : i32
      %sign3A_557 = arith.cmpi slt, %squeeze3A_544, %sign3A_556 : i32
      %sign3A_558 = arith.extui %sign3A_557 : i1 to i32
      %sign3A_559 = arith.subi %sign3A_555, %sign3A_558 : i32
      %sign3A_560 = arith.constant 0 : i32
      %sign3A_561 = arith.cmpi sgt, %jit3A_551, %sign3A_560 : i32
      %sign3A_562 = arith.extui %sign3A_561 : i1 to i32
      %sign3A_563 = arith.constant 0 : i32
      %sign3A_564 = arith.cmpi slt, %jit3A_551, %sign3A_563 : i32
      %sign3A_565 = arith.extui %sign3A_564 : i1 to i32
      %sign3A_566 = arith.subi %sign3A_562, %sign3A_565 : i32
      %ne3A_567 = arith.cmpi ne, %sign3A_559, %sign3A_566 : i32
      %rem3A_568 = arith.remsi %squeeze3A_544, %jit3A_551 : i32
      %ne3A_569 = arith.constant 0 : i32
      %ne3A_570 = arith.cmpi ne, %rem3A_568, %ne3A_569 : i32
      %and3A_571 = arith.andi %ne3A_567, %ne3A_570 : i1
      %sub3A_572 = arith.constant 1 : i32
      %sub3A_573 = arith.subi %div3A_552, %sub3A_572 : i32
      %select_n3A_574 = arith.select %and3A_571, %sub3A_573, %div3A_552 : i32
      %mul3A_575 = arith.constant 16 : i32
      %mul3A_576 = arith.muli %select_n3A_574, %mul3A_575 : i32
      %sub3A_577 = arith.subi %add3A_542, %mul3A_576 : i32
      %add3A_578 = arith.constant 15 : i32
      %add3A_579 = arith.addi %sub3A_577, %add3A_578 : i32
      %div3A_580 = arith.constant 16 : i32
      %div3A_581 = arith.divsi %add3A_579, %div3A_580 : i32
      %add3A_582 = vector.broadcast %mul3A_576 : i32 to vector<16xi32>
      %add3A_583 = arith.addi %add3A_582, %iota3A_10 : vector<16xi32>
      %broadcast_in_dim3A_584 = arith.constant 0 : i32
      %broadcast_in_dim3A_585 = vector.broadcast %broadcast_in_dim3A_584 : i32 to vector<16xi32>
      %while3A_586 = arith.constant 0 : i32
      %while3A_587 = arith.subi %div3A_581, %while3A_586 : i32
      %while3A_588 = arith.addi %while3A_586, %while3A_587 : i32
      %while3A_589 = arith.constant 1 : i32
      %while3A_590 = arith.divsi %while3A_587, %while3A_589 : i32
      %while3A_591 = arith.muli %while3A_590, %while3A_589 : i32
      %while3A_592 = arith.addi %while3A_586, %while3A_591 : i32
      %while3A_593 = arith.constant 1 : i32
      %while3A_594 = scf.for %while3A_1064 = %while3A_586 to %while3A_592 step %while3A_593 iter_args(%while3A_1065 = %broadcast_in_dim3A_585) -> (vector<16xi32>)  : i32 {
        %mul3A_1066 = arith.constant 16 : i32
        %mul3A_1067 = arith.muli %while3A_1064, %mul3A_1066 : i32
        %add3A_1068 = arith.addi %mul3A_576, %mul3A_1067 : i32
        %mul3A_1069 = arith.constant 16 : i32
        %mul3A_1070 = arith.muli %while3A_1064, %mul3A_1069 : i32
        %add3A_1071 = vector.broadcast %mul3A_1070 : i32 to vector<16xi32>
        %add3A_1072 = arith.addi %add3A_583, %add3A_1071 : vector<16xi32>
        %get3A_1073 = arith.index_cast %add3A_1068 : i32 to index
        %get3A_1074 = tpu.vector_load %arg7[%get3A_1073] {strides = array<i32>} : memref<4128xf32, #tpu.memory_space<vmem>>, vector<16xf32>,
        %sub3A_1075 = vector.broadcast %squeeze3A_546 : f32 to vector<16xf32>
        %sub3A_1076 = arith.subf %get3A_1074, %sub3A_1075 : vector<16xf32>
        %get3A_1077 = arith.index_cast %add3A_1068 : i32 to index
        %get3A_1078 = tpu.vector_load %arg8[%get3A_1077] {strides = array<i32>} : memref<4128xf32, #tpu.memory_space<vmem>>, vector<16xf32>,
        %sub3A_1079 = vector.broadcast %squeeze3A_548 : f32 to vector<16xf32>
        %sub3A_1080 = arith.subf %get3A_1078, %sub3A_1079 : vector<16xf32>
        %get3A_1081 = arith.index_cast %add3A_1068 : i32 to index
        %get3A_1082 = tpu.vector_load %arg9[%get3A_1081] {strides = array<i32>} : memref<4128xf32, #tpu.memory_space<vmem>>, vector<16xf32>,
        %sub3A_1083 = vector.broadcast %squeeze3A_550 : f32 to vector<16xf32>
        %sub3A_1084 = arith.subf %get3A_1082, %sub3A_1083 : vector<16xf32>
        %mul3A_1085 = arith.mulf %sub3A_1076, %sub3A_1076 : vector<16xf32>
        %mul3A_1086 = arith.mulf %sub3A_1080, %sub3A_1080 : vector<16xf32>
        %add3A_1087 = arith.addf %mul3A_1085, %mul3A_1086 : vector<16xf32>
        %mul3A_1088 = arith.mulf %sub3A_1084, %sub3A_1084 : vector<16xf32>
        %add3A_1089 = arith.addf %add3A_1087, %mul3A_1088 : vector<16xf32>
        %ge3A = vector.broadcast %squeeze3A_544 : i32 to vector<16xi32>
        %ge3A_1090 = arith.cmpi sge, %add3A_1072, %ge3A : vector<16xi32>
        %lt3A = vector.broadcast %add3A_542 : i32 to vector<16xi32>
        %lt3A_1091 = arith.cmpi slt, %add3A_1072, %lt3A : vector<16xi32>
        %and3A_1092 = arith.andi %ge3A_1090, %lt3A_1091 : vector<16xi1>
        %lt3A_1093 = arith.constant 2.500000e+01 : f32
        %lt3A_1094 = vector.broadcast %lt3A_1093 : f32 to vector<16xf32>
        %lt3A_1095 = arith.cmpf olt, %add3A_1089, %lt3A_1094 : vector<16xf32>
        %and3A_1096 = arith.andi %and3A_1092, %lt3A_1095 : vector<16xi1>
        %convert_element_type3A = arith.extui %and3A_1096 : vector<16xi1> to vector<16xi32>
        %add3A_1097 = arith.addi %while3A_1065, %convert_element_type3A : vector<16xi32>
        scf.yield %add3A_1097 : vector<16xi32>
      }
      %while3A_595 = arith.constant 1 : i32
      %while3A_596 = scf.for %while3A_1064 = %while3A_592 to %while3A_588 step %while3A_595 iter_args(%while3A_1065 = %while3A_594) -> (vector<16xi32>)  : i32 {
        %mul3A_1066 = arith.constant 16 : i32
        %mul3A_1067 = arith.muli %while3A_1064, %mul3A_1066 : i32
        %add3A_1068 = arith.addi %mul3A_576, %mul3A_1067 : i32
        %mul3A_1069 = arith.constant 16 : i32
        %mul3A_1070 = arith.muli %while3A_1064, %mul3A_1069 : i32
        %add3A_1071 = vector.broadcast %mul3A_1070 : i32 to vector<16xi32>
        %add3A_1072 = arith.addi %add3A_583, %add3A_1071 : vector<16xi32>
        %get3A_1073 = arith.index_cast %add3A_1068 : i32 to index
        %get3A_1074 = tpu.vector_load %arg7[%get3A_1073] {strides = array<i32>} : memref<4128xf32, #tpu.memory_space<vmem>>, vector<16xf32>,
        %sub3A_1075 = vector.broadcast %squeeze3A_546 : f32 to vector<16xf32>
        %sub3A_1076 = arith.subf %get3A_1074, %sub3A_1075 : vector<16xf32>
        %get3A_1077 = arith.index_cast %add3A_1068 : i32 to index
        %get3A_1078 = tpu.vector_load %arg8[%get3A_1077] {strides = array<i32>} : memref<4128xf32, #tpu.memory_space<vmem>>, vector<16xf32>,
        %sub3A_1079 = vector.broadcast %squeeze3A_548 : f32 to vector<16xf32>
        %sub3A_1080 = arith.subf %get3A_1078, %sub3A_1079 : vector<16xf32>
        %get3A_1081 = arith.index_cast %add3A_1068 : i32 to index
        %get3A_1082 = tpu.vector_load %arg9[%get3A_1081] {strides = array<i32>} : memref<4128xf32, #tpu.memory_space<vmem>>, vector<16xf32>,
        %sub3A_1083 = vector.broadcast %squeeze3A_550 : f32 to vector<16xf32>
        %sub3A_1084 = arith.subf %get3A_1082, %sub3A_1083 : vector<16xf32>
        %mul3A_1085 = arith.mulf %sub3A_1076, %sub3A_1076 : vector<16xf32>
        %mul3A_1086 = arith.mulf %sub3A_1080, %sub3A_1080 : vector<16xf32>
        %add3A_1087 = arith.addf %mul3A_1085, %mul3A_1086 : vector<16xf32>
        %mul3A_1088 = arith.mulf %sub3A_1084, %sub3A_1084 : vector<16xf32>
        %add3A_1089 = arith.addf %add3A_1087, %mul3A_1088 : vector<16xf32>
        %ge3A = vector.broadcast %squeeze3A_544 : i32 to vector<16xi32>
        %ge3A_1090 = arith.cmpi sge, %add3A_1072, %ge3A : vector<16xi32>
        %lt3A = vector.broadcast %add3A_542 : i32 to vector<16xi32>
        %lt3A_1091 = arith.cmpi slt, %add3A_1072, %lt3A : vector<16xi32>
        %and3A_1092 = arith.andi %ge3A_1090, %lt3A_1091 : vector<16xi1>
        %lt3A_1093 = arith.constant 2.500000e+01 : f32
        %lt3A_1094 = vector.broadcast %lt3A_1093 : f32 to vector<16xf32>
        %lt3A_1095 = arith.cmpf olt, %add3A_1089, %lt3A_1094 : vector<16xf32>
        %and3A_1096 = arith.andi %and3A_1092, %lt3A_1095 : vector<16xi1>
        %convert_element_type3A = arith.extui %and3A_1096 : vector<16xi1> to vector<16xi32>
        %add3A_1097 = arith.addi %while3A_1065, %convert_element_type3A : vector<16xi32>
        scf.yield %add3A_1097 : vector<16xi32>
      }
      %eq3A_597 = arith.constant 8 : i32
      %eq3A_598 = vector.broadcast %eq3A_597 : i32 to vector<16xi32>
      %eq3A_599 = arith.cmpi eq, %iota3A_10, %eq3A_598 : vector<16xi32>
      %reduce_sum3A_600 = arith.constant true
      %reduce_sum3A_601 = vector.broadcast %reduce_sum3A_600 : i1 to vector<16xi1>
      %reduce_sum3A_602 = tpu.scan <sum>, %while3A_596 masked %reduce_sum3A_601 : vector<16xi32>, vector<16xi1> -> vector<16xi32>
      %reduce_sum3A_603 = vector.extract %reduce_sum3A_602[15] : i32 from vector<16xi32>
      %broadcast_in_dim3A_604 = vector.broadcast %reduce_sum3A_603 : i32 to vector<16xi32>
      %select_n3A_605 = arith.select %eq3A_599, %broadcast_in_dim3A_604, %select_n3A_540 : vector<16xi1>, vector<16xi32>
      %add3A_606 = arith.constant 9 : i32
      %add3A_607 = arith.addi %mul3A_24, %add3A_606 : i32
      %slice3A_608 = vector.extract_strided_slice %gather3A {offsets = [9], sizes = [1], strides = [1]} : vector<16xi32> to vector<1xi32>
      %squeeze3A_609 = vector.extract %slice3A_608[0] : i32 from vector<1xi32>
      %slice3A_610 = vector.extract_strided_slice %get3A_27 {offsets = [9], sizes = [1], strides = [1]} : vector<16xf32> to vector<1xf32>
      %squeeze3A_611 = vector.extract %slice3A_610[0] : f32 from vector<1xf32>
      %slice3A_612 = vector.extract_strided_slice %get3A_29 {offsets = [9], sizes = [1], strides = [1]} : vector<16xf32> to vector<1xf32>
      %squeeze3A_613 = vector.extract %slice3A_612[0] : f32 from vector<1xf32>
      %slice3A_614 = vector.extract_strided_slice %get3A_31 {offsets = [9], sizes = [1], strides = [1]} : vector<16xf32> to vector<1xf32>
      %squeeze3A_615 = vector.extract %slice3A_614[0] : f32 from vector<1xf32>
      %jit3A_616 = arith.constant 16 : i32
      %div3A_617 = arith.divsi %squeeze3A_609, %jit3A_616 : i32
      %sign3A_618 = arith.constant 0 : i32
      %sign3A_619 = arith.cmpi sgt, %squeeze3A_609, %sign3A_618 : i32
      %sign3A_620 = arith.extui %sign3A_619 : i1 to i32
      %sign3A_621 = arith.constant 0 : i32
      %sign3A_622 = arith.cmpi slt, %squeeze3A_609, %sign3A_621 : i32
      %sign3A_623 = arith.extui %sign3A_622 : i1 to i32
      %sign3A_624 = arith.subi %sign3A_620, %sign3A_623 : i32
      %sign3A_625 = arith.constant 0 : i32
      %sign3A_626 = arith.cmpi sgt, %jit3A_616, %sign3A_625 : i32
      %sign3A_627 = arith.extui %sign3A_626 : i1 to i32
      %sign3A_628 = arith.constant 0 : i32
      %sign3A_629 = arith.cmpi slt, %jit3A_616, %sign3A_628 : i32
      %sign3A_630 = arith.extui %sign3A_629 : i1 to i32
      %sign3A_631 = arith.subi %sign3A_627, %sign3A_630 : i32
      %ne3A_632 = arith.cmpi ne, %sign3A_624, %sign3A_631 : i32
      %rem3A_633 = arith.remsi %squeeze3A_609, %jit3A_616 : i32
      %ne3A_634 = arith.constant 0 : i32
      %ne3A_635 = arith.cmpi ne, %rem3A_633, %ne3A_634 : i32
      %and3A_636 = arith.andi %ne3A_632, %ne3A_635 : i1
      %sub3A_637 = arith.constant 1 : i32
      %sub3A_638 = arith.subi %div3A_617, %sub3A_637 : i32
      %select_n3A_639 = arith.select %and3A_636, %sub3A_638, %div3A_617 : i32
      %mul3A_640 = arith.constant 16 : i32
      %mul3A_641 = arith.muli %select_n3A_639, %mul3A_640 : i32
      %sub3A_642 = arith.subi %add3A_607, %mul3A_641 : i32
      %add3A_643 = arith.constant 15 : i32
      %add3A_644 = arith.addi %sub3A_642, %add3A_643 : i32
      %div3A_645 = arith.constant 16 : i32
      %div3A_646 = arith.divsi %add3A_644, %div3A_645 : i32
      %add3A_647 = vector.broadcast %mul3A_641 : i32 to vector<16xi32>
      %add3A_648 = arith.addi %add3A_647, %iota3A_10 : vector<16xi32>
      %broadcast_in_dim3A_649 = arith.constant 0 : i32
      %broadcast_in_dim3A_650 = vector.broadcast %broadcast_in_dim3A_649 : i32 to vector<16xi32>
      %while3A_651 = arith.constant 0 : i32
      %while3A_652 = arith.subi %div3A_646, %while3A_651 : i32
      %while3A_653 = arith.addi %while3A_651, %while3A_652 : i32
      %while3A_654 = arith.constant 1 : i32
      %while3A_655 = arith.divsi %while3A_652, %while3A_654 : i32
      %while3A_656 = arith.muli %while3A_655, %while3A_654 : i32
      %while3A_657 = arith.addi %while3A_651, %while3A_656 : i32
      %while3A_658 = arith.constant 1 : i32
      %while3A_659 = scf.for %while3A_1064 = %while3A_651 to %while3A_657 step %while3A_658 iter_args(%while3A_1065 = %broadcast_in_dim3A_650) -> (vector<16xi32>)  : i32 {
        %mul3A_1066 = arith.constant 16 : i32
        %mul3A_1067 = arith.muli %while3A_1064, %mul3A_1066 : i32
        %add3A_1068 = arith.addi %mul3A_641, %mul3A_1067 : i32
        %mul3A_1069 = arith.constant 16 : i32
        %mul3A_1070 = arith.muli %while3A_1064, %mul3A_1069 : i32
        %add3A_1071 = vector.broadcast %mul3A_1070 : i32 to vector<16xi32>
        %add3A_1072 = arith.addi %add3A_648, %add3A_1071 : vector<16xi32>
        %get3A_1073 = arith.index_cast %add3A_1068 : i32 to index
        %get3A_1074 = tpu.vector_load %arg7[%get3A_1073] {strides = array<i32>} : memref<4128xf32, #tpu.memory_space<vmem>>, vector<16xf32>,
        %sub3A_1075 = vector.broadcast %squeeze3A_611 : f32 to vector<16xf32>
        %sub3A_1076 = arith.subf %get3A_1074, %sub3A_1075 : vector<16xf32>
        %get3A_1077 = arith.index_cast %add3A_1068 : i32 to index
        %get3A_1078 = tpu.vector_load %arg8[%get3A_1077] {strides = array<i32>} : memref<4128xf32, #tpu.memory_space<vmem>>, vector<16xf32>,
        %sub3A_1079 = vector.broadcast %squeeze3A_613 : f32 to vector<16xf32>
        %sub3A_1080 = arith.subf %get3A_1078, %sub3A_1079 : vector<16xf32>
        %get3A_1081 = arith.index_cast %add3A_1068 : i32 to index
        %get3A_1082 = tpu.vector_load %arg9[%get3A_1081] {strides = array<i32>} : memref<4128xf32, #tpu.memory_space<vmem>>, vector<16xf32>,
        %sub3A_1083 = vector.broadcast %squeeze3A_615 : f32 to vector<16xf32>
        %sub3A_1084 = arith.subf %get3A_1082, %sub3A_1083 : vector<16xf32>
        %mul3A_1085 = arith.mulf %sub3A_1076, %sub3A_1076 : vector<16xf32>
        %mul3A_1086 = arith.mulf %sub3A_1080, %sub3A_1080 : vector<16xf32>
        %add3A_1087 = arith.addf %mul3A_1085, %mul3A_1086 : vector<16xf32>
        %mul3A_1088 = arith.mulf %sub3A_1084, %sub3A_1084 : vector<16xf32>
        %add3A_1089 = arith.addf %add3A_1087, %mul3A_1088 : vector<16xf32>
        %ge3A = vector.broadcast %squeeze3A_609 : i32 to vector<16xi32>
        %ge3A_1090 = arith.cmpi sge, %add3A_1072, %ge3A : vector<16xi32>
        %lt3A = vector.broadcast %add3A_607 : i32 to vector<16xi32>
        %lt3A_1091 = arith.cmpi slt, %add3A_1072, %lt3A : vector<16xi32>
        %and3A_1092 = arith.andi %ge3A_1090, %lt3A_1091 : vector<16xi1>
        %lt3A_1093 = arith.constant 2.500000e+01 : f32
        %lt3A_1094 = vector.broadcast %lt3A_1093 : f32 to vector<16xf32>
        %lt3A_1095 = arith.cmpf olt, %add3A_1089, %lt3A_1094 : vector<16xf32>
        %and3A_1096 = arith.andi %and3A_1092, %lt3A_1095 : vector<16xi1>
        %convert_element_type3A = arith.extui %and3A_1096 : vector<16xi1> to vector<16xi32>
        %add3A_1097 = arith.addi %while3A_1065, %convert_element_type3A : vector<16xi32>
        scf.yield %add3A_1097 : vector<16xi32>
      }
      %while3A_660 = arith.constant 1 : i32
      %while3A_661 = scf.for %while3A_1064 = %while3A_657 to %while3A_653 step %while3A_660 iter_args(%while3A_1065 = %while3A_659) -> (vector<16xi32>)  : i32 {
        %mul3A_1066 = arith.constant 16 : i32
        %mul3A_1067 = arith.muli %while3A_1064, %mul3A_1066 : i32
        %add3A_1068 = arith.addi %mul3A_641, %mul3A_1067 : i32
        %mul3A_1069 = arith.constant 16 : i32
        %mul3A_1070 = arith.muli %while3A_1064, %mul3A_1069 : i32
        %add3A_1071 = vector.broadcast %mul3A_1070 : i32 to vector<16xi32>
        %add3A_1072 = arith.addi %add3A_648, %add3A_1071 : vector<16xi32>
        %get3A_1073 = arith.index_cast %add3A_1068 : i32 to index
        %get3A_1074 = tpu.vector_load %arg7[%get3A_1073] {strides = array<i32>} : memref<4128xf32, #tpu.memory_space<vmem>>, vector<16xf32>,
        %sub3A_1075 = vector.broadcast %squeeze3A_611 : f32 to vector<16xf32>
        %sub3A_1076 = arith.subf %get3A_1074, %sub3A_1075 : vector<16xf32>
        %get3A_1077 = arith.index_cast %add3A_1068 : i32 to index
        %get3A_1078 = tpu.vector_load %arg8[%get3A_1077] {strides = array<i32>} : memref<4128xf32, #tpu.memory_space<vmem>>, vector<16xf32>,
        %sub3A_1079 = vector.broadcast %squeeze3A_613 : f32 to vector<16xf32>
        %sub3A_1080 = arith.subf %get3A_1078, %sub3A_1079 : vector<16xf32>
        %get3A_1081 = arith.index_cast %add3A_1068 : i32 to index
        %get3A_1082 = tpu.vector_load %arg9[%get3A_1081] {strides = array<i32>} : memref<4128xf32, #tpu.memory_space<vmem>>, vector<16xf32>,
        %sub3A_1083 = vector.broadcast %squeeze3A_615 : f32 to vector<16xf32>
        %sub3A_1084 = arith.subf %get3A_1082, %sub3A_1083 : vector<16xf32>
        %mul3A_1085 = arith.mulf %sub3A_1076, %sub3A_1076 : vector<16xf32>
        %mul3A_1086 = arith.mulf %sub3A_1080, %sub3A_1080 : vector<16xf32>
        %add3A_1087 = arith.addf %mul3A_1085, %mul3A_1086 : vector<16xf32>
        %mul3A_1088 = arith.mulf %sub3A_1084, %sub3A_1084 : vector<16xf32>
        %add3A_1089 = arith.addf %add3A_1087, %mul3A_1088 : vector<16xf32>
        %ge3A = vector.broadcast %squeeze3A_609 : i32 to vector<16xi32>
        %ge3A_1090 = arith.cmpi sge, %add3A_1072, %ge3A : vector<16xi32>
        %lt3A = vector.broadcast %add3A_607 : i32 to vector<16xi32>
        %lt3A_1091 = arith.cmpi slt, %add3A_1072, %lt3A : vector<16xi32>
        %and3A_1092 = arith.andi %ge3A_1090, %lt3A_1091 : vector<16xi1>
        %lt3A_1093 = arith.constant 2.500000e+01 : f32
        %lt3A_1094 = vector.broadcast %lt3A_1093 : f32 to vector<16xf32>
        %lt3A_1095 = arith.cmpf olt, %add3A_1089, %lt3A_1094 : vector<16xf32>
        %and3A_1096 = arith.andi %and3A_1092, %lt3A_1095 : vector<16xi1>
        %convert_element_type3A = arith.extui %and3A_1096 : vector<16xi1> to vector<16xi32>
        %add3A_1097 = arith.addi %while3A_1065, %convert_element_type3A : vector<16xi32>
        scf.yield %add3A_1097 : vector<16xi32>
      }
      %eq3A_662 = arith.constant 9 : i32
      %eq3A_663 = vector.broadcast %eq3A_662 : i32 to vector<16xi32>
      %eq3A_664 = arith.cmpi eq, %iota3A_10, %eq3A_663 : vector<16xi32>
      %reduce_sum3A_665 = arith.constant true
      %reduce_sum3A_666 = vector.broadcast %reduce_sum3A_665 : i1 to vector<16xi1>
      %reduce_sum3A_667 = tpu.scan <sum>, %while3A_661 masked %reduce_sum3A_666 : vector<16xi32>, vector<16xi1> -> vector<16xi32>
      %reduce_sum3A_668 = vector.extract %reduce_sum3A_667[15] : i32 from vector<16xi32>
      %broadcast_in_dim3A_669 = vector.broadcast %reduce_sum3A_668 : i32 to vector<16xi32>
      %select_n3A_670 = arith.select %eq3A_664, %broadcast_in_dim3A_669, %select_n3A_605 : vector<16xi1>, vector<16xi32>
      %add3A_671 = arith.constant 10 : i32
      %add3A_672 = arith.addi %mul3A_24, %add3A_671 : i32
      %slice3A_673 = vector.extract_strided_slice %gather3A {offsets = [10], sizes = [1], strides = [1]} : vector<16xi32> to vector<1xi32>
      %squeeze3A_674 = vector.extract %slice3A_673[0] : i32 from vector<1xi32>
      %slice3A_675 = vector.extract_strided_slice %get3A_27 {offsets = [10], sizes = [1], strides = [1]} : vector<16xf32> to vector<1xf32>
      %squeeze3A_676 = vector.extract %slice3A_675[0] : f32 from vector<1xf32>
      %slice3A_677 = vector.extract_strided_slice %get3A_29 {offsets = [10], sizes = [1], strides = [1]} : vector<16xf32> to vector<1xf32>
      %squeeze3A_678 = vector.extract %slice3A_677[0] : f32 from vector<1xf32>
      %slice3A_679 = vector.extract_strided_slice %get3A_31 {offsets = [10], sizes = [1], strides = [1]} : vector<16xf32> to vector<1xf32>
      %squeeze3A_680 = vector.extract %slice3A_679[0] : f32 from vector<1xf32>
      %jit3A_681 = arith.constant 16 : i32
      %div3A_682 = arith.divsi %squeeze3A_674, %jit3A_681 : i32
      %sign3A_683 = arith.constant 0 : i32
      %sign3A_684 = arith.cmpi sgt, %squeeze3A_674, %sign3A_683 : i32
      %sign3A_685 = arith.extui %sign3A_684 : i1 to i32
      %sign3A_686 = arith.constant 0 : i32
      %sign3A_687 = arith.cmpi slt, %squeeze3A_674, %sign3A_686 : i32
      %sign3A_688 = arith.extui %sign3A_687 : i1 to i32
      %sign3A_689 = arith.subi %sign3A_685, %sign3A_688 : i32
      %sign3A_690 = arith.constant 0 : i32
      %sign3A_691 = arith.cmpi sgt, %jit3A_681, %sign3A_690 : i32
      %sign3A_692 = arith.extui %sign3A_691 : i1 to i32
      %sign3A_693 = arith.constant 0 : i32
      %sign3A_694 = arith.cmpi slt, %jit3A_681, %sign3A_693 : i32
      %sign3A_695 = arith.extui %sign3A_694 : i1 to i32
      %sign3A_696 = arith.subi %sign3A_692, %sign3A_695 : i32
      %ne3A_697 = arith.cmpi ne, %sign3A_689, %sign3A_696 : i32
      %rem3A_698 = arith.remsi %squeeze3A_674, %jit3A_681 : i32
      %ne3A_699 = arith.constant 0 : i32
      %ne3A_700 = arith.cmpi ne, %rem3A_698, %ne3A_699 : i32
      %and3A_701 = arith.andi %ne3A_697, %ne3A_700 : i1
      %sub3A_702 = arith.constant 1 : i32
      %sub3A_703 = arith.subi %div3A_682, %sub3A_702 : i32
      %select_n3A_704 = arith.select %and3A_701, %sub3A_703, %div3A_682 : i32
      %mul3A_705 = arith.constant 16 : i32
      %mul3A_706 = arith.muli %select_n3A_704, %mul3A_705 : i32
      %sub3A_707 = arith.subi %add3A_672, %mul3A_706 : i32
      %add3A_708 = arith.constant 15 : i32
      %add3A_709 = arith.addi %sub3A_707, %add3A_708 : i32
      %div3A_710 = arith.constant 16 : i32
      %div3A_711 = arith.divsi %add3A_709, %div3A_710 : i32
      %add3A_712 = vector.broadcast %mul3A_706 : i32 to vector<16xi32>
      %add3A_713 = arith.addi %add3A_712, %iota3A_10 : vector<16xi32>
      %broadcast_in_dim3A_714 = arith.constant 0 : i32
      %broadcast_in_dim3A_715 = vector.broadcast %broadcast_in_dim3A_714 : i32 to vector<16xi32>
      %while3A_716 = arith.constant 0 : i32
      %while3A_717 = arith.subi %div3A_711, %while3A_716 : i32
      %while3A_718 = arith.addi %while3A_716, %while3A_717 : i32
      %while3A_719 = arith.constant 1 : i32
      %while3A_720 = arith.divsi %while3A_717, %while3A_719 : i32
      %while3A_721 = arith.muli %while3A_720, %while3A_719 : i32
      %while3A_722 = arith.addi %while3A_716, %while3A_721 : i32
      %while3A_723 = arith.constant 1 : i32
      %while3A_724 = scf.for %while3A_1064 = %while3A_716 to %while3A_722 step %while3A_723 iter_args(%while3A_1065 = %broadcast_in_dim3A_715) -> (vector<16xi32>)  : i32 {
        %mul3A_1066 = arith.constant 16 : i32
        %mul3A_1067 = arith.muli %while3A_1064, %mul3A_1066 : i32
        %add3A_1068 = arith.addi %mul3A_706, %mul3A_1067 : i32
        %mul3A_1069 = arith.constant 16 : i32
        %mul3A_1070 = arith.muli %while3A_1064, %mul3A_1069 : i32
        %add3A_1071 = vector.broadcast %mul3A_1070 : i32 to vector<16xi32>
        %add3A_1072 = arith.addi %add3A_713, %add3A_1071 : vector<16xi32>
        %get3A_1073 = arith.index_cast %add3A_1068 : i32 to index
        %get3A_1074 = tpu.vector_load %arg7[%get3A_1073] {strides = array<i32>} : memref<4128xf32, #tpu.memory_space<vmem>>, vector<16xf32>,
        %sub3A_1075 = vector.broadcast %squeeze3A_676 : f32 to vector<16xf32>
        %sub3A_1076 = arith.subf %get3A_1074, %sub3A_1075 : vector<16xf32>
        %get3A_1077 = arith.index_cast %add3A_1068 : i32 to index
        %get3A_1078 = tpu.vector_load %arg8[%get3A_1077] {strides = array<i32>} : memref<4128xf32, #tpu.memory_space<vmem>>, vector<16xf32>,
        %sub3A_1079 = vector.broadcast %squeeze3A_678 : f32 to vector<16xf32>
        %sub3A_1080 = arith.subf %get3A_1078, %sub3A_1079 : vector<16xf32>
        %get3A_1081 = arith.index_cast %add3A_1068 : i32 to index
        %get3A_1082 = tpu.vector_load %arg9[%get3A_1081] {strides = array<i32>} : memref<4128xf32, #tpu.memory_space<vmem>>, vector<16xf32>,
        %sub3A_1083 = vector.broadcast %squeeze3A_680 : f32 to vector<16xf32>
        %sub3A_1084 = arith.subf %get3A_1082, %sub3A_1083 : vector<16xf32>
        %mul3A_1085 = arith.mulf %sub3A_1076, %sub3A_1076 : vector<16xf32>
        %mul3A_1086 = arith.mulf %sub3A_1080, %sub3A_1080 : vector<16xf32>
        %add3A_1087 = arith.addf %mul3A_1085, %mul3A_1086 : vector<16xf32>
        %mul3A_1088 = arith.mulf %sub3A_1084, %sub3A_1084 : vector<16xf32>
        %add3A_1089 = arith.addf %add3A_1087, %mul3A_1088 : vector<16xf32>
        %ge3A = vector.broadcast %squeeze3A_674 : i32 to vector<16xi32>
        %ge3A_1090 = arith.cmpi sge, %add3A_1072, %ge3A : vector<16xi32>
        %lt3A = vector.broadcast %add3A_672 : i32 to vector<16xi32>
        %lt3A_1091 = arith.cmpi slt, %add3A_1072, %lt3A : vector<16xi32>
        %and3A_1092 = arith.andi %ge3A_1090, %lt3A_1091 : vector<16xi1>
        %lt3A_1093 = arith.constant 2.500000e+01 : f32
        %lt3A_1094 = vector.broadcast %lt3A_1093 : f32 to vector<16xf32>
        %lt3A_1095 = arith.cmpf olt, %add3A_1089, %lt3A_1094 : vector<16xf32>
        %and3A_1096 = arith.andi %and3A_1092, %lt3A_1095 : vector<16xi1>
        %convert_element_type3A = arith.extui %and3A_1096 : vector<16xi1> to vector<16xi32>
        %add3A_1097 = arith.addi %while3A_1065, %convert_element_type3A : vector<16xi32>
        scf.yield %add3A_1097 : vector<16xi32>
      }
      %while3A_725 = arith.constant 1 : i32
      %while3A_726 = scf.for %while3A_1064 = %while3A_722 to %while3A_718 step %while3A_725 iter_args(%while3A_1065 = %while3A_724) -> (vector<16xi32>)  : i32 {
        %mul3A_1066 = arith.constant 16 : i32
        %mul3A_1067 = arith.muli %while3A_1064, %mul3A_1066 : i32
        %add3A_1068 = arith.addi %mul3A_706, %mul3A_1067 : i32
        %mul3A_1069 = arith.constant 16 : i32
        %mul3A_1070 = arith.muli %while3A_1064, %mul3A_1069 : i32
        %add3A_1071 = vector.broadcast %mul3A_1070 : i32 to vector<16xi32>
        %add3A_1072 = arith.addi %add3A_713, %add3A_1071 : vector<16xi32>
        %get3A_1073 = arith.index_cast %add3A_1068 : i32 to index
        %get3A_1074 = tpu.vector_load %arg7[%get3A_1073] {strides = array<i32>} : memref<4128xf32, #tpu.memory_space<vmem>>, vector<16xf32>,
        %sub3A_1075 = vector.broadcast %squeeze3A_676 : f32 to vector<16xf32>
        %sub3A_1076 = arith.subf %get3A_1074, %sub3A_1075 : vector<16xf32>
        %get3A_1077 = arith.index_cast %add3A_1068 : i32 to index
        %get3A_1078 = tpu.vector_load %arg8[%get3A_1077] {strides = array<i32>} : memref<4128xf32, #tpu.memory_space<vmem>>, vector<16xf32>,
        %sub3A_1079 = vector.broadcast %squeeze3A_678 : f32 to vector<16xf32>
        %sub3A_1080 = arith.subf %get3A_1078, %sub3A_1079 : vector<16xf32>
        %get3A_1081 = arith.index_cast %add3A_1068 : i32 to index
        %get3A_1082 = tpu.vector_load %arg9[%get3A_1081] {strides = array<i32>} : memref<4128xf32, #tpu.memory_space<vmem>>, vector<16xf32>,
        %sub3A_1083 = vector.broadcast %squeeze3A_680 : f32 to vector<16xf32>
        %sub3A_1084 = arith.subf %get3A_1082, %sub3A_1083 : vector<16xf32>
        %mul3A_1085 = arith.mulf %sub3A_1076, %sub3A_1076 : vector<16xf32>
        %mul3A_1086 = arith.mulf %sub3A_1080, %sub3A_1080 : vector<16xf32>
        %add3A_1087 = arith.addf %mul3A_1085, %mul3A_1086 : vector<16xf32>
        %mul3A_1088 = arith.mulf %sub3A_1084, %sub3A_1084 : vector<16xf32>
        %add3A_1089 = arith.addf %add3A_1087, %mul3A_1088 : vector<16xf32>
        %ge3A = vector.broadcast %squeeze3A_674 : i32 to vector<16xi32>
        %ge3A_1090 = arith.cmpi sge, %add3A_1072, %ge3A : vector<16xi32>
        %lt3A = vector.broadcast %add3A_672 : i32 to vector<16xi32>
        %lt3A_1091 = arith.cmpi slt, %add3A_1072, %lt3A : vector<16xi32>
        %and3A_1092 = arith.andi %ge3A_1090, %lt3A_1091 : vector<16xi1>
        %lt3A_1093 = arith.constant 2.500000e+01 : f32
        %lt3A_1094 = vector.broadcast %lt3A_1093 : f32 to vector<16xf32>
        %lt3A_1095 = arith.cmpf olt, %add3A_1089, %lt3A_1094 : vector<16xf32>
        %and3A_1096 = arith.andi %and3A_1092, %lt3A_1095 : vector<16xi1>
        %convert_element_type3A = arith.extui %and3A_1096 : vector<16xi1> to vector<16xi32>
        %add3A_1097 = arith.addi %while3A_1065, %convert_element_type3A : vector<16xi32>
        scf.yield %add3A_1097 : vector<16xi32>
      }
      %eq3A_727 = arith.constant 10 : i32
      %eq3A_728 = vector.broadcast %eq3A_727 : i32 to vector<16xi32>
      %eq3A_729 = arith.cmpi eq, %iota3A_10, %eq3A_728 : vector<16xi32>
      %reduce_sum3A_730 = arith.constant true
      %reduce_sum3A_731 = vector.broadcast %reduce_sum3A_730 : i1 to vector<16xi1>
      %reduce_sum3A_732 = tpu.scan <sum>, %while3A_726 masked %reduce_sum3A_731 : vector<16xi32>, vector<16xi1> -> vector<16xi32>
      %reduce_sum3A_733 = vector.extract %reduce_sum3A_732[15] : i32 from vector<16xi32>
      %broadcast_in_dim3A_734 = vector.broadcast %reduce_sum3A_733 : i32 to vector<16xi32>
      %select_n3A_735 = arith.select %eq3A_729, %broadcast_in_dim3A_734, %select_n3A_670 : vector<16xi1>, vector<16xi32>
      %add3A_736 = arith.constant 11 : i32
      %add3A_737 = arith.addi %mul3A_24, %add3A_736 : i32
      %slice3A_738 = vector.extract_strided_slice %gather3A {offsets = [11], sizes = [1], strides = [1]} : vector<16xi32> to vector<1xi32>
      %squeeze3A_739 = vector.extract %slice3A_738[0] : i32 from vector<1xi32>
      %slice3A_740 = vector.extract_strided_slice %get3A_27 {offsets = [11], sizes = [1], strides = [1]} : vector<16xf32> to vector<1xf32>
      %squeeze3A_741 = vector.extract %slice3A_740[0] : f32 from vector<1xf32>
      %slice3A_742 = vector.extract_strided_slice %get3A_29 {offsets = [11], sizes = [1], strides = [1]} : vector<16xf32> to vector<1xf32>
      %squeeze3A_743 = vector.extract %slice3A_742[0] : f32 from vector<1xf32>
      %slice3A_744 = vector.extract_strided_slice %get3A_31 {offsets = [11], sizes = [1], strides = [1]} : vector<16xf32> to vector<1xf32>
      %squeeze3A_745 = vector.extract %slice3A_744[0] : f32 from vector<1xf32>
      %jit3A_746 = arith.constant 16 : i32
      %div3A_747 = arith.divsi %squeeze3A_739, %jit3A_746 : i32
      %sign3A_748 = arith.constant 0 : i32
      %sign3A_749 = arith.cmpi sgt, %squeeze3A_739, %sign3A_748 : i32
      %sign3A_750 = arith.extui %sign3A_749 : i1 to i32
      %sign3A_751 = arith.constant 0 : i32
      %sign3A_752 = arith.cmpi slt, %squeeze3A_739, %sign3A_751 : i32
      %sign3A_753 = arith.extui %sign3A_752 : i1 to i32
      %sign3A_754 = arith.subi %sign3A_750, %sign3A_753 : i32
      %sign3A_755 = arith.constant 0 : i32
      %sign3A_756 = arith.cmpi sgt, %jit3A_746, %sign3A_755 : i32
      %sign3A_757 = arith.extui %sign3A_756 : i1 to i32
      %sign3A_758 = arith.constant 0 : i32
      %sign3A_759 = arith.cmpi slt, %jit3A_746, %sign3A_758 : i32
      %sign3A_760 = arith.extui %sign3A_759 : i1 to i32
      %sign3A_761 = arith.subi %sign3A_757, %sign3A_760 : i32
      %ne3A_762 = arith.cmpi ne, %sign3A_754, %sign3A_761 : i32
      %rem3A_763 = arith.remsi %squeeze3A_739, %jit3A_746 : i32
      %ne3A_764 = arith.constant 0 : i32
      %ne3A_765 = arith.cmpi ne, %rem3A_763, %ne3A_764 : i32
      %and3A_766 = arith.andi %ne3A_762, %ne3A_765 : i1
      %sub3A_767 = arith.constant 1 : i32
      %sub3A_768 = arith.subi %div3A_747, %sub3A_767 : i32
      %select_n3A_769 = arith.select %and3A_766, %sub3A_768, %div3A_747 : i32
      %mul3A_770 = arith.constant 16 : i32
      %mul3A_771 = arith.muli %select_n3A_769, %mul3A_770 : i32
      %sub3A_772 = arith.subi %add3A_737, %mul3A_771 : i32
      %add3A_773 = arith.constant 15 : i32
      %add3A_774 = arith.addi %sub3A_772, %add3A_773 : i32
      %div3A_775 = arith.constant 16 : i32
      %div3A_776 = arith.divsi %add3A_774, %div3A_775 : i32
      %add3A_777 = vector.broadcast %mul3A_771 : i32 to vector<16xi32>
      %add3A_778 = arith.addi %add3A_777, %iota3A_10 : vector<16xi32>
      %broadcast_in_dim3A_779 = arith.constant 0 : i32
      %broadcast_in_dim3A_780 = vector.broadcast %broadcast_in_dim3A_779 : i32 to vector<16xi32>
      %while3A_781 = arith.constant 0 : i32
      %while3A_782 = arith.subi %div3A_776, %while3A_781 : i32
      %while3A_783 = arith.addi %while3A_781, %while3A_782 : i32
      %while3A_784 = arith.constant 1 : i32
      %while3A_785 = arith.divsi %while3A_782, %while3A_784 : i32
      %while3A_786 = arith.muli %while3A_785, %while3A_784 : i32
      %while3A_787 = arith.addi %while3A_781, %while3A_786 : i32
      %while3A_788 = arith.constant 1 : i32
      %while3A_789 = scf.for %while3A_1064 = %while3A_781 to %while3A_787 step %while3A_788 iter_args(%while3A_1065 = %broadcast_in_dim3A_780) -> (vector<16xi32>)  : i32 {
        %mul3A_1066 = arith.constant 16 : i32
        %mul3A_1067 = arith.muli %while3A_1064, %mul3A_1066 : i32
        %add3A_1068 = arith.addi %mul3A_771, %mul3A_1067 : i32
        %mul3A_1069 = arith.constant 16 : i32
        %mul3A_1070 = arith.muli %while3A_1064, %mul3A_1069 : i32
        %add3A_1071 = vector.broadcast %mul3A_1070 : i32 to vector<16xi32>
        %add3A_1072 = arith.addi %add3A_778, %add3A_1071 : vector<16xi32>
        %get3A_1073 = arith.index_cast %add3A_1068 : i32 to index
        %get3A_1074 = tpu.vector_load %arg7[%get3A_1073] {strides = array<i32>} : memref<4128xf32, #tpu.memory_space<vmem>>, vector<16xf32>,
        %sub3A_1075 = vector.broadcast %squeeze3A_741 : f32 to vector<16xf32>
        %sub3A_1076 = arith.subf %get3A_1074, %sub3A_1075 : vector<16xf32>
        %get3A_1077 = arith.index_cast %add3A_1068 : i32 to index
        %get3A_1078 = tpu.vector_load %arg8[%get3A_1077] {strides = array<i32>} : memref<4128xf32, #tpu.memory_space<vmem>>, vector<16xf32>,
        %sub3A_1079 = vector.broadcast %squeeze3A_743 : f32 to vector<16xf32>
        %sub3A_1080 = arith.subf %get3A_1078, %sub3A_1079 : vector<16xf32>
        %get3A_1081 = arith.index_cast %add3A_1068 : i32 to index
        %get3A_1082 = tpu.vector_load %arg9[%get3A_1081] {strides = array<i32>} : memref<4128xf32, #tpu.memory_space<vmem>>, vector<16xf32>,
        %sub3A_1083 = vector.broadcast %squeeze3A_745 : f32 to vector<16xf32>
        %sub3A_1084 = arith.subf %get3A_1082, %sub3A_1083 : vector<16xf32>
        %mul3A_1085 = arith.mulf %sub3A_1076, %sub3A_1076 : vector<16xf32>
        %mul3A_1086 = arith.mulf %sub3A_1080, %sub3A_1080 : vector<16xf32>
        %add3A_1087 = arith.addf %mul3A_1085, %mul3A_1086 : vector<16xf32>
        %mul3A_1088 = arith.mulf %sub3A_1084, %sub3A_1084 : vector<16xf32>
        %add3A_1089 = arith.addf %add3A_1087, %mul3A_1088 : vector<16xf32>
        %ge3A = vector.broadcast %squeeze3A_739 : i32 to vector<16xi32>
        %ge3A_1090 = arith.cmpi sge, %add3A_1072, %ge3A : vector<16xi32>
        %lt3A = vector.broadcast %add3A_737 : i32 to vector<16xi32>
        %lt3A_1091 = arith.cmpi slt, %add3A_1072, %lt3A : vector<16xi32>
        %and3A_1092 = arith.andi %ge3A_1090, %lt3A_1091 : vector<16xi1>
        %lt3A_1093 = arith.constant 2.500000e+01 : f32
        %lt3A_1094 = vector.broadcast %lt3A_1093 : f32 to vector<16xf32>
        %lt3A_1095 = arith.cmpf olt, %add3A_1089, %lt3A_1094 : vector<16xf32>
        %and3A_1096 = arith.andi %and3A_1092, %lt3A_1095 : vector<16xi1>
        %convert_element_type3A = arith.extui %and3A_1096 : vector<16xi1> to vector<16xi32>
        %add3A_1097 = arith.addi %while3A_1065, %convert_element_type3A : vector<16xi32>
        scf.yield %add3A_1097 : vector<16xi32>
      }
      %while3A_790 = arith.constant 1 : i32
      %while3A_791 = scf.for %while3A_1064 = %while3A_787 to %while3A_783 step %while3A_790 iter_args(%while3A_1065 = %while3A_789) -> (vector<16xi32>)  : i32 {
        %mul3A_1066 = arith.constant 16 : i32
        %mul3A_1067 = arith.muli %while3A_1064, %mul3A_1066 : i32
        %add3A_1068 = arith.addi %mul3A_771, %mul3A_1067 : i32
        %mul3A_1069 = arith.constant 16 : i32
        %mul3A_1070 = arith.muli %while3A_1064, %mul3A_1069 : i32
        %add3A_1071 = vector.broadcast %mul3A_1070 : i32 to vector<16xi32>
        %add3A_1072 = arith.addi %add3A_778, %add3A_1071 : vector<16xi32>
        %get3A_1073 = arith.index_cast %add3A_1068 : i32 to index
        %get3A_1074 = tpu.vector_load %arg7[%get3A_1073] {strides = array<i32>} : memref<4128xf32, #tpu.memory_space<vmem>>, vector<16xf32>,
        %sub3A_1075 = vector.broadcast %squeeze3A_741 : f32 to vector<16xf32>
        %sub3A_1076 = arith.subf %get3A_1074, %sub3A_1075 : vector<16xf32>
        %get3A_1077 = arith.index_cast %add3A_1068 : i32 to index
        %get3A_1078 = tpu.vector_load %arg8[%get3A_1077] {strides = array<i32>} : memref<4128xf32, #tpu.memory_space<vmem>>, vector<16xf32>,
        %sub3A_1079 = vector.broadcast %squeeze3A_743 : f32 to vector<16xf32>
        %sub3A_1080 = arith.subf %get3A_1078, %sub3A_1079 : vector<16xf32>
        %get3A_1081 = arith.index_cast %add3A_1068 : i32 to index
        %get3A_1082 = tpu.vector_load %arg9[%get3A_1081] {strides = array<i32>} : memref<4128xf32, #tpu.memory_space<vmem>>, vector<16xf32>,
        %sub3A_1083 = vector.broadcast %squeeze3A_745 : f32 to vector<16xf32>
        %sub3A_1084 = arith.subf %get3A_1082, %sub3A_1083 : vector<16xf32>
        %mul3A_1085 = arith.mulf %sub3A_1076, %sub3A_1076 : vector<16xf32>
        %mul3A_1086 = arith.mulf %sub3A_1080, %sub3A_1080 : vector<16xf32>
        %add3A_1087 = arith.addf %mul3A_1085, %mul3A_1086 : vector<16xf32>
        %mul3A_1088 = arith.mulf %sub3A_1084, %sub3A_1084 : vector<16xf32>
        %add3A_1089 = arith.addf %add3A_1087, %mul3A_1088 : vector<16xf32>
        %ge3A = vector.broadcast %squeeze3A_739 : i32 to vector<16xi32>
        %ge3A_1090 = arith.cmpi sge, %add3A_1072, %ge3A : vector<16xi32>
        %lt3A = vector.broadcast %add3A_737 : i32 to vector<16xi32>
        %lt3A_1091 = arith.cmpi slt, %add3A_1072, %lt3A : vector<16xi32>
        %and3A_1092 = arith.andi %ge3A_1090, %lt3A_1091 : vector<16xi1>
        %lt3A_1093 = arith.constant 2.500000e+01 : f32
        %lt3A_1094 = vector.broadcast %lt3A_1093 : f32 to vector<16xf32>
        %lt3A_1095 = arith.cmpf olt, %add3A_1089, %lt3A_1094 : vector<16xf32>
        %and3A_1096 = arith.andi %and3A_1092, %lt3A_1095 : vector<16xi1>
        %convert_element_type3A = arith.extui %and3A_1096 : vector<16xi1> to vector<16xi32>
        %add3A_1097 = arith.addi %while3A_1065, %convert_element_type3A : vector<16xi32>
        scf.yield %add3A_1097 : vector<16xi32>
      }
      %eq3A_792 = arith.constant 11 : i32
      %eq3A_793 = vector.broadcast %eq3A_792 : i32 to vector<16xi32>
      %eq3A_794 = arith.cmpi eq, %iota3A_10, %eq3A_793 : vector<16xi32>
      %reduce_sum3A_795 = arith.constant true
      %reduce_sum3A_796 = vector.broadcast %reduce_sum3A_795 : i1 to vector<16xi1>
      %reduce_sum3A_797 = tpu.scan <sum>, %while3A_791 masked %reduce_sum3A_796 : vector<16xi32>, vector<16xi1> -> vector<16xi32>
      %reduce_sum3A_798 = vector.extract %reduce_sum3A_797[15] : i32 from vector<16xi32>
      %broadcast_in_dim3A_799 = vector.broadcast %reduce_sum3A_798 : i32 to vector<16xi32>
      %select_n3A_800 = arith.select %eq3A_794, %broadcast_in_dim3A_799, %select_n3A_735 : vector<16xi1>, vector<16xi32>
      %add3A_801 = arith.constant 12 : i32
      %add3A_802 = arith.addi %mul3A_24, %add3A_801 : i32
      %slice3A_803 = vector.extract_strided_slice %gather3A {offsets = [12], sizes = [1], strides = [1]} : vector<16xi32> to vector<1xi32>
      %squeeze3A_804 = vector.extract %slice3A_803[0] : i32 from vector<1xi32>
      %slice3A_805 = vector.extract_strided_slice %get3A_27 {offsets = [12], sizes = [1], strides = [1]} : vector<16xf32> to vector<1xf32>
      %squeeze3A_806 = vector.extract %slice3A_805[0] : f32 from vector<1xf32>
      %slice3A_807 = vector.extract_strided_slice %get3A_29 {offsets = [12], sizes = [1], strides = [1]} : vector<16xf32> to vector<1xf32>
      %squeeze3A_808 = vector.extract %slice3A_807[0] : f32 from vector<1xf32>
      %slice3A_809 = vector.extract_strided_slice %get3A_31 {offsets = [12], sizes = [1], strides = [1]} : vector<16xf32> to vector<1xf32>
      %squeeze3A_810 = vector.extract %slice3A_809[0] : f32 from vector<1xf32>
      %jit3A_811 = arith.constant 16 : i32
      %div3A_812 = arith.divsi %squeeze3A_804, %jit3A_811 : i32
      %sign3A_813 = arith.constant 0 : i32
      %sign3A_814 = arith.cmpi sgt, %squeeze3A_804, %sign3A_813 : i32
      %sign3A_815 = arith.extui %sign3A_814 : i1 to i32
      %sign3A_816 = arith.constant 0 : i32
      %sign3A_817 = arith.cmpi slt, %squeeze3A_804, %sign3A_816 : i32
      %sign3A_818 = arith.extui %sign3A_817 : i1 to i32
      %sign3A_819 = arith.subi %sign3A_815, %sign3A_818 : i32
      %sign3A_820 = arith.constant 0 : i32
      %sign3A_821 = arith.cmpi sgt, %jit3A_811, %sign3A_820 : i32
      %sign3A_822 = arith.extui %sign3A_821 : i1 to i32
      %sign3A_823 = arith.constant 0 : i32
      %sign3A_824 = arith.cmpi slt, %jit3A_811, %sign3A_823 : i32
      %sign3A_825 = arith.extui %sign3A_824 : i1 to i32
      %sign3A_826 = arith.subi %sign3A_822, %sign3A_825 : i32
      %ne3A_827 = arith.cmpi ne, %sign3A_819, %sign3A_826 : i32
      %rem3A_828 = arith.remsi %squeeze3A_804, %jit3A_811 : i32
      %ne3A_829 = arith.constant 0 : i32
      %ne3A_830 = arith.cmpi ne, %rem3A_828, %ne3A_829 : i32
      %and3A_831 = arith.andi %ne3A_827, %ne3A_830 : i1
      %sub3A_832 = arith.constant 1 : i32
      %sub3A_833 = arith.subi %div3A_812, %sub3A_832 : i32
      %select_n3A_834 = arith.select %and3A_831, %sub3A_833, %div3A_812 : i32
      %mul3A_835 = arith.constant 16 : i32
      %mul3A_836 = arith.muli %select_n3A_834, %mul3A_835 : i32
      %sub3A_837 = arith.subi %add3A_802, %mul3A_836 : i32
      %add3A_838 = arith.constant 15 : i32
      %add3A_839 = arith.addi %sub3A_837, %add3A_838 : i32
      %div3A_840 = arith.constant 16 : i32
      %div3A_841 = arith.divsi %add3A_839, %div3A_840 : i32
      %add3A_842 = vector.broadcast %mul3A_836 : i32 to vector<16xi32>
      %add3A_843 = arith.addi %add3A_842, %iota3A_10 : vector<16xi32>
      %broadcast_in_dim3A_844 = arith.constant 0 : i32
      %broadcast_in_dim3A_845 = vector.broadcast %broadcast_in_dim3A_844 : i32 to vector<16xi32>
      %while3A_846 = arith.constant 0 : i32
      %while3A_847 = arith.subi %div3A_841, %while3A_846 : i32
      %while3A_848 = arith.addi %while3A_846, %while3A_847 : i32
      %while3A_849 = arith.constant 1 : i32
      %while3A_850 = arith.divsi %while3A_847, %while3A_849 : i32
      %while3A_851 = arith.muli %while3A_850, %while3A_849 : i32
      %while3A_852 = arith.addi %while3A_846, %while3A_851 : i32
      %while3A_853 = arith.constant 1 : i32
      %while3A_854 = scf.for %while3A_1064 = %while3A_846 to %while3A_852 step %while3A_853 iter_args(%while3A_1065 = %broadcast_in_dim3A_845) -> (vector<16xi32>)  : i32 {
        %mul3A_1066 = arith.constant 16 : i32
        %mul3A_1067 = arith.muli %while3A_1064, %mul3A_1066 : i32
        %add3A_1068 = arith.addi %mul3A_836, %mul3A_1067 : i32
        %mul3A_1069 = arith.constant 16 : i32
        %mul3A_1070 = arith.muli %while3A_1064, %mul3A_1069 : i32
        %add3A_1071 = vector.broadcast %mul3A_1070 : i32 to vector<16xi32>
        %add3A_1072 = arith.addi %add3A_843, %add3A_1071 : vector<16xi32>
        %get3A_1073 = arith.index_cast %add3A_1068 : i32 to index
        %get3A_1074 = tpu.vector_load %arg7[%get3A_1073] {strides = array<i32>} : memref<4128xf32, #tpu.memory_space<vmem>>, vector<16xf32>,
        %sub3A_1075 = vector.broadcast %squeeze3A_806 : f32 to vector<16xf32>
        %sub3A_1076 = arith.subf %get3A_1074, %sub3A_1075 : vector<16xf32>
        %get3A_1077 = arith.index_cast %add3A_1068 : i32 to index
        %get3A_1078 = tpu.vector_load %arg8[%get3A_1077] {strides = array<i32>} : memref<4128xf32, #tpu.memory_space<vmem>>, vector<16xf32>,
        %sub3A_1079 = vector.broadcast %squeeze3A_808 : f32 to vector<16xf32>
        %sub3A_1080 = arith.subf %get3A_1078, %sub3A_1079 : vector<16xf32>
        %get3A_1081 = arith.index_cast %add3A_1068 : i32 to index
        %get3A_1082 = tpu.vector_load %arg9[%get3A_1081] {strides = array<i32>} : memref<4128xf32, #tpu.memory_space<vmem>>, vector<16xf32>,
        %sub3A_1083 = vector.broadcast %squeeze3A_810 : f32 to vector<16xf32>
        %sub3A_1084 = arith.subf %get3A_1082, %sub3A_1083 : vector<16xf32>
        %mul3A_1085 = arith.mulf %sub3A_1076, %sub3A_1076 : vector<16xf32>
        %mul3A_1086 = arith.mulf %sub3A_1080, %sub3A_1080 : vector<16xf32>
        %add3A_1087 = arith.addf %mul3A_1085, %mul3A_1086 : vector<16xf32>
        %mul3A_1088 = arith.mulf %sub3A_1084, %sub3A_1084 : vector<16xf32>
        %add3A_1089 = arith.addf %add3A_1087, %mul3A_1088 : vector<16xf32>
        %ge3A = vector.broadcast %squeeze3A_804 : i32 to vector<16xi32>
        %ge3A_1090 = arith.cmpi sge, %add3A_1072, %ge3A : vector<16xi32>
        %lt3A = vector.broadcast %add3A_802 : i32 to vector<16xi32>
        %lt3A_1091 = arith.cmpi slt, %add3A_1072, %lt3A : vector<16xi32>
        %and3A_1092 = arith.andi %ge3A_1090, %lt3A_1091 : vector<16xi1>
        %lt3A_1093 = arith.constant 2.500000e+01 : f32
        %lt3A_1094 = vector.broadcast %lt3A_1093 : f32 to vector<16xf32>
        %lt3A_1095 = arith.cmpf olt, %add3A_1089, %lt3A_1094 : vector<16xf32>
        %and3A_1096 = arith.andi %and3A_1092, %lt3A_1095 : vector<16xi1>
        %convert_element_type3A = arith.extui %and3A_1096 : vector<16xi1> to vector<16xi32>
        %add3A_1097 = arith.addi %while3A_1065, %convert_element_type3A : vector<16xi32>
        scf.yield %add3A_1097 : vector<16xi32>
      }
      %while3A_855 = arith.constant 1 : i32
      %while3A_856 = scf.for %while3A_1064 = %while3A_852 to %while3A_848 step %while3A_855 iter_args(%while3A_1065 = %while3A_854) -> (vector<16xi32>)  : i32 {
        %mul3A_1066 = arith.constant 16 : i32
        %mul3A_1067 = arith.muli %while3A_1064, %mul3A_1066 : i32
        %add3A_1068 = arith.addi %mul3A_836, %mul3A_1067 : i32
        %mul3A_1069 = arith.constant 16 : i32
        %mul3A_1070 = arith.muli %while3A_1064, %mul3A_1069 : i32
        %add3A_1071 = vector.broadcast %mul3A_1070 : i32 to vector<16xi32>
        %add3A_1072 = arith.addi %add3A_843, %add3A_1071 : vector<16xi32>
        %get3A_1073 = arith.index_cast %add3A_1068 : i32 to index
        %get3A_1074 = tpu.vector_load %arg7[%get3A_1073] {strides = array<i32>} : memref<4128xf32, #tpu.memory_space<vmem>>, vector<16xf32>,
        %sub3A_1075 = vector.broadcast %squeeze3A_806 : f32 to vector<16xf32>
        %sub3A_1076 = arith.subf %get3A_1074, %sub3A_1075 : vector<16xf32>
        %get3A_1077 = arith.index_cast %add3A_1068 : i32 to index
        %get3A_1078 = tpu.vector_load %arg8[%get3A_1077] {strides = array<i32>} : memref<4128xf32, #tpu.memory_space<vmem>>, vector<16xf32>,
        %sub3A_1079 = vector.broadcast %squeeze3A_808 : f32 to vector<16xf32>
        %sub3A_1080 = arith.subf %get3A_1078, %sub3A_1079 : vector<16xf32>
        %get3A_1081 = arith.index_cast %add3A_1068 : i32 to index
        %get3A_1082 = tpu.vector_load %arg9[%get3A_1081] {strides = array<i32>} : memref<4128xf32, #tpu.memory_space<vmem>>, vector<16xf32>,
        %sub3A_1083 = vector.broadcast %squeeze3A_810 : f32 to vector<16xf32>
        %sub3A_1084 = arith.subf %get3A_1082, %sub3A_1083 : vector<16xf32>
        %mul3A_1085 = arith.mulf %sub3A_1076, %sub3A_1076 : vector<16xf32>
        %mul3A_1086 = arith.mulf %sub3A_1080, %sub3A_1080 : vector<16xf32>
        %add3A_1087 = arith.addf %mul3A_1085, %mul3A_1086 : vector<16xf32>
        %mul3A_1088 = arith.mulf %sub3A_1084, %sub3A_1084 : vector<16xf32>
        %add3A_1089 = arith.addf %add3A_1087, %mul3A_1088 : vector<16xf32>
        %ge3A = vector.broadcast %squeeze3A_804 : i32 to vector<16xi32>
        %ge3A_1090 = arith.cmpi sge, %add3A_1072, %ge3A : vector<16xi32>
        %lt3A = vector.broadcast %add3A_802 : i32 to vector<16xi32>
        %lt3A_1091 = arith.cmpi slt, %add3A_1072, %lt3A : vector<16xi32>
        %and3A_1092 = arith.andi %ge3A_1090, %lt3A_1091 : vector<16xi1>
        %lt3A_1093 = arith.constant 2.500000e+01 : f32
        %lt3A_1094 = vector.broadcast %lt3A_1093 : f32 to vector<16xf32>
        %lt3A_1095 = arith.cmpf olt, %add3A_1089, %lt3A_1094 : vector<16xf32>
        %and3A_1096 = arith.andi %and3A_1092, %lt3A_1095 : vector<16xi1>
        %convert_element_type3A = arith.extui %and3A_1096 : vector<16xi1> to vector<16xi32>
        %add3A_1097 = arith.addi %while3A_1065, %convert_element_type3A : vector<16xi32>
        scf.yield %add3A_1097 : vector<16xi32>
      }
      %eq3A_857 = arith.constant 12 : i32
      %eq3A_858 = vector.broadcast %eq3A_857 : i32 to vector<16xi32>
      %eq3A_859 = arith.cmpi eq, %iota3A_10, %eq3A_858 : vector<16xi32>
      %reduce_sum3A_860 = arith.constant true
      %reduce_sum3A_861 = vector.broadcast %reduce_sum3A_860 : i1 to vector<16xi1>
      %reduce_sum3A_862 = tpu.scan <sum>, %while3A_856 masked %reduce_sum3A_861 : vector<16xi32>, vector<16xi1> -> vector<16xi32>
      %reduce_sum3A_863 = vector.extract %reduce_sum3A_862[15] : i32 from vector<16xi32>
      %broadcast_in_dim3A_864 = vector.broadcast %reduce_sum3A_863 : i32 to vector<16xi32>
      %select_n3A_865 = arith.select %eq3A_859, %broadcast_in_dim3A_864, %select_n3A_800 : vector<16xi1>, vector<16xi32>
      %add3A_866 = arith.constant 13 : i32
      %add3A_867 = arith.addi %mul3A_24, %add3A_866 : i32
      %slice3A_868 = vector.extract_strided_slice %gather3A {offsets = [13], sizes = [1], strides = [1]} : vector<16xi32> to vector<1xi32>
      %squeeze3A_869 = vector.extract %slice3A_868[0] : i32 from vector<1xi32>
      %slice3A_870 = vector.extract_strided_slice %get3A_27 {offsets = [13], sizes = [1], strides = [1]} : vector<16xf32> to vector<1xf32>
      %squeeze3A_871 = vector.extract %slice3A_870[0] : f32 from vector<1xf32>
      %slice3A_872 = vector.extract_strided_slice %get3A_29 {offsets = [13], sizes = [1], strides = [1]} : vector<16xf32> to vector<1xf32>
      %squeeze3A_873 = vector.extract %slice3A_872[0] : f32 from vector<1xf32>
      %slice3A_874 = vector.extract_strided_slice %get3A_31 {offsets = [13], sizes = [1], strides = [1]} : vector<16xf32> to vector<1xf32>
      %squeeze3A_875 = vector.extract %slice3A_874[0] : f32 from vector<1xf32>
      %jit3A_876 = arith.constant 16 : i32
      %div3A_877 = arith.divsi %squeeze3A_869, %jit3A_876 : i32
      %sign3A_878 = arith.constant 0 : i32
      %sign3A_879 = arith.cmpi sgt, %squeeze3A_869, %sign3A_878 : i32
      %sign3A_880 = arith.extui %sign3A_879 : i1 to i32
      %sign3A_881 = arith.constant 0 : i32
      %sign3A_882 = arith.cmpi slt, %squeeze3A_869, %sign3A_881 : i32
      %sign3A_883 = arith.extui %sign3A_882 : i1 to i32
      %sign3A_884 = arith.subi %sign3A_880, %sign3A_883 : i32
      %sign3A_885 = arith.constant 0 : i32
      %sign3A_886 = arith.cmpi sgt, %jit3A_876, %sign3A_885 : i32
      %sign3A_887 = arith.extui %sign3A_886 : i1 to i32
      %sign3A_888 = arith.constant 0 : i32
      %sign3A_889 = arith.cmpi slt, %jit3A_876, %sign3A_888 : i32
      %sign3A_890 = arith.extui %sign3A_889 : i1 to i32
      %sign3A_891 = arith.subi %sign3A_887, %sign3A_890 : i32
      %ne3A_892 = arith.cmpi ne, %sign3A_884, %sign3A_891 : i32
      %rem3A_893 = arith.remsi %squeeze3A_869, %jit3A_876 : i32
      %ne3A_894 = arith.constant 0 : i32
      %ne3A_895 = arith.cmpi ne, %rem3A_893, %ne3A_894 : i32
      %and3A_896 = arith.andi %ne3A_892, %ne3A_895 : i1
      %sub3A_897 = arith.constant 1 : i32
      %sub3A_898 = arith.subi %div3A_877, %sub3A_897 : i32
      %select_n3A_899 = arith.select %and3A_896, %sub3A_898, %div3A_877 : i32
      %mul3A_900 = arith.constant 16 : i32
      %mul3A_901 = arith.muli %select_n3A_899, %mul3A_900 : i32
      %sub3A_902 = arith.subi %add3A_867, %mul3A_901 : i32
      %add3A_903 = arith.constant 15 : i32
      %add3A_904 = arith.addi %sub3A_902, %add3A_903 : i32
      %div3A_905 = arith.constant 16 : i32
      %div3A_906 = arith.divsi %add3A_904, %div3A_905 : i32
      %add3A_907 = vector.broadcast %mul3A_901 : i32 to vector<16xi32>
      %add3A_908 = arith.addi %add3A_907, %iota3A_10 : vector<16xi32>
      %broadcast_in_dim3A_909 = arith.constant 0 : i32
      %broadcast_in_dim3A_910 = vector.broadcast %broadcast_in_dim3A_909 : i32 to vector<16xi32>
      %while3A_911 = arith.constant 0 : i32
      %while3A_912 = arith.subi %div3A_906, %while3A_911 : i32
      %while3A_913 = arith.addi %while3A_911, %while3A_912 : i32
      %while3A_914 = arith.constant 1 : i32
      %while3A_915 = arith.divsi %while3A_912, %while3A_914 : i32
      %while3A_916 = arith.muli %while3A_915, %while3A_914 : i32
      %while3A_917 = arith.addi %while3A_911, %while3A_916 : i32
      %while3A_918 = arith.constant 1 : i32
      %while3A_919 = scf.for %while3A_1064 = %while3A_911 to %while3A_917 step %while3A_918 iter_args(%while3A_1065 = %broadcast_in_dim3A_910) -> (vector<16xi32>)  : i32 {
        %mul3A_1066 = arith.constant 16 : i32
        %mul3A_1067 = arith.muli %while3A_1064, %mul3A_1066 : i32
        %add3A_1068 = arith.addi %mul3A_901, %mul3A_1067 : i32
        %mul3A_1069 = arith.constant 16 : i32
        %mul3A_1070 = arith.muli %while3A_1064, %mul3A_1069 : i32
        %add3A_1071 = vector.broadcast %mul3A_1070 : i32 to vector<16xi32>
        %add3A_1072 = arith.addi %add3A_908, %add3A_1071 : vector<16xi32>
        %get3A_1073 = arith.index_cast %add3A_1068 : i32 to index
        %get3A_1074 = tpu.vector_load %arg7[%get3A_1073] {strides = array<i32>} : memref<4128xf32, #tpu.memory_space<vmem>>, vector<16xf32>,
        %sub3A_1075 = vector.broadcast %squeeze3A_871 : f32 to vector<16xf32>
        %sub3A_1076 = arith.subf %get3A_1074, %sub3A_1075 : vector<16xf32>
        %get3A_1077 = arith.index_cast %add3A_1068 : i32 to index
        %get3A_1078 = tpu.vector_load %arg8[%get3A_1077] {strides = array<i32>} : memref<4128xf32, #tpu.memory_space<vmem>>, vector<16xf32>,
        %sub3A_1079 = vector.broadcast %squeeze3A_873 : f32 to vector<16xf32>
        %sub3A_1080 = arith.subf %get3A_1078, %sub3A_1079 : vector<16xf32>
        %get3A_1081 = arith.index_cast %add3A_1068 : i32 to index
        %get3A_1082 = tpu.vector_load %arg9[%get3A_1081] {strides = array<i32>} : memref<4128xf32, #tpu.memory_space<vmem>>, vector<16xf32>,
        %sub3A_1083 = vector.broadcast %squeeze3A_875 : f32 to vector<16xf32>
        %sub3A_1084 = arith.subf %get3A_1082, %sub3A_1083 : vector<16xf32>
        %mul3A_1085 = arith.mulf %sub3A_1076, %sub3A_1076 : vector<16xf32>
        %mul3A_1086 = arith.mulf %sub3A_1080, %sub3A_1080 : vector<16xf32>
        %add3A_1087 = arith.addf %mul3A_1085, %mul3A_1086 : vector<16xf32>
        %mul3A_1088 = arith.mulf %sub3A_1084, %sub3A_1084 : vector<16xf32>
        %add3A_1089 = arith.addf %add3A_1087, %mul3A_1088 : vector<16xf32>
        %ge3A = vector.broadcast %squeeze3A_869 : i32 to vector<16xi32>
        %ge3A_1090 = arith.cmpi sge, %add3A_1072, %ge3A : vector<16xi32>
        %lt3A = vector.broadcast %add3A_867 : i32 to vector<16xi32>
        %lt3A_1091 = arith.cmpi slt, %add3A_1072, %lt3A : vector<16xi32>
        %and3A_1092 = arith.andi %ge3A_1090, %lt3A_1091 : vector<16xi1>
        %lt3A_1093 = arith.constant 2.500000e+01 : f32
        %lt3A_1094 = vector.broadcast %lt3A_1093 : f32 to vector<16xf32>
        %lt3A_1095 = arith.cmpf olt, %add3A_1089, %lt3A_1094 : vector<16xf32>
        %and3A_1096 = arith.andi %and3A_1092, %lt3A_1095 : vector<16xi1>
        %convert_element_type3A = arith.extui %and3A_1096 : vector<16xi1> to vector<16xi32>
        %add3A_1097 = arith.addi %while3A_1065, %convert_element_type3A : vector<16xi32>
        scf.yield %add3A_1097 : vector<16xi32>
      }
      %while3A_920 = arith.constant 1 : i32
      %while3A_921 = scf.for %while3A_1064 = %while3A_917 to %while3A_913 step %while3A_920 iter_args(%while3A_1065 = %while3A_919) -> (vector<16xi32>)  : i32 {
        %mul3A_1066 = arith.constant 16 : i32
        %mul3A_1067 = arith.muli %while3A_1064, %mul3A_1066 : i32
        %add3A_1068 = arith.addi %mul3A_901, %mul3A_1067 : i32
        %mul3A_1069 = arith.constant 16 : i32
        %mul3A_1070 = arith.muli %while3A_1064, %mul3A_1069 : i32
        %add3A_1071 = vector.broadcast %mul3A_1070 : i32 to vector<16xi32>
        %add3A_1072 = arith.addi %add3A_908, %add3A_1071 : vector<16xi32>
        %get3A_1073 = arith.index_cast %add3A_1068 : i32 to index
        %get3A_1074 = tpu.vector_load %arg7[%get3A_1073] {strides = array<i32>} : memref<4128xf32, #tpu.memory_space<vmem>>, vector<16xf32>,
        %sub3A_1075 = vector.broadcast %squeeze3A_871 : f32 to vector<16xf32>
        %sub3A_1076 = arith.subf %get3A_1074, %sub3A_1075 : vector<16xf32>
        %get3A_1077 = arith.index_cast %add3A_1068 : i32 to index
        %get3A_1078 = tpu.vector_load %arg8[%get3A_1077] {strides = array<i32>} : memref<4128xf32, #tpu.memory_space<vmem>>, vector<16xf32>,
        %sub3A_1079 = vector.broadcast %squeeze3A_873 : f32 to vector<16xf32>
        %sub3A_1080 = arith.subf %get3A_1078, %sub3A_1079 : vector<16xf32>
        %get3A_1081 = arith.index_cast %add3A_1068 : i32 to index
        %get3A_1082 = tpu.vector_load %arg9[%get3A_1081] {strides = array<i32>} : memref<4128xf32, #tpu.memory_space<vmem>>, vector<16xf32>,
        %sub3A_1083 = vector.broadcast %squeeze3A_875 : f32 to vector<16xf32>
        %sub3A_1084 = arith.subf %get3A_1082, %sub3A_1083 : vector<16xf32>
        %mul3A_1085 = arith.mulf %sub3A_1076, %sub3A_1076 : vector<16xf32>
        %mul3A_1086 = arith.mulf %sub3A_1080, %sub3A_1080 : vector<16xf32>
        %add3A_1087 = arith.addf %mul3A_1085, %mul3A_1086 : vector<16xf32>
        %mul3A_1088 = arith.mulf %sub3A_1084, %sub3A_1084 : vector<16xf32>
        %add3A_1089 = arith.addf %add3A_1087, %mul3A_1088 : vector<16xf32>
        %ge3A = vector.broadcast %squeeze3A_869 : i32 to vector<16xi32>
        %ge3A_1090 = arith.cmpi sge, %add3A_1072, %ge3A : vector<16xi32>
        %lt3A = vector.broadcast %add3A_867 : i32 to vector<16xi32>
        %lt3A_1091 = arith.cmpi slt, %add3A_1072, %lt3A : vector<16xi32>
        %and3A_1092 = arith.andi %ge3A_1090, %lt3A_1091 : vector<16xi1>
        %lt3A_1093 = arith.constant 2.500000e+01 : f32
        %lt3A_1094 = vector.broadcast %lt3A_1093 : f32 to vector<16xf32>
        %lt3A_1095 = arith.cmpf olt, %add3A_1089, %lt3A_1094 : vector<16xf32>
        %and3A_1096 = arith.andi %and3A_1092, %lt3A_1095 : vector<16xi1>
        %convert_element_type3A = arith.extui %and3A_1096 : vector<16xi1> to vector<16xi32>
        %add3A_1097 = arith.addi %while3A_1065, %convert_element_type3A : vector<16xi32>
        scf.yield %add3A_1097 : vector<16xi32>
      }
      %eq3A_922 = arith.constant 13 : i32
      %eq3A_923 = vector.broadcast %eq3A_922 : i32 to vector<16xi32>
      %eq3A_924 = arith.cmpi eq, %iota3A_10, %eq3A_923 : vector<16xi32>
      %reduce_sum3A_925 = arith.constant true
      %reduce_sum3A_926 = vector.broadcast %reduce_sum3A_925 : i1 to vector<16xi1>
      %reduce_sum3A_927 = tpu.scan <sum>, %while3A_921 masked %reduce_sum3A_926 : vector<16xi32>, vector<16xi1> -> vector<16xi32>
      %reduce_sum3A_928 = vector.extract %reduce_sum3A_927[15] : i32 from vector<16xi32>
      %broadcast_in_dim3A_929 = vector.broadcast %reduce_sum3A_928 : i32 to vector<16xi32>
      %select_n3A_930 = arith.select %eq3A_924, %broadcast_in_dim3A_929, %select_n3A_865 : vector<16xi1>, vector<16xi32>
      %add3A_931 = arith.constant 14 : i32
      %add3A_932 = arith.addi %mul3A_24, %add3A_931 : i32
      %slice3A_933 = vector.extract_strided_slice %gather3A {offsets = [14], sizes = [1], strides = [1]} : vector<16xi32> to vector<1xi32>
      %squeeze3A_934 = vector.extract %slice3A_933[0] : i32 from vector<1xi32>
      %slice3A_935 = vector.extract_strided_slice %get3A_27 {offsets = [14], sizes = [1], strides = [1]} : vector<16xf32> to vector<1xf32>
      %squeeze3A_936 = vector.extract %slice3A_935[0] : f32 from vector<1xf32>
      %slice3A_937 = vector.extract_strided_slice %get3A_29 {offsets = [14], sizes = [1], strides = [1]} : vector<16xf32> to vector<1xf32>
      %squeeze3A_938 = vector.extract %slice3A_937[0] : f32 from vector<1xf32>
      %slice3A_939 = vector.extract_strided_slice %get3A_31 {offsets = [14], sizes = [1], strides = [1]} : vector<16xf32> to vector<1xf32>
      %squeeze3A_940 = vector.extract %slice3A_939[0] : f32 from vector<1xf32>
      %jit3A_941 = arith.constant 16 : i32
      %div3A_942 = arith.divsi %squeeze3A_934, %jit3A_941 : i32
      %sign3A_943 = arith.constant 0 : i32
      %sign3A_944 = arith.cmpi sgt, %squeeze3A_934, %sign3A_943 : i32
      %sign3A_945 = arith.extui %sign3A_944 : i1 to i32
      %sign3A_946 = arith.constant 0 : i32
      %sign3A_947 = arith.cmpi slt, %squeeze3A_934, %sign3A_946 : i32
      %sign3A_948 = arith.extui %sign3A_947 : i1 to i32
      %sign3A_949 = arith.subi %sign3A_945, %sign3A_948 : i32
      %sign3A_950 = arith.constant 0 : i32
      %sign3A_951 = arith.cmpi sgt, %jit3A_941, %sign3A_950 : i32
      %sign3A_952 = arith.extui %sign3A_951 : i1 to i32
      %sign3A_953 = arith.constant 0 : i32
      %sign3A_954 = arith.cmpi slt, %jit3A_941, %sign3A_953 : i32
      %sign3A_955 = arith.extui %sign3A_954 : i1 to i32
      %sign3A_956 = arith.subi %sign3A_952, %sign3A_955 : i32
      %ne3A_957 = arith.cmpi ne, %sign3A_949, %sign3A_956 : i32
      %rem3A_958 = arith.remsi %squeeze3A_934, %jit3A_941 : i32
      %ne3A_959 = arith.constant 0 : i32
      %ne3A_960 = arith.cmpi ne, %rem3A_958, %ne3A_959 : i32
      %and3A_961 = arith.andi %ne3A_957, %ne3A_960 : i1
      %sub3A_962 = arith.constant 1 : i32
      %sub3A_963 = arith.subi %div3A_942, %sub3A_962 : i32
      %select_n3A_964 = arith.select %and3A_961, %sub3A_963, %div3A_942 : i32
      %mul3A_965 = arith.constant 16 : i32
      %mul3A_966 = arith.muli %select_n3A_964, %mul3A_965 : i32
      %sub3A_967 = arith.subi %add3A_932, %mul3A_966 : i32
      %add3A_968 = arith.constant 15 : i32
      %add3A_969 = arith.addi %sub3A_967, %add3A_968 : i32
      %div3A_970 = arith.constant 16 : i32
      %div3A_971 = arith.divsi %add3A_969, %div3A_970 : i32
      %add3A_972 = vector.broadcast %mul3A_966 : i32 to vector<16xi32>
      %add3A_973 = arith.addi %add3A_972, %iota3A_10 : vector<16xi32>
      %broadcast_in_dim3A_974 = arith.constant 0 : i32
      %broadcast_in_dim3A_975 = vector.broadcast %broadcast_in_dim3A_974 : i32 to vector<16xi32>
      %while3A_976 = arith.constant 0 : i32
      %while3A_977 = arith.subi %div3A_971, %while3A_976 : i32
      %while3A_978 = arith.addi %while3A_976, %while3A_977 : i32
      %while3A_979 = arith.constant 1 : i32
      %while3A_980 = arith.divsi %while3A_977, %while3A_979 : i32
      %while3A_981 = arith.muli %while3A_980, %while3A_979 : i32
      %while3A_982 = arith.addi %while3A_976, %while3A_981 : i32
      %while3A_983 = arith.constant 1 : i32
      %while3A_984 = scf.for %while3A_1064 = %while3A_976 to %while3A_982 step %while3A_983 iter_args(%while3A_1065 = %broadcast_in_dim3A_975) -> (vector<16xi32>)  : i32 {
        %mul3A_1066 = arith.constant 16 : i32
        %mul3A_1067 = arith.muli %while3A_1064, %mul3A_1066 : i32
        %add3A_1068 = arith.addi %mul3A_966, %mul3A_1067 : i32
        %mul3A_1069 = arith.constant 16 : i32
        %mul3A_1070 = arith.muli %while3A_1064, %mul3A_1069 : i32
        %add3A_1071 = vector.broadcast %mul3A_1070 : i32 to vector<16xi32>
        %add3A_1072 = arith.addi %add3A_973, %add3A_1071 : vector<16xi32>
        %get3A_1073 = arith.index_cast %add3A_1068 : i32 to index
        %get3A_1074 = tpu.vector_load %arg7[%get3A_1073] {strides = array<i32>} : memref<4128xf32, #tpu.memory_space<vmem>>, vector<16xf32>,
        %sub3A_1075 = vector.broadcast %squeeze3A_936 : f32 to vector<16xf32>
        %sub3A_1076 = arith.subf %get3A_1074, %sub3A_1075 : vector<16xf32>
        %get3A_1077 = arith.index_cast %add3A_1068 : i32 to index
        %get3A_1078 = tpu.vector_load %arg8[%get3A_1077] {strides = array<i32>} : memref<4128xf32, #tpu.memory_space<vmem>>, vector<16xf32>,
        %sub3A_1079 = vector.broadcast %squeeze3A_938 : f32 to vector<16xf32>
        %sub3A_1080 = arith.subf %get3A_1078, %sub3A_1079 : vector<16xf32>
        %get3A_1081 = arith.index_cast %add3A_1068 : i32 to index
        %get3A_1082 = tpu.vector_load %arg9[%get3A_1081] {strides = array<i32>} : memref<4128xf32, #tpu.memory_space<vmem>>, vector<16xf32>,
        %sub3A_1083 = vector.broadcast %squeeze3A_940 : f32 to vector<16xf32>
        %sub3A_1084 = arith.subf %get3A_1082, %sub3A_1083 : vector<16xf32>
        %mul3A_1085 = arith.mulf %sub3A_1076, %sub3A_1076 : vector<16xf32>
        %mul3A_1086 = arith.mulf %sub3A_1080, %sub3A_1080 : vector<16xf32>
        %add3A_1087 = arith.addf %mul3A_1085, %mul3A_1086 : vector<16xf32>
        %mul3A_1088 = arith.mulf %sub3A_1084, %sub3A_1084 : vector<16xf32>
        %add3A_1089 = arith.addf %add3A_1087, %mul3A_1088 : vector<16xf32>
        %ge3A = vector.broadcast %squeeze3A_934 : i32 to vector<16xi32>
        %ge3A_1090 = arith.cmpi sge, %add3A_1072, %ge3A : vector<16xi32>
        %lt3A = vector.broadcast %add3A_932 : i32 to vector<16xi32>
        %lt3A_1091 = arith.cmpi slt, %add3A_1072, %lt3A : vector<16xi32>
        %and3A_1092 = arith.andi %ge3A_1090, %lt3A_1091 : vector<16xi1>
        %lt3A_1093 = arith.constant 2.500000e+01 : f32
        %lt3A_1094 = vector.broadcast %lt3A_1093 : f32 to vector<16xf32>
        %lt3A_1095 = arith.cmpf olt, %add3A_1089, %lt3A_1094 : vector<16xf32>
        %and3A_1096 = arith.andi %and3A_1092, %lt3A_1095 : vector<16xi1>
        %convert_element_type3A = arith.extui %and3A_1096 : vector<16xi1> to vector<16xi32>
        %add3A_1097 = arith.addi %while3A_1065, %convert_element_type3A : vector<16xi32>
        scf.yield %add3A_1097 : vector<16xi32>
      }
      %while3A_985 = arith.constant 1 : i32
      %while3A_986 = scf.for %while3A_1064 = %while3A_982 to %while3A_978 step %while3A_985 iter_args(%while3A_1065 = %while3A_984) -> (vector<16xi32>)  : i32 {
        %mul3A_1066 = arith.constant 16 : i32
        %mul3A_1067 = arith.muli %while3A_1064, %mul3A_1066 : i32
        %add3A_1068 = arith.addi %mul3A_966, %mul3A_1067 : i32
        %mul3A_1069 = arith.constant 16 : i32
        %mul3A_1070 = arith.muli %while3A_1064, %mul3A_1069 : i32
        %add3A_1071 = vector.broadcast %mul3A_1070 : i32 to vector<16xi32>
        %add3A_1072 = arith.addi %add3A_973, %add3A_1071 : vector<16xi32>
        %get3A_1073 = arith.index_cast %add3A_1068 : i32 to index
        %get3A_1074 = tpu.vector_load %arg7[%get3A_1073] {strides = array<i32>} : memref<4128xf32, #tpu.memory_space<vmem>>, vector<16xf32>,
        %sub3A_1075 = vector.broadcast %squeeze3A_936 : f32 to vector<16xf32>
        %sub3A_1076 = arith.subf %get3A_1074, %sub3A_1075 : vector<16xf32>
        %get3A_1077 = arith.index_cast %add3A_1068 : i32 to index
        %get3A_1078 = tpu.vector_load %arg8[%get3A_1077] {strides = array<i32>} : memref<4128xf32, #tpu.memory_space<vmem>>, vector<16xf32>,
        %sub3A_1079 = vector.broadcast %squeeze3A_938 : f32 to vector<16xf32>
        %sub3A_1080 = arith.subf %get3A_1078, %sub3A_1079 : vector<16xf32>
        %get3A_1081 = arith.index_cast %add3A_1068 : i32 to index
        %get3A_1082 = tpu.vector_load %arg9[%get3A_1081] {strides = array<i32>} : memref<4128xf32, #tpu.memory_space<vmem>>, vector<16xf32>,
        %sub3A_1083 = vector.broadcast %squeeze3A_940 : f32 to vector<16xf32>
        %sub3A_1084 = arith.subf %get3A_1082, %sub3A_1083 : vector<16xf32>
        %mul3A_1085 = arith.mulf %sub3A_1076, %sub3A_1076 : vector<16xf32>
        %mul3A_1086 = arith.mulf %sub3A_1080, %sub3A_1080 : vector<16xf32>
        %add3A_1087 = arith.addf %mul3A_1085, %mul3A_1086 : vector<16xf32>
        %mul3A_1088 = arith.mulf %sub3A_1084, %sub3A_1084 : vector<16xf32>
        %add3A_1089 = arith.addf %add3A_1087, %mul3A_1088 : vector<16xf32>
        %ge3A = vector.broadcast %squeeze3A_934 : i32 to vector<16xi32>
        %ge3A_1090 = arith.cmpi sge, %add3A_1072, %ge3A : vector<16xi32>
        %lt3A = vector.broadcast %add3A_932 : i32 to vector<16xi32>
        %lt3A_1091 = arith.cmpi slt, %add3A_1072, %lt3A : vector<16xi32>
        %and3A_1092 = arith.andi %ge3A_1090, %lt3A_1091 : vector<16xi1>
        %lt3A_1093 = arith.constant 2.500000e+01 : f32
        %lt3A_1094 = vector.broadcast %lt3A_1093 : f32 to vector<16xf32>
        %lt3A_1095 = arith.cmpf olt, %add3A_1089, %lt3A_1094 : vector<16xf32>
        %and3A_1096 = arith.andi %and3A_1092, %lt3A_1095 : vector<16xi1>
        %convert_element_type3A = arith.extui %and3A_1096 : vector<16xi1> to vector<16xi32>
        %add3A_1097 = arith.addi %while3A_1065, %convert_element_type3A : vector<16xi32>
        scf.yield %add3A_1097 : vector<16xi32>
      }
      %eq3A_987 = arith.constant 14 : i32
      %eq3A_988 = vector.broadcast %eq3A_987 : i32 to vector<16xi32>
      %eq3A_989 = arith.cmpi eq, %iota3A_10, %eq3A_988 : vector<16xi32>
      %reduce_sum3A_990 = arith.constant true
      %reduce_sum3A_991 = vector.broadcast %reduce_sum3A_990 : i1 to vector<16xi1>
      %reduce_sum3A_992 = tpu.scan <sum>, %while3A_986 masked %reduce_sum3A_991 : vector<16xi32>, vector<16xi1> -> vector<16xi32>
      %reduce_sum3A_993 = vector.extract %reduce_sum3A_992[15] : i32 from vector<16xi32>
      %broadcast_in_dim3A_994 = vector.broadcast %reduce_sum3A_993 : i32 to vector<16xi32>
      %select_n3A_995 = arith.select %eq3A_989, %broadcast_in_dim3A_994, %select_n3A_930 : vector<16xi1>, vector<16xi32>
      %add3A_996 = arith.constant 15 : i32
      %add3A_997 = arith.addi %mul3A_24, %add3A_996 : i32
      %slice3A_998 = vector.extract_strided_slice %gather3A {offsets = [15], sizes = [1], strides = [1]} : vector<16xi32> to vector<1xi32>
      %squeeze3A_999 = vector.extract %slice3A_998[0] : i32 from vector<1xi32>
      %slice3A_1000 = vector.extract_strided_slice %get3A_27 {offsets = [15], sizes = [1], strides = [1]} : vector<16xf32> to vector<1xf32>
      %squeeze3A_1001 = vector.extract %slice3A_1000[0] : f32 from vector<1xf32>
      %slice3A_1002 = vector.extract_strided_slice %get3A_29 {offsets = [15], sizes = [1], strides = [1]} : vector<16xf32> to vector<1xf32>
      %squeeze3A_1003 = vector.extract %slice3A_1002[0] : f32 from vector<1xf32>
      %slice3A_1004 = vector.extract_strided_slice %get3A_31 {offsets = [15], sizes = [1], strides = [1]} : vector<16xf32> to vector<1xf32>
      %squeeze3A_1005 = vector.extract %slice3A_1004[0] : f32 from vector<1xf32>
      %jit3A_1006 = arith.constant 16 : i32
      %div3A_1007 = arith.divsi %squeeze3A_999, %jit3A_1006 : i32
      %sign3A_1008 = arith.constant 0 : i32
      %sign3A_1009 = arith.cmpi sgt, %squeeze3A_999, %sign3A_1008 : i32
      %sign3A_1010 = arith.extui %sign3A_1009 : i1 to i32
      %sign3A_1011 = arith.constant 0 : i32
      %sign3A_1012 = arith.cmpi slt, %squeeze3A_999, %sign3A_1011 : i32
      %sign3A_1013 = arith.extui %sign3A_1012 : i1 to i32
      %sign3A_1014 = arith.subi %sign3A_1010, %sign3A_1013 : i32
      %sign3A_1015 = arith.constant 0 : i32
      %sign3A_1016 = arith.cmpi sgt, %jit3A_1006, %sign3A_1015 : i32
      %sign3A_1017 = arith.extui %sign3A_1016 : i1 to i32
      %sign3A_1018 = arith.constant 0 : i32
      %sign3A_1019 = arith.cmpi slt, %jit3A_1006, %sign3A_1018 : i32
      %sign3A_1020 = arith.extui %sign3A_1019 : i1 to i32
      %sign3A_1021 = arith.subi %sign3A_1017, %sign3A_1020 : i32
      %ne3A_1022 = arith.cmpi ne, %sign3A_1014, %sign3A_1021 : i32
      %rem3A_1023 = arith.remsi %squeeze3A_999, %jit3A_1006 : i32
      %ne3A_1024 = arith.constant 0 : i32
      %ne3A_1025 = arith.cmpi ne, %rem3A_1023, %ne3A_1024 : i32
      %and3A_1026 = arith.andi %ne3A_1022, %ne3A_1025 : i1
      %sub3A_1027 = arith.constant 1 : i32
      %sub3A_1028 = arith.subi %div3A_1007, %sub3A_1027 : i32
      %select_n3A_1029 = arith.select %and3A_1026, %sub3A_1028, %div3A_1007 : i32
      %mul3A_1030 = arith.constant 16 : i32
      %mul3A_1031 = arith.muli %select_n3A_1029, %mul3A_1030 : i32
      %sub3A_1032 = arith.subi %add3A_997, %mul3A_1031 : i32
      %add3A_1033 = arith.constant 15 : i32
      %add3A_1034 = arith.addi %sub3A_1032, %add3A_1033 : i32
      %div3A_1035 = arith.constant 16 : i32
      %div3A_1036 = arith.divsi %add3A_1034, %div3A_1035 : i32
      %add3A_1037 = vector.broadcast %mul3A_1031 : i32 to vector<16xi32>
      %add3A_1038 = arith.addi %add3A_1037, %iota3A_10 : vector<16xi32>
      %broadcast_in_dim3A_1039 = arith.constant 0 : i32
      %broadcast_in_dim3A_1040 = vector.broadcast %broadcast_in_dim3A_1039 : i32 to vector<16xi32>
      %while3A_1041 = arith.constant 0 : i32
      %while3A_1042 = arith.subi %div3A_1036, %while3A_1041 : i32
      %while3A_1043 = arith.addi %while3A_1041, %while3A_1042 : i32
      %while3A_1044 = arith.constant 1 : i32
      %while3A_1045 = arith.divsi %while3A_1042, %while3A_1044 : i32
      %while3A_1046 = arith.muli %while3A_1045, %while3A_1044 : i32
      %while3A_1047 = arith.addi %while3A_1041, %while3A_1046 : i32
      %while3A_1048 = arith.constant 1 : i32
      %while3A_1049 = scf.for %while3A_1064 = %while3A_1041 to %while3A_1047 step %while3A_1048 iter_args(%while3A_1065 = %broadcast_in_dim3A_1040) -> (vector<16xi32>)  : i32 {
        %mul3A_1066 = arith.constant 16 : i32
        %mul3A_1067 = arith.muli %while3A_1064, %mul3A_1066 : i32
        %add3A_1068 = arith.addi %mul3A_1031, %mul3A_1067 : i32
        %mul3A_1069 = arith.constant 16 : i32
        %mul3A_1070 = arith.muli %while3A_1064, %mul3A_1069 : i32
        %add3A_1071 = vector.broadcast %mul3A_1070 : i32 to vector<16xi32>
        %add3A_1072 = arith.addi %add3A_1038, %add3A_1071 : vector<16xi32>
        %get3A_1073 = arith.index_cast %add3A_1068 : i32 to index
        %get3A_1074 = tpu.vector_load %arg7[%get3A_1073] {strides = array<i32>} : memref<4128xf32, #tpu.memory_space<vmem>>, vector<16xf32>,
        %sub3A_1075 = vector.broadcast %squeeze3A_1001 : f32 to vector<16xf32>
        %sub3A_1076 = arith.subf %get3A_1074, %sub3A_1075 : vector<16xf32>
        %get3A_1077 = arith.index_cast %add3A_1068 : i32 to index
        %get3A_1078 = tpu.vector_load %arg8[%get3A_1077] {strides = array<i32>} : memref<4128xf32, #tpu.memory_space<vmem>>, vector<16xf32>,
        %sub3A_1079 = vector.broadcast %squeeze3A_1003 : f32 to vector<16xf32>
        %sub3A_1080 = arith.subf %get3A_1078, %sub3A_1079 : vector<16xf32>
        %get3A_1081 = arith.index_cast %add3A_1068 : i32 to index
        %get3A_1082 = tpu.vector_load %arg9[%get3A_1081] {strides = array<i32>} : memref<4128xf32, #tpu.memory_space<vmem>>, vector<16xf32>,
        %sub3A_1083 = vector.broadcast %squeeze3A_1005 : f32 to vector<16xf32>
        %sub3A_1084 = arith.subf %get3A_1082, %sub3A_1083 : vector<16xf32>
        %mul3A_1085 = arith.mulf %sub3A_1076, %sub3A_1076 : vector<16xf32>
        %mul3A_1086 = arith.mulf %sub3A_1080, %sub3A_1080 : vector<16xf32>
        %add3A_1087 = arith.addf %mul3A_1085, %mul3A_1086 : vector<16xf32>
        %mul3A_1088 = arith.mulf %sub3A_1084, %sub3A_1084 : vector<16xf32>
        %add3A_1089 = arith.addf %add3A_1087, %mul3A_1088 : vector<16xf32>
        %ge3A = vector.broadcast %squeeze3A_999 : i32 to vector<16xi32>
        %ge3A_1090 = arith.cmpi sge, %add3A_1072, %ge3A : vector<16xi32>
        %lt3A = vector.broadcast %add3A_997 : i32 to vector<16xi32>
        %lt3A_1091 = arith.cmpi slt, %add3A_1072, %lt3A : vector<16xi32>
        %and3A_1092 = arith.andi %ge3A_1090, %lt3A_1091 : vector<16xi1>
        %lt3A_1093 = arith.constant 2.500000e+01 : f32
        %lt3A_1094 = vector.broadcast %lt3A_1093 : f32 to vector<16xf32>
        %lt3A_1095 = arith.cmpf olt, %add3A_1089, %lt3A_1094 : vector<16xf32>
        %and3A_1096 = arith.andi %and3A_1092, %lt3A_1095 : vector<16xi1>
        %convert_element_type3A = arith.extui %and3A_1096 : vector<16xi1> to vector<16xi32>
        %add3A_1097 = arith.addi %while3A_1065, %convert_element_type3A : vector<16xi32>
        scf.yield %add3A_1097 : vector<16xi32>
      }
      %while3A_1050 = arith.constant 1 : i32
      %while3A_1051 = scf.for %while3A_1064 = %while3A_1047 to %while3A_1043 step %while3A_1050 iter_args(%while3A_1065 = %while3A_1049) -> (vector<16xi32>)  : i32 {
        %mul3A_1066 = arith.constant 16 : i32
        %mul3A_1067 = arith.muli %while3A_1064, %mul3A_1066 : i32
        %add3A_1068 = arith.addi %mul3A_1031, %mul3A_1067 : i32
        %mul3A_1069 = arith.constant 16 : i32
        %mul3A_1070 = arith.muli %while3A_1064, %mul3A_1069 : i32
        %add3A_1071 = vector.broadcast %mul3A_1070 : i32 to vector<16xi32>
        %add3A_1072 = arith.addi %add3A_1038, %add3A_1071 : vector<16xi32>
        %get3A_1073 = arith.index_cast %add3A_1068 : i32 to index
        %get3A_1074 = tpu.vector_load %arg7[%get3A_1073] {strides = array<i32>} : memref<4128xf32, #tpu.memory_space<vmem>>, vector<16xf32>,
        %sub3A_1075 = vector.broadcast %squeeze3A_1001 : f32 to vector<16xf32>
        %sub3A_1076 = arith.subf %get3A_1074, %sub3A_1075 : vector<16xf32>
        %get3A_1077 = arith.index_cast %add3A_1068 : i32 to index
        %get3A_1078 = tpu.vector_load %arg8[%get3A_1077] {strides = array<i32>} : memref<4128xf32, #tpu.memory_space<vmem>>, vector<16xf32>,
        %sub3A_1079 = vector.broadcast %squeeze3A_1003 : f32 to vector<16xf32>
        %sub3A_1080 = arith.subf %get3A_1078, %sub3A_1079 : vector<16xf32>
        %get3A_1081 = arith.index_cast %add3A_1068 : i32 to index
        %get3A_1082 = tpu.vector_load %arg9[%get3A_1081] {strides = array<i32>} : memref<4128xf32, #tpu.memory_space<vmem>>, vector<16xf32>,
        %sub3A_1083 = vector.broadcast %squeeze3A_1005 : f32 to vector<16xf32>
        %sub3A_1084 = arith.subf %get3A_1082, %sub3A_1083 : vector<16xf32>
        %mul3A_1085 = arith.mulf %sub3A_1076, %sub3A_1076 : vector<16xf32>
        %mul3A_1086 = arith.mulf %sub3A_1080, %sub3A_1080 : vector<16xf32>
        %add3A_1087 = arith.addf %mul3A_1085, %mul3A_1086 : vector<16xf32>
        %mul3A_1088 = arith.mulf %sub3A_1084, %sub3A_1084 : vector<16xf32>
        %add3A_1089 = arith.addf %add3A_1087, %mul3A_1088 : vector<16xf32>
        %ge3A = vector.broadcast %squeeze3A_999 : i32 to vector<16xi32>
        %ge3A_1090 = arith.cmpi sge, %add3A_1072, %ge3A : vector<16xi32>
        %lt3A = vector.broadcast %add3A_997 : i32 to vector<16xi32>
        %lt3A_1091 = arith.cmpi slt, %add3A_1072, %lt3A : vector<16xi32>
        %and3A_1092 = arith.andi %ge3A_1090, %lt3A_1091 : vector<16xi1>
        %lt3A_1093 = arith.constant 2.500000e+01 : f32
        %lt3A_1094 = vector.broadcast %lt3A_1093 : f32 to vector<16xf32>
        %lt3A_1095 = arith.cmpf olt, %add3A_1089, %lt3A_1094 : vector<16xf32>
        %and3A_1096 = arith.andi %and3A_1092, %lt3A_1095 : vector<16xi1>
        %convert_element_type3A = arith.extui %and3A_1096 : vector<16xi1> to vector<16xi32>
        %add3A_1097 = arith.addi %while3A_1065, %convert_element_type3A : vector<16xi32>
        scf.yield %add3A_1097 : vector<16xi32>
      }
      %eq3A_1052 = arith.constant 15 : i32
      %eq3A_1053 = vector.broadcast %eq3A_1052 : i32 to vector<16xi32>
      %eq3A_1054 = arith.cmpi eq, %iota3A_10, %eq3A_1053 : vector<16xi32>
      %reduce_sum3A_1055 = arith.constant true
      %reduce_sum3A_1056 = vector.broadcast %reduce_sum3A_1055 : i1 to vector<16xi1>
      %reduce_sum3A_1057 = tpu.scan <sum>, %while3A_1051 masked %reduce_sum3A_1056 : vector<16xi32>, vector<16xi1> -> vector<16xi32>
      %reduce_sum3A_1058 = vector.extract %reduce_sum3A_1057[15] : i32 from vector<16xi32>
      %broadcast_in_dim3A_1059 = vector.broadcast %reduce_sum3A_1058 : i32 to vector<16xi32>
      %select_n3A_1060 = arith.select %eq3A_1054, %broadcast_in_dim3A_1059, %select_n3A_995 : vector<16xi1>, vector<16xi32>
      %swap3A_1061 = arith.constant 0 : index
      %swap3A_1062 = tpu.vector_load %arg12[%swap3A_1061] {strides = array<i32>} : memref<16xi32, #tpu.memory_space<vmem>>, vector<16xi32>,
      tpu.vector_store %arg12[%swap3A_1061], %select_n3A_1060 {strides = array<i32>} : memref<16xi32, #tpu.memory_space<vmem>>, vector<16xi32>,
      "tpu.region"() ({
        %run_scoped3A = tpu.sem_alloc : memref<!tpu.dma_semaphore, #tpu.memory_space<semaphore_mem>>
        %dma_start3A = tpu.memref_slice %arg6[%mul3A_24] : memref<4096xi32, #tpu.memory_space<hbm>> -> memref<16xi32, #tpu.memory_space<hbm>>
        %dma_start3A_1064 = tpu.memref_slice %arg6[%mul3A_24] : memref<4096xi32, #tpu.memory_space<hbm>> -> memref<16xi32, #tpu.memory_space<hbm>>
        tpu.enqueue_dma source(%arg12 : memref<16xi32, #tpu.memory_space<vmem>>) target(%dma_start3A_1064 : memref<16xi32, #tpu.memory_space<hbm>>) target_semaphore(%run_scoped3A : memref<!tpu.dma_semaphore, #tpu.memory_space<semaphore_mem>>)
        %dma_wait3A = tpu.memref_slice %arg6[%mul3A_24] : memref<4096xi32, #tpu.memory_space<hbm>> -> memref<16xi32, #tpu.memory_space<hbm>>
        %dma_wait3A_1065 = tpu.memref_slice %arg6[%mul3A_24] : memref<4096xi32, #tpu.memory_space<hbm>> -> memref<16xi32, #tpu.memory_space<hbm>>
        tpu.wait_dma2 semaphore(%run_scoped3A : memref<!tpu.dma_semaphore, #tpu.memory_space<semaphore_mem>>) src(%arg12 : memref<16xi32, #tpu.memory_space<vmem>>) dst(%dma_wait3A_1065 : memref<16xi32, #tpu.memory_space<hbm>>)
        tpu.yield
      }) : () -> ()
      %scan3A_1063 = arith.constant 0 : i32
      scf.yield %scan3A_1063 : i32
    }
    %scan3A_17 = arith.constant 8 : i32
    return
  }
}

module attributes {stable_mosaic.version = 14 : i64} {
  func.func @_scan_body(%arg0: memref<32x128xi32, #tpu.memory_space<vmem>>, %arg1: memref<32x128xi32, #tpu.memory_space<vmem>>, %arg2: memref<32x128xi32, #tpu.memory_space<vmem>>, %arg3: memref<32x128xi32, #tpu.memory_space<vmem>>) attributes {dimension_semantics = [], scalar_prefetch = 0 : i64, scratch_operands = 0 : i64, tpu.core_type = #tpu.core_type<tc>} {
    %get3A = arith.constant 0 : index
    %get3A_0 = arith.constant 0 : index
    %get3A_1 = vector.load %arg0[%get3A, %get3A_0] : memref<32x128xi32, #tpu.memory_space<vmem>>, vector<32x128xi32>
    %broadcast_in_dim3A = arith.constant 0 : i32
    %broadcast_in_dim3A_2 = vector.broadcast %broadcast_in_dim3A : i32 to vector<32x1xi32>
    %slice3A = vector.extract_strided_slice %get3A_1 {offsets = [0, 0], sizes = [32, 127], strides = [1, 1]} : vector<32x128xi32> to vector<32x127xi32>
    %concatenate3A = tpu.concatenate %broadcast_in_dim3A_2, %slice3A in 1 : vector<32x1xi32>, vector<32x127xi32> -> vector<32x128xi32>
    %add3A = arith.addi %get3A_1, %concatenate3A : vector<32x128xi32>
    %broadcast_in_dim3A_3 = arith.constant 0 : i32
    %broadcast_in_dim3A_4 = vector.broadcast %broadcast_in_dim3A_3 : i32 to vector<32x2xi32>
    %slice3A_5 = vector.extract_strided_slice %add3A {offsets = [0, 0], sizes = [32, 126], strides = [1, 1]} : vector<32x128xi32> to vector<32x126xi32>
    %concatenate3A_6 = tpu.concatenate %broadcast_in_dim3A_4, %slice3A_5 in 1 : vector<32x2xi32>, vector<32x126xi32> -> vector<32x128xi32>
    %add3A_7 = arith.addi %add3A, %concatenate3A_6 : vector<32x128xi32>
    %broadcast_in_dim3A_8 = arith.constant 0 : i32
    %broadcast_in_dim3A_9 = vector.broadcast %broadcast_in_dim3A_8 : i32 to vector<32x4xi32>
    %slice3A_10 = vector.extract_strided_slice %add3A_7 {offsets = [0, 0], sizes = [32, 124], strides = [1, 1]} : vector<32x128xi32> to vector<32x124xi32>
    %concatenate3A_11 = tpu.concatenate %broadcast_in_dim3A_9, %slice3A_10 in 1 : vector<32x4xi32>, vector<32x124xi32> -> vector<32x128xi32>
    %add3A_12 = arith.addi %add3A_7, %concatenate3A_11 : vector<32x128xi32>
    %broadcast_in_dim3A_13 = arith.constant 0 : i32
    %broadcast_in_dim3A_14 = vector.broadcast %broadcast_in_dim3A_13 : i32 to vector<32x8xi32>
    %slice3A_15 = vector.extract_strided_slice %add3A_12 {offsets = [0, 0], sizes = [32, 120], strides = [1, 1]} : vector<32x128xi32> to vector<32x120xi32>
    %concatenate3A_16 = tpu.concatenate %broadcast_in_dim3A_14, %slice3A_15 in 1 : vector<32x8xi32>, vector<32x120xi32> -> vector<32x128xi32>
    %add3A_17 = arith.addi %add3A_12, %concatenate3A_16 : vector<32x128xi32>
    %broadcast_in_dim3A_18 = arith.constant 0 : i32
    %broadcast_in_dim3A_19 = vector.broadcast %broadcast_in_dim3A_18 : i32 to vector<32x16xi32>
    %slice3A_20 = vector.extract_strided_slice %add3A_17 {offsets = [0, 0], sizes = [32, 112], strides = [1, 1]} : vector<32x128xi32> to vector<32x112xi32>
    %concatenate3A_21 = tpu.concatenate %broadcast_in_dim3A_19, %slice3A_20 in 1 : vector<32x16xi32>, vector<32x112xi32> -> vector<32x128xi32>
    %add3A_22 = arith.addi %add3A_17, %concatenate3A_21 : vector<32x128xi32>
    %broadcast_in_dim3A_23 = arith.constant 0 : i32
    %broadcast_in_dim3A_24 = vector.broadcast %broadcast_in_dim3A_23 : i32 to vector<32x32xi32>
    %slice3A_25 = vector.extract_strided_slice %add3A_22 {offsets = [0, 0], sizes = [32, 96], strides = [1, 1]} : vector<32x128xi32> to vector<32x96xi32>
    %concatenate3A_26 = tpu.concatenate %broadcast_in_dim3A_24, %slice3A_25 in 1 : vector<32x32xi32>, vector<32x96xi32> -> vector<32x128xi32>
    %add3A_27 = arith.addi %add3A_22, %concatenate3A_26 : vector<32x128xi32>
    %broadcast_in_dim3A_28 = arith.constant 0 : i32
    %broadcast_in_dim3A_29 = vector.broadcast %broadcast_in_dim3A_28 : i32 to vector<32x64xi32>
    %slice3A_30 = vector.extract_strided_slice %add3A_27 {offsets = [0, 0], sizes = [32, 64], strides = [1, 1]} : vector<32x128xi32> to vector<32x64xi32>
    %concatenate3A_31 = tpu.concatenate %broadcast_in_dim3A_29, %slice3A_30 in 1 : vector<32x64xi32>, vector<32x64xi32> -> vector<32x128xi32>
    %add3A_32 = arith.addi %add3A_27, %concatenate3A_31 : vector<32x128xi32>
    %slice3A_33 = vector.extract_strided_slice %add3A_32 {offsets = [0, 127], sizes = [32, 1], strides = [1, 1]} : vector<32x128xi32> to vector<32x1xi32>
    %broadcast_in_dim3A_34 = arith.constant 0 : i32
    %broadcast_in_dim3A_35 = vector.broadcast %broadcast_in_dim3A_34 : i32 to vector<1x1xi32>
    %slice3A_36 = vector.extract_strided_slice %slice3A_33 {offsets = [0, 0], sizes = [31, 1], strides = [1, 1]} : vector<32x1xi32> to vector<31x1xi32>
    %concatenate3A_37 = tpu.concatenate %broadcast_in_dim3A_35, %slice3A_36 in 0 : vector<1x1xi32>, vector<31x1xi32> -> vector<32x1xi32>
    %add3A_38 = arith.addi %slice3A_33, %concatenate3A_37 : vector<32x1xi32>
    %broadcast_in_dim3A_39 = arith.constant 0 : i32
    %broadcast_in_dim3A_40 = vector.broadcast %broadcast_in_dim3A_39 : i32 to vector<2x1xi32>
    %slice3A_41 = vector.extract_strided_slice %add3A_38 {offsets = [0, 0], sizes = [30, 1], strides = [1, 1]} : vector<32x1xi32> to vector<30x1xi32>
    %concatenate3A_42 = tpu.concatenate %broadcast_in_dim3A_40, %slice3A_41 in 0 : vector<2x1xi32>, vector<30x1xi32> -> vector<32x1xi32>
    %add3A_43 = arith.addi %add3A_38, %concatenate3A_42 : vector<32x1xi32>
    %broadcast_in_dim3A_44 = arith.constant 0 : i32
    %broadcast_in_dim3A_45 = vector.broadcast %broadcast_in_dim3A_44 : i32 to vector<4x1xi32>
    %slice3A_46 = vector.extract_strided_slice %add3A_43 {offsets = [0, 0], sizes = [28, 1], strides = [1, 1]} : vector<32x1xi32> to vector<28x1xi32>
    %concatenate3A_47 = tpu.concatenate %broadcast_in_dim3A_45, %slice3A_46 in 0 : vector<4x1xi32>, vector<28x1xi32> -> vector<32x1xi32>
    %add3A_48 = arith.addi %add3A_43, %concatenate3A_47 : vector<32x1xi32>
    %broadcast_in_dim3A_49 = arith.constant 0 : i32
    %broadcast_in_dim3A_50 = vector.broadcast %broadcast_in_dim3A_49 : i32 to vector<8x1xi32>
    %slice3A_51 = vector.extract_strided_slice %add3A_48 {offsets = [0, 0], sizes = [24, 1], strides = [1, 1]} : vector<32x1xi32> to vector<24x1xi32>
    %concatenate3A_52 = tpu.concatenate %broadcast_in_dim3A_50, %slice3A_51 in 0 : vector<8x1xi32>, vector<24x1xi32> -> vector<32x1xi32>
    %add3A_53 = arith.addi %add3A_48, %concatenate3A_52 : vector<32x1xi32>
    %broadcast_in_dim3A_54 = arith.constant 0 : i32
    %broadcast_in_dim3A_55 = vector.broadcast %broadcast_in_dim3A_54 : i32 to vector<16x1xi32>
    %slice3A_56 = vector.extract_strided_slice %add3A_53 {offsets = [0, 0], sizes = [16, 1], strides = [1, 1]} : vector<32x1xi32> to vector<16x1xi32>
    %concatenate3A_57 = tpu.concatenate %broadcast_in_dim3A_55, %slice3A_56 in 0 : vector<16x1xi32>, vector<16x1xi32> -> vector<32x1xi32>
    %add3A_58 = arith.addi %add3A_53, %concatenate3A_57 : vector<32x1xi32>
    %sub3A = arith.subi %add3A_32, %get3A_1 : vector<32x128xi32>
    %sub3A_59 = arith.subi %add3A_58, %slice3A_33 : vector<32x1xi32>
    %add3A_60 = vector.broadcast %sub3A_59 : vector<32x1xi32> to vector<32x128xi32>
    %add3A_61 = arith.addi %sub3A, %add3A_60 : vector<32x128xi32>
    %swap3A = arith.constant 0 : index
    %swap3A_62 = arith.constant 0 : index
    %swap3A_63 = vector.load %arg2[%swap3A, %swap3A_62] : memref<32x128xi32, #tpu.memory_space<vmem>>, vector<32x128xi32>
    tpu.vector_store %arg2[%swap3A, %swap3A_62], %add3A_61 {strides = array<i32>} : memref<32x128xi32, #tpu.memory_space<vmem>>, vector<32x128xi32>,
    %get3A_64 = arith.constant 0 : index
    %get3A_65 = arith.constant 0 : index
    %get3A_66 = vector.load %arg1[%get3A_64, %get3A_65] : memref<32x128xi32, #tpu.memory_space<vmem>>, vector<32x128xi32>
    %broadcast_in_dim3A_67 = arith.constant -1 : i32
    %broadcast_in_dim3A_68 = vector.broadcast %broadcast_in_dim3A_67 : i32 to vector<1x1xi32>
    %slice3A_69 = vector.extract_strided_slice %get3A_66 {offsets = [0, 127], sizes = [31, 1], strides = [1, 1]} : vector<32x128xi32> to vector<31x1xi32>
    %concatenate3A_70 = tpu.concatenate %broadcast_in_dim3A_68, %slice3A_69 in 0 : vector<1x1xi32>, vector<31x1xi32> -> vector<32x1xi32>
    %slice3A_71 = vector.extract_strided_slice %get3A_66 {offsets = [0, 0], sizes = [32, 127], strides = [1, 1]} : vector<32x128xi32> to vector<32x127xi32>
    %concatenate3A_72 = tpu.concatenate %concatenate3A_70, %slice3A_71 in 1 : vector<32x1xi32>, vector<32x127xi32> -> vector<32x128xi32>
    %iota3A = tpu.iota {dimensions = array<i32: 0>} : vector<32x128xi32>
    %iota3A_73 = tpu.iota {dimensions = array<i32: 1>} : vector<32x128xi32>
    %ne3A = arith.cmpi ne, %get3A_66, %concatenate3A_72 : vector<32x128xi32>
    %mul3A = arith.constant 128 : i32
    %mul3A_74 = vector.broadcast %mul3A : i32 to vector<32x128xi32>
    %mul3A_75 = arith.muli %iota3A, %mul3A_74 : vector<32x128xi32>
    %add3A_76 = arith.addi %mul3A_75, %iota3A_73 : vector<32x128xi32>
    %jit3A = arith.constant 0 : i32
    %broadcast_in_dim3A_77 = vector.broadcast %jit3A : i32 to vector<32x128xi32>
    %select_n3A = arith.select %ne3A, %add3A_76, %broadcast_in_dim3A_77 : vector<32x128xi1>, vector<32x128xi32>
    %broadcast_in_dim3A_78 = arith.constant 0 : i32
    %broadcast_in_dim3A_79 = vector.broadcast %broadcast_in_dim3A_78 : i32 to vector<32x1xi32>
    %slice3A_80 = vector.extract_strided_slice %select_n3A {offsets = [0, 0], sizes = [32, 127], strides = [1, 1]} : vector<32x128xi32> to vector<32x127xi32>
    %concatenate3A_81 = tpu.concatenate %broadcast_in_dim3A_79, %slice3A_80 in 1 : vector<32x1xi32>, vector<32x127xi32> -> vector<32x128xi32>
    %max3A = arith.maxsi %select_n3A, %concatenate3A_81 : vector<32x128xi32>
    %broadcast_in_dim3A_82 = arith.constant 0 : i32
    %broadcast_in_dim3A_83 = vector.broadcast %broadcast_in_dim3A_82 : i32 to vector<32x2xi32>
    %slice3A_84 = vector.extract_strided_slice %max3A {offsets = [0, 0], sizes = [32, 126], strides = [1, 1]} : vector<32x128xi32> to vector<32x126xi32>
    %concatenate3A_85 = tpu.concatenate %broadcast_in_dim3A_83, %slice3A_84 in 1 : vector<32x2xi32>, vector<32x126xi32> -> vector<32x128xi32>
    %max3A_86 = arith.maxsi %max3A, %concatenate3A_85 : vector<32x128xi32>
    %broadcast_in_dim3A_87 = arith.constant 0 : i32
    %broadcast_in_dim3A_88 = vector.broadcast %broadcast_in_dim3A_87 : i32 to vector<32x4xi32>
    %slice3A_89 = vector.extract_strided_slice %max3A_86 {offsets = [0, 0], sizes = [32, 124], strides = [1, 1]} : vector<32x128xi32> to vector<32x124xi32>
    %concatenate3A_90 = tpu.concatenate %broadcast_in_dim3A_88, %slice3A_89 in 1 : vector<32x4xi32>, vector<32x124xi32> -> vector<32x128xi32>
    %max3A_91 = arith.maxsi %max3A_86, %concatenate3A_90 : vector<32x128xi32>
    %broadcast_in_dim3A_92 = arith.constant 0 : i32
    %broadcast_in_dim3A_93 = vector.broadcast %broadcast_in_dim3A_92 : i32 to vector<32x8xi32>
    %slice3A_94 = vector.extract_strided_slice %max3A_91 {offsets = [0, 0], sizes = [32, 120], strides = [1, 1]} : vector<32x128xi32> to vector<32x120xi32>
    %concatenate3A_95 = tpu.concatenate %broadcast_in_dim3A_93, %slice3A_94 in 1 : vector<32x8xi32>, vector<32x120xi32> -> vector<32x128xi32>
    %max3A_96 = arith.maxsi %max3A_91, %concatenate3A_95 : vector<32x128xi32>
    %broadcast_in_dim3A_97 = arith.constant 0 : i32
    %broadcast_in_dim3A_98 = vector.broadcast %broadcast_in_dim3A_97 : i32 to vector<32x16xi32>
    %slice3A_99 = vector.extract_strided_slice %max3A_96 {offsets = [0, 0], sizes = [32, 112], strides = [1, 1]} : vector<32x128xi32> to vector<32x112xi32>
    %concatenate3A_100 = tpu.concatenate %broadcast_in_dim3A_98, %slice3A_99 in 1 : vector<32x16xi32>, vector<32x112xi32> -> vector<32x128xi32>
    %max3A_101 = arith.maxsi %max3A_96, %concatenate3A_100 : vector<32x128xi32>
    %broadcast_in_dim3A_102 = arith.constant 0 : i32
    %broadcast_in_dim3A_103 = vector.broadcast %broadcast_in_dim3A_102 : i32 to vector<32x32xi32>
    %slice3A_104 = vector.extract_strided_slice %max3A_101 {offsets = [0, 0], sizes = [32, 96], strides = [1, 1]} : vector<32x128xi32> to vector<32x96xi32>
    %concatenate3A_105 = tpu.concatenate %broadcast_in_dim3A_103, %slice3A_104 in 1 : vector<32x32xi32>, vector<32x96xi32> -> vector<32x128xi32>
    %max3A_106 = arith.maxsi %max3A_101, %concatenate3A_105 : vector<32x128xi32>
    %broadcast_in_dim3A_107 = arith.constant 0 : i32
    %broadcast_in_dim3A_108 = vector.broadcast %broadcast_in_dim3A_107 : i32 to vector<32x64xi32>
    %slice3A_109 = vector.extract_strided_slice %max3A_106 {offsets = [0, 0], sizes = [32, 64], strides = [1, 1]} : vector<32x128xi32> to vector<32x64xi32>
    %concatenate3A_110 = tpu.concatenate %broadcast_in_dim3A_108, %slice3A_109 in 1 : vector<32x64xi32>, vector<32x64xi32> -> vector<32x128xi32>
    %max3A_111 = arith.maxsi %max3A_106, %concatenate3A_110 : vector<32x128xi32>
    %broadcast_in_dim3A_112 = arith.constant 0 : i32
    %broadcast_in_dim3A_113 = vector.broadcast %broadcast_in_dim3A_112 : i32 to vector<1x1xi32>
    %slice3A_114 = vector.extract_strided_slice %max3A_111 {offsets = [0, 127], sizes = [31, 1], strides = [1, 1]} : vector<32x128xi32> to vector<31x1xi32>
    %concatenate3A_115 = tpu.concatenate %broadcast_in_dim3A_113, %slice3A_114 in 0 : vector<1x1xi32>, vector<31x1xi32> -> vector<32x1xi32>
    %broadcast_in_dim3A_116 = arith.constant 0 : i32
    %broadcast_in_dim3A_117 = vector.broadcast %broadcast_in_dim3A_116 : i32 to vector<1x1xi32>
    %slice3A_118 = vector.extract_strided_slice %concatenate3A_115 {offsets = [0, 0], sizes = [31, 1], strides = [1, 1]} : vector<32x1xi32> to vector<31x1xi32>
    %concatenate3A_119 = tpu.concatenate %broadcast_in_dim3A_117, %slice3A_118 in 0 : vector<1x1xi32>, vector<31x1xi32> -> vector<32x1xi32>
    %max3A_120 = arith.maxsi %concatenate3A_115, %concatenate3A_119 : vector<32x1xi32>
    %broadcast_in_dim3A_121 = arith.constant 0 : i32
    %broadcast_in_dim3A_122 = vector.broadcast %broadcast_in_dim3A_121 : i32 to vector<2x1xi32>
    %slice3A_123 = vector.extract_strided_slice %max3A_120 {offsets = [0, 0], sizes = [30, 1], strides = [1, 1]} : vector<32x1xi32> to vector<30x1xi32>
    %concatenate3A_124 = tpu.concatenate %broadcast_in_dim3A_122, %slice3A_123 in 0 : vector<2x1xi32>, vector<30x1xi32> -> vector<32x1xi32>
    %max3A_125 = arith.maxsi %max3A_120, %concatenate3A_124 : vector<32x1xi32>
    %broadcast_in_dim3A_126 = arith.constant 0 : i32
    %broadcast_in_dim3A_127 = vector.broadcast %broadcast_in_dim3A_126 : i32 to vector<4x1xi32>
    %slice3A_128 = vector.extract_strided_slice %max3A_125 {offsets = [0, 0], sizes = [28, 1], strides = [1, 1]} : vector<32x1xi32> to vector<28x1xi32>
    %concatenate3A_129 = tpu.concatenate %broadcast_in_dim3A_127, %slice3A_128 in 0 : vector<4x1xi32>, vector<28x1xi32> -> vector<32x1xi32>
    %max3A_130 = arith.maxsi %max3A_125, %concatenate3A_129 : vector<32x1xi32>
    %broadcast_in_dim3A_131 = arith.constant 0 : i32
    %broadcast_in_dim3A_132 = vector.broadcast %broadcast_in_dim3A_131 : i32 to vector<8x1xi32>
    %slice3A_133 = vector.extract_strided_slice %max3A_130 {offsets = [0, 0], sizes = [24, 1], strides = [1, 1]} : vector<32x1xi32> to vector<24x1xi32>
    %concatenate3A_134 = tpu.concatenate %broadcast_in_dim3A_132, %slice3A_133 in 0 : vector<8x1xi32>, vector<24x1xi32> -> vector<32x1xi32>
    %max3A_135 = arith.maxsi %max3A_130, %concatenate3A_134 : vector<32x1xi32>
    %broadcast_in_dim3A_136 = arith.constant 0 : i32
    %broadcast_in_dim3A_137 = vector.broadcast %broadcast_in_dim3A_136 : i32 to vector<16x1xi32>
    %slice3A_138 = vector.extract_strided_slice %max3A_135 {offsets = [0, 0], sizes = [16, 1], strides = [1, 1]} : vector<32x1xi32> to vector<16x1xi32>
    %concatenate3A_139 = tpu.concatenate %broadcast_in_dim3A_137, %slice3A_138 in 0 : vector<16x1xi32>, vector<16x1xi32> -> vector<32x1xi32>
    %max3A_140 = arith.maxsi %max3A_135, %concatenate3A_139 : vector<32x1xi32>
    %max3A_141 = vector.broadcast %max3A_140 : vector<32x1xi32> to vector<32x128xi32>
    %max3A_142 = arith.maxsi %max3A_111, %max3A_141 : vector<32x128xi32>
    %swap3A_143 = arith.constant 0 : index
    %swap3A_144 = arith.constant 0 : index
    %swap3A_145 = vector.load %arg3[%swap3A_143, %swap3A_144] : memref<32x128xi32, #tpu.memory_space<vmem>>, vector<32x128xi32>
    tpu.vector_store %arg3[%swap3A_143, %swap3A_144], %max3A_142 {strides = array<i32>} : memref<32x128xi32, #tpu.memory_space<vmem>>, vector<32x128xi32>,
    return
  }
}

</mosaic_0001>

<sc_bundles>
// kernel: kernel.5.cloned.1.call-start
scs
__scs_entry_jumppad:
0x0: {  	(pc) =	sbr.rel $0x88, $3  }
0x1: {  	(tag) =	ssettag $0x0;
	lr =	simm.s32 $0x1  }
0x2: {  	[smem:$0x3F9F] =	sst lr;
	_ =	strace $0xD0000000  }
0x3: {  	_ = 	snop  }
0x4: {  	_ = 	snop  }
0x5: {  	_ = 	snop  }
0x6: {  	_ = 	snop  }
0x7: {  	_ = 	snop  }
__scs_overlays_trampoline_lowered:
0x8: {  	[smem:$0x3FAE] =	sst s0  }
0x9: {  	[smem:$0x3FAF] =	sst s1  }
0xa: {  	[smem:$0x3FB0] =	sst s2  }
0xb: {  	[smem:$0x3FB1] =	sst s3  }
0xc: {  	[smem:$0x3FB2] =	sst s4  }
0xd: {  	[smem:$0x3FB3] =	sst s5  }
0xe: {  	[smem:$0x3FB4] =	sst s6  }
0xf: {  	[smem:$0x3FB5] =	sst s7  }
0x10: {  	[smem:$0x3FB6] =	sst s8  }
0x11: {  	[smem:$0x3FB7] =	sst s9;
	s0 =	simm.s32 @!p0 $0x0  }
0x12: {  	s1 =	sld [smem:$0x3F9D];
	s0 =	simm.s32 @p0 $0x1  }
0x13: {  	[smem:$0x3FB8] =	sst s0;
	s0 =	simm.s32 @!p1 $0x0  }
0x14: {  	s2 =	sld [smem:$0x3F9C];
	s0 =	simm.s32 @p1 $0x1  }
0x15: {  	[smem:$0x3FB9] =	sst s0;
	s0 =	simm.s32 @!p2 $0x0  }
0x16: {  	s3 =	sld [smem:$0x3FDB];
	s0 =	simm.s32 @p2 $0x1  }
0x17: {  	s4 =	simm.s32 $0x1BF5;
	[smem:$0x3FBB] =	sst s0  }
0x18: {  	s0 =	sld [smem:$0x3F9E];
	_ =	swait.ge [sflag:s4], $0x0  }
0x19: {  	s7 =	sld [smem:$0x3F9F]  }
0x1a: {  	s8 =	sadd.s32 $0xFFFFE003, lr  }
0x1b: {  	s9 =	sadd.s32 $0xFFFFFEF7, lr;
	s5 =	simm.s32 $0xFFFFFFFF;
	p2 =	slt.u32 s8, $0xFFFFF086  }
0x1c: {  	p1 =	slt.u32 s9, $0xF7A;
	s5 =	simm.s32 @!p2 $0x0  }
0x1d: {  	s5 =	simm.s32 @p1 $0x1;
	p0 =	seq.s32 s7, s2  }
0x1e: {  	s7 =	smul.u32 @!p0 $0xF7A, s2;
	p2 =	seq.s32 @!p0 s5, $0x0  }
0x1f: {  	s9 =	smul.u32 $0xF7A, s1;
	s8 =	simm.s32 @!p0 $0x1BF5;
	p2 =	por !p2, p0  }
0x20: {  	[sflag:s8] =	ssyncset.s32 @!p0 $0xFFFFF086;
	s6 =	sadd.s32 @!p0 s3, s7;
	s7 =	simm.s32 @!p0 $0x108  }
0x21: {  	s3 =	sadd.s32 s3, s9;
	s6 =	sadd.s32 @!p0 $0x88, s6;
	s7 =	simm.s32 @p2 $0x1082  }
0x22: {  	[simem:s7], [sflag:s8] =	dma.local @!p0 [hbm:s6], $0xF7A  }
0x23: {  	s9 =	sor.u32 $0xD0000000, s2;
	s6 =	simm.s32 $0x108;
	_ =	swait.ge @!p0 [sflag:s8], $0x0  }
0x24: {  	s3 =	sadd.s32 $0x88, s3;
	s6 =	simm.s32 @!p1 $0x1082;
	[sflag:s4] =	ssyncset.s32 $0xFFFFF086  }
0x25: {  	[simem:s6], [sflag:s4] =	dma.local [hbm:s3], $0xF7A  }
0x26: {  	[smem:$0x3F9F] =	sst s1;
	(tag) =	ssettag s2;
	_ =	strace s9  }
0x27: {  	s1 =	sld [smem:$0x3FAF]  }
0x28: {  	s2 =	sld [smem:$0x3FB0]  }
0x29: {  	s4 =	sld [smem:$0x3FB2]  }
0x2a: {  	p0 =	seq.s32 s5, $0x0;
	s5 =	sld [smem:$0x3FB3]  }
0x2b: {  	s6 =	sld [smem:$0x3FB4]  }
0x2c: {  	s7 =	sld [smem:$0x3FB5]  }
0x2d: {  	s3 =	simm.s32 $0x108;
	s8 =	sld [smem:$0x3FB6]  }
0x2e: {  	s3 =	simm.s32 @!p0 $0x1082;
	s9 =	sld [smem:$0x3FB7]  }
0x2f: {  	lr =	sadd.s32 s0, s3;
	s0 =	sld [smem:$0x3FAE]  }
0x30: {  	s3 =	sld [smem:$0x3FB1]  }
0x31: {  	[smem:$0x3FBA] =	sst s10  }
0x32: {  	s10 =	sld [smem:$0x3FB8];
	_ =	sdelay $0x3  }
0x33: {  	p0 =	seq.s32 s10, $0x1;
	s10 =	sld [smem:$0x3FBA];
	_ =	sdelay $0x3  }
0x34: {  	[smem:$0x3FBA] =	sst s10  }
0x35: {  	s10 =	sld [smem:$0x3FB9];
	_ =	sdelay $0x3  }
0x36: {  	p1 =	seq.s32 s10, $0x1;
	s10 =	sld [smem:$0x3FBA];
	_ =	sdelay $0x3  }
0x37: {  	[smem:$0x3FBA] =	sst s10  }
0x38: {  	s10 =	sld [smem:$0x3FBB]  }
0x39: {  	_ = 	snop;
	(pc) =	sbr.ind lr, $3  }
0x3a: {  	_ = 	snop  }
0x3b: {  	_ = 	snop  }
0x3c: {  	p2 =	seq.s32 s10, $0x1;
	s10 =	sld [smem:$0x3FBA]  }
0x3d: {  	_ =	shalt  }
0x3e: {  	_ =	shalt  }
0x3f: {  	_ =	shalt  }
0x40: {  	_ =	shalt  }
0x41: {  	_ =	shalt  }
0x42: {  	_ =	shalt  }
0x43: {  	_ =	shalt  }
0x44: {  	_ =	shalt  }
0x45: {  	_ =	shalt  }
0x46: {  	_ =	shalt  }
0x47: {  	_ =	shalt  }
0x48: {  	_ =	shalt  }
0x49: {  	_ =	shalt  }
0x4a: {  	_ =	shalt  }
0x4b: {  	_ =	shalt  }
0x4c: {  	_ =	shalt  }
0x4d: {  	_ =	shalt  }
0x4e: {  	_ =	shalt  }
0x4f: {  	_ =	shalt  }
0x50: {  	_ =	shalt  }
0x51: {  	_ =	shalt  }
0x52: {  	_ =	shalt  }
0x53: {  	_ =	shalt  }
0x54: {  	_ =	shalt  }
0x55: {  	_ =	shalt  }
0x56: {  	_ =	shalt  }
0x57: {  	_ =	shalt  }
0x58: {  	_ =	shalt  }
0x59: {  	_ =	shalt  }
0x5a: {  	_ =	shalt  }
0x5b: {  	_ =	shalt  }
0x5c: {  	_ =	shalt  }
0x5d: {  	_ =	shalt  }
0x5e: {  	_ =	shalt  }
0x5f: {  	_ =	shalt  }
0x60: {  	_ =	shalt  }
0x61: {  	_ =	shalt  }
0x62: {  	_ =	shalt  }
0x63: {  	_ =	shalt  }
0x64: {  	_ =	shalt  }
0x65: {  	_ =	shalt  }
0x66: {  	_ =	shalt  }
0x67: {  	_ =	shalt  }
0x68: {  	_ =	shalt  }
0x69: {  	_ =	shalt  }
0x6a: {  	_ =	shalt  }
0x6b: {  	_ =	shalt  }
0x6c: {  	_ =	shalt  }
0x6d: {  	_ =	shalt  }
0x6e: {  	_ =	shalt  }
0x6f: {  	_ =	shalt  }
0x70: {  	_ =	shalt  }
0x71: {  	_ =	shalt  }
0x72: {  	_ =	shalt  }
0x73: {  	_ =	shalt  }
0x74: {  	_ =	shalt  }
0x75: {  	_ =	shalt  }
0x76: {  	_ =	shalt  }
0x77: {  	_ =	shalt  }
0x78: {  	_ =	shalt  }
0x79: {  	_ =	shalt  }
0x7a: {  	_ =	shalt  }
0x7b: {  	_ =	shalt  }
0x7c: {  	_ =	shalt  }
0x7d: {  	_ =	shalt  }
0x7e: {  	_ =	shalt  }
0x7f: {  	_ =	shalt  }
0x80: {  	_ =	shalt  }
0x81: {  	_ =	shalt  }
0x82: {  	_ =	shalt  }
0x83: {  	_ =	shalt  }
0x84: {  	_ =	shalt  }
0x85: {  	_ =	shalt  }
0x86: {  	_ =	shalt  }
0x87: {  	_ =	shalt  }
.Lfunc_end0:
.L_simem_size_0:
called_computation_lowered:
.L_overlay_start_0:
0x88: {  	s2 =	sld [smem:$0x3FD9]  }
0x89: {  	s3 =	sld [smem:$0x3FFE];
	_ =	sdelay $0x1  }
0x8a: {  	s1 =	srdreg.scid  }
0x8b: {  	s0 =	sand.u32 $0x1, s1  }
0x8c: {  	s14 =	sshll.u32 s0, $0xA;
	s2 =	sadd.s32 s3, s2  }
0x8d: {  	s2 =	sadd.s32 s2, s14  }
0x8e: {  	[smem:$0x3FC6] =	sst s2  }
0x8f: {  	_ = 	snop  }
0x90: {  	s2 =	sld [smem:$0x3FD0];
	_ =	sdelay $0x2  }
0x91: {  	s4 =	simm.s32 $0xA;
	s5 =	simm.s32 $0x10;
	s15 =	sld [smem:$0x3FC8]  }
0x92: {  	[smem:s5], [sflag:s4] =	dma.local [hbm:s2], $0x1  }
0x93: {  	_ =	swait.eq [sflag:s4], $0x1  }
0x94: {  	[sflag:s4] =	ssyncset.done $0x0  }
0x95: {  	s16 =	sld [smem:$0x10];
	[sflag:s4] =	ssyncadd.s32 $0xFFFFFFFF  }
0x96: {  	s17 =	sld [smem:$0x11];
	(tm) =	ssettm $0x1  }
0x97: {  	s18 =	sld [smem:$0x3FFB];
	_ =	sdelay $0x3  }
0x98: {  	_ =	strace s18  }
0x99: {  	s5 =	sld [smem:$0x3FFC];
	_ =	sdelay $0x3  }
0x9a: {  	_ =	strace s5  }
0x9b: {  	s5 =	sld [smem:$0x3FFD];
	_ =	sdelay $0x3  }
0x9c: {  	_ =	strace s5  }
0x9d: {  	_ =	strace $0x8FFFFFFF  }
0x9e: {  	s19 =	sld [smem:$0x3FDB];
	_ =	sdelay $0x1  }
0x9f: {  	s6 =	simm.s32 $_scs_section_size  }
0xa0: {  	s7 =	simm.s32 $_size__tile_overlayer_lowered;
	s8 =	simm.s32 $_tile_overlayer_lowered  }
0xa1: {  	s22 =	simm.s32 $0x1BFF;
	s21 =	sshll.u32 s8, $0x1;
	s5 =	sadd.s32 s6, s19  }
0xa2: {  	s9 =	simm.s32 $0x0;
	s20 =	sshll.u32 s7, $0x1;
	s7 =	sadd.s32 s21, s5  }
0xa3: {  	[timem:s9], [sflag:s22] =	dma.local [hbm:s7], s20  }
0xa4: {  	_ =	swait.ge [sflag:s22], s20  }
0xa5: {  	s6 =	ssub.s32 $0x0, s20;
	[sflag:s22] =	ssyncset.done $0x0  }
0xa6: {  	[sflag:s22] =	ssyncadd.s32 s6;
	_ =	sdelay $0x1  }
0xa7: {  	s23 =	simm.s32 $0x1B8B  }
0xa8: {  	_ =	swait.ge [sflag:s23], $0x1  }
0xa9: {  	[sflag:s23] =	ssyncset.done $0x0  }
0xaa: {  	s25 =	simm.s32 $0x1B8E;
	s24 =	sld [smem:$0x3FFE];
	[sflag:s23] =	ssyncadd.s32 $0xFFFFFFFF  }
0xab: {  	s26 =	simm.s32 $execute0_lowered;
	[smem:$0x3FD2] =	sst s25  }
0xac: {  	s7 =	sshll.u32 s26, $0x1;
	_ =	strace $0x80000046;
	[dreg:$0x1] =	wrdreg $0xFFFFFFFF  }
0xad: {  	s28 =	simm.s32 $_size_execute0_lowered;
	s5 =	sadd.s32 s5, s7;
	[dreg:$0x0] =	wrdreg $0x0  }
0xae: {  	s7 =	sshll.u32 s28, $0x1;
	[dreg:$0x2] =	wrdreg s5  }
0xaf: {  	[dreg:$0x3] =	wrdreg s7  }
0xb0: {  	[dreg:$0x4] =	wrdreg $0xC0  }
0xb1: {  	_ =	task [dreg:s9], $0x5FFFF  }
0xb2: {  	[dreg:$0x1] =	wrdreg $0xFFFFFFFF  }
0xb3: {  	[dreg:$0x0] =	wrdreg $0x60  }
0xb4: {  	[dreg:$0x2] =	wrdreg s24  }
0xb5: {  	[dreg:$0x3] =	wrdreg s16  }
0xb6: {  	[dreg:$0x4] =	wrdreg s15  }
0xb7: {  	[dreg:$0x5] =	wrdreg s17  }
0xb8: {  	[dreg:$0x6] =	wrdreg $0x9  }
0xb9: {  	_ =	task.clear_ibuf [dreg:s9], $0x7FFFF;
	_ =	strace $0x90000046  }
0xba: {  	s29 =	simm.s32 $0x9;
	_ =	strace $0x80000048  }
0xbb: {  	_ =	swait.ge [sflag:s29], $0x1  }
0xbc: {  	[sflag:s29] =	ssyncadd.s32 $0xFFFFFFFF  }
0xbd: {  	_ =	strace $0x90000048  }
0xbe: {  	_ =	sfence  }
0xbf: {  	s30 =	sld [smem:$0x0];
	_ =	sdelay $0x2  }
0xc0: {  	s31 =	sshll.u32 s1, $0xD;
	s1 =	sshrl.u32 s1, $0x2  }
0xc1: {  	s3 =	sand.u32 $0x4000, s31;
	s1 =	sadd.s32 s1, s30  }
0xc2: {  	s0 =	sor.u32 s3, s0;
	s1 =	sshll.u32 s1, $0x11  }
0xc3: {  	s0 =	sor.u32 s1, s0  }
0xc4: {  	s0 =	sadd.s32 $0x8F2B, s0  }
0xc5: {  	[sflag:s0] =	ssyncadd.remote.s32 $0x1  }
0xc6: {  	_ =	sfence.sel $0xFFFF  }
0xc7: {  	[dreg:$0x0] =	wrdreg $0xFFFFFFFF;
	(pc) =	sbr.abs _section_cstart, $3  }
0xc8: {  	[dreg:$0x1] =	wrdreg $0xFFFFFFFF  }
0xc9: {  	_ =	task.clear_ibuf [dreg:s9], $0x2FFFF;
	_ =	strace $0x9FFFFFFF  }
0xca: {  	(tm) =	ssettm $0x7FFFFFFF  }
0xcb: {  	_ =	shalt  }
tec
execute0_lowered:
.L_overlay_start_1:
0x0: {  	(tag) =	ssettag $0x1  }
0x1: {  	s5 =	rddreg [dreg:$0x0]  }
0x2: {  	s1 =	rddreg [dreg:$0x1]  }
0x3: {  	s2 =	rddreg [dreg:$0x2]  }
0x4: {  	s3 =	rddreg [dreg:$0x3]  }
0x5: {  	s0 =	rddreg [dreg:$0x4];
	s4 =	simm.s32 $0x0;
	s6 =	srdreg.scid  }
0x6: {  	s11 =	simm.s32 $0x1080;
	s12 =	simm.s32 $0x2100;
	s13 =	simm.s32 $0x3180  }
0x7: {  	s14 =	simm.s32 $0x4180;
	s15 =	simm.s32 $0x4200;
	s16 =	simm.s32 $0x0  }
.Ltmp0:
0x8: {  	v0 =	vlaneseq.u32;
	v1 =	vimm.s32 $0x0;
	vm1 =	vcmask $0xB08;
	[smem:$0x7FF] =	sst s4;
	s8 =	sand.u32 $0x1, s6;
	(pc) =	sbr.rel .LBB2_1-.Ltmp0, $4  }
0x9: {  	vm2 =	vcmask $0xF0C;
	vm3 =	vcmask $0x1310;
	vm4 =	vcmask $0x1714;
	s6 =	sadd.s32 $0x2000, s5;
	s7 =	sadd.s32 $0x1E00, s5;
	s9 =	ssub.s32 $0x2, s8  }
0xa: {  	vm5 =	vcmask $0x1B18;
	vm6 =	vcmask $0x1F1C;
	vm7 =	vcmask $0x2320;
	s5 =	stileid.u32;
	_ =	strace $0x80000047;
	s10 =	sshrl.u32 s9, $0x1  }
0xb: {  	vm8 =	vcmask $0x2724;
	vm9 =	vcmask $0x2B28;
	vm10 =	vcmask $0x2F2C;
	s31 =	sshll.u32 s5, $0x5;
	s8 =	sshll.u32 s8, $0x4;
	s9 =	ssub.s32 s9, s10  }
0xc: {  	vm11 =	vcmask $0x3330;
	vm12 =	vcmask $0x3734;
	vm13 =	vcmask $0x3B38;
	s8 =	sor.u32 s8, s31;
	s10 =	simm.s32 $0x1;
	s9 =	smax.u32 s9, $0x1  }
.LBB2_120:
0xd: {  	s16 =	sadd.s32 $0x1, s16  }
0xe: {  	p0 =	sne.s32 s16, s9  }
.Ltmp1:
0xf: {  	_ = 	snop;
	(pc) =	sbr.rel @!p0 .LBB2_121-.Ltmp1, $1  }
0x10: {  	_ =	sdelay $0x3  }
.LBB2_1:
0x11: {  	[tilespmem:s4], [sflag:$0x1] =	stream.linear.gather [hbm4b:s6+s4], $0x1000, $0x38;
	[tilespmem:$0x4280] =	vst v63  }
0x12: {  	_ =	swait.ge [sflag:s10], $0x1000  }
0x13: {  	[sflag:s10] =	ssyncset.done $0x0  }
0x14: {  	[sflag:s10] =	ssyncadd.s32 $0xFFFFF000  }
0x15: {  	[tilespmem:s11], [sflag:$0x1] =	stream.linear.gather [hbm4b:s7+s4], $0x1000, $0x38;
	[tilespmem:$0x4280] =	vst v63  }
0x16: {  	_ =	swait.ge [sflag:s10], $0x1000  }
0x17: {  	[sflag:s10] =	ssyncset.done $0x0  }
0x18: {  	[sflag:s10] =	ssyncadd.s32 $0xFFFFF000  }
0x19: {  	[tilespmem:s12], [sflag:$0x1] =	stream.linear.gather [hbm4b:s1+s4], $0x1000, $0x38;
	[tilespmem:$0x4280] =	vst v63  }
0x1a: {  	_ =	swait.ge [sflag:s10], $0x1000  }
0x1b: {  	[sflag:s10] =	ssyncset.done $0x0  }
0x1c: {  	[sflag:s10] =	ssyncadd.s32 $0xFFFFF000  }
0x1d: {  	[tilespmem:s13], [sflag:$0x1] =	stream.linear.gather [hbm4b:s2+s4], $0x1000, $0x38;
	[tilespmem:$0x4280] =	vst v63  }
0x1e: {  	_ =	swait.ge [sflag:s10], $0x1000  }
0x1f: {  	v3 =	vimm.s32 $0x1000;
	[sflag:s10] =	ssyncset.done $0x0  }
0x20: {  	s17 =	simm.s32 $0xB;
	v2 =	vimm.s32 $0x0;
	v4 =	vadd.s32 v1, v3;
	[sflag:s10] =	ssyncadd.s32 $0xFFFFF000  }
.LBB2_2:
0x21: {  	p0 =	sne.s32 s17, $0x1;
	v5 =	vshrl.u32 v4, $0x1F  }
0x22: {  	v4 =	vadd.s32 v5, v4  }
0x23: {  	v4 =	vshra.s32 v4, $0x1;
	_ =	sdelay $0x4  }
0x24: {  	v5 =	vld.idx.msk [tilespmem:v4+s13+$0x0], $0xffff;
	_ =	sdelay $0x3  }
.Ltmp2:
0x25: {  	(pc) =	sbr.rel @p0 .LBB2_2-.Ltmp2, $4  }
0x26: {  	_ = 	snop  }
0x27: {  	vm14 =	vlt.s32 v5, v0;
	v5 =	vadd.s32 $0x1, v4  }
0x28: {  	v2 =	vsel vm14, v5, v2;
	v3 =	vsel vm14, v3, v4  }
0x29: {  	s17 =	sadd.s32 $0xFFFFFFFF, s17;
	v4 =	vadd.s32 v2, v3  }
0x2a: {  	v3 =	vshrl.u32 v4, $0x1F  }
0x2b: {  	v3 =	vadd.s32 v3, v4  }
0x2c: {  	v3 =	vshra.s32 v3, $0x1;
	_ =	sdelay $0x4  }
0x2d: {  	v63 =	vld.idx.msk [tilespmem:v3+s13+$0x0], $0xffff;
	_ =	sdelay $0x2  }
.Ltmp3:
0x2e: {  	_ = 	snop;
	(pc) =	sbr.rel .LBB2_4-.Ltmp3, $4  }
0x2f: {  	_ = 	snop  }
0x30: {  	v3 =	vadd.s32 $0x1, v3;
	vm14 =	vlt.s32 v63, v0  }
0x31: {  	v2 =	vsel vm14, v3, v2  }
0x32: {  	s17 =	simm.s32 $0x0;
	s18 =	smov.u32 s8;
	[tilespmem:$0x4180] =	vst v2  }
.LBB2_114:
0x33: {  	s21 =	simm.s32 $0x0;
	v25 =	vimm.s32 $0x0  }
.LBB2_118:
0x34: {  	v22 =	vsub.f32 v24, v22;
	_ =	sdelay $0x1  }
0x35: {  	v5 =	vsub.f32 v26, v5;
	v23 =	vmul.f32 v27, v27;
	v22 =	vmul.f32 v22, v22  }
0x36: {  	v24 =	vadd.f32 @p0 v30, v29  }
0x37: {  	vm0 =	vlt.s32 @p0 v28, v3;
	s21 =	sadd.s32 @p0 $0x10, s21;
	v5 =	vmul.f32 v5, v5;
	v22 =	vadd.f32 v22, v23  }
0x38: {  	vm0 =	vmand @p0 vm14, vm0;
	s20 =	smov.u32 @p0 s21  }
0x39: {  	vm14 =	vlt.f32 @p0 v24, $2.500000000e+01;
	v20 =	vadd.s32 s20, v20;
	v5 =	vadd.f32 v5, v22  }
0x3a: {  	vm0 =	vmand @p0 vm0, vm14;
	vm14 =	vge.s32 v20, v4;
	vm15 =	vlt.s32 v20, v3  }
0x3b: {  	v3 =	vsel @p0 vm0, $0x1, v1;
	vm0 =	vmand vm14, vm15;
	vm14 =	vlt.f32 v5, $2.500000000e+01  }
0x3c: {  	v3 =	vadd.s32 @p0 v3, v25;
	vm0 =	vmand vm0, vm14  }
0x3d: {  	v2 =	vpsel p0, v3, v2;
	v3 =	vsel vm0, $0x1, v1  }
0x3e: {  	v20 =	vadd.s32 v3, v2  }
.LBB2_119:
0x3f: {  	v2 =	vbroadcast v6, $0xF;
	v3 =	vbroadcast v7, $0xF  }
0x40: {  	v4 =	vbroadcast v8, $0xF;
	vm0 =	vcmask $0x704  }
0x41: {  	v2 =	vsel vm0, v3, v2;
	v3 =	vbroadcast v9, $0xF  }
0x42: {  	v58 =	vbroadcast v10, $0xF;
	v2 =	vsel vm1, v4, v2  }
0x43: {  	v2 =	vsel vm2, v3, v2;
	v3 =	vbroadcast v11, $0xF  }
0x44: {  	v59 =	vbroadcast v12, $0xF;
	v2 =	vsel vm3, v58, v2  }
0x45: {  	v2 =	vsel vm4, v3, v2;
	v3 =	vbroadcast v13, $0xF  }
0x46: {  	v60 =	vbroadcast v14, $0xF;
	v2 =	vsel vm5, v59, v2  }
0x47: {  	v2 =	vsel vm6, v3, v2;
	v3 =	vbroadcast v15, $0xF  }
0x48: {  	v61 =	vbroadcast v16, $0xF;
	v2 =	vsel vm7, v60, v2  }
0x49: {  	(xrf0) =	vadd.scan.msk.s32 $0xffff, v20;
	v2 =	vsel vm8, v3, v2;
	v3 =	vbroadcast v17, $0xF  }
0x4a: {  	v2 =	vsel vm9, v61, v2  }
0x4b: {  	v62 =	vbroadcast v18, $0xF;
	v2 =	vsel vm10, v3, v2;
	v3 =	vbroadcast v19, $0xF;
	_ =	sdelay $0x1  }
0x4c: {  	v63 =	vbroadcast v21, $0xF;
	v2 =	vsel vm11, v62, v2  }
0x4d: {  	v2 =	vsel vm12, v3, v2  }
0x4e: {  	s17 =	sadd.s32 $0x1, s17;
	vm0 =	vmmov $0x7fff;
	v2 =	vsel vm13, v63, v2;
	v3, _, _ =	vpop (xrf0)  }
0x4f: {  	s19 =	sshrl.u32 s19, $0x3;
	p0 =	sne.s32 s17, $0x8;
	v2 =	vsel vm0, v2, v3  }
.Ltmp4:
0x50: {  	s19 =	sadd.s32 s3, s19;
	[tilespmem:$0x4200] =	vst v2;
	(pc) =	sbr.rel @!p0 .LBB2_120-.Ltmp4, $4  }
0x51: {  	[hbm4b:s19+s4] =	stream.linear.scatter [tilespmem:s15], [sflag:$0x1], $0x10, $0x38;
	[tilespmem:$0x4280] =	vst v63  }
0x52: {  	_ =	swait.ge [sflag:s10], $0x10  }
0x53: {  	[sflag:s10] =	ssyncset.done $0x0  }
0x54: {  	s18 =	sadd.s32 $0x200, s18;
	[sflag:s10] =	ssyncadd.s32 $0xFFFFFFF0  }
.LBB2_4:
0x55: {  	s19 =	sshll.u32 s17, $0x9  }
0x56: {  	s19 =	sor.u32 s8, s19  }
0x57: {  	v2 =	vld [tilespmem:s19+$0x3180];
	_ =	sdelay $0x7  }
0x58: {  	v2 =	vld.idx.msk [tilespmem:v2+s14+$0x0], $0xffff;
	_ =	sdelay $0x4  }
0x59: {  	(v2sf) =	vpush v2, $0x0;
	_ =	sdelay $0xe  }
0x5a: {  	s20 =	spop (v2sf)  }
0x5b: {  	s21 =	sand.u32 $0xF, s20  }
0x5c: {  	s22 =	sshra.s32 s20, $0x1F;
	p0 =	slt.s32 s20, $0x1;
	p1 =	sne.s32 s21, $0x0  }
0x5d: {  	s30 =	sshrl.u32 s22, $0x1C;
	p0 =	por !p0, !p1  }
0x5e: {  	s21 =	simm.s32 $0x1;
	s20 =	sadd.s32 s30, s20;
	p0 =	por !p0, !p0  }
0x5f: {  	s20 =	sshra.s32 s20, $0x4;
	s21 =	simm.s32 @!p0 $0x0  }
0x60: {  	s21 =	ssub.s32 s20, s21  }
0x61: {  	s20 =	sshll.u32 s21, $0x4  }
0x62: {  	s31 =	ssub.s32 s19, s20  }
0x63: {  	p0 =	slt.s32 s31, $0x1  }
.Ltmp5:
0x64: {  	_ = 	snop;
	(pc) =	sbr.rel @p0 .LBB2_14-.Ltmp5, $4  }
0x65: {  	_ = 	snop  }
0x66: {  	v3 =	vld [tilespmem:s19+$0x0]  }
0x67: {  	v4 =	vld [tilespmem:s19+$0x1080]  }
0x68: {  	v7 =	vimm.s32 $0x0;
	v6 =	vimm.s32 $0x0;
	v5 =	vld [tilespmem:s19+$0x2100]  }
0x69: {  	s21 =	sshll.u32 s21, $0x6;
	s31 =	ssub.s32 s18, s20  }
0x6a: {  	s22 =	sshra.s32 s21, $0x2;
	s21 =	sshrl.u32 s31, $0x4  }
0x6b: {  	s21 =	ssub.s32 $0x0, s21  }
0x6c: {  	s21 =	sadd.s32 $0x1, s21  }
0x6d: {  	v17 =	vld [tilespmem:s22+$0x0];
	p2 =	seq.s32 s21, $0x0  }
.Ltmp6:
0x6e: {  	_ = 	snop;
	(pc) =	sbr.rel @p2 .LBB2_6-.Ltmp6, $4  }
0x6f: {  	_ = 	snop  }
0x70: {  	v13 =	vor.u32 s20, v0;
	v8 =	vbroadcast v2, $0x0;
	s25 =	simm.s32 $0x0;
	v14 =	vbroadcast v3, $0x0;
	s24 =	sadd.s32 $0x1080, s22  }
0x71: {  	v9 =	vmov s19;
	v6 =	vimm.s32 $0x0;
	p0 =	por $0x0, $0x0;
	v12 =	vadd.s32 s25, v13;
	s20 =	sadd.s32 $0x2100, s22;
	v15 =	vld [tilespmem:s24+$0x0]  }
0x72: {  	p1 =	por $0x0, $0x0;
	s23 =	sadd.s32 $0x10, s22;
	v10 =	vbroadcast v4, $0x0;
	v16 =	vld [tilespmem:s20+$0x0];
	s24 =	sadd.s32 $0x10, s24;
	v11 =	vbroadcast v5, $0x0;
	v18 =	vsub.f32 v17, v14  }
0x73: {  	_ = 	snop  }
0x74: {  	s21 =	sadd.s32 $0x1, s21  }
0x75: {  	v19 =	vld [tilespmem:s23+$0x0];
	p2 =	seq.s32 s21, $0x0  }
.Ltmp7:
0x76: {  	v15 =	vsub.f32 v15, v10;
	(pc) =	sbr.rel @p2 .LBB2_8-.Ltmp7, $4  }
0x77: {  	_ = 	snop  }
0x78: {  	s25 =	simm.s32 $0x10;
	s22 =	sadd.s32 $0x10, s20;
	v18 =	vmul.f32 v18, v18;
	v21 =	vsub.f32 v16, v11;
	v20 =	vmul.f32 v15, v15  }
0x79: {  	v17 =	vadd.s32 s25, v13;
	v16 =	vld [tilespmem:s22+$0x0]  }
0x7a: {  	s23 =	sadd.s32 $0x10, s23;
	p0 =	por $0x1, $0x1;
	v15 =	vld [tilespmem:s24+$0x0];
	s24 =	sadd.s32 $0x10, s24;
	v21 =	vmul.f32 v21, v21;
	v20 =	vadd.f32 v20, v18;
	v18 =	vsub.f32 v19, v14  }
0x7b: {  	_ =	sdelay $0x2  }
0x7c: {  	s21 =	sadd.s32 $0x1, s21  }
0x7d: {  	v19 =	vld [tilespmem:s23+$0x0];
	p2 =	seq.s32 s21, $0x0;
	v15 =	vsub.f32 v15, v10  }
.Ltmp8:
0x7e: {  	vm14 =	vge.s32 v12, v8;
	vm15 =	vlt.s32 v12, v9;
	v20 =	vadd.f32 v21, v20;
	(pc) =	sbr.rel @p2 .LBB2_10-.Ltmp8, $4  }
0x7f: {  	s20 =	simm.s32 $0x20;
	v18 =	vmul.f32 v18, v18;
	v16 =	vsub.f32 v16, v11;
	v21 =	vmul.f32 v15, v15;
	v15 =	vld [tilespmem:s24+$0x0]  }
0x80: {  	s22 =	sadd.s32 $0x10, s22;
	v12 =	vadd.s32 s20, v13;
	vm14 =	vmand vm14, vm15;
	vm0 =	vlt.f32 v20, $2.500000000e+01  }
0x81: {  	vm0 =	vmand vm14, vm0;
	v20 =	vadd.f32 v21, v18;
	v21 =	vmul.f32 v16, v16;
	v16 =	vld [tilespmem:s22+$0x0]  }
0x82: {  	s23 =	sadd.s32 $0x10, s23;
	p1 =	por $0x1, $0x1;
	v22 =	vsel vm0, $0x1, v1;
	s24 =	sadd.s32 $0x10, s24;
	v18 =	vsub.f32 v19, v14;
	v19 =	vimm.s32 $0x0  }
.LBB2_11:
0x83: {  	s21 =	sadd.s32 $0x1, s21  }
0x84: {  	v23 =	vld [tilespmem:s23+$0x0];
	v24 =	vsub.f32 v15, v10;
	v20 =	vadd.f32 v21, v20;
	v19 =	vadd.s32 v22, v19;
	p2 =	seq.s32 s21, $0x0  }
.Ltmp9:
0x85: {  	s22 =	sadd.s32 $0x10, s22;
	vm0 =	vge.s32 v17, v8;
	vm14 =	vlt.s32 v17, v9;
	v17 =	vmovc v12;
	v15 =	vld [tilespmem:s24+$0x0];
	v18 =	vmul.f32 v18, v18;
	(pc) =	sbr.rel @!p2 .LBB2_11-.Ltmp9, $4  }
0x86: {  	s20 =	sadd.s32 $0x10, s20;
	v21 =	vsub.f32 v16, v11;
	v22 =	vmul.f32 v24, v24;
	vm15 =	vlt.f32 v20, $2.500000000e+01  }
0x87: {  	v12 =	vadd.s32 s20, v13;
	vm0 =	vmand vm0, vm14;
	v16 =	vld [tilespmem:s22+$0x0]  }
0x88: {  	vm0 =	vmand vm0, vm15;
	v20 =	vadd.f32 v22, v18;
	v21 =	vmul.f32 v21, v21  }
0x89: {  	s23 =	sadd.s32 $0x10, s23;
	s24 =	sadd.s32 $0x10, s24;
	v22 =	vsel vm0, $0x1, v1;
	v18 =	vsub.f32 v23, v14  }
0x8a: {  	v13 =	vmov v17  }
.LBB2_13:
0x8b: {  	v10 =	vsub.f32 v15, v10  }
0x8c: {  	v14 =	vadd.f32 @p0 v21, v20;
	v62 =	vmul.f32 v18, v18;
	vm0 =	vge.s32 @p0 v13, v8  }
0x8d: {  	vm14 =	vlt.s32 @p0 v13, v9;
	v11 =	vsub.f32 v16, v11;
	v10 =	vmul.f32 v10, v10  }
0x8e: {  	vm0 =	vmand @p0 vm0, vm14  }
0x8f: {  	vm15 =	vlt.f32 @p0 v14, $2.500000000e+01;
	v11 =	vmul.f32 v11, v11;
	v10 =	vadd.f32 v10, v62  }
0x90: {  	vm0 =	vmand @p0 vm0, vm15  }
0x91: {  	v13 =	vadd.s32 @p1 v22, v19;
	v14 =	vsel @p0 vm0, $0x1, v1;
	v10 =	vadd.f32 v11, v10  }
0x92: {  	vm14 =	vlt.s32 v12, v9;
	vm0 =	vge.s32 v12, v8;
	v8 =	vpsel p0, v14, v0  }
0x93: {  	vm0 =	vmand vm0, vm14;
	v11 =	vpsel p1, v13, v6;
	vm15 =	vlt.f32 v10, $2.500000000e+01  }
0x94: {  	v8 =	vadd.s32 @p0 v8, v11;
	vm0 =	vmand vm0, vm15  }
0x95: {  	v6 =	vpsel p0, v8, v6;
	v63 =	vsel vm0, $0x1, v1  }
0x96: {  	v6 =	vadd.s32 v63, v6  }
.LBB2_14:
0x97: {  	(v2sf) =	vpush v2, $0x1;
	_ =	sdelay $0xe  }
0x98: {  	s20 =	spop (v2sf)  }
0x99: {  	s21 =	sand.u32 $0xF, s20  }
0x9a: {  	s22 =	sshra.s32 s20, $0x1F;
	p0 =	slt.s32 s20, $0x1;
	p1 =	sne.s32 s21, $0x0  }
0x9b: {  	s30 =	sshrl.u32 s22, $0x1C;
	p0 =	por !p0, !p1  }
0x9c: {  	s21 =	simm.s32 $0x1;
	s20 =	sadd.s32 s30, s20;
	p0 =	por !p0, !p0  }
0x9d: {  	s20 =	sshra.s32 s20, $0x4;
	s21 =	simm.s32 @!p0 $0x0  }
0x9e: {  	s22 =	ssub.s32 s20, s21  }
0x9f: {  	s20 =	sshll.u32 s22, $0x4  }
0xa0: {  	s31 =	ssub.s32 s19, s20  }
0xa1: {  	s21 =	sadd.s32 $0x10, s31  }
0xa2: {  	(xrf0) =	vadd.scan.msk.s32 $0xffff, v6;
	s21 =	sshra.s32 s21, $0x4  }
0xa3: {  	p0 =	slt.s32 s21, $0x1  }
.Ltmp10:
0xa4: {  	_ = 	snop;
	(pc) =	sbr.rel @p0 .LBB2_21-.Ltmp10, $2  }
0xa5: {  	_ =	sdelay $0x2  }
0xa6: {  	v6, _, _ =	vpop (xrf0)  }
0xa7: {  	s22 =	sshll.u32 s22, $0x6  }
0xa8: {  	s25 =	sshra.s32 s22, $0x2  }
0xa9: {  	p1 =	sne.s32 s21, $0x1;
	v15 =	vld [tilespmem:s25+$0x0]  }
.Ltmp11:
0xaa: {  	_ = 	snop;
	(pc) =	sbr.rel @!p1 .LBB2_16-.Ltmp11, $4  }
0xab: {  	_ = 	snop  }
0xac: {  	v13 =	vbroadcast v3, $0x1;
	v11 =	vbroadcast v4, $0x1;
	s22 =	sadd.s32 $0x1080, s25  }
0xad: {  	v7 =	vor.u32 s20, v0;
	s31 =	sor.u32 $0x1, s19;
	v12 =	vbroadcast v5, $0x1;
	s20 =	simm.s32 $0x0;
	v10 =	vbroadcast v2, $0x1;
	s24 =	sadd.s32 $0x2100, s25;
	v14 =	vld [tilespmem:s22+$0x0]  }
0xae: {  	v9 =	vimm.s32 $0x0;
	s23 =	sadd.s32 $0xFFFFFFFF, s21;
	p0 =	por $0x0, $0x0;
	v8 =	vmov s31;
	s21 =	sadd.s32 $0x10, s25;
	v16 =	vld [tilespmem:s24+$0x0];
	v17 =	vsub.f32 v15, v13  }
0xaf: {  	_ =	sdelay $0x2  }
0xb0: {  	v14 =	vsub.f32 v14, v11  }
0xb1: {  	v15 =	vld [tilespmem:s21+$0x0];
	s22 =	sadd.s32 $0x10, s22;
	p1 =	sne.s32 s23, $0x1;
	v16 =	vsub.f32 v16, v12  }
.Ltmp12:
0xb2: {  	s24 =	sadd.s32 $0x10, s24;
	v19 =	vmul.f32 v14, v14;
	v14 =	vld [tilespmem:s22+$0x0];
	(pc) =	sbr.rel @!p1 .LBB2_18-.Ltmp12, $3  }
0xb3: {  	v17 =	vmul.f32 v17, v17;
	v20 =	vmul.f32 v16, v16;
	v16 =	vld [tilespmem:s24+$0x0];
	_ =	sdelay $0x1  }
0xb4: {  	s23 =	sadd.s32 $0xFFFFFFFF, s23;
	v18 =	vadd.s32 s20, v7;
	v19 =	vadd.f32 v19, v17  }
0xb5: {  	s25 =	sadd.s32 $0x10, s21;
	p0 =	por $0x1, $0x1;
	s21 =	simm.s32 $0x0;
	vm14 =	vge.s32 v18, v10;
	v17 =	vsub.f32 v15, v13;
	v15 =	vimm.s32 $0x0  }
.LBB2_19:
0xb6: {  	v21 =	vld [tilespmem:s25+$0x0];
	v22 =	vsub.f32 v14, v11;
	s22 =	sadd.s32 $0x10, s22;
	v19 =	vadd.f32 v20, v19;
	vm0 =	vlt.s32 v18, v8;
	p1 =	sne.s32 s23, $0x1  }
.Ltmp13:
0xb7: {  	s23 =	sadd.s32 $0xFFFFFFFF, s23;
	s24 =	sadd.s32 $0x10, s24;
	v14 =	vld [tilespmem:s22+$0x0];
	v20 =	vsub.f32 v16, v12;
	vm0 =	vmand vm14, vm0;
	(pc) =	sbr.rel @p1 .LBB2_19-.Ltmp13, $4  }
0xb8: {  	s21 =	sadd.s32 $0x10, s21;
	v17 =	vmul.f32 v17, v17;
	v16 =	vld [tilespmem:s24+$0x0];
	v22 =	vmul.f32 v22, v22;
	vm14 =	vlt.f32 v19, $2.500000000e+01  }
0xb9: {  	v18 =	vadd.s32 s21, v7;
	vm0 =	vmand vm0, vm14  }
0xba: {  	v20 =	vmul.f32 v20, v20;
	v19 =	vadd.f32 v22, v17;
	v22 =	vsel vm0, $0x1, v1  }
0xbb: {  	s25 =	sadd.s32 $0x10, s25;
	vm14 =	vge.s32 v18, v10;
	v17 =	vsub.f32 v21, v13;
	v15 =	vadd.s32 v22, v15  }
.LBB2_20:
0xbc: {  	v11 =	vsub.f32 v14, v11;
	_ =	sdelay $0x1  }
0xbd: {  	v12 =	vsub.f32 v16, v12;
	v13 =	vmul.f32 v17, v17;
	v11 =	vmul.f32 v11, v11  }
0xbe: {  	v14 =	vadd.f32 @p0 v20, v19  }
0xbf: {  	vm0 =	vlt.s32 @p0 v18, v8;
	s21 =	sadd.s32 @p0 $0x10, s21;
	v12 =	vmul.f32 v12, v12;
	v11 =	vadd.f32 v11, v13  }
0xc0: {  	vm0 =	vmand @p0 vm14, vm0;
	s20 =	smov.u32 @p0 s21  }
0xc1: {  	vm14 =	vlt.f32 @p0 v14, $2.500000000e+01;
	v7 =	vadd.s32 s20, v7;
	v11 =	vadd.f32 v12, v11  }
0xc2: {  	vm0 =	vmand @p0 vm0, vm14;
	vm14 =	vge.s32 v7, v10;
	vm15 =	vlt.s32 v7, v8  }
0xc3: {  	v7 =	vsel @p0 vm0, $0x1, v1;
	vm0 =	vmand vm14, vm15;
	vm14 =	vlt.f32 v11, $2.500000000e+01  }
0xc4: {  	v7 =	vadd.s32 @p0 v7, v15;
	vm0 =	vmand vm0, vm14  }
0xc5: {  	v7 =	vpsel p0, v7, v9;
	v8 =	vsel vm0, $0x1, v1  }
0xc6: {  	v7 =	vadd.s32 v8, v7  }
.LBB2_21:
0xc7: {  	(v2sf) =	vpush v2, $0x2;
	_ =	sdelay $0xe  }
0xc8: {  	s20 =	spop (v2sf)  }
0xc9: {  	s21 =	sand.u32 $0xF, s20  }
0xca: {  	s22 =	sshra.s32 s20, $0x1F;
	p0 =	slt.s32 s20, $0x1;
	p1 =	sne.s32 s21, $0x0  }
0xcb: {  	s30 =	sshrl.u32 s22, $0x1C;
	p0 =	por !p0, !p1  }
0xcc: {  	s21 =	simm.s32 $0x1;
	s20 =	sadd.s32 s30, s20;
	p0 =	por !p0, !p0  }
0xcd: {  	s20 =	sshra.s32 s20, $0x4;
	s21 =	simm.s32 @!p0 $0x0  }
0xce: {  	s22 =	ssub.s32 s20, s21  }
0xcf: {  	s20 =	sshll.u32 s22, $0x4  }
0xd0: {  	s31 =	ssub.s32 s19, s20  }
0xd1: {  	(xrf0) =	vadd.scan.msk.s32 $0xffff, v7;
	s21 =	sadd.s32 $0x11, s31  }
0xd2: {  	p0 =	slt.s32 s21, $0x10  }
.Ltmp14:
0xd3: {  	_ = 	snop;
	(pc) =	sbr.rel @p0 .LBB2_28-.Ltmp14, $2  }
0xd4: {  	_ =	sdelay $0x2  }
0xd5: {  	v9 =	vimm.s32 $0x0;
	v8 =	vimm.s32 $0x0;
	v7, _, _ =	vpop (xrf0)  }
0xd6: {  	s23 =	sshra.s32 s21, $0x1F  }
0xd7: {  	s23 =	sshrl.u32 s23, $0x1C  }
0xd8: {  	s22 =	sshll.u32 s22, $0x6;
	s30 =	sadd.s32 s23, s21  }
0xd9: {  	s22 =	sshra.s32 s22, $0x2;
	s23 =	sshra.s32 s30, $0x4  }
0xda: {  	v17 =	vld [tilespmem:s22+$0x0];
	p1 =	sne.s32 s23, $0x1  }
.Ltmp15:
0xdb: {  	_ = 	snop;
	(pc) =	sbr.rel @!p1 .LBB2_23-.Ltmp15, $4  }
0xdc: {  	_ = 	snop  }
0xdd: {  	v15 =	vbroadcast v3, $0x2;
	v13 =	vbroadcast v4, $0x2;
	s21 =	sadd.s32 $0x1080, s22  }
0xde: {  	v8 =	vor.u32 s20, v0;
	s31 =	sor.u32 $0x2, s19;
	v14 =	vbroadcast v5, $0x2;
	s20 =	simm.s32 $0x0;
	v12 =	vbroadcast v2, $0x2;
	s24 =	sadd.s32 $0x2100, s22;
	v16 =	vld [tilespmem:s21+$0x0]  }
0xdf: {  	v11 =	vimm.s32 $0x0;
	p0 =	por $0x0, $0x0;
	v10 =	vmov s31;
	s25 =	sadd.s32 $0x10, s22;
	v18 =	vld [tilespmem:s24+$0x0];
	s23 =	sadd.s32 $0xFFFFFFFF, s23;
	v19 =	vsub.f32 v17, v15  }
0xe0: {  	_ =	sdelay $0x2  }
0xe1: {  	v16 =	vsub.f32 v16, v13  }
0xe2: {  	v17 =	vld [tilespmem:s25+$0x0];
	s22 =	sadd.s32 $0x10, s21;
	p1 =	sne.s32 s23, $0x1;
	v18 =	vsub.f32 v18, v14  }
.Ltmp16:
0xe3: {  	s24 =	sadd.s32 $0x10, s24;
	v21 =	vmul.f32 v16, v16;
	v16 =	vld [tilespmem:s22+$0x0];
	(pc) =	sbr.rel @!p1 .LBB2_25-.Ltmp16, $3  }
0xe4: {  	v19 =	vmul.f32 v19, v19;
	v22 =	vmul.f32 v18, v18;
	v18 =	vld [tilespmem:s24+$0x0];
	_ =	sdelay $0x1  }
0xe5: {  	s23 =	sadd.s32 $0xFFFFFFFF, s23;
	v20 =	vadd.s32 s20, v8;
	v21 =	vadd.f32 v21, v19  }
0xe6: {  	s25 =	sadd.s32 $0x10, s25;
	p0 =	por $0x1, $0x1;
	s21 =	simm.s32 $0x0;
	vm14 =	vge.s32 v20, v12;
	v19 =	vsub.f32 v17, v15;
	v17 =	vimm.s32 $0x0  }
.LBB2_26:
0xe7: {  	v23 =	vld [tilespmem:s25+$0x0];
	v24 =	vsub.f32 v16, v13;
	s22 =	sadd.s32 $0x10, s22;
	v21 =	vadd.f32 v22, v21;
	vm0 =	vlt.s32 v20, v10;
	p1 =	sne.s32 s23, $0x1  }
.Ltmp17:
0xe8: {  	s23 =	sadd.s32 $0xFFFFFFFF, s23;
	s24 =	sadd.s32 $0x10, s24;
	v16 =	vld [tilespmem:s22+$0x0];
	v22 =	vsub.f32 v18, v14;
	vm0 =	vmand vm14, vm0;
	(pc) =	sbr.rel @p1 .LBB2_26-.Ltmp17, $4  }
0xe9: {  	s21 =	sadd.s32 $0x10, s21;
	v19 =	vmul.f32 v19, v19;
	v18 =	vld [tilespmem:s24+$0x0];
	v24 =	vmul.f32 v24, v24;
	vm14 =	vlt.f32 v21, $2.500000000e+01  }
0xea: {  	v20 =	vadd.s32 s21, v8;
	vm0 =	vmand vm0, vm14  }
0xeb: {  	v22 =	vmul.f32 v22, v22;
	v21 =	vadd.f32 v24, v19;
	v24 =	vsel vm0, $0x1, v1  }
0xec: {  	s25 =	sadd.s32 $0x10, s25;
	vm14 =	vge.s32 v20, v12;
	v19 =	vsub.f32 v23, v15;
	v17 =	vadd.s32 v24, v17  }
.LBB2_27:
0xed: {  	v13 =	vsub.f32 v16, v13;
	_ =	sdelay $0x1  }
0xee: {  	v14 =	vsub.f32 v18, v14;
	v15 =	vmul.f32 v19, v19;
	v13 =	vmul.f32 v13, v13  }
0xef: {  	v16 =	vadd.f32 @p0 v22, v21  }
0xf0: {  	vm0 =	vlt.s32 @p0 v20, v10;
	s21 =	sadd.s32 @p0 $0x10, s21;
	v14 =	vmul.f32 v14, v14;
	v13 =	vadd.f32 v13, v15  }
0xf1: {  	vm0 =	vmand @p0 vm14, vm0;
	s20 =	smov.u32 @p0 s21  }
0xf2: {  	vm14 =	vlt.f32 @p0 v16, $2.500000000e+01;
	v8 =	vadd.s32 s20, v8;
	v13 =	vadd.f32 v14, v13  }
0xf3: {  	vm0 =	vmand @p0 vm0, vm14;
	vm14 =	vge.s32 v8, v12;
	vm15 =	vlt.s32 v8, v10  }
0xf4: {  	v8 =	vsel @p0 vm0, $0x1, v1;
	vm0 =	vmand vm14, vm15;
	vm14 =	vlt.f32 v13, $2.500000000e+01  }
0xf5: {  	v8 =	vadd.s32 @p0 v8, v17;
	vm0 =	vmand vm0, vm14  }
0xf6: {  	v8 =	vpsel p0, v8, v11;
	v10 =	vsel vm0, $0x1, v1  }
0xf7: {  	v8 =	vadd.s32 v10, v8  }
.LBB2_28:
0xf8: {  	(v2sf) =	vpush v2, $0x3;
	_ =	sdelay $0xe  }
0xf9: {  	s20 =	spop (v2sf)  }
0xfa: {  	s21 =	sand.u32 $0xF, s20  }
0xfb: {  	s22 =	sshra.s32 s20, $0x1F;
	p0 =	slt.s32 s20, $0x1;
	p1 =	sne.s32 s21, $0x0  }
0xfc: {  	s30 =	sshrl.u32 s22, $0x1C;
	p0 =	por !p0, !p1  }
0xfd: {  	s21 =	simm.s32 $0x1;
	s20 =	sadd.s32 s30, s20;
	p0 =	por !p0, !p0  }
0xfe: {  	s20 =	sshra.s32 s20, $0x4;
	s21 =	simm.s32 @!p0 $0x0  }
0xff: {  	s22 =	ssub.s32 s20, s21  }
0x100: {  	s20 =	sshll.u32 s22, $0x4  }
0x101: {  	s31 =	ssub.s32 s19, s20  }
0x102: {  	(xrf0) =	vadd.scan.msk.s32 $0xffff, v8;
	s21 =	sadd.s32 $0x12, s31  }
0x103: {  	p0 =	slt.s32 s21, $0x10  }
.Ltmp18:
0x104: {  	_ = 	snop;
	(pc) =	sbr.rel @p0 .LBB2_35-.Ltmp18, $2  }
0x105: {  	_ =	sdelay $0x2  }
0x106: {  	v8, _, _ =	vpop (xrf0)  }
0x107: {  	s23 =	sshra.s32 s21, $0x1F  }
0x108: {  	s23 =	sshrl.u32 s23, $0x1C  }
0x109: {  	s22 =	sshll.u32 s22, $0x6;
	s30 =	sadd.s32 s23, s21  }
0x10a: {  	s22 =	sshra.s32 s22, $0x2;
	s23 =	sshra.s32 s30, $0x4  }
0x10b: {  	v17 =	vld [tilespmem:s22+$0x0];
	p1 =	sne.s32 s23, $0x1  }
.Ltmp19:
0x10c: {  	_ = 	snop;
	(pc) =	sbr.rel @!p1 .LBB2_30-.Ltmp19, $4  }
0x10d: {  	_ = 	snop  }
0x10e: {  	v15 =	vbroadcast v3, $0x3;
	v13 =	vbroadcast v4, $0x3;
	s21 =	sadd.s32 $0x1080, s22  }
0x10f: {  	v9 =	vor.u32 s20, v0;
	s31 =	sor.u32 $0x3, s19;
	v14 =	vbroadcast v5, $0x3;
	s20 =	simm.s32 $0x0;
	v12 =	vbroadcast v2, $0x3;
	s24 =	sadd.s32 $0x2100, s22;
	v16 =	vld [tilespmem:s21+$0x0]  }
0x110: {  	v11 =	vimm.s32 $0x0;
	p0 =	por $0x0, $0x0;
	v10 =	vmov s31;
	s25 =	sadd.s32 $0x10, s22;
	v18 =	vld [tilespmem:s24+$0x0];
	s23 =	sadd.s32 $0xFFFFFFFF, s23;
	v19 =	vsub.f32 v17, v15  }
0x111: {  	_ =	sdelay $0x2  }
0x112: {  	v16 =	vsub.f32 v16, v13  }
0x113: {  	v17 =	vld [tilespmem:s25+$0x0];
	s22 =	sadd.s32 $0x10, s21;
	p1 =	sne.s32 s23, $0x1;
	v18 =	vsub.f32 v18, v14  }
.Ltmp20:
0x114: {  	s24 =	sadd.s32 $0x10, s24;
	v21 =	vmul.f32 v16, v16;
	v16 =	vld [tilespmem:s22+$0x0];
	(pc) =	sbr.rel @!p1 .LBB2_32-.Ltmp20, $3  }
0x115: {  	v19 =	vmul.f32 v19, v19;
	v22 =	vmul.f32 v18, v18;
	v18 =	vld [tilespmem:s24+$0x0];
	_ =	sdelay $0x1  }
0x116: {  	s23 =	sadd.s32 $0xFFFFFFFF, s23;
	v20 =	vadd.s32 s20, v9;
	v21 =	vadd.f32 v21, v19  }
0x117: {  	s25 =	sadd.s32 $0x10, s25;
	p0 =	por $0x1, $0x1;
	s21 =	simm.s32 $0x0;
	vm14 =	vge.s32 v20, v12;
	v19 =	vsub.f32 v17, v15;
	v17 =	vimm.s32 $0x0  }
.LBB2_33:
0x118: {  	v23 =	vld [tilespmem:s25+$0x0];
	v24 =	vsub.f32 v16, v13;
	s22 =	sadd.s32 $0x10, s22;
	v21 =	vadd.f32 v22, v21;
	vm0 =	vlt.s32 v20, v10;
	p1 =	sne.s32 s23, $0x1  }
.Ltmp21:
0x119: {  	s23 =	sadd.s32 $0xFFFFFFFF, s23;
	s24 =	sadd.s32 $0x10, s24;
	v16 =	vld [tilespmem:s22+$0x0];
	v22 =	vsub.f32 v18, v14;
	vm0 =	vmand vm14, vm0;
	(pc) =	sbr.rel @p1 .LBB2_33-.Ltmp21, $4  }
0x11a: {  	s21 =	sadd.s32 $0x10, s21;
	v19 =	vmul.f32 v19, v19;
	v18 =	vld [tilespmem:s24+$0x0];
	v24 =	vmul.f32 v24, v24;
	vm14 =	vlt.f32 v21, $2.500000000e+01  }
0x11b: {  	v20 =	vadd.s32 s21, v9;
	vm0 =	vmand vm0, vm14  }
0x11c: {  	v22 =	vmul.f32 v22, v22;
	v21 =	vadd.f32 v24, v19;
	v24 =	vsel vm0, $0x1, v1  }
0x11d: {  	s25 =	sadd.s32 $0x10, s25;
	vm14 =	vge.s32 v20, v12;
	v19 =	vsub.f32 v23, v15;
	v17 =	vadd.s32 v24, v17  }
.LBB2_34:
0x11e: {  	v13 =	vsub.f32 v16, v13;
	_ =	sdelay $0x1  }
0x11f: {  	v14 =	vsub.f32 v18, v14;
	v15 =	vmul.f32 v19, v19;
	v13 =	vmul.f32 v13, v13  }
0x120: {  	v16 =	vadd.f32 @p0 v22, v21  }
0x121: {  	vm0 =	vlt.s32 @p0 v20, v10;
	s21 =	sadd.s32 @p0 $0x10, s21;
	v14 =	vmul.f32 v14, v14;
	v13 =	vadd.f32 v13, v15  }
0x122: {  	vm0 =	vmand @p0 vm14, vm0;
	s20 =	smov.u32 @p0 s21  }
0x123: {  	vm14 =	vlt.f32 @p0 v16, $2.500000000e+01;
	v9 =	vadd.s32 s20, v9;
	v13 =	vadd.f32 v14, v13  }
0x124: {  	vm0 =	vmand @p0 vm0, vm14;
	vm14 =	vge.s32 v9, v12;
	vm15 =	vlt.s32 v9, v10  }
0x125: {  	v9 =	vsel @p0 vm0, $0x1, v1;
	vm0 =	vmand vm14, vm15;
	vm14 =	vlt.f32 v13, $2.500000000e+01  }
0x126: {  	v9 =	vadd.s32 @p0 v9, v17;
	vm0 =	vmand vm0, vm14  }
0x127: {  	v9 =	vpsel p0, v9, v11;
	v10 =	vsel vm0, $0x1, v1  }
0x128: {  	v9 =	vadd.s32 v10, v9  }
.LBB2_35:
0x129: {  	(v2sf) =	vpush v2, $0x4;
	_ =	sdelay $0xe  }
0x12a: {  	s20 =	spop (v2sf)  }
0x12b: {  	s21 =	sand.u32 $0xF, s20  }
0x12c: {  	s22 =	sshra.s32 s20, $0x1F;
	p0 =	slt.s32 s20, $0x1;
	p1 =	sne.s32 s21, $0x0  }
0x12d: {  	s30 =	sshrl.u32 s22, $0x1C;
	p0 =	por !p0, !p1  }
0x12e: {  	s21 =	simm.s32 $0x1;
	s20 =	sadd.s32 s30, s20;
	p0 =	por !p0, !p0  }
0x12f: {  	s20 =	sshra.s32 s20, $0x4;
	s21 =	simm.s32 @!p0 $0x0  }
0x130: {  	s22 =	ssub.s32 s20, s21  }
0x131: {  	s20 =	sshll.u32 s22, $0x4  }
0x132: {  	s31 =	ssub.s32 s19, s20  }
0x133: {  	(xrf0) =	vadd.scan.msk.s32 $0xffff, v9;
	s21 =	sadd.s32 $0x13, s31  }
0x134: {  	p0 =	slt.s32 s21, $0x10  }
.Ltmp22:
0x135: {  	_ = 	snop;
	(pc) =	sbr.rel @p0 .LBB2_42-.Ltmp22, $2  }
0x136: {  	_ =	sdelay $0x2  }
0x137: {  	v11 =	vimm.s32 $0x0;
	v10 =	vimm.s32 $0x0;
	v9, _, _ =	vpop (xrf0)  }
0x138: {  	s23 =	sshra.s32 s21, $0x1F  }
0x139: {  	s23 =	sshrl.u32 s23, $0x1C  }
0x13a: {  	s22 =	sshll.u32 s22, $0x6;
	s30 =	sadd.s32 s23, s21  }
0x13b: {  	s22 =	sshra.s32 s22, $0x2;
	s23 =	sshra.s32 s30, $0x4  }
0x13c: {  	v19 =	vld [tilespmem:s22+$0x0];
	p1 =	sne.s32 s23, $0x1  }
.Ltmp23:
0x13d: {  	_ = 	snop;
	(pc) =	sbr.rel @!p1 .LBB2_37-.Ltmp23, $4  }
0x13e: {  	_ = 	snop  }
0x13f: {  	v17 =	vbroadcast v3, $0x4;
	v15 =	vbroadcast v4, $0x4;
	s21 =	sadd.s32 $0x1080, s22  }
0x140: {  	v10 =	vor.u32 s20, v0;
	s31 =	sor.u32 $0x4, s19;
	v16 =	vbroadcast v5, $0x4;
	s20 =	simm.s32 $0x0;
	v14 =	vbroadcast v2, $0x4;
	s24 =	sadd.s32 $0x2100, s22;
	v18 =	vld [tilespmem:s21+$0x0]  }
0x141: {  	v13 =	vimm.s32 $0x0;
	p0 =	por $0x0, $0x0;
	v12 =	vmov s31;
	s25 =	sadd.s32 $0x10, s22;
	v20 =	vld [tilespmem:s24+$0x0];
	s23 =	sadd.s32 $0xFFFFFFFF, s23;
	v21 =	vsub.f32 v19, v17  }
0x142: {  	_ =	sdelay $0x2  }
0x143: {  	v18 =	vsub.f32 v18, v15  }
0x144: {  	v19 =	vld [tilespmem:s25+$0x0];
	s22 =	sadd.s32 $0x10, s21;
	p1 =	sne.s32 s23, $0x1;
	v20 =	vsub.f32 v20, v16  }
.Ltmp24:
0x145: {  	s24 =	sadd.s32 $0x10, s24;
	v23 =	vmul.f32 v18, v18;
	v18 =	vld [tilespmem:s22+$0x0];
	(pc) =	sbr.rel @!p1 .LBB2_39-.Ltmp24, $3  }
0x146: {  	v21 =	vmul.f32 v21, v21;
	v24 =	vmul.f32 v20, v20;
	v20 =	vld [tilespmem:s24+$0x0];
	_ =	sdelay $0x1  }
0x147: {  	s23 =	sadd.s32 $0xFFFFFFFF, s23;
	v22 =	vadd.s32 s20, v10;
	v23 =	vadd.f32 v23, v21  }
0x148: {  	s25 =	sadd.s32 $0x10, s25;
	p0 =	por $0x1, $0x1;
	s21 =	simm.s32 $0x0;
	vm14 =	vge.s32 v22, v14;
	v21 =	vsub.f32 v19, v17;
	v19 =	vimm.s32 $0x0  }
.LBB2_40:
0x149: {  	v25 =	vld [tilespmem:s25+$0x0];
	v26 =	vsub.f32 v18, v15;
	s22 =	sadd.s32 $0x10, s22;
	v23 =	vadd.f32 v24, v23;
	vm0 =	vlt.s32 v22, v12;
	p1 =	sne.s32 s23, $0x1  }
.Ltmp25:
0x14a: {  	s23 =	sadd.s32 $0xFFFFFFFF, s23;
	s24 =	sadd.s32 $0x10, s24;
	v18 =	vld [tilespmem:s22+$0x0];
	v24 =	vsub.f32 v20, v16;
	vm0 =	vmand vm14, vm0;
	(pc) =	sbr.rel @p1 .LBB2_40-.Ltmp25, $4  }
0x14b: {  	s21 =	sadd.s32 $0x10, s21;
	v21 =	vmul.f32 v21, v21;
	v20 =	vld [tilespmem:s24+$0x0];
	v26 =	vmul.f32 v26, v26;
	vm14 =	vlt.f32 v23, $2.500000000e+01  }
0x14c: {  	v22 =	vadd.s32 s21, v10;
	vm0 =	vmand vm0, vm14  }
0x14d: {  	v24 =	vmul.f32 v24, v24;
	v23 =	vadd.f32 v26, v21;
	v26 =	vsel vm0, $0x1, v1  }
0x14e: {  	s25 =	sadd.s32 $0x10, s25;
	vm14 =	vge.s32 v22, v14;
	v21 =	vsub.f32 v25, v17;
	v19 =	vadd.s32 v26, v19  }
.LBB2_41:
0x14f: {  	v15 =	vsub.f32 v18, v15;
	_ =	sdelay $0x1  }
0x150: {  	v16 =	vsub.f32 v20, v16;
	v17 =	vmul.f32 v21, v21;
	v15 =	vmul.f32 v15, v15  }
0x151: {  	v18 =	vadd.f32 @p0 v24, v23  }
0x152: {  	vm0 =	vlt.s32 @p0 v22, v12;
	s21 =	sadd.s32 @p0 $0x10, s21;
	v16 =	vmul.f32 v16, v16;
	v15 =	vadd.f32 v15, v17  }
0x153: {  	vm0 =	vmand @p0 vm14, vm0;
	s20 =	smov.u32 @p0 s21  }
0x154: {  	vm14 =	vlt.f32 @p0 v18, $2.500000000e+01;
	v10 =	vadd.s32 s20, v10;
	v15 =	vadd.f32 v16, v15  }
0x155: {  	vm0 =	vmand @p0 vm0, vm14;
	vm14 =	vge.s32 v10, v14;
	vm15 =	vlt.s32 v10, v12  }
0x156: {  	v10 =	vsel @p0 vm0, $0x1, v1;
	vm0 =	vmand vm14, vm15;
	vm14 =	vlt.f32 v15, $2.500000000e+01  }
0x157: {  	v10 =	vadd.s32 @p0 v10, v19;
	vm0 =	vmand vm0, vm14  }
0x158: {  	v10 =	vpsel p0, v10, v13;
	v63 =	vsel vm0, $0x1, v1  }
0x159: {  	v10 =	vadd.s32 v63, v10  }
.LBB2_42:
0x15a: {  	(v2sf) =	vpush v2, $0x5;
	_ =	sdelay $0xe  }
0x15b: {  	s20 =	spop (v2sf)  }
0x15c: {  	s21 =	sand.u32 $0xF, s20  }
0x15d: {  	s22 =	sshra.s32 s20, $0x1F;
	p0 =	slt.s32 s20, $0x1;
	p1 =	sne.s32 s21, $0x0  }
0x15e: {  	s30 =	sshrl.u32 s22, $0x1C;
	p0 =	por !p0, !p1  }
0x15f: {  	s21 =	simm.s32 $0x1;
	s20 =	sadd.s32 s30, s20;
	p0 =	por !p0, !p0  }
0x160: {  	s20 =	sshra.s32 s20, $0x4;
	s21 =	simm.s32 @!p0 $0x0  }
0x161: {  	s22 =	ssub.s32 s20, s21  }
0x162: {  	s20 =	sshll.u32 s22, $0x4  }
0x163: {  	s31 =	ssub.s32 s19, s20  }
0x164: {  	(xrf0) =	vadd.scan.msk.s32 $0xffff, v10;
	s21 =	sadd.s32 $0x14, s31  }
0x165: {  	p0 =	slt.s32 s21, $0x10  }
.Ltmp26:
0x166: {  	_ = 	snop;
	(pc) =	sbr.rel @p0 .LBB2_49-.Ltmp26, $2  }
0x167: {  	_ =	sdelay $0x2  }
0x168: {  	v10, _, _ =	vpop (xrf0)  }
0x169: {  	s23 =	sshra.s32 s21, $0x1F  }
0x16a: {  	s23 =	sshrl.u32 s23, $0x1C  }
0x16b: {  	s22 =	sshll.u32 s22, $0x6;
	s30 =	sadd.s32 s23, s21  }
0x16c: {  	s22 =	sshra.s32 s22, $0x2;
	s23 =	sshra.s32 s30, $0x4  }
0x16d: {  	v19 =	vld [tilespmem:s22+$0x0];
	p1 =	sne.s32 s23, $0x1  }
.Ltmp27:
0x16e: {  	_ = 	snop;
	(pc) =	sbr.rel @!p1 .LBB2_44-.Ltmp27, $4  }
0x16f: {  	_ = 	snop  }
0x170: {  	v17 =	vbroadcast v3, $0x5;
	v15 =	vbroadcast v4, $0x5;
	s21 =	sadd.s32 $0x1080, s22  }
0x171: {  	v11 =	vor.u32 s20, v0;
	s31 =	sor.u32 $0x5, s19;
	v16 =	vbroadcast v5, $0x5;
	s20 =	simm.s32 $0x0;
	v14 =	vbroadcast v2, $0x5;
	s24 =	sadd.s32 $0x2100, s22;
	v18 =	vld [tilespmem:s21+$0x0]  }
0x172: {  	v13 =	vimm.s32 $0x0;
	p0 =	por $0x0, $0x0;
	v12 =	vmov s31;
	s25 =	sadd.s32 $0x10, s22;
	v20 =	vld [tilespmem:s24+$0x0];
	s23 =	sadd.s32 $0xFFFFFFFF, s23;
	v21 =	vsub.f32 v19, v17  }
0x173: {  	_ =	sdelay $0x2  }
0x174: {  	v18 =	vsub.f32 v18, v15  }
0x175: {  	v19 =	vld [tilespmem:s25+$0x0];
	s22 =	sadd.s32 $0x10, s21;
	p1 =	sne.s32 s23, $0x1;
	v20 =	vsub.f32 v20, v16  }
.Ltmp28:
0x176: {  	s24 =	sadd.s32 $0x10, s24;
	v23 =	vmul.f32 v18, v18;
	v18 =	vld [tilespmem:s22+$0x0];
	(pc) =	sbr.rel @!p1 .LBB2_46-.Ltmp28, $3  }
0x177: {  	v21 =	vmul.f32 v21, v21;
	v24 =	vmul.f32 v20, v20;
	v20 =	vld [tilespmem:s24+$0x0];
	_ =	sdelay $0x1  }
0x178: {  	s23 =	sadd.s32 $0xFFFFFFFF, s23;
	v22 =	vadd.s32 s20, v11;
	v23 =	vadd.f32 v23, v21  }
0x179: {  	s25 =	sadd.s32 $0x10, s25;
	p0 =	por $0x1, $0x1;
	s21 =	simm.s32 $0x0;
	vm14 =	vge.s32 v22, v14;
	v21 =	vsub.f32 v19, v17;
	v19 =	vimm.s32 $0x0  }
.LBB2_47:
0x17a: {  	v25 =	vld [tilespmem:s25+$0x0];
	v26 =	vsub.f32 v18, v15;
	s22 =	sadd.s32 $0x10, s22;
	v23 =	vadd.f32 v24, v23;
	vm0 =	vlt.s32 v22, v12;
	p1 =	sne.s32 s23, $0x1  }
.Ltmp29:
0x17b: {  	s23 =	sadd.s32 $0xFFFFFFFF, s23;
	s24 =	sadd.s32 $0x10, s24;
	v18 =	vld [tilespmem:s22+$0x0];
	v24 =	vsub.f32 v20, v16;
	vm0 =	vmand vm14, vm0;
	(pc) =	sbr.rel @p1 .LBB2_47-.Ltmp29, $4  }
0x17c: {  	s21 =	sadd.s32 $0x10, s21;
	v21 =	vmul.f32 v21, v21;
	v20 =	vld [tilespmem:s24+$0x0];
	v26 =	vmul.f32 v26, v26;
	vm14 =	vlt.f32 v23, $2.500000000e+01  }
0x17d: {  	v22 =	vadd.s32 s21, v11;
	vm0 =	vmand vm0, vm14  }
0x17e: {  	v24 =	vmul.f32 v24, v24;
	v23 =	vadd.f32 v26, v21;
	v26 =	vsel vm0, $0x1, v1  }
0x17f: {  	s25 =	sadd.s32 $0x10, s25;
	vm14 =	vge.s32 v22, v14;
	v21 =	vsub.f32 v25, v17;
	v19 =	vadd.s32 v26, v19  }
.LBB2_48:
0x180: {  	v15 =	vsub.f32 v18, v15;
	_ =	sdelay $0x1  }
0x181: {  	v16 =	vsub.f32 v20, v16;
	v17 =	vmul.f32 v21, v21;
	v15 =	vmul.f32 v15, v15  }
0x182: {  	v18 =	vadd.f32 @p0 v24, v23  }
0x183: {  	vm0 =	vlt.s32 @p0 v22, v12;
	s21 =	sadd.s32 @p0 $0x10, s21;
	v16 =	vmul.f32 v16, v16;
	v15 =	vadd.f32 v15, v17  }
0x184: {  	vm0 =	vmand @p0 vm14, vm0;
	s20 =	smov.u32 @p0 s21  }
0x185: {  	vm14 =	vlt.f32 @p0 v18, $2.500000000e+01;
	v11 =	vadd.s32 s20, v11;
	v15 =	vadd.f32 v16, v15  }
0x186: {  	vm0 =	vmand @p0 vm0, vm14;
	vm14 =	vge.s32 v11, v14;
	vm15 =	vlt.s32 v11, v12  }
0x187: {  	v11 =	vsel @p0 vm0, $0x1, v1;
	vm0 =	vmand vm14, vm15;
	vm14 =	vlt.f32 v15, $2.500000000e+01  }
0x188: {  	v11 =	vadd.s32 @p0 v11, v19;
	vm0 =	vmand vm0, vm14  }
0x189: {  	v11 =	vpsel p0, v11, v13;
	v63 =	vsel vm0, $0x1, v1  }
0x18a: {  	v11 =	vadd.s32 v63, v11  }
.LBB2_49:
0x18b: {  	(v2sf) =	vpush v2, $0x6;
	_ =	sdelay $0xe  }
0x18c: {  	s20 =	spop (v2sf)  }
0x18d: {  	s21 =	sand.u32 $0xF, s20  }
0x18e: {  	s22 =	sshra.s32 s20, $0x1F;
	p0 =	slt.s32 s20, $0x1;
	p1 =	sne.s32 s21, $0x0  }
0x18f: {  	s30 =	sshrl.u32 s22, $0x1C;
	p0 =	por !p0, !p1  }
0x190: {  	s21 =	simm.s32 $0x1;
	s20 =	sadd.s32 s30, s20;
	p0 =	por !p0, !p0  }
0x191: {  	s20 =	sshra.s32 s20, $0x4;
	s21 =	simm.s32 @!p0 $0x0  }
0x192: {  	s22 =	ssub.s32 s20, s21  }
0x193: {  	s20 =	sshll.u32 s22, $0x4  }
0x194: {  	s31 =	ssub.s32 s19, s20  }
0x195: {  	(xrf0) =	vadd.scan.msk.s32 $0xffff, v11;
	s21 =	sadd.s32 $0x15, s31  }
0x196: {  	p0 =	slt.s32 s21, $0x10  }
.Ltmp30:
0x197: {  	_ = 	snop;
	(pc) =	sbr.rel @p0 .LBB2_56-.Ltmp30, $2  }
0x198: {  	_ =	sdelay $0x2  }
0x199: {  	v13 =	vimm.s32 $0x0;
	v12 =	vimm.s32 $0x0;
	v11, _, _ =	vpop (xrf0)  }
0x19a: {  	s23 =	sshra.s32 s21, $0x1F  }
0x19b: {  	s23 =	sshrl.u32 s23, $0x1C  }
0x19c: {  	s22 =	sshll.u32 s22, $0x6;
	s30 =	sadd.s32 s23, s21  }
0x19d: {  	s22 =	sshra.s32 s22, $0x2;
	s23 =	sshra.s32 s30, $0x4  }
0x19e: {  	v21 =	vld [tilespmem:s22+$0x0];
	p1 =	sne.s32 s23, $0x1  }
.Ltmp31:
0x19f: {  	_ = 	snop;
	(pc) =	sbr.rel @!p1 .LBB2_51-.Ltmp31, $4  }
0x1a0: {  	_ = 	snop  }
0x1a1: {  	v19 =	vbroadcast v3, $0x6;
	v17 =	vbroadcast v4, $0x6;
	s21 =	sadd.s32 $0x1080, s22  }
0x1a2: {  	v12 =	vor.u32 s20, v0;
	s31 =	sor.u32 $0x6, s19;
	v18 =	vbroadcast v5, $0x6;
	s20 =	simm.s32 $0x0;
	v16 =	vbroadcast v2, $0x6;
	s24 =	sadd.s32 $0x2100, s22;
	v20 =	vld [tilespmem:s21+$0x0]  }
0x1a3: {  	v15 =	vimm.s32 $0x0;
	p0 =	por $0x0, $0x0;
	v14 =	vmov s31;
	s25 =	sadd.s32 $0x10, s22;
	v22 =	vld [tilespmem:s24+$0x0];
	s23 =	sadd.s32 $0xFFFFFFFF, s23;
	v23 =	vsub.f32 v21, v19  }
0x1a4: {  	_ =	sdelay $0x2  }
0x1a5: {  	v20 =	vsub.f32 v20, v17  }
0x1a6: {  	v21 =	vld [tilespmem:s25+$0x0];
	s22 =	sadd.s32 $0x10, s21;
	p1 =	sne.s32 s23, $0x1;
	v22 =	vsub.f32 v22, v18  }
.Ltmp32:
0x1a7: {  	s24 =	sadd.s32 $0x10, s24;
	v25 =	vmul.f32 v20, v20;
	v20 =	vld [tilespmem:s22+$0x0];
	(pc) =	sbr.rel @!p1 .LBB2_53-.Ltmp32, $3  }
0x1a8: {  	v23 =	vmul.f32 v23, v23;
	v26 =	vmul.f32 v22, v22;
	v22 =	vld [tilespmem:s24+$0x0];
	_ =	sdelay $0x1  }
0x1a9: {  	s23 =	sadd.s32 $0xFFFFFFFF, s23;
	v24 =	vadd.s32 s20, v12;
	v25 =	vadd.f32 v25, v23  }
0x1aa: {  	s25 =	sadd.s32 $0x10, s25;
	p0 =	por $0x1, $0x1;
	s21 =	simm.s32 $0x0;
	vm14 =	vge.s32 v24, v16;
	v23 =	vsub.f32 v21, v19;
	v21 =	vimm.s32 $0x0  }
.LBB2_54:
0x1ab: {  	v27 =	vld [tilespmem:s25+$0x0];
	v28 =	vsub.f32 v20, v17;
	s22 =	sadd.s32 $0x10, s22;
	v25 =	vadd.f32 v26, v25;
	vm0 =	vlt.s32 v24, v14;
	p1 =	sne.s32 s23, $0x1  }
.Ltmp33:
0x1ac: {  	s23 =	sadd.s32 $0xFFFFFFFF, s23;
	s24 =	sadd.s32 $0x10, s24;
	v20 =	vld [tilespmem:s22+$0x0];
	v26 =	vsub.f32 v22, v18;
	vm0 =	vmand vm14, vm0;
	(pc) =	sbr.rel @p1 .LBB2_54-.Ltmp33, $4  }
0x1ad: {  	s21 =	sadd.s32 $0x10, s21;
	v23 =	vmul.f32 v23, v23;
	v22 =	vld [tilespmem:s24+$0x0];
	v28 =	vmul.f32 v28, v28;
	vm14 =	vlt.f32 v25, $2.500000000e+01  }
0x1ae: {  	v24 =	vadd.s32 s21, v12;
	vm0 =	vmand vm0, vm14  }
0x1af: {  	v26 =	vmul.f32 v26, v26;
	v25 =	vadd.f32 v28, v23;
	v28 =	vsel vm0, $0x1, v1  }
0x1b0: {  	s25 =	sadd.s32 $0x10, s25;
	vm14 =	vge.s32 v24, v16;
	v23 =	vsub.f32 v27, v19;
	v21 =	vadd.s32 v28, v21  }
.LBB2_55:
0x1b1: {  	v17 =	vsub.f32 v20, v17;
	_ =	sdelay $0x1  }
0x1b2: {  	v18 =	vsub.f32 v22, v18;
	v19 =	vmul.f32 v23, v23;
	v17 =	vmul.f32 v17, v17  }
0x1b3: {  	v20 =	vadd.f32 @p0 v26, v25  }
0x1b4: {  	vm0 =	vlt.s32 @p0 v24, v14;
	s21 =	sadd.s32 @p0 $0x10, s21;
	v18 =	vmul.f32 v18, v18;
	v17 =	vadd.f32 v17, v19  }
0x1b5: {  	vm0 =	vmand @p0 vm14, vm0;
	s20 =	smov.u32 @p0 s21  }
0x1b6: {  	vm14 =	vlt.f32 @p0 v20, $2.500000000e+01;
	v12 =	vadd.s32 s20, v12;
	v17 =	vadd.f32 v18, v17  }
0x1b7: {  	vm0 =	vmand @p0 vm0, vm14;
	vm14 =	vge.s32 v12, v16;
	vm15 =	vlt.s32 v12, v14  }
0x1b8: {  	v12 =	vsel @p0 vm0, $0x1, v1;
	vm0 =	vmand vm14, vm15;
	vm14 =	vlt.f32 v17, $2.500000000e+01  }
0x1b9: {  	v12 =	vadd.s32 @p0 v12, v21;
	vm0 =	vmand vm0, vm14  }
0x1ba: {  	v12 =	vpsel p0, v12, v15;
	v14 =	vsel vm0, $0x1, v1  }
0x1bb: {  	v12 =	vadd.s32 v14, v12  }
.LBB2_56:
0x1bc: {  	(v2sf) =	vpush v2, $0x7;
	_ =	sdelay $0xe  }
0x1bd: {  	s20 =	spop (v2sf)  }
0x1be: {  	s21 =	sand.u32 $0xF, s20  }
0x1bf: {  	s22 =	sshra.s32 s20, $0x1F;
	p0 =	slt.s32 s20, $0x1;
	p1 =	sne.s32 s21, $0x0  }
0x1c0: {  	s30 =	sshrl.u32 s22, $0x1C;
	p0 =	por !p0, !p1  }
0x1c1: {  	s21 =	simm.s32 $0x1;
	s20 =	sadd.s32 s30, s20;
	p0 =	por !p0, !p0  }
0x1c2: {  	s20 =	sshra.s32 s20, $0x4;
	s21 =	simm.s32 @!p0 $0x0  }
0x1c3: {  	s22 =	ssub.s32 s20, s21  }
0x1c4: {  	s20 =	sshll.u32 s22, $0x4  }
0x1c5: {  	s31 =	ssub.s32 s19, s20  }
0x1c6: {  	(xrf0) =	vadd.scan.msk.s32 $0xffff, v12;
	s21 =	sadd.s32 $0x16, s31  }
0x1c7: {  	p0 =	slt.s32 s21, $0x10  }
.Ltmp34:
0x1c8: {  	_ = 	snop;
	(pc) =	sbr.rel @p0 .LBB2_63-.Ltmp34, $2  }
0x1c9: {  	_ =	sdelay $0x2  }
0x1ca: {  	v12, _, _ =	vpop (xrf0)  }
0x1cb: {  	s23 =	sshra.s32 s21, $0x1F  }
0x1cc: {  	s23 =	sshrl.u32 s23, $0x1C  }
0x1cd: {  	s22 =	sshll.u32 s22, $0x6;
	s30 =	sadd.s32 s23, s21  }
0x1ce: {  	s22 =	sshra.s32 s22, $0x2;
	s23 =	sshra.s32 s30, $0x4  }
0x1cf: {  	v21 =	vld [tilespmem:s22+$0x0];
	p1 =	sne.s32 s23, $0x1  }
.Ltmp35:
0x1d0: {  	_ = 	snop;
	(pc) =	sbr.rel @!p1 .LBB2_58-.Ltmp35, $4  }
0x1d1: {  	_ = 	snop  }
0x1d2: {  	v19 =	vbroadcast v3, $0x7;
	v17 =	vbroadcast v4, $0x7;
	s21 =	sadd.s32 $0x1080, s22  }
0x1d3: {  	v13 =	vor.u32 s20, v0;
	s31 =	sor.u32 $0x7, s19;
	v18 =	vbroadcast v5, $0x7;
	s20 =	simm.s32 $0x0;
	v16 =	vbroadcast v2, $0x7;
	s24 =	sadd.s32 $0x2100, s22;
	v20 =	vld [tilespmem:s21+$0x0]  }
0x1d4: {  	v15 =	vimm.s32 $0x0;
	p0 =	por $0x0, $0x0;
	v14 =	vmov s31;
	s25 =	sadd.s32 $0x10, s22;
	v22 =	vld [tilespmem:s24+$0x0];
	s23 =	sadd.s32 $0xFFFFFFFF, s23;
	v23 =	vsub.f32 v21, v19  }
0x1d5: {  	_ =	sdelay $0x2  }
0x1d6: {  	v20 =	vsub.f32 v20, v17  }
0x1d7: {  	v21 =	vld [tilespmem:s25+$0x0];
	s22 =	sadd.s32 $0x10, s21;
	p1 =	sne.s32 s23, $0x1;
	v22 =	vsub.f32 v22, v18  }
.Ltmp36:
0x1d8: {  	s24 =	sadd.s32 $0x10, s24;
	v25 =	vmul.f32 v20, v20;
	v20 =	vld [tilespmem:s22+$0x0];
	(pc) =	sbr.rel @!p1 .LBB2_60-.Ltmp36, $3  }
0x1d9: {  	v23 =	vmul.f32 v23, v23;
	v26 =	vmul.f32 v22, v22;
	v22 =	vld [tilespmem:s24+$0x0];
	_ =	sdelay $0x1  }
0x1da: {  	s23 =	sadd.s32 $0xFFFFFFFF, s23;
	v24 =	vadd.s32 s20, v13;
	v25 =	vadd.f32 v25, v23  }
0x1db: {  	s25 =	sadd.s32 $0x10, s25;
	p0 =	por $0x1, $0x1;
	s21 =	simm.s32 $0x0;
	vm14 =	vge.s32 v24, v16;
	v23 =	vsub.f32 v21, v19;
	v21 =	vimm.s32 $0x0  }
.LBB2_61:
0x1dc: {  	v27 =	vld [tilespmem:s25+$0x0];
	v28 =	vsub.f32 v20, v17;
	s22 =	sadd.s32 $0x10, s22;
	v25 =	vadd.f32 v26, v25;
	vm0 =	vlt.s32 v24, v14;
	p1 =	sne.s32 s23, $0x1  }
.Ltmp37:
0x1dd: {  	s23 =	sadd.s32 $0xFFFFFFFF, s23;
	s24 =	sadd.s32 $0x10, s24;
	v20 =	vld [tilespmem:s22+$0x0];
	v26 =	vsub.f32 v22, v18;
	vm0 =	vmand vm14, vm0;
	(pc) =	sbr.rel @p1 .LBB2_61-.Ltmp37, $4  }
0x1de: {  	s21 =	sadd.s32 $0x10, s21;
	v23 =	vmul.f32 v23, v23;
	v22 =	vld [tilespmem:s24+$0x0];
	v28 =	vmul.f32 v28, v28;
	vm14 =	vlt.f32 v25, $2.500000000e+01  }
0x1df: {  	v24 =	vadd.s32 s21, v13;
	vm0 =	vmand vm0, vm14  }
0x1e0: {  	v26 =	vmul.f32 v26, v26;
	v25 =	vadd.f32 v28, v23;
	v28 =	vsel vm0, $0x1, v1  }
0x1e1: {  	s25 =	sadd.s32 $0x10, s25;
	vm14 =	vge.s32 v24, v16;
	v23 =	vsub.f32 v27, v19;
	v21 =	vadd.s32 v28, v21  }
.LBB2_62:
0x1e2: {  	v17 =	vsub.f32 v20, v17;
	_ =	sdelay $0x1  }
0x1e3: {  	v18 =	vsub.f32 v22, v18;
	v19 =	vmul.f32 v23, v23;
	v17 =	vmul.f32 v17, v17  }
0x1e4: {  	v20 =	vadd.f32 @p0 v26, v25  }
0x1e5: {  	vm0 =	vlt.s32 @p0 v24, v14;
	s21 =	sadd.s32 @p0 $0x10, s21;
	v18 =	vmul.f32 v18, v18;
	v17 =	vadd.f32 v17, v19  }
0x1e6: {  	vm0 =	vmand @p0 vm14, vm0;
	s20 =	smov.u32 @p0 s21  }
0x1e7: {  	vm14 =	vlt.f32 @p0 v20, $2.500000000e+01;
	v13 =	vadd.s32 s20, v13;
	v17 =	vadd.f32 v18, v17  }
0x1e8: {  	vm0 =	vmand @p0 vm0, vm14;
	vm14 =	vge.s32 v13, v16;
	vm15 =	vlt.s32 v13, v14  }
0x1e9: {  	v13 =	vsel @p0 vm0, $0x1, v1;
	vm0 =	vmand vm14, vm15;
	vm14 =	vlt.f32 v17, $2.500000000e+01  }
0x1ea: {  	v13 =	vadd.s32 @p0 v13, v21;
	vm0 =	vmand vm0, vm14  }
0x1eb: {  	v13 =	vpsel p0, v13, v15;
	v14 =	vsel vm0, $0x1, v1  }
0x1ec: {  	v13 =	vadd.s32 v14, v13  }
.LBB2_63:
0x1ed: {  	(v2sf) =	vpush v2, $0x8;
	_ =	sdelay $0xe  }
0x1ee: {  	s20 =	spop (v2sf)  }
0x1ef: {  	s21 =	sand.u32 $0xF, s20  }
0x1f0: {  	s22 =	sshra.s32 s20, $0x1F;
	p0 =	slt.s32 s20, $0x1;
	p1 =	sne.s32 s21, $0x0  }
0x1f1: {  	s30 =	sshrl.u32 s22, $0x1C;
	p0 =	por !p0, !p1  }
0x1f2: {  	s21 =	simm.s32 $0x1;
	s20 =	sadd.s32 s30, s20;
	p0 =	por !p0, !p0  }
0x1f3: {  	s20 =	sshra.s32 s20, $0x4;
	s21 =	simm.s32 @!p0 $0x0  }
0x1f4: {  	s22 =	ssub.s32 s20, s21  }
0x1f5: {  	s20 =	sshll.u32 s22, $0x4  }
0x1f6: {  	s31 =	ssub.s32 s19, s20  }
0x1f7: {  	(xrf0) =	vadd.scan.msk.s32 $0xffff, v13;
	s21 =	sadd.s32 $0x17, s31  }
0x1f8: {  	p0 =	slt.s32 s21, $0x10  }
.Ltmp38:
0x1f9: {  	_ = 	snop;
	(pc) =	sbr.rel @p0 .LBB2_70-.Ltmp38, $2  }
0x1fa: {  	_ =	sdelay $0x2  }
0x1fb: {  	v15 =	vimm.s32 $0x0;
	v14 =	vimm.s32 $0x0;
	v13, _, _ =	vpop (xrf0)  }
0x1fc: {  	s23 =	sshra.s32 s21, $0x1F  }
0x1fd: {  	s23 =	sshrl.u32 s23, $0x1C  }
0x1fe: {  	s22 =	sshll.u32 s22, $0x6;
	s30 =	sadd.s32 s23, s21  }
0x1ff: {  	s22 =	sshra.s32 s22, $0x2;
	s23 =	sshra.s32 s30, $0x4  }
0x200: {  	v23 =	vld [tilespmem:s22+$0x0];
	p1 =	sne.s32 s23, $0x1  }
.Ltmp39:
0x201: {  	_ = 	snop;
	(pc) =	sbr.rel @!p1 .LBB2_65-.Ltmp39, $4  }
0x202: {  	_ = 	snop  }
0x203: {  	v21 =	vbroadcast v3, $0x8;
	v19 =	vbroadcast v4, $0x8;
	s21 =	sadd.s32 $0x1080, s22  }
0x204: {  	v14 =	vor.u32 s20, v0;
	s31 =	sor.u32 $0x8, s19;
	v20 =	vbroadcast v5, $0x8;
	s20 =	simm.s32 $0x0;
	v18 =	vbroadcast v2, $0x8;
	s24 =	sadd.s32 $0x2100, s22;
	v22 =	vld [tilespmem:s21+$0x0]  }
0x205: {  	v17 =	vimm.s32 $0x0;
	p0 =	por $0x0, $0x0;
	v16 =	vmov s31;
	s25 =	sadd.s32 $0x10, s22;
	v24 =	vld [tilespmem:s24+$0x0];
	s23 =	sadd.s32 $0xFFFFFFFF, s23;
	v25 =	vsub.f32 v23, v21  }
0x206: {  	_ =	sdelay $0x2  }
0x207: {  	v22 =	vsub.f32 v22, v19  }
0x208: {  	v23 =	vld [tilespmem:s25+$0x0];
	s22 =	sadd.s32 $0x10, s21;
	p1 =	sne.s32 s23, $0x1;
	v24 =	vsub.f32 v24, v20  }
.Ltmp40:
0x209: {  	s24 =	sadd.s32 $0x10, s24;
	v27 =	vmul.f32 v22, v22;
	v22 =	vld [tilespmem:s22+$0x0];
	(pc) =	sbr.rel @!p1 .LBB2_67-.Ltmp40, $3  }
0x20a: {  	v25 =	vmul.f32 v25, v25;
	v28 =	vmul.f32 v24, v24;
	v24 =	vld [tilespmem:s24+$0x0];
	_ =	sdelay $0x1  }
0x20b: {  	s23 =	sadd.s32 $0xFFFFFFFF, s23;
	v26 =	vadd.s32 s20, v14;
	v27 =	vadd.f32 v27, v25  }
0x20c: {  	s25 =	sadd.s32 $0x10, s25;
	p0 =	por $0x1, $0x1;
	s21 =	simm.s32 $0x0;
	vm14 =	vge.s32 v26, v18;
	v25 =	vsub.f32 v23, v21;
	v23 =	vimm.s32 $0x0  }
.LBB2_68:
0x20d: {  	v29 =	vld [tilespmem:s25+$0x0];
	v30 =	vsub.f32 v22, v19;
	s22 =	sadd.s32 $0x10, s22;
	v27 =	vadd.f32 v28, v27;
	vm0 =	vlt.s32 v26, v16;
	p1 =	sne.s32 s23, $0x1  }
.Ltmp41:
0x20e: {  	s23 =	sadd.s32 $0xFFFFFFFF, s23;
	s24 =	sadd.s32 $0x10, s24;
	v22 =	vld [tilespmem:s22+$0x0];
	v28 =	vsub.f32 v24, v20;
	vm0 =	vmand vm14, vm0;
	(pc) =	sbr.rel @p1 .LBB2_68-.Ltmp41, $4  }
0x20f: {  	s21 =	sadd.s32 $0x10, s21;
	v25 =	vmul.f32 v25, v25;
	v24 =	vld [tilespmem:s24+$0x0];
	v30 =	vmul.f32 v30, v30;
	vm14 =	vlt.f32 v27, $2.500000000e+01  }
0x210: {  	v26 =	vadd.s32 s21, v14;
	vm0 =	vmand vm0, vm14  }
0x211: {  	v28 =	vmul.f32 v28, v28;
	v27 =	vadd.f32 v30, v25;
	v30 =	vsel vm0, $0x1, v1  }
0x212: {  	s25 =	sadd.s32 $0x10, s25;
	vm14 =	vge.s32 v26, v18;
	v25 =	vsub.f32 v29, v21;
	v23 =	vadd.s32 v30, v23  }
.LBB2_69:
0x213: {  	v19 =	vsub.f32 v22, v19;
	_ =	sdelay $0x1  }
0x214: {  	v20 =	vsub.f32 v24, v20;
	v21 =	vmul.f32 v25, v25;
	v19 =	vmul.f32 v19, v19  }
0x215: {  	v22 =	vadd.f32 @p0 v28, v27  }
0x216: {  	vm0 =	vlt.s32 @p0 v26, v16;
	s21 =	sadd.s32 @p0 $0x10, s21;
	v20 =	vmul.f32 v20, v20;
	v19 =	vadd.f32 v19, v21  }
0x217: {  	vm0 =	vmand @p0 vm14, vm0;
	s20 =	smov.u32 @p0 s21  }
0x218: {  	vm14 =	vlt.f32 @p0 v22, $2.500000000e+01;
	v14 =	vadd.s32 s20, v14;
	v19 =	vadd.f32 v20, v19  }
0x219: {  	vm0 =	vmand @p0 vm0, vm14;
	vm14 =	vge.s32 v14, v18;
	vm15 =	vlt.s32 v14, v16  }
0x21a: {  	v14 =	vsel @p0 vm0, $0x1, v1;
	vm0 =	vmand vm14, vm15;
	vm14 =	vlt.f32 v19, $2.500000000e+01  }
0x21b: {  	v14 =	vadd.s32 @p0 v14, v23;
	vm0 =	vmand vm0, vm14  }
0x21c: {  	v14 =	vpsel p0, v14, v17;
	v16 =	vsel vm0, $0x1, v1  }
0x21d: {  	v14 =	vadd.s32 v16, v14  }
.LBB2_70:
0x21e: {  	(v2sf) =	vpush v2, $0x9;
	_ =	sdelay $0xe  }
0x21f: {  	s20 =	spop (v2sf)  }
0x220: {  	s21 =	sand.u32 $0xF, s20  }
0x221: {  	s22 =	sshra.s32 s20, $0x1F;
	p0 =	slt.s32 s20, $0x1;
	p1 =	sne.s32 s21, $0x0  }
0x222: {  	s30 =	sshrl.u32 s22, $0x1C;
	p0 =	por !p0, !p1  }
0x223: {  	s21 =	simm.s32 $0x1;
	s20 =	sadd.s32 s30, s20;
	p0 =	por !p0, !p0  }
0x224: {  	s20 =	sshra.s32 s20, $0x4;
	s21 =	simm.s32 @!p0 $0x0  }
0x225: {  	s22 =	ssub.s32 s20, s21  }
0x226: {  	s20 =	sshll.u32 s22, $0x4  }
0x227: {  	s31 =	ssub.s32 s19, s20  }
0x228: {  	(xrf0) =	vadd.scan.msk.s32 $0xffff, v14;
	s21 =	sadd.s32 $0x18, s31  }
0x229: {  	p0 =	slt.s32 s21, $0x10  }
.Ltmp42:
0x22a: {  	_ = 	snop;
	(pc) =	sbr.rel @p0 .LBB2_77-.Ltmp42, $2  }
0x22b: {  	_ =	sdelay $0x2  }
0x22c: {  	v14, _, _ =	vpop (xrf0)  }
0x22d: {  	s23 =	sshra.s32 s21, $0x1F  }
0x22e: {  	s23 =	sshrl.u32 s23, $0x1C  }
0x22f: {  	s22 =	sshll.u32 s22, $0x6;
	s30 =	sadd.s32 s23, s21  }
0x230: {  	s22 =	sshra.s32 s22, $0x2;
	s23 =	sshra.s32 s30, $0x4  }
0x231: {  	v23 =	vld [tilespmem:s22+$0x0];
	p1 =	sne.s32 s23, $0x1  }
.Ltmp43:
0x232: {  	_ = 	snop;
	(pc) =	sbr.rel @!p1 .LBB2_72-.Ltmp43, $4  }
0x233: {  	_ = 	snop  }
0x234: {  	v21 =	vbroadcast v3, $0x9;
	v19 =	vbroadcast v4, $0x9;
	s21 =	sadd.s32 $0x1080, s22  }
0x235: {  	v15 =	vor.u32 s20, v0;
	s31 =	sor.u32 $0x9, s19;
	v20 =	vbroadcast v5, $0x9;
	s20 =	simm.s32 $0x0;
	v18 =	vbroadcast v2, $0x9;
	s24 =	sadd.s32 $0x2100, s22;
	v22 =	vld [tilespmem:s21+$0x0]  }
0x236: {  	v17 =	vimm.s32 $0x0;
	p0 =	por $0x0, $0x0;
	v16 =	vmov s31;
	s25 =	sadd.s32 $0x10, s22;
	v24 =	vld [tilespmem:s24+$0x0];
	s23 =	sadd.s32 $0xFFFFFFFF, s23;
	v25 =	vsub.f32 v23, v21  }
0x237: {  	_ =	sdelay $0x2  }
0x238: {  	v22 =	vsub.f32 v22, v19  }
0x239: {  	v23 =	vld [tilespmem:s25+$0x0];
	s22 =	sadd.s32 $0x10, s21;
	p1 =	sne.s32 s23, $0x1;
	v24 =	vsub.f32 v24, v20  }
.Ltmp44:
0x23a: {  	s24 =	sadd.s32 $0x10, s24;
	v27 =	vmul.f32 v22, v22;
	v22 =	vld [tilespmem:s22+$0x0];
	(pc) =	sbr.rel @!p1 .LBB2_74-.Ltmp44, $3  }
0x23b: {  	v25 =	vmul.f32 v25, v25;
	v28 =	vmul.f32 v24, v24;
	v24 =	vld [tilespmem:s24+$0x0];
	_ =	sdelay $0x1  }
0x23c: {  	s23 =	sadd.s32 $0xFFFFFFFF, s23;
	v26 =	vadd.s32 s20, v15;
	v27 =	vadd.f32 v27, v25  }
0x23d: {  	s25 =	sadd.s32 $0x10, s25;
	p0 =	por $0x1, $0x1;
	s21 =	simm.s32 $0x0;
	vm14 =	vge.s32 v26, v18;
	v25 =	vsub.f32 v23, v21;
	v23 =	vimm.s32 $0x0  }
.LBB2_75:
0x23e: {  	v29 =	vld [tilespmem:s25+$0x0];
	v30 =	vsub.f32 v22, v19;
	s22 =	sadd.s32 $0x10, s22;
	v27 =	vadd.f32 v28, v27;
	vm0 =	vlt.s32 v26, v16;
	p1 =	sne.s32 s23, $0x1  }
.Ltmp45:
0x23f: {  	s23 =	sadd.s32 $0xFFFFFFFF, s23;
	s24 =	sadd.s32 $0x10, s24;
	v22 =	vld [tilespmem:s22+$0x0];
	v28 =	vsub.f32 v24, v20;
	vm0 =	vmand vm14, vm0;
	(pc) =	sbr.rel @p1 .LBB2_75-.Ltmp45, $4  }
0x240: {  	s21 =	sadd.s32 $0x10, s21;
	v25 =	vmul.f32 v25, v25;
	v24 =	vld [tilespmem:s24+$0x0];
	v30 =	vmul.f32 v30, v30;
	vm14 =	vlt.f32 v27, $2.500000000e+01  }
0x241: {  	v26 =	vadd.s32 s21, v15;
	vm0 =	vmand vm0, vm14  }
0x242: {  	v28 =	vmul.f32 v28, v28;
	v27 =	vadd.f32 v30, v25;
	v30 =	vsel vm0, $0x1, v1  }
0x243: {  	s25 =	sadd.s32 $0x10, s25;
	vm14 =	vge.s32 v26, v18;
	v25 =	vsub.f32 v29, v21;
	v23 =	vadd.s32 v30, v23  }
.LBB2_76:
0x244: {  	v19 =	vsub.f32 v22, v19;
	_ =	sdelay $0x1  }
0x245: {  	v20 =	vsub.f32 v24, v20;
	v21 =	vmul.f32 v25, v25;
	v19 =	vmul.f32 v19, v19  }
0x246: {  	v22 =	vadd.f32 @p0 v28, v27  }
0x247: {  	vm0 =	vlt.s32 @p0 v26, v16;
	s21 =	sadd.s32 @p0 $0x10, s21;
	v20 =	vmul.f32 v20, v20;
	v19 =	vadd.f32 v19, v21  }
0x248: {  	vm0 =	vmand @p0 vm14, vm0;
	s20 =	smov.u32 @p0 s21  }
0x249: {  	vm14 =	vlt.f32 @p0 v22, $2.500000000e+01;
	v15 =	vadd.s32 s20, v15;
	v19 =	vadd.f32 v20, v19  }
0x24a: {  	vm0 =	vmand @p0 vm0, vm14;
	vm14 =	vge.s32 v15, v18;
	vm15 =	vlt.s32 v15, v16  }
0x24b: {  	v15 =	vsel @p0 vm0, $0x1, v1;
	vm0 =	vmand vm14, vm15;
	vm14 =	vlt.f32 v19, $2.500000000e+01  }
0x24c: {  	v15 =	vadd.s32 @p0 v15, v23;
	vm0 =	vmand vm0, vm14  }
0x24d: {  	v15 =	vpsel p0, v15, v17;
	v16 =	vsel vm0, $0x1, v1  }
0x24e: {  	v15 =	vadd.s32 v16, v15  }
.LBB2_77:
0x24f: {  	(v2sf) =	vpush v2, $0xA;
	_ =	sdelay $0xe  }
0x250: {  	s20 =	spop (v2sf)  }
0x251: {  	s21 =	sand.u32 $0xF, s20  }
0x252: {  	s22 =	sshra.s32 s20, $0x1F;
	p0 =	slt.s32 s20, $0x1;
	p1 =	sne.s32 s21, $0x0  }
0x253: {  	s30 =	sshrl.u32 s22, $0x1C;
	p0 =	por !p0, !p1  }
0x254: {  	s21 =	simm.s32 $0x1;
	s20 =	sadd.s32 s30, s20;
	p0 =	por !p0, !p0  }
0x255: {  	s20 =	sshra.s32 s20, $0x4;
	s21 =	simm.s32 @!p0 $0x0  }
0x256: {  	s22 =	ssub.s32 s20, s21  }
0x257: {  	s20 =	sshll.u32 s22, $0x4  }
0x258: {  	s31 =	ssub.s32 s19, s20  }
0x259: {  	(xrf0) =	vadd.scan.msk.s32 $0xffff, v15;
	s21 =	sadd.s32 $0x19, s31  }
0x25a: {  	p0 =	slt.s32 s21, $0x10  }
.Ltmp46:
0x25b: {  	_ = 	snop;
	(pc) =	sbr.rel @p0 .LBB2_84-.Ltmp46, $2  }
0x25c: {  	_ =	sdelay $0x2  }
0x25d: {  	v17 =	vimm.s32 $0x0;
	v16 =	vimm.s32 $0x0;
	v15, _, _ =	vpop (xrf0)  }
0x25e: {  	s23 =	sshra.s32 s21, $0x1F  }
0x25f: {  	s23 =	sshrl.u32 s23, $0x1C  }
0x260: {  	s22 =	sshll.u32 s22, $0x6;
	s30 =	sadd.s32 s23, s21  }
0x261: {  	s22 =	sshra.s32 s22, $0x2;
	s23 =	sshra.s32 s30, $0x4  }
0x262: {  	v25 =	vld [tilespmem:s22+$0x0];
	p1 =	sne.s32 s23, $0x1  }
.Ltmp47:
0x263: {  	_ = 	snop;
	(pc) =	sbr.rel @!p1 .LBB2_79-.Ltmp47, $4  }
0x264: {  	_ = 	snop  }
0x265: {  	v23 =	vbroadcast v3, $0xA;
	v21 =	vbroadcast v4, $0xA;
	s21 =	sadd.s32 $0x1080, s22  }
0x266: {  	v16 =	vor.u32 s20, v0;
	s31 =	sor.u32 $0xA, s19;
	v22 =	vbroadcast v5, $0xA;
	s20 =	simm.s32 $0x0;
	v20 =	vbroadcast v2, $0xA;
	s24 =	sadd.s32 $0x2100, s22;
	v24 =	vld [tilespmem:s21+$0x0]  }
0x267: {  	v19 =	vimm.s32 $0x0;
	p0 =	por $0x0, $0x0;
	v18 =	vmov s31;
	s25 =	sadd.s32 $0x10, s22;
	v26 =	vld [tilespmem:s24+$0x0];
	s23 =	sadd.s32 $0xFFFFFFFF, s23;
	v27 =	vsub.f32 v25, v23  }
0x268: {  	_ =	sdelay $0x2  }
0x269: {  	v24 =	vsub.f32 v24, v21  }
0x26a: {  	v25 =	vld [tilespmem:s25+$0x0];
	s22 =	sadd.s32 $0x10, s21;
	p1 =	sne.s32 s23, $0x1;
	v26 =	vsub.f32 v26, v22  }
.Ltmp48:
0x26b: {  	s24 =	sadd.s32 $0x10, s24;
	v29 =	vmul.f32 v24, v24;
	v24 =	vld [tilespmem:s22+$0x0];
	(pc) =	sbr.rel @!p1 .LBB2_81-.Ltmp48, $3  }
0x26c: {  	v27 =	vmul.f32 v27, v27;
	v30 =	vmul.f32 v26, v26;
	v26 =	vld [tilespmem:s24+$0x0];
	_ =	sdelay $0x1  }
0x26d: {  	s23 =	sadd.s32 $0xFFFFFFFF, s23;
	v28 =	vadd.s32 s20, v16;
	v29 =	vadd.f32 v29, v27  }
0x26e: {  	s25 =	sadd.s32 $0x10, s25;
	p0 =	por $0x1, $0x1;
	s21 =	simm.s32 $0x0;
	vm14 =	vge.s32 v28, v20;
	v27 =	vsub.f32 v25, v23;
	v25 =	vimm.s32 $0x0  }
.LBB2_82:
0x26f: {  	v31 =	vld [tilespmem:s25+$0x0];
	v32 =	vsub.f32 v24, v21;
	s22 =	sadd.s32 $0x10, s22;
	v29 =	vadd.f32 v30, v29;
	vm0 =	vlt.s32 v28, v18;
	p1 =	sne.s32 s23, $0x1  }
.Ltmp49:
0x270: {  	s23 =	sadd.s32 $0xFFFFFFFF, s23;
	s24 =	sadd.s32 $0x10, s24;
	v24 =	vld [tilespmem:s22+$0x0];
	v30 =	vsub.f32 v26, v22;
	vm0 =	vmand vm14, vm0;
	(pc) =	sbr.rel @p1 .LBB2_82-.Ltmp49, $4  }
0x271: {  	s21 =	sadd.s32 $0x10, s21;
	v27 =	vmul.f32 v27, v27;
	v26 =	vld [tilespmem:s24+$0x0];
	v32 =	vmul.f32 v32, v32;
	vm14 =	vlt.f32 v29, $2.500000000e+01  }
0x272: {  	v28 =	vadd.s32 s21, v16;
	vm0 =	vmand vm0, vm14  }
0x273: {  	v30 =	vmul.f32 v30, v30;
	v29 =	vadd.f32 v32, v27;
	v32 =	vsel vm0, $0x1, v1  }
0x274: {  	s25 =	sadd.s32 $0x10, s25;
	vm14 =	vge.s32 v28, v20;
	v27 =	vsub.f32 v31, v23;
	v25 =	vadd.s32 v32, v25  }
.LBB2_83:
0x275: {  	v21 =	vsub.f32 v24, v21;
	_ =	sdelay $0x1  }
0x276: {  	v22 =	vsub.f32 v26, v22;
	v23 =	vmul.f32 v27, v27;
	v21 =	vmul.f32 v21, v21  }
0x277: {  	v24 =	vadd.f32 @p0 v30, v29  }
0x278: {  	vm0 =	vlt.s32 @p0 v28, v18;
	s21 =	sadd.s32 @p0 $0x10, s21;
	v22 =	vmul.f32 v22, v22;
	v21 =	vadd.f32 v21, v23  }
0x279: {  	vm0 =	vmand @p0 vm14, vm0;
	s20 =	smov.u32 @p0 s21  }
0x27a: {  	vm14 =	vlt.f32 @p0 v24, $2.500000000e+01;
	v16 =	vadd.s32 s20, v16;
	v21 =	vadd.f32 v22, v21  }
0x27b: {  	vm0 =	vmand @p0 vm0, vm14;
	vm14 =	vge.s32 v16, v20;
	vm15 =	vlt.s32 v16, v18  }
0x27c: {  	v16 =	vsel @p0 vm0, $0x1, v1;
	vm0 =	vmand vm14, vm15;
	vm14 =	vlt.f32 v21, $2.500000000e+01  }
0x27d: {  	v16 =	vadd.s32 @p0 v16, v25;
	vm0 =	vmand vm0, vm14  }
0x27e: {  	v16 =	vpsel p0, v16, v19;
	v18 =	vsel vm0, $0x1, v1  }
0x27f: {  	v16 =	vadd.s32 v18, v16  }
.LBB2_84:
0x280: {  	(v2sf) =	vpush v2, $0xB;
	_ =	sdelay $0xe  }
0x281: {  	s20 =	spop (v2sf)  }
0x282: {  	s21 =	sand.u32 $0xF, s20  }
0x283: {  	s22 =	sshra.s32 s20, $0x1F;
	p0 =	slt.s32 s20, $0x1;
	p1 =	sne.s32 s21, $0x0  }
0x284: {  	s30 =	sshrl.u32 s22, $0x1C;
	p0 =	por !p0, !p1  }
0x285: {  	s21 =	simm.s32 $0x1;
	s20 =	sadd.s32 s30, s20;
	p0 =	por !p0, !p0  }
0x286: {  	s20 =	sshra.s32 s20, $0x4;
	s21 =	simm.s32 @!p0 $0x0  }
0x287: {  	s22 =	ssub.s32 s20, s21  }
0x288: {  	s20 =	sshll.u32 s22, $0x4  }
0x289: {  	s31 =	ssub.s32 s19, s20  }
0x28a: {  	(xrf0) =	vadd.scan.msk.s32 $0xffff, v16;
	s21 =	sadd.s32 $0x1A, s31  }
0x28b: {  	p0 =	slt.s32 s21, $0x10  }
.Ltmp50:
0x28c: {  	_ = 	snop;
	(pc) =	sbr.rel @p0 .LBB2_91-.Ltmp50, $2  }
0x28d: {  	_ =	sdelay $0x2  }
0x28e: {  	v16, _, _ =	vpop (xrf0)  }
0x28f: {  	s23 =	sshra.s32 s21, $0x1F  }
0x290: {  	s23 =	sshrl.u32 s23, $0x1C  }
0x291: {  	s22 =	sshll.u32 s22, $0x6;
	s30 =	sadd.s32 s23, s21  }
0x292: {  	s22 =	sshra.s32 s22, $0x2;
	s23 =	sshra.s32 s30, $0x4  }
0x293: {  	v25 =	vld [tilespmem:s22+$0x0];
	p1 =	sne.s32 s23, $0x1  }
.Ltmp51:
0x294: {  	_ = 	snop;
	(pc) =	sbr.rel @!p1 .LBB2_86-.Ltmp51, $4  }
0x295: {  	_ = 	snop  }
0x296: {  	v23 =	vbroadcast v3, $0xB;
	v21 =	vbroadcast v4, $0xB;
	s21 =	sadd.s32 $0x1080, s22  }
0x297: {  	v17 =	vor.u32 s20, v0;
	s31 =	sor.u32 $0xB, s19;
	v22 =	vbroadcast v5, $0xB;
	s20 =	simm.s32 $0x0;
	v20 =	vbroadcast v2, $0xB;
	s24 =	sadd.s32 $0x2100, s22;
	v24 =	vld [tilespmem:s21+$0x0]  }
0x298: {  	v19 =	vimm.s32 $0x0;
	p0 =	por $0x0, $0x0;
	v18 =	vmov s31;
	s25 =	sadd.s32 $0x10, s22;
	v26 =	vld [tilespmem:s24+$0x0];
	s23 =	sadd.s32 $0xFFFFFFFF, s23;
	v27 =	vsub.f32 v25, v23  }
0x299: {  	_ =	sdelay $0x2  }
0x29a: {  	v24 =	vsub.f32 v24, v21  }
0x29b: {  	v25 =	vld [tilespmem:s25+$0x0];
	s22 =	sadd.s32 $0x10, s21;
	p1 =	sne.s32 s23, $0x1;
	v26 =	vsub.f32 v26, v22  }
.Ltmp52:
0x29c: {  	s24 =	sadd.s32 $0x10, s24;
	v29 =	vmul.f32 v24, v24;
	v24 =	vld [tilespmem:s22+$0x0];
	(pc) =	sbr.rel @!p1 .LBB2_88-.Ltmp52, $3  }
0x29d: {  	v27 =	vmul.f32 v27, v27;
	v30 =	vmul.f32 v26, v26;
	v26 =	vld [tilespmem:s24+$0x0];
	_ =	sdelay $0x1  }
0x29e: {  	s23 =	sadd.s32 $0xFFFFFFFF, s23;
	v28 =	vadd.s32 s20, v17;
	v29 =	vadd.f32 v29, v27  }
0x29f: {  	s25 =	sadd.s32 $0x10, s25;
	p0 =	por $0x1, $0x1;
	s21 =	simm.s32 $0x0;
	vm14 =	vge.s32 v28, v20;
	v27 =	vsub.f32 v25, v23;
	v25 =	vimm.s32 $0x0  }
.LBB2_89:
0x2a0: {  	v31 =	vld [tilespmem:s25+$0x0];
	v32 =	vsub.f32 v24, v21;
	s22 =	sadd.s32 $0x10, s22;
	v29 =	vadd.f32 v30, v29;
	vm0 =	vlt.s32 v28, v18;
	p1 =	sne.s32 s23, $0x1  }
.Ltmp53:
0x2a1: {  	s23 =	sadd.s32 $0xFFFFFFFF, s23;
	s24 =	sadd.s32 $0x10, s24;
	v24 =	vld [tilespmem:s22+$0x0];
	v30 =	vsub.f32 v26, v22;
	vm0 =	vmand vm14, vm0;
	(pc) =	sbr.rel @p1 .LBB2_89-.Ltmp53, $4  }
0x2a2: {  	s21 =	sadd.s32 $0x10, s21;
	v27 =	vmul.f32 v27, v27;
	v26 =	vld [tilespmem:s24+$0x0];
	v32 =	vmul.f32 v32, v32;
	vm14 =	vlt.f32 v29, $2.500000000e+01  }
0x2a3: {  	v28 =	vadd.s32 s21, v17;
	vm0 =	vmand vm0, vm14  }
0x2a4: {  	v30 =	vmul.f32 v30, v30;
	v29 =	vadd.f32 v32, v27;
	v32 =	vsel vm0, $0x1, v1  }
0x2a5: {  	s25 =	sadd.s32 $0x10, s25;
	vm14 =	vge.s32 v28, v20;
	v27 =	vsub.f32 v31, v23;
	v25 =	vadd.s32 v32, v25  }
.LBB2_90:
0x2a6: {  	v21 =	vsub.f32 v24, v21;
	_ =	sdelay $0x1  }
0x2a7: {  	v22 =	vsub.f32 v26, v22;
	v23 =	vmul.f32 v27, v27;
	v21 =	vmul.f32 v21, v21  }
0x2a8: {  	v24 =	vadd.f32 @p0 v30, v29  }
0x2a9: {  	vm0 =	vlt.s32 @p0 v28, v18;
	s21 =	sadd.s32 @p0 $0x10, s21;
	v22 =	vmul.f32 v22, v22;
	v21 =	vadd.f32 v21, v23  }
0x2aa: {  	vm0 =	vmand @p0 vm14, vm0;
	s20 =	smov.u32 @p0 s21  }
0x2ab: {  	vm14 =	vlt.f32 @p0 v24, $2.500000000e+01;
	v17 =	vadd.s32 s20, v17;
	v21 =	vadd.f32 v22, v21  }
0x2ac: {  	vm0 =	vmand @p0 vm0, vm14;
	vm14 =	vge.s32 v17, v20;
	vm15 =	vlt.s32 v17, v18  }
0x2ad: {  	v17 =	vsel @p0 vm0, $0x1, v1;
	vm0 =	vmand vm14, vm15;
	vm14 =	vlt.f32 v21, $2.500000000e+01  }
0x2ae: {  	v17 =	vadd.s32 @p0 v17, v25;
	vm0 =	vmand vm0, vm14  }
0x2af: {  	v17 =	vpsel p0, v17, v19;
	v18 =	vsel vm0, $0x1, v1  }
0x2b0: {  	v17 =	vadd.s32 v18, v17  }
.LBB2_91:
0x2b1: {  	(v2sf) =	vpush v2, $0xC;
	_ =	sdelay $0xe  }
0x2b2: {  	s20 =	spop (v2sf)  }
0x2b3: {  	s21 =	sand.u32 $0xF, s20  }
0x2b4: {  	s22 =	sshra.s32 s20, $0x1F;
	p0 =	slt.s32 s20, $0x1;
	p1 =	sne.s32 s21, $0x0  }
0x2b5: {  	s30 =	sshrl.u32 s22, $0x1C;
	p0 =	por !p0, !p1  }
0x2b6: {  	s21 =	simm.s32 $0x1;
	s20 =	sadd.s32 s30, s20;
	p0 =	por !p0, !p0  }
0x2b7: {  	s20 =	sshra.s32 s20, $0x4;
	s21 =	simm.s32 @!p0 $0x0  }
0x2b8: {  	s22 =	ssub.s32 s20, s21  }
0x2b9: {  	s20 =	sshll.u32 s22, $0x4  }
0x2ba: {  	s31 =	ssub.s32 s19, s20  }
0x2bb: {  	(xrf0) =	vadd.scan.msk.s32 $0xffff, v17;
	s21 =	sadd.s32 $0x1B, s31  }
0x2bc: {  	p0 =	slt.s32 s21, $0x10  }
.Ltmp54:
0x2bd: {  	_ = 	snop;
	(pc) =	sbr.rel @p0 .LBB2_98-.Ltmp54, $2  }
0x2be: {  	_ =	sdelay $0x2  }
0x2bf: {  	v19 =	vimm.s32 $0x0;
	v18 =	vimm.s32 $0x0;
	v17, _, _ =	vpop (xrf0)  }
0x2c0: {  	s23 =	sshra.s32 s21, $0x1F  }
0x2c1: {  	s23 =	sshrl.u32 s23, $0x1C  }
0x2c2: {  	s22 =	sshll.u32 s22, $0x6;
	s30 =	sadd.s32 s23, s21  }
0x2c3: {  	s22 =	sshra.s32 s22, $0x2;
	s23 =	sshra.s32 s30, $0x4  }
0x2c4: {  	v27 =	vld [tilespmem:s22+$0x0];
	p1 =	sne.s32 s23, $0x1  }
.Ltmp55:
0x2c5: {  	_ = 	snop;
	(pc) =	sbr.rel @!p1 .LBB2_93-.Ltmp55, $4  }
0x2c6: {  	_ = 	snop  }
0x2c7: {  	v25 =	vbroadcast v3, $0xC;
	v23 =	vbroadcast v4, $0xC;
	s21 =	sadd.s32 $0x1080, s22  }
0x2c8: {  	v18 =	vor.u32 s20, v0;
	s31 =	sor.u32 $0xC, s19;
	v24 =	vbroadcast v5, $0xC;
	s20 =	simm.s32 $0x0;
	v22 =	vbroadcast v2, $0xC;
	s24 =	sadd.s32 $0x2100, s22;
	v26 =	vld [tilespmem:s21+$0x0]  }
0x2c9: {  	v21 =	vimm.s32 $0x0;
	p0 =	por $0x0, $0x0;
	v20 =	vmov s31;
	s25 =	sadd.s32 $0x10, s22;
	v28 =	vld [tilespmem:s24+$0x0];
	s23 =	sadd.s32 $0xFFFFFFFF, s23;
	v29 =	vsub.f32 v27, v25  }
0x2ca: {  	_ =	sdelay $0x2  }
0x2cb: {  	v26 =	vsub.f32 v26, v23  }
0x2cc: {  	v27 =	vld [tilespmem:s25+$0x0];
	s22 =	sadd.s32 $0x10, s21;
	p1 =	sne.s32 s23, $0x1;
	v28 =	vsub.f32 v28, v24  }
.Ltmp56:
0x2cd: {  	s24 =	sadd.s32 $0x10, s24;
	v31 =	vmul.f32 v26, v26;
	v26 =	vld [tilespmem:s22+$0x0];
	(pc) =	sbr.rel @!p1 .LBB2_95-.Ltmp56, $3  }
0x2ce: {  	v29 =	vmul.f32 v29, v29;
	v32 =	vmul.f32 v28, v28;
	v28 =	vld [tilespmem:s24+$0x0];
	_ =	sdelay $0x1  }
0x2cf: {  	s23 =	sadd.s32 $0xFFFFFFFF, s23;
	v30 =	vadd.s32 s20, v18;
	v31 =	vadd.f32 v31, v29  }
0x2d0: {  	s25 =	sadd.s32 $0x10, s25;
	p0 =	por $0x1, $0x1;
	s21 =	simm.s32 $0x0;
	vm14 =	vge.s32 v30, v22;
	v29 =	vsub.f32 v27, v25;
	v27 =	vimm.s32 $0x0  }
.LBB2_96:
0x2d1: {  	v33 =	vld [tilespmem:s25+$0x0];
	v34 =	vsub.f32 v26, v23;
	s22 =	sadd.s32 $0x10, s22;
	v31 =	vadd.f32 v32, v31;
	vm0 =	vlt.s32 v30, v20;
	p1 =	sne.s32 s23, $0x1  }
.Ltmp57:
0x2d2: {  	s23 =	sadd.s32 $0xFFFFFFFF, s23;
	s24 =	sadd.s32 $0x10, s24;
	v26 =	vld [tilespmem:s22+$0x0];
	v32 =	vsub.f32 v28, v24;
	vm0 =	vmand vm14, vm0;
	(pc) =	sbr.rel @p1 .LBB2_96-.Ltmp57, $4  }
0x2d3: {  	s21 =	sadd.s32 $0x10, s21;
	v29 =	vmul.f32 v29, v29;
	v28 =	vld [tilespmem:s24+$0x0];
	v34 =	vmul.f32 v34, v34;
	vm14 =	vlt.f32 v31, $2.500000000e+01  }
0x2d4: {  	v30 =	vadd.s32 s21, v18;
	vm0 =	vmand vm0, vm14  }
0x2d5: {  	v32 =	vmul.f32 v32, v32;
	v31 =	vadd.f32 v34, v29;
	v34 =	vsel vm0, $0x1, v1  }
0x2d6: {  	s25 =	sadd.s32 $0x10, s25;
	vm14 =	vge.s32 v30, v22;
	v29 =	vsub.f32 v33, v25;
	v27 =	vadd.s32 v34, v27  }
.LBB2_97:
0x2d7: {  	v23 =	vsub.f32 v26, v23;
	_ =	sdelay $0x1  }
0x2d8: {  	v24 =	vsub.f32 v28, v24;
	v25 =	vmul.f32 v29, v29;
	v23 =	vmul.f32 v23, v23  }
0x2d9: {  	v26 =	vadd.f32 @p0 v32, v31  }
0x2da: {  	vm0 =	vlt.s32 @p0 v30, v20;
	s21 =	sadd.s32 @p0 $0x10, s21;
	v24 =	vmul.f32 v24, v24;
	v23 =	vadd.f32 v23, v25  }
0x2db: {  	vm0 =	vmand @p0 vm14, vm0;
	s20 =	smov.u32 @p0 s21  }
0x2dc: {  	vm14 =	vlt.f32 @p0 v26, $2.500000000e+01;
	v18 =	vadd.s32 s20, v18;
	v23 =	vadd.f32 v24, v23  }
0x2dd: {  	vm0 =	vmand @p0 vm0, vm14;
	vm14 =	vge.s32 v18, v22;
	vm15 =	vlt.s32 v18, v20  }
0x2de: {  	v18 =	vsel @p0 vm0, $0x1, v1;
	vm0 =	vmand vm14, vm15;
	vm14 =	vlt.f32 v23, $2.500000000e+01  }
0x2df: {  	v18 =	vadd.s32 @p0 v18, v27;
	vm0 =	vmand vm0, vm14  }
0x2e0: {  	v18 =	vpsel p0, v18, v21;
	v20 =	vsel vm0, $0x1, v1  }
0x2e1: {  	v18 =	vadd.s32 v20, v18  }
.LBB2_98:
0x2e2: {  	(v2sf) =	vpush v2, $0xD;
	_ =	sdelay $0xe  }
0x2e3: {  	s20 =	spop (v2sf)  }
0x2e4: {  	s21 =	sand.u32 $0xF, s20  }
0x2e5: {  	s22 =	sshra.s32 s20, $0x1F;
	p0 =	slt.s32 s20, $0x1;
	p1 =	sne.s32 s21, $0x0  }
0x2e6: {  	s30 =	sshrl.u32 s22, $0x1C;
	p0 =	por !p0, !p1  }
0x2e7: {  	s21 =	simm.s32 $0x1;
	s20 =	sadd.s32 s30, s20;
	p0 =	por !p0, !p0  }
0x2e8: {  	s20 =	sshra.s32 s20, $0x4;
	s21 =	simm.s32 @!p0 $0x0  }
0x2e9: {  	s22 =	ssub.s32 s20, s21  }
0x2ea: {  	s20 =	sshll.u32 s22, $0x4  }
0x2eb: {  	s31 =	ssub.s32 s19, s20  }
0x2ec: {  	(xrf0) =	vadd.scan.msk.s32 $0xffff, v18;
	s21 =	sadd.s32 $0x1C, s31  }
0x2ed: {  	p0 =	slt.s32 s21, $0x10  }
.Ltmp58:
0x2ee: {  	_ = 	snop;
	(pc) =	sbr.rel @p0 .LBB2_105-.Ltmp58, $2  }
0x2ef: {  	_ =	sdelay $0x2  }
0x2f0: {  	v18, _, _ =	vpop (xrf0)  }
0x2f1: {  	s23 =	sshra.s32 s21, $0x1F  }
0x2f2: {  	s23 =	sshrl.u32 s23, $0x1C  }
0x2f3: {  	s22 =	sshll.u32 s22, $0x6;
	s30 =	sadd.s32 s23, s21  }
0x2f4: {  	s22 =	sshra.s32 s22, $0x2;
	s23 =	sshra.s32 s30, $0x4  }
0x2f5: {  	v27 =	vld [tilespmem:s22+$0x0];
	p1 =	sne.s32 s23, $0x1  }
.Ltmp59:
0x2f6: {  	_ = 	snop;
	(pc) =	sbr.rel @!p1 .LBB2_100-.Ltmp59, $4  }
0x2f7: {  	_ = 	snop  }
0x2f8: {  	v25 =	vbroadcast v3, $0xD;
	v23 =	vbroadcast v4, $0xD;
	s21 =	sadd.s32 $0x1080, s22  }
0x2f9: {  	v19 =	vor.u32 s20, v0;
	s31 =	sor.u32 $0xD, s19;
	v24 =	vbroadcast v5, $0xD;
	s20 =	simm.s32 $0x0;
	v22 =	vbroadcast v2, $0xD;
	s24 =	sadd.s32 $0x2100, s22;
	v26 =	vld [tilespmem:s21+$0x0]  }
0x2fa: {  	v21 =	vimm.s32 $0x0;
	p0 =	por $0x0, $0x0;
	v20 =	vmov s31;
	s25 =	sadd.s32 $0x10, s22;
	v28 =	vld [tilespmem:s24+$0x0];
	s23 =	sadd.s32 $0xFFFFFFFF, s23;
	v29 =	vsub.f32 v27, v25  }
0x2fb: {  	_ =	sdelay $0x2  }
0x2fc: {  	v26 =	vsub.f32 v26, v23  }
0x2fd: {  	v27 =	vld [tilespmem:s25+$0x0];
	s22 =	sadd.s32 $0x10, s21;
	p1 =	sne.s32 s23, $0x1;
	v28 =	vsub.f32 v28, v24  }
.Ltmp60:
0x2fe: {  	s24 =	sadd.s32 $0x10, s24;
	v31 =	vmul.f32 v26, v26;
	v26 =	vld [tilespmem:s22+$0x0];
	(pc) =	sbr.rel @!p1 .LBB2_102-.Ltmp60, $3  }
0x2ff: {  	v29 =	vmul.f32 v29, v29;
	v32 =	vmul.f32 v28, v28;
	v28 =	vld [tilespmem:s24+$0x0];
	_ =	sdelay $0x1  }
0x300: {  	s23 =	sadd.s32 $0xFFFFFFFF, s23;
	v30 =	vadd.s32 s20, v19;
	v31 =	vadd.f32 v31, v29  }
0x301: {  	s25 =	sadd.s32 $0x10, s25;
	p0 =	por $0x1, $0x1;
	s21 =	simm.s32 $0x0;
	vm14 =	vge.s32 v30, v22;
	v29 =	vsub.f32 v27, v25;
	v27 =	vimm.s32 $0x0  }
.LBB2_103:
0x302: {  	v33 =	vld [tilespmem:s25+$0x0];
	v34 =	vsub.f32 v26, v23;
	s22 =	sadd.s32 $0x10, s22;
	v31 =	vadd.f32 v32, v31;
	vm0 =	vlt.s32 v30, v20;
	p1 =	sne.s32 s23, $0x1  }
.Ltmp61:
0x303: {  	s23 =	sadd.s32 $0xFFFFFFFF, s23;
	s24 =	sadd.s32 $0x10, s24;
	v26 =	vld [tilespmem:s22+$0x0];
	v32 =	vsub.f32 v28, v24;
	vm0 =	vmand vm14, vm0;
	(pc) =	sbr.rel @p1 .LBB2_103-.Ltmp61, $4  }
0x304: {  	s21 =	sadd.s32 $0x10, s21;
	v29 =	vmul.f32 v29, v29;
	v28 =	vld [tilespmem:s24+$0x0];
	v34 =	vmul.f32 v34, v34;
	vm14 =	vlt.f32 v31, $2.500000000e+01  }
0x305: {  	v30 =	vadd.s32 s21, v19;
	vm0 =	vmand vm0, vm14  }
0x306: {  	v32 =	vmul.f32 v32, v32;
	v31 =	vadd.f32 v34, v29;
	v34 =	vsel vm0, $0x1, v1  }
0x307: {  	s25 =	sadd.s32 $0x10, s25;
	vm14 =	vge.s32 v30, v22;
	v29 =	vsub.f32 v33, v25;
	v27 =	vadd.s32 v34, v27  }
.LBB2_104:
0x308: {  	v23 =	vsub.f32 v26, v23;
	_ =	sdelay $0x1  }
0x309: {  	v24 =	vsub.f32 v28, v24;
	v25 =	vmul.f32 v29, v29;
	v23 =	vmul.f32 v23, v23  }
0x30a: {  	v26 =	vadd.f32 @p0 v32, v31  }
0x30b: {  	vm0 =	vlt.s32 @p0 v30, v20;
	s21 =	sadd.s32 @p0 $0x10, s21;
	v24 =	vmul.f32 v24, v24;
	v23 =	vadd.f32 v23, v25  }
0x30c: {  	vm0 =	vmand @p0 vm14, vm0;
	s20 =	smov.u32 @p0 s21  }
0x30d: {  	vm14 =	vlt.f32 @p0 v26, $2.500000000e+01;
	v19 =	vadd.s32 s20, v19;
	v23 =	vadd.f32 v24, v23  }
0x30e: {  	vm0 =	vmand @p0 vm0, vm14;
	vm14 =	vge.s32 v19, v22;
	vm15 =	vlt.s32 v19, v20  }
0x30f: {  	v19 =	vsel @p0 vm0, $0x1, v1;
	vm0 =	vmand vm14, vm15;
	vm14 =	vlt.f32 v23, $2.500000000e+01  }
0x310: {  	v19 =	vadd.s32 @p0 v19, v27;
	vm0 =	vmand vm0, vm14  }
0x311: {  	v19 =	vpsel p0, v19, v21;
	v20 =	vsel vm0, $0x1, v1  }
0x312: {  	v19 =	vadd.s32 v20, v19  }
.LBB2_105:
0x313: {  	(v2sf) =	vpush v2, $0xE;
	_ =	sdelay $0xe  }
0x314: {  	s20 =	spop (v2sf)  }
0x315: {  	s21 =	sand.u32 $0xF, s20  }
0x316: {  	s22 =	sshra.s32 s20, $0x1F;
	p0 =	slt.s32 s20, $0x1;
	p1 =	sne.s32 s21, $0x0  }
0x317: {  	s30 =	sshrl.u32 s22, $0x1C;
	p0 =	por !p0, !p1  }
0x318: {  	s21 =	simm.s32 $0x1;
	s20 =	sadd.s32 s30, s20;
	p0 =	por !p0, !p0  }
0x319: {  	s20 =	sshra.s32 s20, $0x4;
	s21 =	simm.s32 @!p0 $0x0  }
0x31a: {  	s22 =	ssub.s32 s20, s21  }
0x31b: {  	s20 =	sshll.u32 s22, $0x4  }
0x31c: {  	s31 =	ssub.s32 s19, s20  }
0x31d: {  	(xrf0) =	vadd.scan.msk.s32 $0xffff, v19;
	s21 =	sadd.s32 $0x1D, s31  }
0x31e: {  	p0 =	slt.s32 s21, $0x10  }
.Ltmp62:
0x31f: {  	_ = 	snop;
	(pc) =	sbr.rel @p0 .LBB2_112-.Ltmp62, $2  }
0x320: {  	_ =	sdelay $0x2  }
0x321: {  	v20 =	vimm.s32 $0x0;
	v21 =	vimm.s32 $0x0;
	v19, _, _ =	vpop (xrf0)  }
0x322: {  	s23 =	sshra.s32 s21, $0x1F  }
0x323: {  	s23 =	sshrl.u32 s23, $0x1C  }
0x324: {  	s22 =	sshll.u32 s22, $0x6;
	s30 =	sadd.s32 s23, s21  }
0x325: {  	s22 =	sshra.s32 s22, $0x2;
	s23 =	sshra.s32 s30, $0x4  }
0x326: {  	v29 =	vld [tilespmem:s22+$0x0];
	p1 =	sne.s32 s23, $0x1  }
.Ltmp63:
0x327: {  	_ = 	snop;
	(pc) =	sbr.rel @!p1 .LBB2_107-.Ltmp63, $4  }
0x328: {  	_ = 	snop  }
0x329: {  	v27 =	vbroadcast v3, $0xE;
	v25 =	vbroadcast v4, $0xE;
	s21 =	sadd.s32 $0x1080, s22  }
0x32a: {  	v21 =	vor.u32 s20, v0;
	s31 =	sor.u32 $0xE, s19;
	v26 =	vbroadcast v5, $0xE;
	s20 =	simm.s32 $0x0;
	v24 =	vbroadcast v2, $0xE;
	s24 =	sadd.s32 $0x2100, s22;
	v28 =	vld [tilespmem:s21+$0x0]  }
0x32b: {  	v23 =	vimm.s32 $0x0;
	p0 =	por $0x0, $0x0;
	v22 =	vmov s31;
	s25 =	sadd.s32 $0x10, s22;
	v30 =	vld [tilespmem:s24+$0x0];
	s23 =	sadd.s32 $0xFFFFFFFF, s23;
	v31 =	vsub.f32 v29, v27  }
0x32c: {  	_ =	sdelay $0x2  }
0x32d: {  	v28 =	vsub.f32 v28, v25  }
0x32e: {  	v29 =	vld [tilespmem:s25+$0x0];
	s22 =	sadd.s32 $0x10, s21;
	p1 =	sne.s32 s23, $0x1;
	v30 =	vsub.f32 v30, v26  }
.Ltmp64:
0x32f: {  	s24 =	sadd.s32 $0x10, s24;
	v33 =	vmul.f32 v28, v28;
	v28 =	vld [tilespmem:s22+$0x0];
	(pc) =	sbr.rel @!p1 .LBB2_109-.Ltmp64, $3  }
0x330: {  	v31 =	vmul.f32 v31, v31;
	v34 =	vmul.f32 v30, v30;
	v30 =	vld [tilespmem:s24+$0x0];
	_ =	sdelay $0x1  }
0x331: {  	s23 =	sadd.s32 $0xFFFFFFFF, s23;
	v32 =	vadd.s32 s20, v21;
	v33 =	vadd.f32 v33, v31  }
0x332: {  	s25 =	sadd.s32 $0x10, s25;
	p0 =	por $0x1, $0x1;
	s21 =	simm.s32 $0x0;
	vm14 =	vge.s32 v32, v24;
	v31 =	vsub.f32 v29, v27;
	v29 =	vimm.s32 $0x0  }
.LBB2_110:
0x333: {  	v35 =	vld [tilespmem:s25+$0x0];
	v36 =	vsub.f32 v28, v25;
	s22 =	sadd.s32 $0x10, s22;
	v33 =	vadd.f32 v34, v33;
	vm0 =	vlt.s32 v32, v22;
	p1 =	sne.s32 s23, $0x1  }
.Ltmp65:
0x334: {  	s23 =	sadd.s32 $0xFFFFFFFF, s23;
	s24 =	sadd.s32 $0x10, s24;
	v28 =	vld [tilespmem:s22+$0x0];
	v34 =	vsub.f32 v30, v26;
	vm0 =	vmand vm14, vm0;
	(pc) =	sbr.rel @p1 .LBB2_110-.Ltmp65, $4  }
0x335: {  	s21 =	sadd.s32 $0x10, s21;
	v31 =	vmul.f32 v31, v31;
	v30 =	vld [tilespmem:s24+$0x0];
	v36 =	vmul.f32 v36, v36;
	vm14 =	vlt.f32 v33, $2.500000000e+01  }
0x336: {  	v32 =	vadd.s32 s21, v21;
	vm0 =	vmand vm0, vm14  }
0x337: {  	v34 =	vmul.f32 v34, v34;
	v33 =	vadd.f32 v36, v31;
	v36 =	vsel vm0, $0x1, v1  }
0x338: {  	s25 =	sadd.s32 $0x10, s25;
	vm14 =	vge.s32 v32, v24;
	v31 =	vsub.f32 v35, v27;
	v29 =	vadd.s32 v36, v29  }
.LBB2_111:
0x339: {  	v25 =	vsub.f32 v28, v25;
	_ =	sdelay $0x1  }
0x33a: {  	v26 =	vsub.f32 v30, v26;
	v27 =	vmul.f32 v31, v31;
	v25 =	vmul.f32 v25, v25  }
0x33b: {  	v28 =	vadd.f32 @p0 v34, v33  }
0x33c: {  	vm0 =	vlt.s32 @p0 v32, v22;
	s21 =	sadd.s32 @p0 $0x10, s21;
	v26 =	vmul.f32 v26, v26;
	v25 =	vadd.f32 v25, v27  }
0x33d: {  	vm0 =	vmand @p0 vm14, vm0;
	s20 =	smov.u32 @p0 s21  }
0x33e: {  	vm14 =	vlt.f32 @p0 v28, $2.500000000e+01;
	v21 =	vadd.s32 s20, v21;
	v25 =	vadd.f32 v26, v25  }
0x33f: {  	vm0 =	vmand @p0 vm0, vm14;
	vm14 =	vge.s32 v21, v24;
	vm15 =	vlt.s32 v21, v22  }
0x340: {  	v21 =	vsel @p0 vm0, $0x1, v1;
	vm0 =	vmand vm14, vm15;
	vm14 =	vlt.f32 v25, $2.500000000e+01  }
0x341: {  	v21 =	vadd.s32 @p0 v21, v29;
	vm0 =	vmand vm0, vm14  }
0x342: {  	v21 =	vpsel p0, v21, v23;
	v22 =	vsel vm0, $0x1, v1  }
0x343: {  	v21 =	vadd.s32 v22, v21  }
.LBB2_112:
0x344: {  	(v2sf) =	vpush v2, $0xF;
	_ =	sdelay $0xe  }
0x345: {  	s20 =	spop (v2sf)  }
0x346: {  	s21 =	sand.u32 $0xF, s20  }
0x347: {  	s22 =	sshra.s32 s20, $0x1F;
	p0 =	slt.s32 s20, $0x1;
	p1 =	sne.s32 s21, $0x0  }
0x348: {  	s30 =	sshrl.u32 s22, $0x1C;
	p0 =	por !p0, !p1  }
0x349: {  	s21 =	simm.s32 $0x1;
	s20 =	sadd.s32 s30, s20;
	p0 =	por !p0, !p0  }
0x34a: {  	s20 =	sshra.s32 s20, $0x4;
	s21 =	simm.s32 @!p0 $0x0  }
0x34b: {  	s22 =	ssub.s32 s20, s21  }
0x34c: {  	s20 =	sshll.u32 s22, $0x4  }
0x34d: {  	s31 =	ssub.s32 s19, s20  }
0x34e: {  	(xrf0) =	vadd.scan.msk.s32 $0xffff, v21;
	s21 =	sadd.s32 $0x1E, s31  }
0x34f: {  	p0 =	slt.s32 s21, $0x10  }
.Ltmp66:
0x350: {  	_ = 	snop;
	(pc) =	sbr.rel @p0 .LBB2_119-.Ltmp66, $2  }
0x351: {  	_ =	sdelay $0x2  }
0x352: {  	v21, _, _ =	vpop (xrf0)  }
0x353: {  	s23 =	sshra.s32 s21, $0x1F  }
0x354: {  	s23 =	sshrl.u32 s23, $0x1C  }
0x355: {  	s22 =	sshll.u32 s22, $0x6;
	s30 =	sadd.s32 s23, s21  }
0x356: {  	s22 =	sshra.s32 s22, $0x2;
	s23 =	sshra.s32 s30, $0x4  }
0x357: {  	v25 =	vld [tilespmem:s22+$0x0];
	s21 =	sadd.s32 $0x1080, s22;
	p1 =	sne.s32 s23, $0x1  }
.Ltmp67:
0x358: {  	v24 =	vld [tilespmem:s21+$0x0];
	(pc) =	sbr.rel @!p1 .LBB2_114-.Ltmp67, $4  }
0x359: {  	s24 =	sadd.s32 $0x2100, s22  }
0x35a: {  	v23 =	vbroadcast v3, $0xF;
	v22 =	vbroadcast v4, $0xF;
	v26 =	vld [tilespmem:s24+$0x0]  }
0x35b: {  	v20 =	vor.u32 s20, v0;
	s31 =	sor.u32 $0xF, s19;
	v5 =	vbroadcast v5, $0xF;
	s20 =	simm.s32 $0x0;
	v4 =	vbroadcast v2, $0xF  }
0x35c: {  	v2 =	vimm.s32 $0x0;
	p0 =	por $0x0, $0x0;
	v3 =	vmov s31;
	s25 =	sadd.s32 $0x10, s22;
	s23 =	sadd.s32 $0xFFFFFFFF, s23;
	v27 =	vsub.f32 v25, v23  }
0x35d: {  	_ = 	snop  }
0x35e: {  	v24 =	vsub.f32 v24, v22  }
0x35f: {  	v25 =	vld [tilespmem:s25+$0x0];
	s22 =	sadd.s32 $0x10, s21;
	p1 =	sne.s32 s23, $0x1;
	v26 =	vsub.f32 v26, v5  }
.Ltmp68:
0x360: {  	s24 =	sadd.s32 $0x10, s24;
	v29 =	vmul.f32 v24, v24;
	v24 =	vld [tilespmem:s22+$0x0];
	(pc) =	sbr.rel @!p1 .LBB2_116-.Ltmp68, $3  }
0x361: {  	v27 =	vmul.f32 v27, v27;
	v30 =	vmul.f32 v26, v26;
	v26 =	vld [tilespmem:s24+$0x0];
	_ =	sdelay $0x1  }
0x362: {  	s23 =	sadd.s32 $0xFFFFFFFF, s23;
	v28 =	vadd.s32 s20, v20;
	v29 =	vadd.f32 v29, v27  }
0x363: {  	s25 =	sadd.s32 $0x10, s25;
	p0 =	por $0x1, $0x1;
	s21 =	simm.s32 $0x0;
	vm14 =	vge.s32 v28, v4;
	v27 =	vsub.f32 v25, v23;
	v25 =	vimm.s32 $0x0  }
.LBB2_117:
0x364: {  	v31 =	vld [tilespmem:s25+$0x0];
	v32 =	vsub.f32 v24, v22;
	s22 =	sadd.s32 $0x10, s22;
	v29 =	vadd.f32 v30, v29;
	vm0 =	vlt.s32 v28, v3;
	p1 =	sne.s32 s23, $0x1  }
.Ltmp69:
0x365: {  	s23 =	sadd.s32 $0xFFFFFFFF, s23;
	v30 =	vsub.f32 v26, v5;
	s24 =	sadd.s32 $0x10, s24;
	v24 =	vld [tilespmem:s22+$0x0];
	vm0 =	vmand vm14, vm0;
	(pc) =	sbr.rel @p1 .LBB2_117-.Ltmp69, $4  }
0x366: {  	v27 =	vmul.f32 v27, v27;
	s21 =	sadd.s32 $0x10, s21;
	v26 =	vld [tilespmem:s24+$0x0];
	v32 =	vmul.f32 v32, v32;
	vm14 =	vlt.f32 v29, $2.500000000e+01  }
0x367: {  	v28 =	vadd.s32 s21, v20;
	vm0 =	vmand vm0, vm14  }
0x368: {  	v30 =	vmul.f32 v30, v30;
	v29 =	vadd.f32 v32, v27;
	v32 =	vsel vm0, $0x1, v1  }
0x369: {  	s25 =	sadd.s32 $0x10, s25;
	vm14 =	vge.s32 v28, v4;
	v27 =	vsub.f32 v31, v23;
	v25 =	vadd.s32 v32, v25  }
.Ltmp70:
0x36a: {  	_ = 	snop;
	(pc) =	sbr.rel .LBB2_118-.Ltmp70, $1  }
0x36b: {  	_ =	sdelay $0x3  }
.LBB2_6:
.Ltmp71:
0x36c: {  	(pc) =	sbr.rel .LBB2_13-.Ltmp71, $2  }
0x36d: {  	_ =	sdelay $0x2  }
0x36e: {  	v19 =	vimm.s32 $0x0  }
.LBB2_16:
.Ltmp72:
0x36f: {  	(pc) =	sbr.rel .LBB2_20-.Ltmp72, $2  }
0x370: {  	_ =	sdelay $0x2  }
0x371: {  	s21 =	simm.s32 $0x0;
	v15 =	vimm.s32 $0x0  }
.LBB2_8:
.Ltmp73:
0x372: {  	(pc) =	sbr.rel .LBB2_13-.Ltmp73, $2  }
0x373: {  	_ =	sdelay $0x2  }
0x374: {  	v13 =	vmov v12;
	v19 =	vimm.s32 $0x0;
	v12 =	vmov v17  }
.LBB2_18:
.Ltmp74:
0x375: {  	(pc) =	sbr.rel .LBB2_20-.Ltmp74, $2  }
0x376: {  	_ =	sdelay $0x2  }
0x377: {  	s21 =	simm.s32 $0x0;
	v15 =	vimm.s32 $0x0  }
.LBB2_10:
.Ltmp75:
0x378: {  	(pc) =	sbr.rel .LBB2_13-.Ltmp75, $2  }
0x379: {  	_ =	sdelay $0x2  }
0x37a: {  	v19 =	vimm.s32 $0x0;
	v13 =	vmov v17  }
.LBB2_23:
.Ltmp76:
0x37b: {  	(pc) =	sbr.rel .LBB2_27-.Ltmp76, $2  }
0x37c: {  	_ =	sdelay $0x2  }
0x37d: {  	s21 =	simm.s32 $0x0;
	v17 =	vimm.s32 $0x0  }
.LBB2_30:
.Ltmp77:
0x37e: {  	(pc) =	sbr.rel .LBB2_34-.Ltmp77, $2  }
0x37f: {  	_ =	sdelay $0x2  }
0x380: {  	s21 =	simm.s32 $0x0;
	v17 =	vimm.s32 $0x0  }
.LBB2_37:
.Ltmp78:
0x381: {  	(pc) =	sbr.rel .LBB2_41-.Ltmp78, $2  }
0x382: {  	_ =	sdelay $0x2  }
0x383: {  	s21 =	simm.s32 $0x0;
	v19 =	vimm.s32 $0x0  }
.LBB2_44:
.Ltmp79:
0x384: {  	(pc) =	sbr.rel .LBB2_48-.Ltmp79, $2  }
0x385: {  	_ =	sdelay $0x2  }
0x386: {  	s21 =	simm.s32 $0x0;
	v19 =	vimm.s32 $0x0  }
.LBB2_51:
.Ltmp80:
0x387: {  	(pc) =	sbr.rel .LBB2_55-.Ltmp80, $2  }
0x388: {  	_ =	sdelay $0x2  }
0x389: {  	s21 =	simm.s32 $0x0;
	v21 =	vimm.s32 $0x0  }
.LBB2_58:
.Ltmp81:
0x38a: {  	(pc) =	sbr.rel .LBB2_62-.Ltmp81, $2  }
0x38b: {  	_ =	sdelay $0x2  }
0x38c: {  	s21 =	simm.s32 $0x0;
	v21 =	vimm.s32 $0x0  }
.LBB2_65:
.Ltmp82:
0x38d: {  	(pc) =	sbr.rel .LBB2_69-.Ltmp82, $2  }
0x38e: {  	_ =	sdelay $0x2  }
0x38f: {  	s21 =	simm.s32 $0x0;
	v23 =	vimm.s32 $0x0  }
.LBB2_72:
.Ltmp83:
0x390: {  	(pc) =	sbr.rel .LBB2_76-.Ltmp83, $2  }
0x391: {  	_ =	sdelay $0x2  }
0x392: {  	s21 =	simm.s32 $0x0;
	v23 =	vimm.s32 $0x0  }
.LBB2_79:
.Ltmp84:
0x393: {  	(pc) =	sbr.rel .LBB2_83-.Ltmp84, $2  }
0x394: {  	_ =	sdelay $0x2  }
0x395: {  	s21 =	simm.s32 $0x0;
	v25 =	vimm.s32 $0x0  }
.LBB2_86:
.Ltmp85:
0x396: {  	(pc) =	sbr.rel .LBB2_90-.Ltmp85, $2  }
0x397: {  	_ =	sdelay $0x2  }
0x398: {  	s21 =	simm.s32 $0x0;
	v25 =	vimm.s32 $0x0  }
.LBB2_93:
.Ltmp86:
0x399: {  	(pc) =	sbr.rel .LBB2_97-.Ltmp86, $2  }
0x39a: {  	_ =	sdelay $0x2  }
0x39b: {  	s21 =	simm.s32 $0x0;
	v27 =	vimm.s32 $0x0  }
.LBB2_100:
.Ltmp87:
0x39c: {  	(pc) =	sbr.rel .LBB2_104-.Ltmp87, $2  }
0x39d: {  	_ =	sdelay $0x2  }
0x39e: {  	s21 =	simm.s32 $0x0;
	v27 =	vimm.s32 $0x0  }
.LBB2_107:
.Ltmp88:
0x39f: {  	(pc) =	sbr.rel .LBB2_111-.Ltmp88, $2  }
0x3a0: {  	_ =	sdelay $0x2  }
0x3a1: {  	s21 =	simm.s32 $0x0;
	v29 =	vimm.s32 $0x0  }
.LBB2_25:
.Ltmp89:
0x3a2: {  	(pc) =	sbr.rel .LBB2_27-.Ltmp89, $2  }
0x3a3: {  	_ =	sdelay $0x2  }
0x3a4: {  	s21 =	simm.s32 $0x0;
	v17 =	vimm.s32 $0x0  }
.LBB2_32:
.Ltmp90:
0x3a5: {  	(pc) =	sbr.rel .LBB2_34-.Ltmp90, $2  }
0x3a6: {  	_ =	sdelay $0x2  }
0x3a7: {  	s21 =	simm.s32 $0x0;
	v17 =	vimm.s32 $0x0  }
.LBB2_39:
.Ltmp91:
0x3a8: {  	(pc) =	sbr.rel .LBB2_41-.Ltmp91, $2  }
0x3a9: {  	_ =	sdelay $0x2  }
0x3aa: {  	s21 =	simm.s32 $0x0;
	v19 =	vimm.s32 $0x0  }
.LBB2_46:
.Ltmp92:
0x3ab: {  	(pc) =	sbr.rel .LBB2_48-.Ltmp92, $2  }
0x3ac: {  	_ =	sdelay $0x2  }
0x3ad: {  	s21 =	simm.s32 $0x0;
	v19 =	vimm.s32 $0x0  }
.LBB2_53:
.Ltmp93:
0x3ae: {  	(pc) =	sbr.rel .LBB2_55-.Ltmp93, $2  }
0x3af: {  	_ =	sdelay $0x2  }
0x3b0: {  	s21 =	simm.s32 $0x0;
	v21 =	vimm.s32 $0x0  }
.LBB2_60:
.Ltmp94:
0x3b1: {  	(pc) =	sbr.rel .LBB2_62-.Ltmp94, $2  }
0x3b2: {  	_ =	sdelay $0x2  }
0x3b3: {  	s21 =	simm.s32 $0x0;
	v21 =	vimm.s32 $0x0  }
.LBB2_67:
.Ltmp95:
0x3b4: {  	(pc) =	sbr.rel .LBB2_69-.Ltmp95, $2  }
0x3b5: {  	_ =	sdelay $0x2  }
0x3b6: {  	s21 =	simm.s32 $0x0;
	v23 =	vimm.s32 $0x0  }
.LBB2_74:
.Ltmp96:
0x3b7: {  	(pc) =	sbr.rel .LBB2_76-.Ltmp96, $2  }
0x3b8: {  	_ =	sdelay $0x2  }
0x3b9: {  	s21 =	simm.s32 $0x0;
	v23 =	vimm.s32 $0x0  }
.LBB2_81:
.Ltmp97:
0x3ba: {  	(pc) =	sbr.rel .LBB2_83-.Ltmp97, $2  }
0x3bb: {  	_ =	sdelay $0x2  }
0x3bc: {  	s21 =	simm.s32 $0x0;
	v25 =	vimm.s32 $0x0  }
.LBB2_88:
.Ltmp98:
0x3bd: {  	(pc) =	sbr.rel .LBB2_90-.Ltmp98, $2  }
0x3be: {  	_ =	sdelay $0x2  }
0x3bf: {  	s21 =	simm.s32 $0x0;
	v25 =	vimm.s32 $0x0  }
.LBB2_95:
.Ltmp99:
0x3c0: {  	(pc) =	sbr.rel .LBB2_97-.Ltmp99, $2  }
0x3c1: {  	_ =	sdelay $0x2  }
0x3c2: {  	s21 =	simm.s32 $0x0;
	v27 =	vimm.s32 $0x0  }
.LBB2_102:
.Ltmp100:
0x3c3: {  	(pc) =	sbr.rel .LBB2_104-.Ltmp100, $2  }
0x3c4: {  	_ =	sdelay $0x2  }
0x3c5: {  	s21 =	simm.s32 $0x0;
	v27 =	vimm.s32 $0x0  }
.LBB2_109:
.Ltmp101:
0x3c6: {  	(pc) =	sbr.rel .LBB2_111-.Ltmp101, $2  }
0x3c7: {  	_ =	sdelay $0x2  }
0x3c8: {  	s21 =	simm.s32 $0x0;
	v29 =	vimm.s32 $0x0  }
.LBB2_116:
.Ltmp102:
0x3c9: {  	(pc) =	sbr.rel .LBB2_118-.Ltmp102, $2  }
0x3ca: {  	_ =	sdelay $0x2  }
0x3cb: {  	s21 =	simm.s32 $0x0;
	v25 =	vimm.s32 $0x0  }
.LBB2_121:
0x3cc: {  	_ =	sfence.sel $0x180000  }
0x3cd: {  	[bflag:$0x0] =	sbarrier.arrive $0xFFFF  }
0x3ce: {  	p0 =	sne.s32 s5, $0x0;
	_ =	strace $0x90000047  }
0x3cf: {  	s0 =	sadd.s32 @!p0 $0x100000, s0;
	[bflag:$0x2] =	sbarrier.arrive $0xFFFF  }
0x3d0: {  	[sflag:s0] =	ssyncadd.tile.s32 @!p0 $0x1;
	_ =	shalt  }
.Lfunc_end2:
_tile_overlayer_lowered:
.L_overlay_start_2:
0x3d1: {  	(tag) =	ssettag $0x2  }
0x3d2: {  	s0 =	rddreg [dreg:$0x0];
	s2 =	stileid.u32  }
0x3d3: {  	s1 =	rddreg [dreg:$0x1];
	p0 =	sne.s32 s2, $0x0  }
0x3d4: {  	s3 =	rddreg [dreg:$0x2];
	[bflag:$0x3] =	sbarrier.arrive $0xFFFF;
	s2 =	simm.s32 @!p0 $0x1C01  }
0x3d5: {  	[timem:s3], [sflag:s2] =	dma.local @!p0 [hbm:s0], s1  }
0x3d6: {  	s0 =	simm.s32 @!p0 $0x1  }
0x3d7: {  	_ =	swait.ge @!p0 [sflag:s0], s1  }
0x3d8: {  	s1 =	ssub.s32 @!p0 $0x0, s1;
	[sflag:s0] =	ssyncset.done @!p0 $0x0  }
0x3d9: {  	[sflag:s0] =	ssyncadd.s32 @!p0 s1  }
0x3da: {  	[bflag:$0x3] =	sbarrier.arrive $0xFFFF  }
0x3db: {  	_ =	shalt  }

// kernel: kernel.8.cloned.1.call-start
scs
__scs_entry_jumppad:
0x0: {  	(pc) =	sbr.rel $0x88, $3  }
0x1: {  	(tag) =	ssettag $0x0;
	lr =	simm.s32 $0x1  }
0x2: {  	[smem:$0x3F9F] =	sst lr;
	_ =	strace $0xD0000000  }
0x3: {  	_ = 	snop  }
0x4: {  	_ = 	snop  }
0x5: {  	_ = 	snop  }
0x6: {  	_ = 	snop  }
0x7: {  	_ = 	snop  }
__scs_overlays_trampoline_lowered:
0x8: {  	[smem:$0x3FAE] =	sst s0  }
0x9: {  	[smem:$0x3FAF] =	sst s1  }
0xa: {  	[smem:$0x3FB0] =	sst s2  }
0xb: {  	[smem:$0x3FB1] =	sst s3  }
0xc: {  	[smem:$0x3FB2] =	sst s4  }
0xd: {  	[smem:$0x3FB3] =	sst s5  }
0xe: {  	[smem:$0x3FB4] =	sst s6  }
0xf: {  	[smem:$0x3FB5] =	sst s7  }
0x10: {  	[smem:$0x3FB6] =	sst s8  }
0x11: {  	[smem:$0x3FB7] =	sst s9;
	s0 =	simm.s32 @!p0 $0x0  }
0x12: {  	s1 =	sld [smem:$0x3F9D];
	s0 =	simm.s32 @p0 $0x1  }
0x13: {  	[smem:$0x3FB8] =	sst s0;
	s0 =	simm.s32 @!p1 $0x0  }
0x14: {  	s2 =	sld [smem:$0x3F9C];
	s0 =	simm.s32 @p1 $0x1  }
0x15: {  	[smem:$0x3FB9] =	sst s0;
	s0 =	simm.s32 @!p2 $0x0  }
0x16: {  	s3 =	sld [smem:$0x3FDB];
	s0 =	simm.s32 @p2 $0x1  }
0x17: {  	s4 =	simm.s32 $0x1BF5;
	[smem:$0x3FBB] =	sst s0  }
0x18: {  	s0 =	sld [smem:$0x3F9E];
	_ =	swait.ge [sflag:s4], $0x0  }
0x19: {  	s7 =	sld [smem:$0x3F9F]  }
0x1a: {  	s8 =	sadd.s32 $0xFFFFE003, lr  }
0x1b: {  	s9 =	sadd.s32 $0xFFFFFEF7, lr;
	s5 =	simm.s32 $0xFFFFFFFF;
	p2 =	slt.u32 s8, $0xFFFFF086  }
0x1c: {  	p1 =	slt.u32 s9, $0xF7A;
	s5 =	simm.s32 @!p2 $0x0  }
0x1d: {  	s5 =	simm.s32 @p1 $0x1;
	p0 =	seq.s32 s7, s2  }
0x1e: {  	s7 =	smul.u32 @!p0 $0xF7A, s2;
	p2 =	seq.s32 @!p0 s5, $0x0  }
0x1f: {  	s9 =	smul.u32 $0xF7A, s1;
	s8 =	simm.s32 @!p0 $0x1BF5;
	p2 =	por !p2, p0  }
0x20: {  	[sflag:s8] =	ssyncset.s32 @!p0 $0xFFFFF086;
	s6 =	sadd.s32 @!p0 s3, s7;
	s7 =	simm.s32 @!p0 $0x108  }
0x21: {  	s3 =	sadd.s32 s3, s9;
	s6 =	sadd.s32 @!p0 $0x88, s6;
	s7 =	simm.s32 @p2 $0x1082  }
0x22: {  	[simem:s7], [sflag:s8] =	dma.local @!p0 [hbm:s6], $0xF7A  }
0x23: {  	s9 =	sor.u32 $0xD0000000, s2;
	s6 =	simm.s32 $0x108;
	_ =	swait.ge @!p0 [sflag:s8], $0x0  }
0x24: {  	s3 =	sadd.s32 $0x88, s3;
	s6 =	simm.s32 @!p1 $0x1082;
	[sflag:s4] =	ssyncset.s32 $0xFFFFF086  }
0x25: {  	[simem:s6], [sflag:s4] =	dma.local [hbm:s3], $0xF7A  }
0x26: {  	[smem:$0x3F9F] =	sst s1;
	(tag) =	ssettag s2;
	_ =	strace s9  }
0x27: {  	s1 =	sld [smem:$0x3FAF]  }
0x28: {  	s2 =	sld [smem:$0x3FB0]  }
0x29: {  	s4 =	sld [smem:$0x3FB2]  }
0x2a: {  	p0 =	seq.s32 s5, $0x0;
	s5 =	sld [smem:$0x3FB3]  }
0x2b: {  	s6 =	sld [smem:$0x3FB4]  }
0x2c: {  	s7 =	sld [smem:$0x3FB5]  }
0x2d: {  	s3 =	simm.s32 $0x108;
	s8 =	sld [smem:$0x3FB6]  }
0x2e: {  	s3 =	simm.s32 @!p0 $0x1082;
	s9 =	sld [smem:$0x3FB7]  }
0x2f: {  	lr =	sadd.s32 s0, s3;
	s0 =	sld [smem:$0x3FAE]  }
0x30: {  	s3 =	sld [smem:$0x3FB1]  }
0x31: {  	[smem:$0x3FBA] =	sst s10  }
0x32: {  	s10 =	sld [smem:$0x3FB8];
	_ =	sdelay $0x3  }
0x33: {  	p0 =	seq.s32 s10, $0x1;
	s10 =	sld [smem:$0x3FBA];
	_ =	sdelay $0x3  }
0x34: {  	[smem:$0x3FBA] =	sst s10  }
0x35: {  	s10 =	sld [smem:$0x3FB9];
	_ =	sdelay $0x3  }
0x36: {  	p1 =	seq.s32 s10, $0x1;
	s10 =	sld [smem:$0x3FBA];
	_ =	sdelay $0x3  }
0x37: {  	[smem:$0x3FBA] =	sst s10  }
0x38: {  	s10 =	sld [smem:$0x3FBB]  }
0x39: {  	_ = 	snop;
	(pc) =	sbr.ind lr, $3  }
0x3a: {  	_ = 	snop  }
0x3b: {  	_ = 	snop  }
0x3c: {  	p2 =	seq.s32 s10, $0x1;
	s10 =	sld [smem:$0x3FBA]  }
0x3d: {  	_ =	shalt  }
0x3e: {  	_ =	shalt  }
0x3f: {  	_ =	shalt  }
0x40: {  	_ =	shalt  }
0x41: {  	_ =	shalt  }
0x42: {  	_ =	shalt  }
0x43: {  	_ =	shalt  }
0x44: {  	_ =	shalt  }
0x45: {  	_ =	shalt  }
0x46: {  	_ =	shalt  }
0x47: {  	_ =	shalt  }
0x48: {  	_ =	shalt  }
0x49: {  	_ =	shalt  }
0x4a: {  	_ =	shalt  }
0x4b: {  	_ =	shalt  }
0x4c: {  	_ =	shalt  }
0x4d: {  	_ =	shalt  }
0x4e: {  	_ =	shalt  }
0x4f: {  	_ =	shalt  }
0x50: {  	_ =	shalt  }
0x51: {  	_ =	shalt  }
0x52: {  	_ =	shalt  }
0x53: {  	_ =	shalt  }
0x54: {  	_ =	shalt  }
0x55: {  	_ =	shalt  }
0x56: {  	_ =	shalt  }
0x57: {  	_ =	shalt  }
0x58: {  	_ =	shalt  }
0x59: {  	_ =	shalt  }
0x5a: {  	_ =	shalt  }
0x5b: {  	_ =	shalt  }
0x5c: {  	_ =	shalt  }
0x5d: {  	_ =	shalt  }
0x5e: {  	_ =	shalt  }
0x5f: {  	_ =	shalt  }
0x60: {  	_ =	shalt  }
0x61: {  	_ =	shalt  }
0x62: {  	_ =	shalt  }
0x63: {  	_ =	shalt  }
0x64: {  	_ =	shalt  }
0x65: {  	_ =	shalt  }
0x66: {  	_ =	shalt  }
0x67: {  	_ =	shalt  }
0x68: {  	_ =	shalt  }
0x69: {  	_ =	shalt  }
0x6a: {  	_ =	shalt  }
0x6b: {  	_ =	shalt  }
0x6c: {  	_ =	shalt  }
0x6d: {  	_ =	shalt  }
0x6e: {  	_ =	shalt  }
0x6f: {  	_ =	shalt  }
0x70: {  	_ =	shalt  }
0x71: {  	_ =	shalt  }
0x72: {  	_ =	shalt  }
0x73: {  	_ =	shalt  }
0x74: {  	_ =	shalt  }
0x75: {  	_ =	shalt  }
0x76: {  	_ =	shalt  }
0x77: {  	_ =	shalt  }
0x78: {  	_ =	shalt  }
0x79: {  	_ =	shalt  }
0x7a: {  	_ =	shalt  }
0x7b: {  	_ =	shalt  }
0x7c: {  	_ =	shalt  }
0x7d: {  	_ =	shalt  }
0x7e: {  	_ =	shalt  }
0x7f: {  	_ =	shalt  }
0x80: {  	_ =	shalt  }
0x81: {  	_ =	shalt  }
0x82: {  	_ =	shalt  }
0x83: {  	_ =	shalt  }
0x84: {  	_ =	shalt  }
0x85: {  	_ =	shalt  }
0x86: {  	_ =	shalt  }
0x87: {  	_ =	shalt  }
.Lfunc_end0:
.L_simem_size_0:
called_computation.1_lowered:
.L_overlay_start_0:
0x88: {  	s2 =	sld [smem:$0x3FD9]  }
0x89: {  	s3 =	sld [smem:$0x3FFE];
	_ =	sdelay $0x1  }
0x8a: {  	s1 =	srdreg.scid  }
0x8b: {  	s0 =	sand.u32 $0x1, s1  }
0x8c: {  	s14 =	sshll.u32 s0, $0xA;
	s2 =	sadd.s32 s3, s2  }
0x8d: {  	s2 =	sadd.s32 s2, s14  }
0x8e: {  	[smem:$0x3FC6] =	sst s2  }
0x8f: {  	_ = 	snop  }
0x90: {  	s2 =	sld [smem:$0x3FD0];
	_ =	sdelay $0x2  }
0x91: {  	s15 =	simm.s32 $0xA;
	s4 =	simm.s32 $0x10  }
0x92: {  	[smem:s4], [sflag:s15] =	dma.local [hbm:s2], $0x1  }
0x93: {  	_ =	swait.eq [sflag:s15], $0x1  }
0x94: {  	s16 =	sld [smem:$0x10];
	[sflag:s15] =	ssyncset.done $0x0  }
0x95: {  	s17 =	sld [smem:$0x11];
	[sflag:s15] =	ssyncadd.s32 $0xFFFFFFFF  }
0x96: {  	s18 =	sld [smem:$0x12];
	(tm) =	ssettm $0x1  }
0x97: {  	s5 =	sld [smem:$0x3FFB];
	_ =	sdelay $0x3  }
0x98: {  	_ =	strace s5  }
0x99: {  	s5 =	sld [smem:$0x3FFC];
	_ =	sdelay $0x3  }
0x9a: {  	_ =	strace s5  }
0x9b: {  	s5 =	sld [smem:$0x3FFD];
	_ =	sdelay $0x3  }
0x9c: {  	_ =	strace s5  }
0x9d: {  	_ =	strace $0x8FFFFFFF  }
0x9e: {  	s19 =	sld [smem:$0x3FDB];
	_ =	sdelay $0x1  }
0x9f: {  	s6 =	simm.s32 $_scs_section_size  }
0xa0: {  	s7 =	simm.s32 $_size__tile_overlayer_lowered;
	s8 =	simm.s32 $_tile_overlayer_lowered  }
0xa1: {  	s22 =	simm.s32 $0x1BFF;
	s21 =	sshll.u32 s8, $0x1;
	s5 =	sadd.s32 s6, s19  }
0xa2: {  	s9 =	simm.s32 $0x0;
	s20 =	sshll.u32 s7, $0x1;
	s7 =	sadd.s32 s21, s5  }
0xa3: {  	[timem:s9], [sflag:s22] =	dma.local [hbm:s7], s20  }
0xa4: {  	_ =	swait.ge [sflag:s22], s20  }
0xa5: {  	s6 =	ssub.s32 $0x0, s20;
	[sflag:s22] =	ssyncset.done $0x0  }
0xa6: {  	[sflag:s22] =	ssyncadd.s32 s6;
	_ =	sdelay $0x1  }
0xa7: {  	s23 =	simm.s32 $0x1B8B  }
0xa8: {  	_ =	swait.ge [sflag:s23], $0x1  }
0xa9: {  	[sflag:s23] =	ssyncset.done $0x0  }
0xaa: {  	s25 =	simm.s32 $0x1B8E;
	s24 =	sld [smem:$0x3FFE];
	[sflag:s23] =	ssyncadd.s32 $0xFFFFFFFF  }
0xab: {  	s26 =	simm.s32 $execute0_lowered;
	[smem:$0x3FD2] =	sst s25  }
0xac: {  	s7 =	sshll.u32 s26, $0x1;
	_ =	strace $0x80000049;
	[dreg:$0x1] =	wrdreg $0xFFFFFFFF  }
0xad: {  	s28 =	simm.s32 $_size_execute0_lowered;
	s5 =	sadd.s32 s5, s7;
	[dreg:$0x0] =	wrdreg $0x0  }
0xae: {  	s7 =	sshll.u32 s28, $0x1;
	[dreg:$0x2] =	wrdreg s5  }
0xaf: {  	[dreg:$0x3] =	wrdreg s7  }
0xb0: {  	[dreg:$0x4] =	wrdreg $0xC0  }
0xb1: {  	_ =	task [dreg:s9], $0x5FFFF  }
0xb2: {  	[dreg:$0x1] =	wrdreg $0xFFFFFFFF  }
0xb3: {  	[dreg:$0x0] =	wrdreg $0x60  }
0xb4: {  	[dreg:$0x2] =	wrdreg s24  }
0xb5: {  	[dreg:$0x3] =	wrdreg s16  }
0xb6: {  	[dreg:$0x4] =	wrdreg s18  }
0xb7: {  	[dreg:$0x5] =	wrdreg s17  }
0xb8: {  	[dreg:$0x6] =	wrdreg $0x9  }
0xb9: {  	_ =	task.clear_ibuf [dreg:s9], $0x7FFFF;
	_ =	strace $0x90000049  }
0xba: {  	s29 =	simm.s32 $0x9;
	_ =	strace $0x8000004B  }
0xbb: {  	_ =	swait.ge [sflag:s29], $0x1  }
0xbc: {  	[sflag:s29] =	ssyncadd.s32 $0xFFFFFFFF  }
0xbd: {  	_ =	strace $0x9000004B  }
0xbe: {  	_ =	sfence  }
0xbf: {  	s30 =	sld [smem:$0x0];
	_ =	sdelay $0x2  }
0xc0: {  	s31 =	sshll.u32 s1, $0xD;
	s1 =	sshrl.u32 s1, $0x2  }
0xc1: {  	s3 =	sand.u32 $0x4000, s31;
	s1 =	sadd.s32 s1, s30  }
0xc2: {  	s0 =	sor.u32 s3, s0;
	s1 =	sshll.u32 s1, $0x11  }
0xc3: {  	s0 =	sor.u32 s1, s0  }
0xc4: {  	s0 =	sadd.s32 $0x8F2B, s0  }
0xc5: {  	[sflag:s0] =	ssyncadd.remote.s32 $0x1  }
0xc6: {  	_ =	sfence.sel $0xFFFF  }
0xc7: {  	[dreg:$0x0] =	wrdreg $0xFFFFFFFF;
	(pc) =	sbr.abs _section_cstart, $3  }
0xc8: {  	[dreg:$0x1] =	wrdreg $0xFFFFFFFF  }
0xc9: {  	_ =	task.clear_ibuf [dreg:s9], $0x2FFFF;
	_ =	strace $0x9FFFFFFF  }
0xca: {  	(tm) =	ssettm $0x7FFFFFFF  }
0xcb: {  	_ =	shalt  }
tec
execute0_lowered:
.L_overlay_start_1:
0x0: {  	(tag) =	ssettag $0x1  }
0x1: {  	s0 =	rddreg [dreg:$0x0]  }
0x2: {  	s1 =	rddreg [dreg:$0x2]  }
0x3: {  	s2 =	rddreg [dreg:$0x3];
	s3 =	simm.s32 $0x0  }
0x4: {  	s4 =	srdreg.scid;
	s5 =	stileid.u32;
	s17 =	simm.s32 $0x1  }
0x5: {  	s18 =	simm.s32 $0x1080;
	s19 =	simm.s32 $0x2100;
	s20 =	simm.s32 $0x3180  }
0x6: {  	s21 =	simm.s32 $0x4180;
	s22 =	simm.s32 $0x5180;
	s23 =	simm.s32 $0x5600  }
0x7: {  	s28 =	simm.s32 $0x6800;
	s29 =	simm.s32 $0x0;
	[smem:$0x7FF] =	sst s3  }
0x8: {  	s4 =	sand.u32 $0x1, s4;
	s5 =	sshll.u32 s5, $0xB;
	s7 =	sadd.s32 $0x2000, s0  }
0x9: {  	s24 =	sadd.s32 $0x1E00, s0;
	_ =	strace $0x8000004A;
	[dreg:$0x5] =	wrdreg s7  }
0xa: {  	s25 =	sadd.s32 $0x2400, s0;
	s30 =	sadd.s32 $0x2200, s0;
	[dreg:$0x6] =	wrdreg s24  }
0xb: {  	s6 =	sshll.u32 s4, $0xA;
	[dreg:$0x7] =	wrdreg s25;
	s4 =	ssub.s32 $0x2, s4  }
0xc: {  	[dreg:$0x8] =	wrdreg s30;
	s24 =	simm.s32 $0x5A80;
	s25 =	simm.s32 $0x5F00  }
.Ltmp0:
0xd: {  	s6 =	sor.u32 s6, s5;
	s31 =	sshrl.u32 s4, $0x1;
	(pc) =	sbr.rel .LBB2_1-.Ltmp0, $4  }
0xe: {  	s26 =	sshrl.u32 s6, $0x3;
	s4 =	ssub.s32 s4, s31;
	s9 =	sadd.s32 $0x400, s6  }
0xf: {  	s0 =	sadd.s32 s26, s0;
	s10 =	sadd.s32 s1, s26;
	s12 =	sadd.s32 s2, s26  }
0x10: {  	v2 =	vimm.s32 $0xFFFFFFFF;
	v3 =	vimm.f32 $0.0e+00;
	v4 =	vlaneseq.u32;
	s16 =	smax.u32 s4, $0x1;
	s26 =	simm.s32 $0x6380;
	s11 =	sadd.s32 $0x2600, s0  }
0x11: {  	v5 =	vimm.s32 $0x0;
	v0 =	vmov s6;
	v1 =	vmov s9;
	s13 =	sadd.s32 $0x3600, s0;
	s14 =	sadd.s32 $0x4600, s0;
	s15 =	sadd.s32 $0x5600, s0  }
.LBB2_11:
0x12: {  	[hbm4b:s10+s3] =	stream.linear.scatter [tilespmem:s22], [sflag:$0x1], $0x400, $0x38;
	[tilespmem:$0x6C80] =	vst v63  }
0x13: {  	_ =	swait.ge [sflag:s17], $0x400  }
0x14: {  	[sflag:s17] =	ssyncset.done $0x0  }
0x15: {  	[sflag:s17] =	ssyncadd.s32 $0xFFFFFC00  }
0x16: {  	[hbm4b:s11+s3] =	stream.linear.scatter [tilespmem:s23], [sflag:$0x1], $0x400, $0x38;
	[tilespmem:$0x6C80] =	vst v63  }
0x17: {  	_ =	swait.ge [sflag:s17], $0x400  }
0x18: {  	[sflag:s17] =	ssyncset.done $0x0  }
0x19: {  	[sflag:s17] =	ssyncadd.s32 $0xFFFFFC00  }
0x1a: {  	[hbm4b:s12+s3] =	stream.linear.scatter [tilespmem:s24], [sflag:$0x1], $0x400, $0x38;
	[tilespmem:$0x6C80] =	vst v63  }
0x1b: {  	_ =	swait.ge [sflag:s17], $0x400  }
0x1c: {  	[sflag:s17] =	ssyncset.done $0x0  }
0x1d: {  	[sflag:s17] =	ssyncadd.s32 $0xFFFFFC00  }
0x1e: {  	[hbm4b:s13+s3] =	stream.linear.scatter [tilespmem:s25], [sflag:$0x1], $0x400, $0x38;
	[tilespmem:$0x6C80] =	vst v63  }
0x1f: {  	_ =	swait.ge [sflag:s17], $0x400  }
0x20: {  	[sflag:s17] =	ssyncset.done $0x0  }
0x21: {  	[sflag:s17] =	ssyncadd.s32 $0xFFFFFC00  }
0x22: {  	[hbm4b:s14+s3] =	stream.linear.scatter [tilespmem:s26], [sflag:$0x1], $0x400, $0x38;
	[tilespmem:$0x6C80] =	vst v63  }
0x23: {  	s29 =	sadd.s32 $0x1, s29;
	_ =	swait.ge [sflag:s17], $0x400  }
0x24: {  	p0 =	sne.s32 s29, s16;
	[sflag:s17] =	ssyncset.done $0x0  }
.Ltmp1:
0x25: {  	[sflag:s17] =	ssyncadd.s32 $0xFFFFFC00;
	(pc) =	sbr.rel @!p0 .LBB2_12-.Ltmp1, $4  }
0x26: {  	[hbm4b:s15+s3] =	stream.linear.scatter [tilespmem:s28], [sflag:$0x1], $0x400, $0x38;
	[tilespmem:$0x6C80] =	vst v63  }
0x27: {  	_ =	swait.ge [sflag:s17], $0x400  }
0x28: {  	[sflag:s17] =	ssyncset.done $0x0  }
0x29: {  	[sflag:s17] =	ssyncadd.s32 $0xFFFFFC00  }
.LBB2_1:
0x2a: {  	s0 =	rddreg [dreg:$0x5]  }
0x2b: {  	[tilespmem:s3], [sflag:$0x1] =	stream.linear.gather [hbm4b:s0+s3], $0x1000, $0x38;
	[tilespmem:$0x6C80] =	vst v63  }
0x2c: {  	_ =	swait.ge [sflag:s17], $0x1000  }
0x2d: {  	[sflag:s17] =	ssyncset.done $0x0  }
0x2e: {  	s7 =	rddreg [dreg:$0x6];
	[sflag:s17] =	ssyncadd.s32 $0xFFFFF000  }
0x2f: {  	[tilespmem:s18], [sflag:$0x1] =	stream.linear.gather [hbm4b:s7+s3], $0x1000, $0x38;
	[tilespmem:$0x6C80] =	vst v63  }
0x30: {  	_ =	swait.ge [sflag:s17], $0x1000  }
0x31: {  	[sflag:s17] =	ssyncset.done $0x0  }
0x32: {  	[sflag:s17] =	ssyncadd.s32 $0xFFFFF000  }
0x33: {  	s8 =	rddreg [dreg:$0x1]  }
0x34: {  	[tilespmem:s19], [sflag:$0x1] =	stream.linear.gather [hbm4b:s8+s3], $0x1000, $0x38;
	[tilespmem:$0x6C80] =	vst v63  }
0x35: {  	_ =	swait.ge [sflag:s17], $0x1000  }
0x36: {  	[sflag:s17] =	ssyncset.done $0x0  }
0x37: {  	s30 =	rddreg [dreg:$0x7];
	[sflag:s17] =	ssyncadd.s32 $0xFFFFF000  }
0x38: {  	[tilespmem:s20], [sflag:$0x1] =	stream.linear.gather [hbm4b:s30+s3], $0x1000, $0x38;
	[tilespmem:$0x6C80] =	vst v63  }
0x39: {  	_ =	swait.ge [sflag:s17], $0x1000  }
0x3a: {  	[sflag:s17] =	ssyncset.done $0x0  }
0x3b: {  	s31 =	rddreg [dreg:$0x8];
	[sflag:s17] =	ssyncadd.s32 $0xFFFFF000  }
0x3c: {  	[tilespmem:s21], [sflag:$0x1] =	stream.linear.gather [hbm4b:s31+s3], $0x1000, $0x38;
	[tilespmem:$0x6C80] =	vst v63  }
0x3d: {  	_ =	swait.ge [sflag:s17], $0x1000  }
0x3e: {  	[sflag:s17] =	ssyncset.done $0x0  }
0x3f: {  	s0 =	simm.s32 $0x0;
	[sflag:s17] =	ssyncadd.s32 $0xFFFFF000  }
0x40: {  	[tilespmem:s0+$0x6800] =	vst v3  }
0x41: {  	[tilespmem:s0+$0x5180] =	vst v2  }
0x42: {  	[tilespmem:s0+$0x5600] =	vst v2  }
0x43: {  	[tilespmem:s0+$0x5A80] =	vst v3  }
0x44: {  	s1 =	simm.s32 $0x40;
	[tilespmem:s0+$0x5F00] =	vst v3  }
.LBB2_2:
0x45: {  	p0 =	sne.s32 s1, $0xFC0;
	[tilespmem:s0+$0x6380] =	vst v3;
	s0 =	sshra.s32 s1, $0x2;
	s1 =	sadd.s32 $0x40, s1  }
.Ltmp2:
0x46: {  	[tilespmem:s0+$0x6800] =	vst v3;
	(pc) =	sbr.rel @p0 .LBB2_2-.Ltmp2, $4  }
0x47: {  	[tilespmem:s0+$0x5180] =	vst v2  }
0x48: {  	[tilespmem:s0+$0x5600] =	vst v2  }
0x49: {  	[tilespmem:s0+$0x5A80] =	vst v3  }
0x4a: {  	[tilespmem:s0+$0x5F00] =	vst v3  }
0x4b: {  	s2 =	simm.s32 $0x0  }
0x4c: {  	[tilespmem:s0+$0x6380] =	vst v3;
	s0 =	simm.s32 $0x1000;
	s4 =	simm.s32 $0x1000;
	s1 =	simm.s32 $0xB  }
.LBB2_4:
0x4d: {  	s5 =	smov.u32 s2  }
0x4e: {  	p0 =	sne.s32 s1, $0x1;
	s2 =	sshrl.u32 s4, $0x1F  }
0x4f: {  	s2 =	sadd.s32 s2, s4  }
0x50: {  	s4 =	sshra.s32 s2, $0x1  }
0x51: {  	v6 =	vmov s4;
	_ =	sdelay $0x4  }
0x52: {  	v6 =	vld.idx.msk [tilespmem:v6+s21+$0x0], $0xffff;
	_ =	sdelay $0x5  }
0x53: {  	(v2sf) =	vpush v6, $0x0;
	_ =	sdelay $0xd  }
.Ltmp3:
0x54: {  	(pc) =	sbr.rel @p0 .LBB2_4-.Ltmp3, $4  }
0x55: {  	s2 =	spop (v2sf)  }
0x56: {  	p1 =	sgt.s32 s2, s6;
	s2 =	sadd.s32 $0x1, s4  }
0x57: {  	s2 =	smov.u32 @p1 s5;
	s0 =	smov.u32 @p1 s4  }
0x58: {  	s1 =	sadd.s32 $0xFFFFFFFF, s1;
	s4 =	sadd.s32 s2, s0  }
0x59: {  	s0 =	sshrl.u32 s4, $0x1F  }
0x5a: {  	s0 =	sadd.s32 s0, s4  }
0x5b: {  	s0 =	sshra.s32 s0, $0x1  }
0x5c: {  	v6 =	vmov s0;
	_ =	sdelay $0x4  }
0x5d: {  	v6 =	vld.idx.msk [tilespmem:v6+s21+$0x0], $0xffff;
	_ =	sdelay $0x4  }
0x5e: {  	(v2sf) =	vpush v6, $0x0;
	_ =	sdelay $0xe  }
0x5f: {  	s1 =	spop (v2sf)  }
0x60: {  	s0 =	sadd.s32 $0x1, s0;
	p0 =	sgt.s32 s1, s6  }
0x61: {  	s0 =	smov.u32 @p0 s2  }
0x62: {  	p0 =	sgt.s32 s0, $0x1  }
0x63: {  	p1 =	sgt.s32 s0, $0x1000;
	s0 =	simm.s32 @!p0 $0x1  }
0x64: {  	s30 =	sadd.s32 $0xFFFFFFFF, s0  }
0x65: {  	v6 =	vmov s30  }
0x66: {  	v6 =	vand.u32 $0x7FFFFFFF, v6  }
0x67: {  	v6 =	vbroadcast v6, $0x0;
	_ =	sdelay $0x5  }
0x68: {  	v6 =	vld.idx.msk [tilespmem:v6+s21+$0x0], $0xffff;
	_ =	sdelay $0x4  }
0x69: {  	(v2sf) =	vpush v6, $0x0;
	_ =	sdelay $0xe  }
0x6a: {  	s1 =	spop (v2sf)  }
0x6b: {  	p0 =	sge.s32 @!p1 s1, s9  }
0x6c: {  	p0 =	por p1, p0  }
.Ltmp4:
0x6d: {  	_ = 	snop;
	(pc) =	sbr.rel @!p0 .LBB2_6-.Ltmp4, $4  }
.Ltmp5:
0x6e: {  	_ = 	snop;
	(pc) =	sbr.rel @p0 .LBB2_11-.Ltmp5, $4  }
0x6f: {  	_ = 	snop  }
0x70: {  	_ = 	snop  }
0x71: {  	_ = 	snop  }
0x72: {  	_ = 	snop  }
.LBB2_9:
0x73: {  	_ =	sdelay $0x4  }
0x74: {  	[tilespmem:v13+s26+$0x0] =	vst.idx.msk vm0, v12  }
0x75: {  	[tilespmem:v13+s28+$0x0] =	vst.idx.msk vm0, v11  }
.LBB2_10:
0x76: {  	p0 =	sgt.u32 s30, $0xFFE  }
0x77: {  	p1 =	slt.s32 @!p0 s1, s9  }
0x78: {  	p0 =	por p0, !p1  }
.Ltmp6:
0x79: {  	_ = 	snop;
	(pc) =	sbr.rel @p0 .LBB2_11-.Ltmp6, $2  }
0x7a: {  	_ =	sdelay $0x2  }
0x7b: {  	s30 =	sadd.s32 $0x1, s30  }
.LBB2_6:
0x7c: {  	v6 =	vmov s30;
	_ =	sdelay $0x4  }
0x7d: {  	v10 =	vld.idx.msk [tilespmem:v6+s20+$0x0], $0xffff;
	_ =	sdelay $0x4  }
0x7e: {  	(v2sf) =	vpush v10, $0x0;
	_ =	sdelay $0xe  }
0x7f: {  	s0 =	spop (v2sf)  }
0x80: {  	s2 =	sand.u32 $0xF, s0  }
0x81: {  	s4 =	sshra.s32 s0, $0x1F;
	p0 =	slt.s32 s0, $0x1;
	p1 =	sne.s32 s2, $0x0  }
0x82: {  	s7 =	sshrl.u32 s4, $0x1C;
	p0 =	por !p0, !p1  }
0x83: {  	s2 =	simm.s32 $0x1;
	s0 =	sadd.s32 s7, s0;
	p0 =	por !p0, !p0  }
0x84: {  	s0 =	sshra.s32 s0, $0x4;
	s2 =	simm.s32 @!p0 $0x0  }
0x85: {  	s0 =	ssub.s32 s0, s2  }
0x86: {  	s31 =	sshll.u32 s0, $0x4  }
0x87: {  	s8 =	ssub.s32 s30, s31  }
0x88: {  	s4 =	sadd.s32 $0x1F, s8  }
0x89: {  	p0 =	slt.s32 s4, $0x20  }
.Ltmp7:
0x8a: {  	_ = 	snop;
	(pc) =	sbr.rel @p0 .LBB2_10-.Ltmp7, $1  }
0x8b: {  	_ =	sdelay $0x3  }
0x8c: {  	_ =	sdelay $0x2  }
0x8d: {  	s0 =	sshll.u32 s0, $0x6  }
0x8e: {  	v7 =	vld.idx.msk [tilespmem:v6+s3+$0x0], $0xffff;
	s2 =	sshra.s32 s0, $0x2  }
0x8f: {  	v8 =	vld.idx.msk [tilespmem:v6+s18+$0x0], $0xffff;
	s5 =	sadd.s32 $0x1090, s2  }
0x90: {  	s0 =	sadd.s32 $0x10, s2;
	v11 =	vld [tilespmem:s5+$0xFFFFFFF0]  }
0x91: {  	v12 =	vld [tilespmem:s0+$0xFFFFFFF0]  }
0x92: {  	v9 =	vld.idx.msk [tilespmem:v6+s19+$0x0], $0xffff;
	s2 =	sadd.s32 $0x2110, s2  }
0x93: {  	v13 =	vld [tilespmem:s2+$0xFFFFFFF0];
	_ =	sdelay $0x2  }
0x94: {  	v12 =	vsub.f32 v7, v12;
	v11 =	vsub.f32 v8, v11;
	_ =	sdelay $0x1  }
0x95: {  	v13 =	vsub.f32 v9, v13;
	v14 =	vmul.f32 v12, v12;
	v15 =	vmul.f32 v11, v11;
	_ =	sdelay $0x1  }
0x96: {  	v14 =	vadd.f32 v15, v14;
	v15 =	vmul.f32 v13, v13;
	_ =	sdelay $0x1  }
0x97: {  	v14 =	vadd.f32 v15, v14;
	_ =	sdelay $0x1  }
0x98: {  	v15 =	vmax.f32 v14, $1.000000000e-30  }
0x99: {  	v16 =	vshra.s32 v15, $0x1;
	v17 =	vmul.f32 $5.000000000e-01, v15  }
0x9a: {  	v16 =	vsub.s32 $0x5F3759DF, v16  }
0x9b: {  	v18 =	vmul.f32 v16, v17  }
0x9c: {  	v10 =	vbroadcast v10, $0x0  }
0x9d: {  	v19 =	vor.u32 s31, v4;
	v18 =	vmul.f32 v16, v18  }
0x9e: {  	vm1 =	vlt.s32 v19, v6;
	vm0 =	vge.s32 v19, v10  }
0x9f: {  	vm0 =	vmand vm0, vm1;
	vm1 =	vlt.f32 v14, $2.500000000e+01;
	v14 =	vsub.f32 $1.500000000e+00, v18;
	_ =	sdelay $0x1  }
0xa0: {  	vm0 =	vmand vm0, vm1;
	v14 =	vmul.f32 v16, v14  }
0xa1: {  	v51 =	vsel vm0, $0x1, v5  }
0xa2: {  	(xrf0) =	vadd.scan.msk.s32 $0xffff, v51;
	v16 =	vmul.f32 v14, v17;
	_ =	sdelay $0x1  }
0xa3: {  	v16 =	vmul.f32 v16, v14  }
0xa4: {  	v52 =	vmov s1  }
0xa5: {  	v18 =	vadd.s32 $0xFFFFFFFF, v52;
	v16 =	vsub.f32 $1.500000000e+00, v16  }
0xa6: {  	v18 =	vbroadcast v18, $0x0  }
0xa7: {  	v20, _, _ =	vpop (xrf0);
	v14 =	vmul.f32 v16, v14  }
0xa8: {  	v18 =	vadd.s32 v20, v18  }
0xa9: {  	vm1 =	vge.s32 v18, v0;
	vm2 =	vlt.s32 v18, v1;
	v17 =	vmul.f32 v14, v17  }
0xaa: {  	v53 =	vsub.s32 v18, v0;
	v18 =	vand.u32 $0x7F, v18;
	vm1 =	vmand vm1, vm2  }
0xab: {  	vm1 =	vmand vm0, vm1;
	v16 =	vand.u32 $0xFFFFFF80, v53;
	v17 =	vmul.f32 v17, v14  }
0xac: {  	v16 =	vor.u32 v18, v16  }
0xad: {  	v17 =	vsub.f32 $1.500000000e+00, v17;
	_ =	sdelay $0x1  }
0xae: {  	v14 =	vmul.f32 v17, v14;
	_ =	sdelay $0x1  }
0xaf: {  	[tilespmem:v16+s22+$0x0] =	vst.idx.msk vm1, v6;
	v14 =	vmul.f32 v14, v15  }
0xb0: {  	[tilespmem:v16+s23+$0x0] =	vst.idx.msk vm1, v19  }
0xb1: {  	[tilespmem:v16+s24+$0x0] =	vst.idx.msk vm1, v14  }
0xb2: {  	[tilespmem:v16+s25+$0x0] =	vst.idx.msk vm1, v12  }
0xb3: {  	[tilespmem:v16+s26+$0x0] =	vst.idx.msk vm1, v11  }
0xb4: {  	[tilespmem:v16+s28+$0x0] =	vst.idx.msk vm1, v13  }
0xb5: {  	v11 =	vld [tilespmem:s0+$0x0]  }
0xb6: {  	v12 =	vld [tilespmem:s5+$0x0];
	_ =	sdelay $0x1  }
0xb7: {  	v13 =	vld [tilespmem:s2+$0x0];
	_ =	sdelay $0x2  }
0xb8: {  	v14 =	vsub.f32 v7, v11;
	v12 =	vsub.f32 v8, v12  }
0xb9: {  	v15 =	vmpcnt.ones.xlane vm0  }
0xba: {  	v11 =	vsub.f32 v9, v13;
	v13 =	vmul.f32 v14, v14;
	v54 =	vmul.f32 v12, v12;
	_ =	sdelay $0x1  }
0xbb: {  	(v2sf) =	vpush v15, $0x0;
	v15 =	vmul.f32 v11, v11;
	v13 =	vadd.f32 v54, v13;
	_ =	sdelay $0x1  }
0xbc: {  	v13 =	vadd.f32 v15, v13;
	_ =	sdelay $0x1  }
0xbd: {  	v15 =	vmax.f32 v13, $1.000000000e-30  }
0xbe: {  	v55 =	vshra.s32 v15, $0x1;
	v56 =	vmul.f32 $5.000000000e-01, v15  }
0xbf: {  	v16 =	vsub.s32 $0x5F3759DF, v55  }
0xc0: {  	v57 =	vmul.f32 v16, v56  }
0xc1: {  	s7 =	sadd.s32 $0x10, s31  }
0xc2: {  	v58 =	vor.u32 s7, v4;
	v18 =	vmul.f32 v16, v57  }
0xc3: {  	vm0 =	vge.s32 v58, v10;
	vm1 =	vlt.s32 v58, v6  }
0xc4: {  	vm0 =	vmand vm0, vm1;
	vm1 =	vlt.f32 v13, $2.500000000e+01;
	v13 =	vsub.f32 $1.500000000e+00, v18  }
0xc5: {  	vm0 =	vmand vm0, vm1  }
0xc6: {  	v59 =	vsel vm0, $0x1, v5;
	v13 =	vmul.f32 v16, v13  }
0xc7: {  	(xrf0) =	vadd.scan.msk.s32 $0xffff, v59  }
0xc8: {  	s8 =	spop (v2sf);
	v16 =	vmul.f32 v13, v56  }
0xc9: {  	s1 =	sadd.s32 s1, s8;
	v60 =	vmpcnt.ones.xlane vm0  }
0xca: {  	v61 =	vmov s1;
	v16 =	vmul.f32 v16, v13  }
0xcb: {  	v62 =	vadd.s32 $0xFFFFFFFF, v61;
	(v2sf) =	vpush v60, $0x0  }
0xcc: {  	v18 =	vbroadcast v62, $0x0;
	v16 =	vsub.f32 $1.500000000e+00, v16  }
0xcd: {  	v63, _, _ =	vpop (xrf0)  }
0xce: {  	v18 =	vadd.s32 v63, v18;
	v16 =	vmul.f32 v16, v13  }
0xcf: {  	vm1 =	vge.s32 v18, v0;
	vm2 =	vlt.s32 v18, v1  }
0xd0: {  	vm1 =	vmand vm1, vm2;
	v17 =	vmul.f32 v16, v56  }
0xd1: {  	vm0 =	vmand vm0, vm1;
	v13 =	vsub.s32 v18, v0  }
0xd2: {  	s8 =	sshra.s32 s4, $0x1F;
	v18 =	vand.u32 $0x7F, v18;
	v13 =	vand.u32 $0xFFFFFF80, v13;
	v17 =	vmul.f32 v17, v16  }
0xd3: {  	s7 =	sshrl.u32 s8, $0x1B;
	v13 =	vor.u32 v18, v13  }
0xd4: {  	s7 =	sadd.s32 s7, s4;
	v17 =	vsub.f32 $1.500000000e+00, v17  }
0xd5: {  	s4 =	sshra.s32 s7, $0x5  }
0xd6: {  	p0 =	sne.s32 s4, $0x1;
	v16 =	vmul.f32 v17, v16  }
.Ltmp8:
0xd7: {  	_ = 	snop;
	(pc) =	sbr.rel @!p0 .LBB2_9-.Ltmp8, $4  }
0xd8: {  	[tilespmem:v13+s22+$0x0] =	vst.idx.msk vm0, v6;
	v15 =	vmul.f32 v16, v15  }
0xd9: {  	[tilespmem:v13+s23+$0x0] =	vst.idx.msk vm0, v58  }
0xda: {  	s8 =	spop (v2sf);
	[tilespmem:v13+s24+$0x0] =	vst.idx.msk vm0, v15  }
0xdb: {  	s5 =	sadd.s32 $0x20, s5;
	s4 =	sadd.s32 $0xFFFFFFFF, s4;
	s1 =	sadd.s32 s1, s8;
	[tilespmem:v13+s25+$0x0] =	vst.idx.msk vm0, v14  }
.LBB2_8:
0xdc: {  	[tilespmem:v13+s26+$0x0] =	vst.idx.msk vm0, v12;
	s31 =	sadd.s32 $0x20, s31;
	s2 =	sadd.s32 $0x20, s2;
	s0 =	sadd.s32 $0x20, s0  }
0xdd: {  	p0 =	sne.s32 s4, $0x1;
	s4 =	sadd.s32 $0xFFFFFFFF, s4;
	[tilespmem:v13+s28+$0x0] =	vst.idx.msk vm0, v11  }
0xde: {  	v11 =	vld [tilespmem:s5+$0xFFFFFFF0]  }
0xdf: {  	v12 =	vld [tilespmem:s0+$0xFFFFFFF0];
	_ =	sdelay $0x1  }
0xe0: {  	v13 =	vld [tilespmem:s2+$0xFFFFFFF0];
	_ =	sdelay $0x2  }
0xe1: {  	v11 =	vsub.f32 v8, v11;
	v12 =	vsub.f32 v7, v12;
	_ =	sdelay $0x1  }
0xe2: {  	v15 =	vmul.f32 v11, v11;
	v13 =	vsub.f32 v9, v13;
	v14 =	vmul.f32 v12, v12;
	_ =	sdelay $0x1  }
0xe3: {  	v14 =	vadd.f32 v15, v14;
	v15 =	vmul.f32 v13, v13;
	_ =	sdelay $0x1  }
0xe4: {  	v16 =	vor.u32 s31, v4;
	v14 =	vadd.f32 v15, v14  }
0xe5: {  	vm0 =	vge.s32 v16, v10;
	vm1 =	vlt.s32 v16, v6  }
0xe6: {  	vm0 =	vmand vm0, vm1;
	vm1 =	vlt.f32 v14, $2.500000000e+01;
	v14 =	vmax.f32 v14, $1.000000000e-30  }
0xe7: {  	vm0 =	vmand vm0, vm1;
	v15 =	vshra.s32 v14, $0x1;
	v17 =	vmul.f32 $5.000000000e-01, v14  }
0xe8: {  	v18 =	vmpcnt.ones.xlane vm0;
	v19 =	vsel vm0, $0x1, v5;
	v15 =	vsub.s32 $0x5F3759DF, v15  }
0xe9: {  	v20 =	vmul.f32 v15, v17;
	(xrf0) =	vadd.scan.msk.s32 $0xffff, v19  }
0xea: {  	(v2sf) =	vpush v18, $0x0  }
0xeb: {  	v18 =	vmul.f32 v15, v20  }
0xec: {  	v19 =	vmov s1  }
0xed: {  	v19 =	vadd.s32 $0xFFFFFFFF, v19;
	v20 =	vsub.f32 $1.500000000e+00, v18  }
0xee: {  	v19 =	vbroadcast v19, $0x0  }
0xef: {  	v15 =	vmul.f32 v15, v20;
	v18, _, _ =	vpop (xrf0)  }
0xf0: {  	v18 =	vadd.s32 v18, v19  }
0xf1: {  	vm1 =	vge.s32 v18, v0;
	vm2 =	vlt.s32 v18, v1;
	v19 =	vmul.f32 v15, v17  }
0xf2: {  	v20 =	vsub.s32 v18, v0;
	vm1 =	vmand vm1, vm2  }
0xf3: {  	v20 =	vand.u32 $0xFFFFFF80, v20;
	v19 =	vmul.f32 v19, v15;
	_ =	sdelay $0x1  }
0xf4: {  	v19 =	vsub.f32 $1.500000000e+00, v19;
	_ =	sdelay $0x1  }
0xf5: {  	v15 =	vmul.f32 v19, v15;
	_ =	sdelay $0x1  }
0xf6: {  	v17 =	vmul.f32 v15, v17;
	s7 =	spop (v2sf);
	_ =	sdelay $0x1  }
0xf7: {  	v18 =	vand.u32 $0x7F, v18;
	vm0 =	vmand vm0, vm1;
	v17 =	vmul.f32 v17, v15  }
0xf8: {  	v18 =	vor.u32 v18, v20  }
0xf9: {  	v17 =	vsub.f32 $1.500000000e+00, v17;
	_ =	sdelay $0x1  }
0xfa: {  	v15 =	vmul.f32 v17, v15;
	_ =	sdelay $0x1  }
0xfb: {  	[tilespmem:v18+s22+$0x0] =	vst.idx.msk vm0, v6;
	v14 =	vmul.f32 v15, v14  }
0xfc: {  	[tilespmem:v18+s23+$0x0] =	vst.idx.msk vm0, v16  }
0xfd: {  	[tilespmem:v18+s24+$0x0] =	vst.idx.msk vm0, v14  }
0xfe: {  	[tilespmem:v18+s25+$0x0] =	vst.idx.msk vm0, v12  }
0xff: {  	[tilespmem:v18+s26+$0x0] =	vst.idx.msk vm0, v11  }
0x100: {  	[tilespmem:v18+s28+$0x0] =	vst.idx.msk vm0, v13  }
0x101: {  	v11 =	vld [tilespmem:s0+$0x0]  }
0x102: {  	v12 =	vld [tilespmem:s5+$0x0]  }
0x103: {  	v13 =	vld [tilespmem:s2+$0x0];
	_ =	sdelay $0x2  }
0x104: {  	v14 =	vsub.f32 v7, v11  }
0x105: {  	v12 =	vsub.f32 v8, v12  }
0x106: {  	v11 =	vsub.f32 v9, v13;
	v13 =	vmul.f32 v14, v14  }
0x107: {  	v15 =	vmul.f32 v12, v12  }
0x108: {  	v16 =	vmul.f32 v11, v11  }
0x109: {  	v13 =	vadd.f32 v15, v13  }
0x10a: {  	s8 =	sadd.s32 $0x10, s31  }
0x10b: {  	v15 =	vor.u32 s8, v4;
	v13 =	vadd.f32 v16, v13  }
0x10c: {  	vm0 =	vge.s32 v15, v10;
	vm1 =	vlt.s32 v15, v6  }
0x10d: {  	vm0 =	vmand vm0, vm1;
	vm1 =	vlt.f32 v13, $2.500000000e+01;
	v16 =	vmax.f32 v13, $1.000000000e-30  }
0x10e: {  	vm0 =	vmand vm0, vm1;
	v13 =	vshra.s32 v16, $0x1;
	v17 =	vmul.f32 $5.000000000e-01, v16  }
0x10f: {  	v18 =	vmpcnt.ones.xlane vm0;
	v19 =	vsel vm0, $0x1, v5;
	v13 =	vsub.s32 $0x5F3759DF, v13  }
0x110: {  	v20 =	vmul.f32 v13, v17;
	(xrf0) =	vadd.scan.msk.s32 $0xffff, v19  }
0x111: {  	(v2sf) =	vpush v18, $0x0  }
0x112: {  	s1 =	sadd.s32 s1, s7;
	v18 =	vmul.f32 v13, v20  }
0x113: {  	v19 =	vmov s1  }
0x114: {  	v19 =	vadd.s32 $0xFFFFFFFF, v19;
	v20 =	vsub.f32 $1.500000000e+00, v18  }
0x115: {  	v19 =	vbroadcast v19, $0x0  }
0x116: {  	v13 =	vmul.f32 v13, v20;
	v18, _, _ =	vpop (xrf0)  }
0x117: {  	v18 =	vadd.s32 v18, v19  }
0x118: {  	vm1 =	vge.s32 v18, v0;
	vm2 =	vlt.s32 v18, v1;
	v19 =	vmul.f32 v13, v17  }
0x119: {  	v20 =	vsub.s32 v18, v0;
	vm1 =	vmand vm1, vm2  }
0x11a: {  	v20 =	vand.u32 $0xFFFFFF80, v20;
	v19 =	vmul.f32 v19, v13;
	_ =	sdelay $0x1  }
0x11b: {  	v19 =	vsub.f32 $1.500000000e+00, v19;
	_ =	sdelay $0x1  }
0x11c: {  	v19 =	vmul.f32 v19, v13;
	_ =	sdelay $0x1  }
0x11d: {  	v17 =	vmul.f32 v19, v17;
	s7 =	spop (v2sf)  }
0x11e: {  	vm0 =	vmand vm0, vm1;
	v13 =	vand.u32 $0x7F, v18;
	s1 =	sadd.s32 s1, s7  }
0x11f: {  	v13 =	vor.u32 v13, v20;
	v17 =	vmul.f32 v17, v19;
	_ =	sdelay $0x1  }
0x120: {  	v17 =	vsub.f32 $1.500000000e+00, v17;
	_ =	sdelay $0x1  }
0x121: {  	v17 =	vmul.f32 v17, v19  }
.Ltmp9:
0x122: {  	[tilespmem:v13+s22+$0x0] =	vst.idx.msk vm0, v6;
	(pc) =	sbr.rel @p0 .LBB2_8-.Ltmp9, $3  }
0x123: {  	[tilespmem:v13+s23+$0x0] =	vst.idx.msk vm0, v15;
	v15 =	vmul.f32 v17, v16;
	_ =	sdelay $0x1  }
0x124: {  	[tilespmem:v13+s24+$0x0] =	vst.idx.msk vm0, v15  }
0x125: {  	s5 =	sadd.s32 $0x20, s5;
	[tilespmem:v13+s25+$0x0] =	vst.idx.msk vm0, v14  }
.Ltmp10:
0x126: {  	_ = 	snop;
	(pc) =	sbr.rel .LBB2_9-.Ltmp10, $1  }
0x127: {  	_ =	sdelay $0x3  }
.LBB2_12:
0x128: {  	_ =	sfence.sel $0x180000  }
0x129: {  	[bflag:$0x0] =	sbarrier.arrive $0xFFFF  }
0x12a: {  	_ =	strace $0x9000004A  }
0x12b: {  	s0 =	stileid.u32;
	[bflag:$0x2] =	sbarrier.arrive $0xFFFF  }
0x12c: {  	p0 =	sne.s32 s0, $0x0;
	s0 =	rddreg [dreg:$0x4]  }
0x12d: {  	s0 =	sadd.s32 @!p0 $0x100000, s0  }
0x12e: {  	[sflag:s0] =	ssyncadd.tile.s32 @!p0 $0x1;
	_ =	shalt  }
.Lfunc_end2:
_tile_overlayer_lowered:
.L_overlay_start_2:
0x12f: {  	(tag) =	ssettag $0x2  }
0x130: {  	s0 =	rddreg [dreg:$0x0];
	s2 =	stileid.u32  }
0x131: {  	s1 =	rddreg [dreg:$0x1];
	p0 =	sne.s32 s2, $0x0  }
0x132: {  	s3 =	rddreg [dreg:$0x2];
	[bflag:$0x3] =	sbarrier.arrive $0xFFFF;
	s2 =	simm.s32 @!p0 $0x1C01  }
0x133: {  	[timem:s3], [sflag:s2] =	dma.local @!p0 [hbm:s0], s1  }
0x134: {  	s0 =	simm.s32 @!p0 $0x1  }
0x135: {  	_ =	swait.ge @!p0 [sflag:s0], s1  }
0x136: {  	s1 =	ssub.s32 @!p0 $0x0, s1;
	[sflag:s0] =	ssyncset.done @!p0 $0x0  }
0x137: {  	[sflag:s0] =	ssyncadd.s32 @!p0 s1  }
0x138: {  	[bflag:$0x3] =	sbarrier.arrive $0xFFFF  }
0x139: {  	_ =	shalt  }

</sc_bundles>
